<compile_context>
chip_gen: v7x
topology: tpu7x:2x2x1
jax: 0.10.2.dev20260603
libtpu: 0.0.44.dev20260713+nightly
codegen_flags: <defaults>
</compile_context>

<pallas_src>
import functools

import jax
import jax.numpy as jnp
from jax import lax
from jax.experimental import pallas as pl
from jax.experimental.pallas import tpu as pltpu
from jax.experimental.pallas import tpu_sc as plsc

_L = 16
_NC = 2
_NS = 16
_NW = _NC * _NS
_ROWS = 4
_NBUF = 2
_LUT_N = 1024

_RS_SC = 6144
_BR = 256


def _sc_body(rs, x_hbm, s_hbm, lut_hbm, out_hbm,
             in0, in1, out0, out1, s_v, lut_v,
             sem_in0, sem_in1, sem_out0, sem_out1):
  b_, rows, cols = x_hbm.shape
  rpw = rs // _NW
  nch = rpw // _ROWS

  wid = lax.axis_index("c") * _NS + lax.axis_index("s")
  fr = wid * rpw
  d0 = fr // rows
  row0 = fr % rows

  ins = (in0, in1)
  outs = (out0, out1)
  sin = (sem_in0, sem_in1)
  sout = (sem_out0, sem_out1)

  pltpu.sync_copy(s_hbm, s_v)
  pltpu.sync_copy(lut_hbm, lut_v)
  s_vec = s_v[...]

  def start_in(g, b):
    pltpu.async_copy(
        x_hbm.at[d0, pl.ds(row0 + g * _ROWS, _ROWS), :], ins[b], sin[b])

  def wait_in(b):
    pltpu.make_async_copy(
        x_hbm.at[0, pl.ds(0, _ROWS), :], ins[b], sin[b]).wait()

  def start_out(g, b):
    pltpu.async_copy(
        outs[b], out_hbm.at[d0, pl.ds(row0 + g * _ROWS, _ROWS), :], sout[b])

  def wait_out(b):
    pltpu.make_async_copy(
        outs[b], out_hbm.at[0, pl.ds(0, _ROWS), :], sout[b]).wait()

  def compute(b):
    src = ins[b]
    dst = outs[b]
    for j in range(_ROWS):
      @plsc.parallel_loop(0, cols, step=_L, unroll=8)
      def _(off):
        v = src[j, pl.ds(off, _L)]
        u = v * s_vec + 256.0
        u = jnp.minimum(u, 512.0)
        u = jnp.maximum(u, 0.0)
        idx = u.astype(jnp.int32)
        dst[j, pl.ds(off, _L)] = plsc.load_gather(lut_v, [idx])

  for b in range(_NBUF):
    start_in(b, b)

  for g in range(_NBUF):
    b = g
    wait_in(b)
    compute(b)
    start_out(g, b)
    start_in(g + _NBUF, b)

  @pl.loop(_NBUF, nch - _NBUF, step=_NBUF)
  def _steady(g0):
    for b in range(_NBUF):
      g = g0 + b
      wait_in(b)
      wait_out(b)
      compute(b)
      start_out(g, b)
      start_in(g + _NBUF, b)

  for g in range(nch - _NBUF, nch):
    b = g % _NBUF
    wait_in(b)
    wait_out(b)
    compute(b)
    start_out(g, b)

  for b in range(_NBUF):
    wait_out(b)


def _tc_gather128(tab, idx):
  dnums = lax.GatherDimensionNumbers(
      offset_dims=(), collapsed_slice_dims=(2,), start_index_map=(2,),
      operand_batching_dims=(0, 1), start_indices_batching_dims=(0, 1))
  return lax.gather(
      tab, idx[..., None], dnums, slice_sizes=(1, 1, 1),
      mode=lax.GatherScatterMode.PROMISE_IN_BOUNDS)


def _tc_body(s_ref, tab_ref, x_ref, scout_ref, o_ref):
  del scout_ref
  s = s_ref[0, 0]
  alpha = s_ref[0, 1]
  x = x_ref[...]
  u = jnp.minimum(jnp.abs(x) * s, 255.0)
  idx = u.astype(jnp.int32)
  low = idx & 127
  tab = jnp.broadcast_to(tab_ref[...], (1, _BR, 128))
  g = _tc_gather128(tab, low)
  gi = lax.bitcast_convert_type(g, jnp.int32)
  w = jnp.where(idx >= 128, gi & jnp.int32(-65536), gi << 16)
  xbits = lax.bitcast_convert_type(x, jnp.int32)
  sbit = xbits & jnp.int32(-2147483648)
  val = lax.bitcast_convert_type(w | sbit, jnp.float32)
  o_ref[...] = val * alpha


@functools.lru_cache(maxsize=None)
def _build_sc_kernel(shape, rs):
  b_, rows, cols = shape
  rpw = rs // _NW
  assert rs % (_NW * _ROWS) == 0 and (rpw // _ROWS) >= 2 * _NBUF, (shape, rs)
  assert rs <= rows or rows % rpw == 0, (shape, rs)
  mesh = plsc.VectorSubcoreMesh(
      core_axis_name="c", subcore_axis_name="s",
      num_cores=_NC, num_subcores=_NS)
  return pl.kernel(
      functools.partial(_sc_body, rs),
      out_type=jax.ShapeDtypeStruct(shape, jnp.float32),
      mesh=mesh,
      compiler_params=pltpu.CompilerParams(needs_layout_passes=False),
      scratch_types=[
          pltpu.VMEM((_ROWS, cols), jnp.float32),
          pltpu.VMEM((_ROWS, cols), jnp.float32),
          pltpu.VMEM((_ROWS, cols), jnp.float32),
          pltpu.VMEM((_ROWS, cols), jnp.float32),
          pltpu.VMEM((_L,), jnp.float32),
          pltpu.VMEM((_LUT_N,), jnp.float32),
          pltpu.SemaphoreType.DMA,
          pltpu.SemaphoreType.DMA,
          pltpu.SemaphoreType.DMA,
          pltpu.SemaphoreType.DMA,
      ],
  )


@functools.lru_cache(maxsize=None)
def _build_tc_kernel(shape, rs):
  b_, rows, cols = shape
  n_tc = b_ * rows - rs
  assert n_tc % _BR == 0 and rows % _BR == 0 and rs % _BR == 0, (shape, rs)

  def _map(t):
    fr = rs + t * _BR
    return (fr // rows, (fr % rows) // _BR, 0)

  return pl.pallas_call(
      _tc_body,
      grid=(n_tc // _BR,),
      in_specs=[
          pl.BlockSpec(memory_space=pltpu.MemorySpace.SMEM),
          pl.BlockSpec((1, 1, 128), lambda t: (0, 0, 0)),
          pl.BlockSpec((1, _BR, cols), _map),
          pl.BlockSpec(memory_space=pltpu.MemorySpace.HBM),
      ],
      out_specs=pl.BlockSpec((1, _BR, cols), _map),
      out_shape=jax.ShapeDtypeStruct(shape, jnp.float32),
      input_output_aliases={3: 0},
  )


def kernel(x, raw_alpha, levels):
  alpha = jax.nn.softplus(raw_alpha)

  t_rep = (jnp.arange(513, dtype=jnp.float32) - 255.5) * (1.0 / 256.0)
  dist = jnp.abs(t_rep[:, None] - levels[None, :])
  lut = levels[jnp.argmin(dist, axis=1)] * alpha
  lut_pad = jnp.zeros((_LUT_N,), jnp.float32).at[:513].set(lut)
  s_arr = jnp.full((_L,), 256.0 / alpha, dtype=jnp.float32)
  s_smem = jnp.stack([256.0 / alpha, alpha]).astype(jnp.float32).reshape(1, 2)
  tp_rep = (jnp.arange(256, dtype=jnp.float32) + 0.5) * (1.0 / 256.0)
  dist_p = jnp.abs(tp_rep[:, None] - levels[None, :])
  plut = levels[jnp.argmin(dist_p, axis=1)]
  p16 = lax.bitcast_convert_type(
      plut.astype(jnp.bfloat16), jnp.uint16).astype(jnp.uint32)
  packed = lax.bitcast_convert_type(
      (p16[128:] << 16) | p16[:128], jnp.float32)
  tab3 = packed.reshape(1, 1, 128)

  sc_out = _build_sc_kernel(x.shape, _RS_SC)(x, s_arr, lut_pad)
  return _build_tc_kernel(x.shape, _RS_SC)(s_smem, tab3, x, sc_out)

# --- scband reference (transcript-rebuilt; emitter-appended) ---
"""Pipeline reference for scband-apo-tquantizer-80934363726423 (READ-ONLY COPY).

The authoritative reference and input builder live on the scoring server;
editing this copy changes nothing except your own understanding.
"""

import jax, jax.numpy as jnp
import numpy as np
from itertools import combinations


def _build_apot_levels(bits=8, num_powers=8, max_addends=3):
    max_levels = 2 ** bits
    powers = [2.0 ** (-i) for i in range(num_powers)]
    positive_levels = {0.0}
    for addends_count in range(1, max_addends + 1):
        for combo in combinations(powers, addends_count):
            value = sum(combo)
            if value <= 1.0:
                positive_levels.add(value)
    signed_levels = set()
    for value in positive_levels:
        signed_levels.add(value)
        signed_levels.add(-value)
    levels = np.array(sorted(signed_levels), dtype=np.float32)
    if levels.size > max_levels:
        raise ValueError('Bad arguments, too many values for so small bits')
    return levels


def _inverse_softplus(x, eps=1e-08):
    x = max(x - eps, eps)
    return float(np.log(np.expm1(x)))


def setup_inputs(seed: int = 0) -> dict:
    key = jax.random.key(seed)
    x = jax.random.normal(key, (2, 8192, 4096), dtype=jnp.float32)
    levels = jnp.asarray(_build_apot_levels(bits=8, num_powers=8, max_addends=3))
    raw_alpha = jnp.asarray(_inverse_softplus(1.0, 1e-08), dtype=jnp.float32)
    return {"x": x, "raw_alpha": raw_alpha, "levels": levels}


def _nearest_apot_levels(x_norm, levels):
    x_flat = x_norm.reshape(-1)
    n = levels.shape[0]
    # torch.bucketize(right=False) == searchsorted side='left'
    right_indices = jnp.clip(jnp.searchsorted(levels, x_flat, side='left'), 0, n - 1)
    left_indices = jnp.clip(right_indices - 1, 0, n - 1)
    left_values = jnp.take(levels, left_indices)
    right_values = jnp.take(levels, right_indices)
    left_dist = jnp.abs(x_flat - left_values)
    right_dist = jnp.abs(right_values - x_flat)
    nearest = jnp.where(right_dist < left_dist, right_values, left_values)
    return nearest.reshape(x_norm.shape)


def reference(x, raw_alpha, levels):
    alpha = jax.nn.softplus(raw_alpha)
    x_clipped = jnp.clip(x, -alpha, alpha)
    x_norm = x_clipped / alpha
    x_nearest = _nearest_apot_levels(x_norm, levels)
    x_rounded = x_norm + jax.lax.stop_gradient(x_nearest - x_norm)
    return x_rounded * alpha

if __name__ == "__main__":
    import jax
    _d = setup_inputs()
    print(jax.jit(kernel)(*tuple(_d.values())))

</pallas_src>

<mosaic_0001>
#map = affine_map<(d0, d1) -> (0, 0, 0)>
#map1 = affine_map<(d0, d1) -> (0)>
module attributes {stable_mosaic.version = 14 : i64} {
  func.func @_sc_body(%arg0: i32, %arg1: i32, %arg2: memref<2x8192x4096xf32, #tpu.memory_space<hbm>>, %arg3: memref<16xf32, #tpu.memory_space<hbm>>, %arg4: memref<1024xf32, #tpu.memory_space<hbm>>, %arg5: memref<2x8192x4096xf32, #tpu.memory_space<hbm>>, %arg6: memref<4x4096xf32, #tpu.memory_space<vmem>>, %arg7: memref<4x4096xf32, #tpu.memory_space<vmem>>, %arg8: memref<4x4096xf32, #tpu.memory_space<vmem>>, %arg9: memref<4x4096xf32, #tpu.memory_space<vmem>>, %arg10: memref<16xf32, #tpu.memory_space<vmem>>, %arg11: memref<1024xf32, #tpu.memory_space<vmem>>, %arg12: memref<!tpu.dma_semaphore, #tpu.memory_space<semaphore_mem>>, %arg13: memref<!tpu.dma_semaphore, #tpu.memory_space<semaphore_mem>>, %arg14: memref<!tpu.dma_semaphore, #tpu.memory_space<semaphore_mem>>, %arg15: memref<!tpu.dma_semaphore, #tpu.memory_space<semaphore_mem>>) attributes {dimension_semantics = [#tpu.dimension_semantics<core_parallel>, #tpu.dimension_semantics<subcore_parallel>], iteration_bounds = array<i64: 2, 16>, scalar_prefetch = 0 : i64, scratch_operands = 10 : i64, tpu.core_type = #tpu.core_type<sc_vector_subcore>, window_params = [{transform_indices = #map}, {transform_indices = #map1}, {transform_indices = #map1}, {transform_indices = #map}]} {
    %mul3A = arith.constant 16 : i32
    %mul3A_0 = arith.muli %arg0, %mul3A : i32
    %add3A = arith.addi %mul3A_0, %arg1 : i32
    %mul3A_1 = arith.constant 192 : i32
    %mul3A_2 = arith.muli %add3A, %mul3A_1 : i32
    %jit3A = arith.constant 8192 : i32
    %div3A = arith.divsi %mul3A_2, %jit3A : i32
    %sign3A = arith.constant 0 : i32
    %sign3A_3 = arith.cmpi sgt, %mul3A_2, %sign3A : i32
    %sign3A_4 = arith.extui %sign3A_3 : i1 to i32
    %sign3A_5 = arith.constant 0 : i32
    %sign3A_6 = arith.cmpi slt, %mul3A_2, %sign3A_5 : i32
    %sign3A_7 = arith.extui %sign3A_6 : i1 to i32
    %sign3A_8 = arith.subi %sign3A_4, %sign3A_7 : i32
    %sign3A_9 = arith.constant 0 : i32
    %sign3A_10 = arith.cmpi sgt, %jit3A, %sign3A_9 : i32
    %sign3A_11 = arith.extui %sign3A_10 : i1 to i32
    %sign3A_12 = arith.constant 0 : i32
    %sign3A_13 = arith.cmpi slt, %jit3A, %sign3A_12 : i32
    %sign3A_14 = arith.extui %sign3A_13 : i1 to i32
    %sign3A_15 = arith.subi %sign3A_11, %sign3A_14 : i32
    %ne3A = arith.cmpi ne, %sign3A_8, %sign3A_15 : i32
    %rem3A = arith.remsi %mul3A_2, %jit3A : i32
    %ne3A_16 = arith.constant 0 : i32
    %ne3A_17 = arith.cmpi ne, %rem3A, %ne3A_16 : i32
    %and3A = arith.andi %ne3A, %ne3A_17 : i1
    %sub3A = arith.constant 1 : i32
    %sub3A_18 = arith.subi %div3A, %sub3A : i32
    %select_n3A = arith.select %and3A, %sub3A_18, %div3A : i32
    %jit3A_19 = arith.constant 8192 : i32
    %eq3A = arith.constant 0 : i32
    %eq3A_20 = arith.cmpi eq, %jit3A_19, %eq3A : i32
    %jit3A_21 = arith.constant 1 : i32
    %select_n3A_22 = arith.select %eq3A_20, %jit3A_21, %jit3A_19 : i32
    %rem3A_23 = arith.remsi %mul3A_2, %select_n3A_22 : i32
    %ne3A_24 = arith.constant 0 : i32
    %ne3A_25 = arith.cmpi ne, %rem3A_23, %ne3A_24 : i32
    %lt3A = arith.constant 0 : i32
    %lt3A_26 = arith.cmpi slt, %rem3A_23, %lt3A : i32
    %lt3A_27 = arith.constant 0 : i32
    %lt3A_28 = arith.cmpi slt, %select_n3A_22, %lt3A_27 : i32
    %ne3A_29 = arith.xori %lt3A_26, %lt3A_28 : i1
    %and3A_30 = arith.andi %ne3A_29, %ne3A_25 : i1
    %add3A_31 = arith.addi %rem3A_23, %select_n3A_22 : i32
    %select_n3A_32 = arith.select %and3A_30, %add3A_31, %rem3A_23 : i32
    "tpu.region"() ({
      %run_scoped3A = tpu.sem_alloc : memref<!tpu.dma_semaphore, #tpu.memory_space<semaphore_mem>>
      tpu.enqueue_dma source(%arg3 : memref<16xf32, #tpu.memory_space<hbm>>) target(%arg10 : memref<16xf32, #tpu.memory_space<vmem>>) target_semaphore(%run_scoped3A : memref<!tpu.dma_semaphore, #tpu.memory_space<semaphore_mem>>)
      tpu.wait_dma2 semaphore(%run_scoped3A : memref<!tpu.dma_semaphore, #tpu.memory_space<semaphore_mem>>) src(%arg3 : memref<16xf32, #tpu.memory_space<hbm>>) dst(%arg10 : memref<16xf32, #tpu.memory_space<vmem>>)
      tpu.yield
    }) : () -> ()
    "tpu.region"() ({
      %run_scoped3A = tpu.sem_alloc : memref<!tpu.dma_semaphore, #tpu.memory_space<semaphore_mem>>
      tpu.enqueue_dma source(%arg4 : memref<1024xf32, #tpu.memory_space<hbm>>) target(%arg11 : memref<1024xf32, #tpu.memory_space<vmem>>) target_semaphore(%run_scoped3A : memref<!tpu.dma_semaphore, #tpu.memory_space<semaphore_mem>>)
      tpu.wait_dma2 semaphore(%run_scoped3A : memref<!tpu.dma_semaphore, #tpu.memory_space<semaphore_mem>>) src(%arg4 : memref<1024xf32, #tpu.memory_space<hbm>>) dst(%arg11 : memref<1024xf32, #tpu.memory_space<vmem>>)
      tpu.yield
    }) : () -> ()
    %get3A = arith.constant 0 : index
    %get3A_33 = tpu.vector_load %arg10[%get3A] {strides = array<i32>} : memref<16xf32, #tpu.memory_space<vmem>>, vector<16xf32>,
    %add3A_34 = arith.constant 0 : i32
    %add3A_35 = arith.addi %select_n3A_32, %add3A_34 : i32
    %dma_start3A = arith.constant 0 : i32
    %dma_start3A_36 = tpu.memref_slice %arg2[%select_n3A, %add3A_35, %dma_start3A] : memref<2x8192x4096xf32, #tpu.memory_space<hbm>> -> memref<1x4x4096xf32, #tpu.memory_space<hbm>>
    %dma_start3A_37 = tpu.memref_squeeze %dma_start3A_36 : memref<1x4x4096xf32, #tpu.memory_space<hbm>> -> memref<4x4096xf32, #tpu.memory_space<hbm>>
    %dma_start3A_38 = arith.constant 0 : i32
    %dma_start3A_39 = tpu.memref_slice %arg2[%select_n3A, %add3A_35, %dma_start3A_38] : memref<2x8192x4096xf32, #tpu.memory_space<hbm>> -> memref<1x4x4096xf32, #tpu.memory_space<hbm>>
    %dma_start3A_40 = tpu.memref_squeeze %dma_start3A_39 : memref<1x4x4096xf32, #tpu.memory_space<hbm>> -> memref<4x4096xf32, #tpu.memory_space<hbm>>
    tpu.enqueue_dma source(%dma_start3A_40 : memref<4x4096xf32, #tpu.memory_space<hbm>>) target(%arg6 : memref<4x4096xf32, #tpu.memory_space<vmem>>) target_semaphore(%arg12 : memref<!tpu.dma_semaphore, #tpu.memory_space<semaphore_mem>>)
    %add3A_41 = arith.constant 4 : i32
    %add3A_42 = arith.addi %select_n3A_32, %add3A_41 : i32
    %dma_start3A_43 = arith.constant 0 : i32
    %dma_start3A_44 = tpu.memref_slice %arg2[%select_n3A, %add3A_42, %dma_start3A_43] : memref<2x8192x4096xf32, #tpu.memory_space<hbm>> -> memref<1x4x4096xf32, #tpu.memory_space<hbm>>
    %dma_start3A_45 = tpu.memref_squeeze %dma_start3A_44 : memref<1x4x4096xf32, #tpu.memory_space<hbm>> -> memref<4x4096xf32, #tpu.memory_space<hbm>>
    %dma_start3A_46 = arith.constant 0 : i32
    %dma_start3A_47 = tpu.memref_slice %arg2[%select_n3A, %add3A_42, %dma_start3A_46] : memref<2x8192x4096xf32, #tpu.memory_space<hbm>> -> memref<1x4x4096xf32, #tpu.memory_space<hbm>>
    %dma_start3A_48 = tpu.memref_squeeze %dma_start3A_47 : memref<1x4x4096xf32, #tpu.memory_space<hbm>> -> memref<4x4096xf32, #tpu.memory_space<hbm>>
    tpu.enqueue_dma source(%dma_start3A_48 : memref<4x4096xf32, #tpu.memory_space<hbm>>) target(%arg7 : memref<4x4096xf32, #tpu.memory_space<vmem>>) target_semaphore(%arg13 : memref<!tpu.dma_semaphore, #tpu.memory_space<semaphore_mem>>)
    %dma_wait3A = arith.constant 0 : i32
    %dma_wait3A_49 = arith.constant 0 : i32
    %dma_wait3A_50 = arith.constant 0 : i32
    %dma_wait3A_51 = tpu.memref_slice %arg2[%dma_wait3A, %dma_wait3A_49, %dma_wait3A_50] : memref<2x8192x4096xf32, #tpu.memory_space<hbm>> -> memref<1x4x4096xf32, #tpu.memory_space<hbm>>
    %dma_wait3A_52 = tpu.memref_squeeze %dma_wait3A_51 : memref<1x4x4096xf32, #tpu.memory_space<hbm>> -> memref<4x4096xf32, #tpu.memory_space<hbm>>
    %dma_wait3A_53 = arith.constant 0 : i32
    %dma_wait3A_54 = arith.constant 0 : i32
    %dma_wait3A_55 = tpu.memref_slice %arg2[%dma_wait3A, %dma_wait3A_53, %dma_wait3A_54] : memref<2x8192x4096xf32, #tpu.memory_space<hbm>> -> memref<1x4x4096xf32, #tpu.memory_space<hbm>>
    %dma_wait3A_56 = tpu.memref_squeeze %dma_wait3A_55 : memref<1x4x4096xf32, #tpu.memory_space<hbm>> -> memref<4x4096xf32, #tpu.memory_space<hbm>>
    tpu.wait_dma2 semaphore(%arg12 : memref<!tpu.dma_semaphore, #tpu.memory_space<semaphore_mem>>) src(%dma_wait3A_56 : memref<4x4096xf32, #tpu.memory_space<hbm>>) dst(%arg6 : memref<4x4096xf32, #tpu.memory_space<vmem>>)
    %parallel_loop3A = arith.constant 0 : i32
    %parallel_loop3A_57 = arith.constant 4096 : i32
    %parallel_loop3A_58 = arith.constant 16 : i32
    scf.for %parallel_loop3A_219 = %parallel_loop3A to %parallel_loop3A_57 step %parallel_loop3A_58  : i32 {
      %parallel_loop3A_220 = arith.constant 0 : i32
      %parallel_loop3A_221 = arith.index_cast %parallel_loop3A_220 : i32 to index
      %parallel_loop3A_222 = arith.index_cast %parallel_loop3A_219 : i32 to index
      %parallel_loop3A_223 = tpu.vector_load %arg6[%parallel_loop3A_221, %parallel_loop3A_222] {strides = array<i32>} : memref<4x4096xf32, #tpu.memory_space<vmem>>, vector<16xf32>,
      %parallel_loop3A_224 = arith.mulf %parallel_loop3A_223, %get3A_33 : vector<16xf32>
      %parallel_loop3A_225 = arith.constant 2.560000e+02 : f32
      %parallel_loop3A_226 = vector.broadcast %parallel_loop3A_225 : f32 to vector<16xf32>
      %parallel_loop3A_227 = arith.addf %parallel_loop3A_224, %parallel_loop3A_226 : vector<16xf32>
      %parallel_loop3A_228 = arith.constant 5.120000e+02 : f32
      %parallel_loop3A_229 = vector.broadcast %parallel_loop3A_228 : f32 to vector<16xf32>
      %parallel_loop3A_230 = arith.minimumf %parallel_loop3A_227, %parallel_loop3A_229 : vector<16xf32>
      %parallel_loop3A_231 = arith.constant 0.000000e+00 : f32
      %parallel_loop3A_232 = vector.broadcast %parallel_loop3A_231 : f32 to vector<16xf32>
      %parallel_loop3A_233 = arith.maximumf %parallel_loop3A_230, %parallel_loop3A_232 : vector<16xf32>
      %parallel_loop3A_234 = arith.fptosi %parallel_loop3A_233 : vector<16xf32> to vector<16xi32>
      %parallel_loop3A_235 = tpu.vector_load_idx %arg11[%parallel_loop3A_234] : memref<1024xf32, #tpu.memory_space<vmem>>[vector<16xi32>], vector<16xf32>,
      %parallel_loop3A_236 = arith.constant 0 : i32
      %parallel_loop3A_237 = arith.index_cast %parallel_loop3A_236 : i32 to index
      %parallel_loop3A_238 = arith.index_cast %parallel_loop3A_219 : i32 to index
      %parallel_loop3A_239 = tpu.vector_load %arg8[%parallel_loop3A_237, %parallel_loop3A_238] {strides = array<i32>} : memref<4x4096xf32, #tpu.memory_space<vmem>>, vector<16xf32>,
      tpu.vector_store %arg8[%parallel_loop3A_237, %parallel_loop3A_238], %parallel_loop3A_235 {strides = array<i32>} : memref<4x4096xf32, #tpu.memory_space<vmem>>, vector<16xf32>,
    } {sc.loop_unroll_factor = 8 : i64, sc.parallel_access}
    %parallel_loop3A_59 = arith.constant 0 : i32
    %parallel_loop3A_60 = arith.constant 4096 : i32
    %parallel_loop3A_61 = arith.constant 16 : i32
    scf.for %parallel_loop3A_219 = %parallel_loop3A_59 to %parallel_loop3A_60 step %parallel_loop3A_61  : i32 {
      %parallel_loop3A_220 = arith.constant 1 : i32
      %parallel_loop3A_221 = arith.index_cast %parallel_loop3A_220 : i32 to index
      %parallel_loop3A_222 = arith.index_cast %parallel_loop3A_219 : i32 to index
      %parallel_loop3A_223 = tpu.vector_load %arg6[%parallel_loop3A_221, %parallel_loop3A_222] {strides = array<i32>} : memref<4x4096xf32, #tpu.memory_space<vmem>>, vector<16xf32>,
      %parallel_loop3A_224 = arith.mulf %parallel_loop3A_223, %get3A_33 : vector<16xf32>
      %parallel_loop3A_225 = arith.constant 2.560000e+02 : f32
      %parallel_loop3A_226 = vector.broadcast %parallel_loop3A_225 : f32 to vector<16xf32>
      %parallel_loop3A_227 = arith.addf %parallel_loop3A_224, %parallel_loop3A_226 : vector<16xf32>
      %parallel_loop3A_228 = arith.constant 5.120000e+02 : f32
      %parallel_loop3A_229 = vector.broadcast %parallel_loop3A_228 : f32 to vector<16xf32>
      %parallel_loop3A_230 = arith.minimumf %parallel_loop3A_227, %parallel_loop3A_229 : vector<16xf32>
      %parallel_loop3A_231 = arith.constant 0.000000e+00 : f32
      %parallel_loop3A_232 = vector.broadcast %parallel_loop3A_231 : f32 to vector<16xf32>
      %parallel_loop3A_233 = arith.maximumf %parallel_loop3A_230, %parallel_loop3A_232 : vector<16xf32>
      %parallel_loop3A_234 = arith.fptosi %parallel_loop3A_233 : vector<16xf32> to vector<16xi32>
      %parallel_loop3A_235 = tpu.vector_load_idx %arg11[%parallel_loop3A_234] : memref<1024xf32, #tpu.memory_space<vmem>>[vector<16xi32>], vector<16xf32>,
      %parallel_loop3A_236 = arith.constant 1 : i32
      %parallel_loop3A_237 = arith.index_cast %parallel_loop3A_236 : i32 to index
      %parallel_loop3A_238 = arith.index_cast %parallel_loop3A_219 : i32 to index
      %parallel_loop3A_239 = tpu.vector_load %arg8[%parallel_loop3A_237, %parallel_loop3A_238] {strides = array<i32>} : memref<4x4096xf32, #tpu.memory_space<vmem>>, vector<16xf32>,
      tpu.vector_store %arg8[%parallel_loop3A_237, %parallel_loop3A_238], %parallel_loop3A_235 {strides = array<i32>} : memref<4x4096xf32, #tpu.memory_space<vmem>>, vector<16xf32>,
    } {sc.loop_unroll_factor = 8 : i64, sc.parallel_access}
    %parallel_loop3A_62 = arith.constant 0 : i32
    %parallel_loop3A_63 = arith.constant 4096 : i32
    %parallel_loop3A_64 = arith.constant 16 : i32
    scf.for %parallel_loop3A_219 = %parallel_loop3A_62 to %parallel_loop3A_63 step %parallel_loop3A_64  : i32 {
      %parallel_loop3A_220 = arith.constant 2 : i32
      %parallel_loop3A_221 = arith.index_cast %parallel_loop3A_220 : i32 to index
      %parallel_loop3A_222 = arith.index_cast %parallel_loop3A_219 : i32 to index
      %parallel_loop3A_223 = tpu.vector_load %arg6[%parallel_loop3A_221, %parallel_loop3A_222] {strides = array<i32>} : memref<4x4096xf32, #tpu.memory_space<vmem>>, vector<16xf32>,
      %parallel_loop3A_224 = arith.mulf %parallel_loop3A_223, %get3A_33 : vector<16xf32>
      %parallel_loop3A_225 = arith.constant 2.560000e+02 : f32
      %parallel_loop3A_226 = vector.broadcast %parallel_loop3A_225 : f32 to vector<16xf32>
      %parallel_loop3A_227 = arith.addf %parallel_loop3A_224, %parallel_loop3A_226 : vector<16xf32>
      %parallel_loop3A_228 = arith.constant 5.120000e+02 : f32
      %parallel_loop3A_229 = vector.broadcast %parallel_loop3A_228 : f32 to vector<16xf32>
      %parallel_loop3A_230 = arith.minimumf %parallel_loop3A_227, %parallel_loop3A_229 : vector<16xf32>
      %parallel_loop3A_231 = arith.constant 0.000000e+00 : f32
      %parallel_loop3A_232 = vector.broadcast %parallel_loop3A_231 : f32 to vector<16xf32>
      %parallel_loop3A_233 = arith.maximumf %parallel_loop3A_230, %parallel_loop3A_232 : vector<16xf32>
      %parallel_loop3A_234 = arith.fptosi %parallel_loop3A_233 : vector<16xf32> to vector<16xi32>
      %parallel_loop3A_235 = tpu.vector_load_idx %arg11[%parallel_loop3A_234] : memref<1024xf32, #tpu.memory_space<vmem>>[vector<16xi32>], vector<16xf32>,
      %parallel_loop3A_236 = arith.constant 2 : i32
      %parallel_loop3A_237 = arith.index_cast %parallel_loop3A_236 : i32 to index
      %parallel_loop3A_238 = arith.index_cast %parallel_loop3A_219 : i32 to index
      %parallel_loop3A_239 = tpu.vector_load %arg8[%parallel_loop3A_237, %parallel_loop3A_238] {strides = array<i32>} : memref<4x4096xf32, #tpu.memory_space<vmem>>, vector<16xf32>,
      tpu.vector_store %arg8[%parallel_loop3A_237, %parallel_loop3A_238], %parallel_loop3A_235 {strides = array<i32>} : memref<4x4096xf32, #tpu.memory_space<vmem>>, vector<16xf32>,
    } {sc.loop_unroll_factor = 8 : i64, sc.parallel_access}
    %parallel_loop3A_65 = arith.constant 0 : i32
    %parallel_loop3A_66 = arith.constant 4096 : i32
    %parallel_loop3A_67 = arith.constant 16 : i32
    scf.for %parallel_loop3A_219 = %parallel_loop3A_65 to %parallel_loop3A_66 step %parallel_loop3A_67  : i32 {
      %parallel_loop3A_220 = arith.constant 3 : i32
      %parallel_loop3A_221 = arith.index_cast %parallel_loop3A_220 : i32 to index
      %parallel_loop3A_222 = arith.index_cast %parallel_loop3A_219 : i32 to index
      %parallel_loop3A_223 = tpu.vector_load %arg6[%parallel_loop3A_221, %parallel_loop3A_222] {strides = array<i32>} : memref<4x4096xf32, #tpu.memory_space<vmem>>, vector<16xf32>,
      %parallel_loop3A_224 = arith.mulf %parallel_loop3A_223, %get3A_33 : vector<16xf32>
      %parallel_loop3A_225 = arith.constant 2.560000e+02 : f32
      %parallel_loop3A_226 = vector.broadcast %parallel_loop3A_225 : f32 to vector<16xf32>
      %parallel_loop3A_227 = arith.addf %parallel_loop3A_224, %parallel_loop3A_226 : vector<16xf32>
      %parallel_loop3A_228 = arith.constant 5.120000e+02 : f32
      %parallel_loop3A_229 = vector.broadcast %parallel_loop3A_228 : f32 to vector<16xf32>
      %parallel_loop3A_230 = arith.minimumf %parallel_loop3A_227, %parallel_loop3A_229 : vector<16xf32>
      %parallel_loop3A_231 = arith.constant 0.000000e+00 : f32
      %parallel_loop3A_232 = vector.broadcast %parallel_loop3A_231 : f32 to vector<16xf32>
      %parallel_loop3A_233 = arith.maximumf %parallel_loop3A_230, %parallel_loop3A_232 : vector<16xf32>
      %parallel_loop3A_234 = arith.fptosi %parallel_loop3A_233 : vector<16xf32> to vector<16xi32>
      %parallel_loop3A_235 = tpu.vector_load_idx %arg11[%parallel_loop3A_234] : memref<1024xf32, #tpu.memory_space<vmem>>[vector<16xi32>], vector<16xf32>,
      %parallel_loop3A_236 = arith.constant 3 : i32
      %parallel_loop3A_237 = arith.index_cast %parallel_loop3A_236 : i32 to index
      %parallel_loop3A_238 = arith.index_cast %parallel_loop3A_219 : i32 to index
      %parallel_loop3A_239 = tpu.vector_load %arg8[%parallel_loop3A_237, %parallel_loop3A_238] {strides = array<i32>} : memref<4x4096xf32, #tpu.memory_space<vmem>>, vector<16xf32>,
      tpu.vector_store %arg8[%parallel_loop3A_237, %parallel_loop3A_238], %parallel_loop3A_235 {strides = array<i32>} : memref<4x4096xf32, #tpu.memory_space<vmem>>, vector<16xf32>,
    } {sc.loop_unroll_factor = 8 : i64, sc.parallel_access}
    %add3A_68 = arith.constant 0 : i32
    %add3A_69 = arith.addi %select_n3A_32, %add3A_68 : i32
    %dma_start3A_70 = arith.constant 0 : i32
    %dma_start3A_71 = tpu.memref_slice %arg5[%select_n3A, %add3A_69, %dma_start3A_70] : memref<2x8192x4096xf32, #tpu.memory_space<hbm>> -> memref<1x4x4096xf32, #tpu.memory_space<hbm>>
    %dma_start3A_72 = tpu.memref_squeeze %dma_start3A_71 : memref<1x4x4096xf32, #tpu.memory_space<hbm>> -> memref<4x4096xf32, #tpu.memory_space<hbm>>
    %dma_start3A_73 = arith.constant 0 : i32
    %dma_start3A_74 = tpu.memref_slice %arg5[%select_n3A, %add3A_69, %dma_start3A_73] : memref<2x8192x4096xf32, #tpu.memory_space<hbm>> -> memref<1x4x4096xf32, #tpu.memory_space<hbm>>
    %dma_start3A_75 = tpu.memref_squeeze %dma_start3A_74 : memref<1x4x4096xf32, #tpu.memory_space<hbm>> -> memref<4x4096xf32, #tpu.memory_space<hbm>>
    tpu.enqueue_dma source(%arg8 : memref<4x4096xf32, #tpu.memory_space<vmem>>) target(%dma_start3A_75 : memref<4x4096xf32, #tpu.memory_space<hbm>>) target_semaphore(%arg14 : memref<!tpu.dma_semaphore, #tpu.memory_space<semaphore_mem>>)
    %add3A_76 = arith.constant 8 : i32
    %add3A_77 = arith.addi %select_n3A_32, %add3A_76 : i32
    %dma_start3A_78 = arith.constant 0 : i32
    %dma_start3A_79 = tpu.memref_slice %arg2[%select_n3A, %add3A_77, %dma_start3A_78] : memref<2x8192x4096xf32, #tpu.memory_space<hbm>> -> memref<1x4x4096xf32, #tpu.memory_space<hbm>>
    %dma_start3A_80 = tpu.memref_squeeze %dma_start3A_79 : memref<1x4x4096xf32, #tpu.memory_space<hbm>> -> memref<4x4096xf32, #tpu.memory_space<hbm>>
    %dma_start3A_81 = arith.constant 0 : i32
    %dma_start3A_82 = tpu.memref_slice %arg2[%select_n3A, %add3A_77, %dma_start3A_81] : memref<2x8192x4096xf32, #tpu.memory_space<hbm>> -> memref<1x4x4096xf32, #tpu.memory_space<hbm>>
    %dma_start3A_83 = tpu.memref_squeeze %dma_start3A_82 : memref<1x4x4096xf32, #tpu.memory_space<hbm>> -> memref<4x4096xf32, #tpu.memory_space<hbm>>
    tpu.enqueue_dma source(%dma_start3A_83 : memref<4x4096xf32, #tpu.memory_space<hbm>>) target(%arg6 : memref<4x4096xf32, #tpu.memory_space<vmem>>) target_semaphore(%arg12 : memref<!tpu.dma_semaphore, #tpu.memory_space<semaphore_mem>>)
    %dma_wait3A_84 = arith.constant 0 : i32
    %dma_wait3A_85 = arith.constant 0 : i32
    %dma_wait3A_86 = arith.constant 0 : i32
    %dma_wait3A_87 = tpu.memref_slice %arg2[%dma_wait3A_84, %dma_wait3A_85, %dma_wait3A_86] : memref<2x8192x4096xf32, #tpu.memory_space<hbm>> -> memref<1x4x4096xf32, #tpu.memory_space<hbm>>
    %dma_wait3A_88 = tpu.memref_squeeze %dma_wait3A_87 : memref<1x4x4096xf32, #tpu.memory_space<hbm>> -> memref<4x4096xf32, #tpu.memory_space<hbm>>
    %dma_wait3A_89 = arith.constant 0 : i32
    %dma_wait3A_90 = arith.constant 0 : i32
    %dma_wait3A_91 = tpu.memref_slice %arg2[%dma_wait3A_84, %dma_wait3A_89, %dma_wait3A_90] : memref<2x8192x4096xf32, #tpu.memory_space<hbm>> -> memref<1x4x4096xf32, #tpu.memory_space<hbm>>
    %dma_wait3A_92 = tpu.memref_squeeze %dma_wait3A_91 : memref<1x4x4096xf32, #tpu.memory_space<hbm>> -> memref<4x4096xf32, #tpu.memory_space<hbm>>
    tpu.wait_dma2 semaphore(%arg13 : memref<!tpu.dma_semaphore, #tpu.memory_space<semaphore_mem>>) src(%dma_wait3A_92 : memref<4x4096xf32, #tpu.memory_space<hbm>>) dst(%arg7 : memref<4x4096xf32, #tpu.memory_space<vmem>>)
    %parallel_loop3A_93 = arith.constant 0 : i32
    %parallel_loop3A_94 = arith.constant 4096 : i32
    %parallel_loop3A_95 = arith.constant 16 : i32
    scf.for %parallel_loop3A_219 = %parallel_loop3A_93 to %parallel_loop3A_94 step %parallel_loop3A_95  : i32 {
      %parallel_loop3A_220 = arith.constant 0 : i32
      %parallel_loop3A_221 = arith.index_cast %parallel_loop3A_220 : i32 to index
      %parallel_loop3A_222 = arith.index_cast %parallel_loop3A_219 : i32 to index
      %parallel_loop3A_223 = tpu.vector_load %arg7[%parallel_loop3A_221, %parallel_loop3A_222] {strides = array<i32>} : memref<4x4096xf32, #tpu.memory_space<vmem>>, vector<16xf32>,
      %parallel_loop3A_224 = arith.mulf %parallel_loop3A_223, %get3A_33 : vector<16xf32>
      %parallel_loop3A_225 = arith.constant 2.560000e+02 : f32
      %parallel_loop3A_226 = vector.broadcast %parallel_loop3A_225 : f32 to vector<16xf32>
      %parallel_loop3A_227 = arith.addf %parallel_loop3A_224, %parallel_loop3A_226 : vector<16xf32>
      %parallel_loop3A_228 = arith.constant 5.120000e+02 : f32
      %parallel_loop3A_229 = vector.broadcast %parallel_loop3A_228 : f32 to vector<16xf32>
      %parallel_loop3A_230 = arith.minimumf %parallel_loop3A_227, %parallel_loop3A_229 : vector<16xf32>
      %parallel_loop3A_231 = arith.constant 0.000000e+00 : f32
      %parallel_loop3A_232 = vector.broadcast %parallel_loop3A_231 : f32 to vector<16xf32>
      %parallel_loop3A_233 = arith.maximumf %parallel_loop3A_230, %parallel_loop3A_232 : vector<16xf32>
      %parallel_loop3A_234 = arith.fptosi %parallel_loop3A_233 : vector<16xf32> to vector<16xi32>
      %parallel_loop3A_235 = tpu.vector_load_idx %arg11[%parallel_loop3A_234] : memref<1024xf32, #tpu.memory_space<vmem>>[vector<16xi32>], vector<16xf32>,
      %parallel_loop3A_236 = arith.constant 0 : i32
      %parallel_loop3A_237 = arith.index_cast %parallel_loop3A_236 : i32 to index
      %parallel_loop3A_238 = arith.index_cast %parallel_loop3A_219 : i32 to index
      %parallel_loop3A_239 = tpu.vector_load %arg9[%parallel_loop3A_237, %parallel_loop3A_238] {strides = array<i32>} : memref<4x4096xf32, #tpu.memory_space<vmem>>, vector<16xf32>,
      tpu.vector_store %arg9[%parallel_loop3A_237, %parallel_loop3A_238], %parallel_loop3A_235 {strides = array<i32>} : memref<4x4096xf32, #tpu.memory_space<vmem>>, vector<16xf32>,
    } {sc.loop_unroll_factor = 8 : i64, sc.parallel_access}
    %parallel_loop3A_96 = arith.constant 0 : i32
    %parallel_loop3A_97 = arith.constant 4096 : i32
    %parallel_loop3A_98 = arith.constant 16 : i32
    scf.for %parallel_loop3A_219 = %parallel_loop3A_96 to %parallel_loop3A_97 step %parallel_loop3A_98  : i32 {
      %parallel_loop3A_220 = arith.constant 1 : i32
      %parallel_loop3A_221 = arith.index_cast %parallel_loop3A_220 : i32 to index
      %parallel_loop3A_222 = arith.index_cast %parallel_loop3A_219 : i32 to index
      %parallel_loop3A_223 = tpu.vector_load %arg7[%parallel_loop3A_221, %parallel_loop3A_222] {strides = array<i32>} : memref<4x4096xf32, #tpu.memory_space<vmem>>, vector<16xf32>,
      %parallel_loop3A_224 = arith.mulf %parallel_loop3A_223, %get3A_33 : vector<16xf32>
      %parallel_loop3A_225 = arith.constant 2.560000e+02 : f32
      %parallel_loop3A_226 = vector.broadcast %parallel_loop3A_225 : f32 to vector<16xf32>
      %parallel_loop3A_227 = arith.addf %parallel_loop3A_224, %parallel_loop3A_226 : vector<16xf32>
      %parallel_loop3A_228 = arith.constant 5.120000e+02 : f32
      %parallel_loop3A_229 = vector.broadcast %parallel_loop3A_228 : f32 to vector<16xf32>
      %parallel_loop3A_230 = arith.minimumf %parallel_loop3A_227, %parallel_loop3A_229 : vector<16xf32>
      %parallel_loop3A_231 = arith.constant 0.000000e+00 : f32
      %parallel_loop3A_232 = vector.broadcast %parallel_loop3A_231 : f32 to vector<16xf32>
      %parallel_loop3A_233 = arith.maximumf %parallel_loop3A_230, %parallel_loop3A_232 : vector<16xf32>
      %parallel_loop3A_234 = arith.fptosi %parallel_loop3A_233 : vector<16xf32> to vector<16xi32>
      %parallel_loop3A_235 = tpu.vector_load_idx %arg11[%parallel_loop3A_234] : memref<1024xf32, #tpu.memory_space<vmem>>[vector<16xi32>], vector<16xf32>,
      %parallel_loop3A_236 = arith.constant 1 : i32
      %parallel_loop3A_237 = arith.index_cast %parallel_loop3A_236 : i32 to index
      %parallel_loop3A_238 = arith.index_cast %parallel_loop3A_219 : i32 to index
      %parallel_loop3A_239 = tpu.vector_load %arg9[%parallel_loop3A_237, %parallel_loop3A_238] {strides = array<i32>} : memref<4x4096xf32, #tpu.memory_space<vmem>>, vector<16xf32>,
      tpu.vector_store %arg9[%parallel_loop3A_237, %parallel_loop3A_238], %parallel_loop3A_235 {strides = array<i32>} : memref<4x4096xf32, #tpu.memory_space<vmem>>, vector<16xf32>,
    } {sc.loop_unroll_factor = 8 : i64, sc.parallel_access}
    %parallel_loop3A_99 = arith.constant 0 : i32
    %parallel_loop3A_100 = arith.constant 4096 : i32
    %parallel_loop3A_101 = arith.constant 16 : i32
    scf.for %parallel_loop3A_219 = %parallel_loop3A_99 to %parallel_loop3A_100 step %parallel_loop3A_101  : i32 {
      %parallel_loop3A_220 = arith.constant 2 : i32
      %parallel_loop3A_221 = arith.index_cast %parallel_loop3A_220 : i32 to index
      %parallel_loop3A_222 = arith.index_cast %parallel_loop3A_219 : i32 to index
      %parallel_loop3A_223 = tpu.vector_load %arg7[%parallel_loop3A_221, %parallel_loop3A_222] {strides = array<i32>} : memref<4x4096xf32, #tpu.memory_space<vmem>>, vector<16xf32>,
      %parallel_loop3A_224 = arith.mulf %parallel_loop3A_223, %get3A_33 : vector<16xf32>
      %parallel_loop3A_225 = arith.constant 2.560000e+02 : f32
      %parallel_loop3A_226 = vector.broadcast %parallel_loop3A_225 : f32 to vector<16xf32>
      %parallel_loop3A_227 = arith.addf %parallel_loop3A_224, %parallel_loop3A_226 : vector<16xf32>
      %parallel_loop3A_228 = arith.constant 5.120000e+02 : f32
      %parallel_loop3A_229 = vector.broadcast %parallel_loop3A_228 : f32 to vector<16xf32>
      %parallel_loop3A_230 = arith.minimumf %parallel_loop3A_227, %parallel_loop3A_229 : vector<16xf32>
      %parallel_loop3A_231 = arith.constant 0.000000e+00 : f32
      %parallel_loop3A_232 = vector.broadcast %parallel_loop3A_231 : f32 to vector<16xf32>
      %parallel_loop3A_233 = arith.maximumf %parallel_loop3A_230, %parallel_loop3A_232 : vector<16xf32>
      %parallel_loop3A_234 = arith.fptosi %parallel_loop3A_233 : vector<16xf32> to vector<16xi32>
      %parallel_loop3A_235 = tpu.vector_load_idx %arg11[%parallel_loop3A_234] : memref<1024xf32, #tpu.memory_space<vmem>>[vector<16xi32>], vector<16xf32>,
      %parallel_loop3A_236 = arith.constant 2 : i32
      %parallel_loop3A_237 = arith.index_cast %parallel_loop3A_236 : i32 to index
      %parallel_loop3A_238 = arith.index_cast %parallel_loop3A_219 : i32 to index
      %parallel_loop3A_239 = tpu.vector_load %arg9[%parallel_loop3A_237, %parallel_loop3A_238] {strides = array<i32>} : memref<4x4096xf32, #tpu.memory_space<vmem>>, vector<16xf32>,
      tpu.vector_store %arg9[%parallel_loop3A_237, %parallel_loop3A_238], %parallel_loop3A_235 {strides = array<i32>} : memref<4x4096xf32, #tpu.memory_space<vmem>>, vector<16xf32>,
    } {sc.loop_unroll_factor = 8 : i64, sc.parallel_access}
    %parallel_loop3A_102 = arith.constant 0 : i32
    %parallel_loop3A_103 = arith.constant 4096 : i32
    %parallel_loop3A_104 = arith.constant 16 : i32
    scf.for %parallel_loop3A_219 = %parallel_loop3A_102 to %parallel_loop3A_103 step %parallel_loop3A_104  : i32 {
      %parallel_loop3A_220 = arith.constant 3 : i32
      %parallel_loop3A_221 = arith.index_cast %parallel_loop3A_220 : i32 to index
      %parallel_loop3A_222 = arith.index_cast %parallel_loop3A_219 : i32 to index
      %parallel_loop3A_223 = tpu.vector_load %arg7[%parallel_loop3A_221, %parallel_loop3A_222] {strides = array<i32>} : memref<4x4096xf32, #tpu.memory_space<vmem>>, vector<16xf32>,
      %parallel_loop3A_224 = arith.mulf %parallel_loop3A_223, %get3A_33 : vector<16xf32>
      %parallel_loop3A_225 = arith.constant 2.560000e+02 : f32
      %parallel_loop3A_226 = vector.broadcast %parallel_loop3A_225 : f32 to vector<16xf32>
      %parallel_loop3A_227 = arith.addf %parallel_loop3A_224, %parallel_loop3A_226 : vector<16xf32>
      %parallel_loop3A_228 = arith.constant 5.120000e+02 : f32
      %parallel_loop3A_229 = vector.broadcast %parallel_loop3A_228 : f32 to vector<16xf32>
      %parallel_loop3A_230 = arith.minimumf %parallel_loop3A_227, %parallel_loop3A_229 : vector<16xf32>
      %parallel_loop3A_231 = arith.constant 0.000000e+00 : f32
      %parallel_loop3A_232 = vector.broadcast %parallel_loop3A_231 : f32 to vector<16xf32>
      %parallel_loop3A_233 = arith.maximumf %parallel_loop3A_230, %parallel_loop3A_232 : vector<16xf32>
      %parallel_loop3A_234 = arith.fptosi %parallel_loop3A_233 : vector<16xf32> to vector<16xi32>
      %parallel_loop3A_235 = tpu.vector_load_idx %arg11[%parallel_loop3A_234] : memref<1024xf32, #tpu.memory_space<vmem>>[vector<16xi32>], vector<16xf32>,
      %parallel_loop3A_236 = arith.constant 3 : i32
      %parallel_loop3A_237 = arith.index_cast %parallel_loop3A_236 : i32 to index
      %parallel_loop3A_238 = arith.index_cast %parallel_loop3A_219 : i32 to index
      %parallel_loop3A_239 = tpu.vector_load %arg9[%parallel_loop3A_237, %parallel_loop3A_238] {strides = array<i32>} : memref<4x4096xf32, #tpu.memory_space<vmem>>, vector<16xf32>,
      tpu.vector_store %arg9[%parallel_loop3A_237, %parallel_loop3A_238], %parallel_loop3A_235 {strides = array<i32>} : memref<4x4096xf32, #tpu.memory_space<vmem>>, vector<16xf32>,
    } {sc.loop_unroll_factor = 8 : i64, sc.parallel_access}
    %add3A_105 = arith.constant 4 : i32
    %add3A_106 = arith.addi %select_n3A_32, %add3A_105 : i32
    %dma_start3A_107 = arith.constant 0 : i32
    %dma_start3A_108 = tpu.memref_slice %arg5[%select_n3A, %add3A_106, %dma_start3A_107] : memref<2x8192x4096xf32, #tpu.memory_space<hbm>> -> memref<1x4x4096xf32, #tpu.memory_space<hbm>>
    %dma_start3A_109 = tpu.memref_squeeze %dma_start3A_108 : memref<1x4x4096xf32, #tpu.memory_space<hbm>> -> memref<4x4096xf32, #tpu.memory_space<hbm>>
    %dma_start3A_110 = arith.constant 0 : i32
    %dma_start3A_111 = tpu.memref_slice %arg5[%select_n3A, %add3A_106, %dma_start3A_110] : memref<2x8192x4096xf32, #tpu.memory_space<hbm>> -> memref<1x4x4096xf32, #tpu.memory_space<hbm>>
    %dma_start3A_112 = tpu.memref_squeeze %dma_start3A_111 : memref<1x4x4096xf32, #tpu.memory_space<hbm>> -> memref<4x4096xf32, #tpu.memory_space<hbm>>
    tpu.enqueue_dma source(%arg9 : memref<4x4096xf32, #tpu.memory_space<vmem>>) target(%dma_start3A_112 : memref<4x4096xf32, #tpu.memory_space<hbm>>) target_semaphore(%arg15 : memref<!tpu.dma_semaphore, #tpu.memory_space<semaphore_mem>>)
    %add3A_113 = arith.constant 12 : i32
    %add3A_114 = arith.addi %select_n3A_32, %add3A_113 : i32
    %dma_start3A_115 = arith.constant 0 : i32
    %dma_start3A_116 = tpu.memref_slice %arg2[%select_n3A, %add3A_114, %dma_start3A_115] : memref<2x8192x4096xf32, #tpu.memory_space<hbm>> -> memref<1x4x4096xf32, #tpu.memory_space<hbm>>
    %dma_start3A_117 = tpu.memref_squeeze %dma_start3A_116 : memref<1x4x4096xf32, #tpu.memory_space<hbm>> -> memref<4x4096xf32, #tpu.memory_space<hbm>>
    %dma_start3A_118 = arith.constant 0 : i32
    %dma_start3A_119 = tpu.memref_slice %arg2[%select_n3A, %add3A_114, %dma_start3A_118] : memref<2x8192x4096xf32, #tpu.memory_space<hbm>> -> memref<1x4x4096xf32, #tpu.memory_space<hbm>>
    %dma_start3A_120 = tpu.memref_squeeze %dma_start3A_119 : memref<1x4x4096xf32, #tpu.memory_space<hbm>> -> memref<4x4096xf32, #tpu.memory_space<hbm>>
    tpu.enqueue_dma source(%dma_start3A_120 : memref<4x4096xf32, #tpu.memory_space<hbm>>) target(%arg7 : memref<4x4096xf32, #tpu.memory_space<vmem>>) target_semaphore(%arg13 : memref<!tpu.dma_semaphore, #tpu.memory_space<semaphore_mem>>)
    %scan3A = arith.constant 0 : i32
    %scan3A_121 = arith.constant 22 : i32
    %scan3A_122 = arith.addi %scan3A, %scan3A_121 : i32
    %scan3A_123 = arith.constant 1 : i32
    scf.for %scan3A_219 = %scan3A to %scan3A_122 step %scan3A_123  : i32 {
      %mul3A_220 = arith.constant 2 : i32
      %mul3A_221 = arith.muli %scan3A_219, %mul3A_220 : i32
      %add3A_222 = arith.constant 2 : i32
      %add3A_223 = arith.addi %add3A_222, %mul3A_221 : i32
      %add3A_224 = arith.constant 0 : i32
      %add3A_225 = arith.addi %add3A_223, %add3A_224 : i32
      %dma_wait3A_226 = arith.constant 0 : i32
      %dma_wait3A_227 = arith.constant 0 : i32
      %dma_wait3A_228 = arith.constant 0 : i32
      %dma_wait3A_229 = tpu.memref_slice %arg2[%dma_wait3A_226, %dma_wait3A_227, %dma_wait3A_228] : memref<2x8192x4096xf32, #tpu.memory_space<hbm>> -> memref<1x4x4096xf32, #tpu.memory_space<hbm>>
      %dma_wait3A_230 = tpu.memref_squeeze %dma_wait3A_229 : memref<1x4x4096xf32, #tpu.memory_space<hbm>> -> memref<4x4096xf32, #tpu.memory_space<hbm>>
      %dma_wait3A_231 = arith.constant 0 : i32
      %dma_wait3A_232 = arith.constant 0 : i32
      %dma_wait3A_233 = tpu.memref_slice %arg2[%dma_wait3A_226, %dma_wait3A_231, %dma_wait3A_232] : memref<2x8192x4096xf32, #tpu.memory_space<hbm>> -> memref<1x4x4096xf32, #tpu.memory_space<hbm>>
      %dma_wait3A_234 = tpu.memref_squeeze %dma_wait3A_233 : memref<1x4x4096xf32, #tpu.memory_space<hbm>> -> memref<4x4096xf32, #tpu.memory_space<hbm>>
      tpu.wait_dma2 semaphore(%arg12 : memref<!tpu.dma_semaphore, #tpu.memory_space<semaphore_mem>>) src(%dma_wait3A_234 : memref<4x4096xf32, #tpu.memory_space<hbm>>) dst(%arg6 : memref<4x4096xf32, #tpu.memory_space<vmem>>)
      %dma_wait3A_235 = arith.constant 0 : i32
      %dma_wait3A_236 = arith.constant 0 : i32
      %dma_wait3A_237 = arith.constant 0 : i32
      %dma_wait3A_238 = tpu.memref_slice %arg5[%dma_wait3A_235, %dma_wait3A_236, %dma_wait3A_237] : memref<2x8192x4096xf32, #tpu.memory_space<hbm>> -> memref<1x4x4096xf32, #tpu.memory_space<hbm>>
      %dma_wait3A_239 = tpu.memref_squeeze %dma_wait3A_238 : memref<1x4x4096xf32, #tpu.memory_space<hbm>> -> memref<4x4096xf32, #tpu.memory_space<hbm>>
      %dma_wait3A_240 = arith.constant 0 : i32
      %dma_wait3A_241 = arith.constant 0 : i32
      %dma_wait3A_242 = tpu.memref_slice %arg5[%dma_wait3A_235, %dma_wait3A_240, %dma_wait3A_241] : memref<2x8192x4096xf32, #tpu.memory_space<hbm>> -> memref<1x4x4096xf32, #tpu.memory_space<hbm>>
      %dma_wait3A_243 = tpu.memref_squeeze %dma_wait3A_242 : memref<1x4x4096xf32, #tpu.memory_space<hbm>> -> memref<4x4096xf32, #tpu.memory_space<hbm>>
      tpu.wait_dma2 semaphore(%arg14 : memref<!tpu.dma_semaphore, #tpu.memory_space<semaphore_mem>>) src(%arg8 : memref<4x4096xf32, #tpu.memory_space<vmem>>) dst(%dma_wait3A_243 : memref<4x4096xf32, #tpu.memory_space<hbm>>)
      %parallel_loop3A_244 = arith.constant 0 : i32
      %parallel_loop3A_245 = arith.constant 4096 : i32
      %parallel_loop3A_246 = arith.constant 16 : i32
      scf.for %parallel_loop3A_328 = %parallel_loop3A_244 to %parallel_loop3A_245 step %parallel_loop3A_246  : i32 {
        %parallel_loop3A_329 = arith.constant 0 : i32
        %parallel_loop3A_330 = arith.index_cast %parallel_loop3A_329 : i32 to index
        %parallel_loop3A_331 = arith.index_cast %parallel_loop3A_328 : i32 to index
        %parallel_loop3A_332 = tpu.vector_load %arg6[%parallel_loop3A_330, %parallel_loop3A_331] {strides = array<i32>} : memref<4x4096xf32, #tpu.memory_space<vmem>>, vector<16xf32>,
        %parallel_loop3A_333 = arith.mulf %parallel_loop3A_332, %get3A_33 : vector<16xf32>
        %parallel_loop3A_334 = arith.constant 2.560000e+02 : f32
        %parallel_loop3A_335 = vector.broadcast %parallel_loop3A_334 : f32 to vector<16xf32>
        %parallel_loop3A_336 = arith.addf %parallel_loop3A_333, %parallel_loop3A_335 : vector<16xf32>
        %parallel_loop3A_337 = arith.constant 5.120000e+02 : f32
        %parallel_loop3A_338 = vector.broadcast %parallel_loop3A_337 : f32 to vector<16xf32>
        %parallel_loop3A_339 = arith.minimumf %parallel_loop3A_336, %parallel_loop3A_338 : vector<16xf32>
        %parallel_loop3A_340 = arith.constant 0.000000e+00 : f32
        %parallel_loop3A_341 = vector.broadcast %parallel_loop3A_340 : f32 to vector<16xf32>
        %parallel_loop3A_342 = arith.maximumf %parallel_loop3A_339, %parallel_loop3A_341 : vector<16xf32>
        %parallel_loop3A_343 = arith.fptosi %parallel_loop3A_342 : vector<16xf32> to vector<16xi32>
        %parallel_loop3A_344 = tpu.vector_load_idx %arg11[%parallel_loop3A_343] : memref<1024xf32, #tpu.memory_space<vmem>>[vector<16xi32>], vector<16xf32>,
        %parallel_loop3A_345 = arith.constant 0 : i32
        %parallel_loop3A_346 = arith.index_cast %parallel_loop3A_345 : i32 to index
        %parallel_loop3A_347 = arith.index_cast %parallel_loop3A_328 : i32 to index
        %parallel_loop3A_348 = tpu.vector_load %arg8[%parallel_loop3A_346, %parallel_loop3A_347] {strides = array<i32>} : memref<4x4096xf32, #tpu.memory_space<vmem>>, vector<16xf32>,
        tpu.vector_store %arg8[%parallel_loop3A_346, %parallel_loop3A_347], %parallel_loop3A_344 {strides = array<i32>} : memref<4x4096xf32, #tpu.memory_space<vmem>>, vector<16xf32>,
      } {sc.loop_unroll_factor = 8 : i64, sc.parallel_access}
      %parallel_loop3A_247 = arith.constant 0 : i32
      %parallel_loop3A_248 = arith.constant 4096 : i32
      %parallel_loop3A_249 = arith.constant 16 : i32
      scf.for %parallel_loop3A_328 = %parallel_loop3A_247 to %parallel_loop3A_248 step %parallel_loop3A_249  : i32 {
        %parallel_loop3A_329 = arith.constant 1 : i32
        %parallel_loop3A_330 = arith.index_cast %parallel_loop3A_329 : i32 to index
        %parallel_loop3A_331 = arith.index_cast %parallel_loop3A_328 : i32 to index
        %parallel_loop3A_332 = tpu.vector_load %arg6[%parallel_loop3A_330, %parallel_loop3A_331] {strides = array<i32>} : memref<4x4096xf32, #tpu.memory_space<vmem>>, vector<16xf32>,
        %parallel_loop3A_333 = arith.mulf %parallel_loop3A_332, %get3A_33 : vector<16xf32>
        %parallel_loop3A_334 = arith.constant 2.560000e+02 : f32
        %parallel_loop3A_335 = vector.broadcast %parallel_loop3A_334 : f32 to vector<16xf32>
        %parallel_loop3A_336 = arith.addf %parallel_loop3A_333, %parallel_loop3A_335 : vector<16xf32>
        %parallel_loop3A_337 = arith.constant 5.120000e+02 : f32
        %parallel_loop3A_338 = vector.broadcast %parallel_loop3A_337 : f32 to vector<16xf32>
        %parallel_loop3A_339 = arith.minimumf %parallel_loop3A_336, %parallel_loop3A_338 : vector<16xf32>
        %parallel_loop3A_340 = arith.constant 0.000000e+00 : f32
        %parallel_loop3A_341 = vector.broadcast %parallel_loop3A_340 : f32 to vector<16xf32>
        %parallel_loop3A_342 = arith.maximumf %parallel_loop3A_339, %parallel_loop3A_341 : vector<16xf32>
        %parallel_loop3A_343 = arith.fptosi %parallel_loop3A_342 : vector<16xf32> to vector<16xi32>
        %parallel_loop3A_344 = tpu.vector_load_idx %arg11[%parallel_loop3A_343] : memref<1024xf32, #tpu.memory_space<vmem>>[vector<16xi32>], vector<16xf32>,
        %parallel_loop3A_345 = arith.constant 1 : i32
        %parallel_loop3A_346 = arith.index_cast %parallel_loop3A_345 : i32 to index
        %parallel_loop3A_347 = arith.index_cast %parallel_loop3A_328 : i32 to index
        %parallel_loop3A_348 = tpu.vector_load %arg8[%parallel_loop3A_346, %parallel_loop3A_347] {strides = array<i32>} : memref<4x4096xf32, #tpu.memory_space<vmem>>, vector<16xf32>,
        tpu.vector_store %arg8[%parallel_loop3A_346, %parallel_loop3A_347], %parallel_loop3A_344 {strides = array<i32>} : memref<4x4096xf32, #tpu.memory_space<vmem>>, vector<16xf32>,
      } {sc.loop_unroll_factor = 8 : i64, sc.parallel_access}
      %parallel_loop3A_250 = arith.constant 0 : i32
      %parallel_loop3A_251 = arith.constant 4096 : i32
      %parallel_loop3A_252 = arith.constant 16 : i32
      scf.for %parallel_loop3A_328 = %parallel_loop3A_250 to %parallel_loop3A_251 step %parallel_loop3A_252  : i32 {
        %parallel_loop3A_329 = arith.constant 2 : i32
        %parallel_loop3A_330 = arith.index_cast %parallel_loop3A_329 : i32 to index
        %parallel_loop3A_331 = arith.index_cast %parallel_loop3A_328 : i32 to index
        %parallel_loop3A_332 = tpu.vector_load %arg6[%parallel_loop3A_330, %parallel_loop3A_331] {strides = array<i32>} : memref<4x4096xf32, #tpu.memory_space<vmem>>, vector<16xf32>,
        %parallel_loop3A_333 = arith.mulf %parallel_loop3A_332, %get3A_33 : vector<16xf32>
        %parallel_loop3A_334 = arith.constant 2.560000e+02 : f32
        %parallel_loop3A_335 = vector.broadcast %parallel_loop3A_334 : f32 to vector<16xf32>
        %parallel_loop3A_336 = arith.addf %parallel_loop3A_333, %parallel_loop3A_335 : vector<16xf32>
        %parallel_loop3A_337 = arith.constant 5.120000e+02 : f32
        %parallel_loop3A_338 = vector.broadcast %parallel_loop3A_337 : f32 to vector<16xf32>
        %parallel_loop3A_339 = arith.minimumf %parallel_loop3A_336, %parallel_loop3A_338 : vector<16xf32>
        %parallel_loop3A_340 = arith.constant 0.000000e+00 : f32
        %parallel_loop3A_341 = vector.broadcast %parallel_loop3A_340 : f32 to vector<16xf32>
        %parallel_loop3A_342 = arith.maximumf %parallel_loop3A_339, %parallel_loop3A_341 : vector<16xf32>
        %parallel_loop3A_343 = arith.fptosi %parallel_loop3A_342 : vector<16xf32> to vector<16xi32>
        %parallel_loop3A_344 = tpu.vector_load_idx %arg11[%parallel_loop3A_343] : memref<1024xf32, #tpu.memory_space<vmem>>[vector<16xi32>], vector<16xf32>,
        %parallel_loop3A_345 = arith.constant 2 : i32
        %parallel_loop3A_346 = arith.index_cast %parallel_loop3A_345 : i32 to index
        %parallel_loop3A_347 = arith.index_cast %parallel_loop3A_328 : i32 to index
        %parallel_loop3A_348 = tpu.vector_load %arg8[%parallel_loop3A_346, %parallel_loop3A_347] {strides = array<i32>} : memref<4x4096xf32, #tpu.memory_space<vmem>>, vector<16xf32>,
        tpu.vector_store %arg8[%parallel_loop3A_346, %parallel_loop3A_347], %parallel_loop3A_344 {strides = array<i32>} : memref<4x4096xf32, #tpu.memory_space<vmem>>, vector<16xf32>,
      } {sc.loop_unroll_factor = 8 : i64, sc.parallel_access}
      %parallel_loop3A_253 = arith.constant 0 : i32
      %parallel_loop3A_254 = arith.constant 4096 : i32
      %parallel_loop3A_255 = arith.constant 16 : i32
      scf.for %parallel_loop3A_328 = %parallel_loop3A_253 to %parallel_loop3A_254 step %parallel_loop3A_255  : i32 {
        %parallel_loop3A_329 = arith.constant 3 : i32
        %parallel_loop3A_330 = arith.index_cast %parallel_loop3A_329 : i32 to index
        %parallel_loop3A_331 = arith.index_cast %parallel_loop3A_328 : i32 to index
        %parallel_loop3A_332 = tpu.vector_load %arg6[%parallel_loop3A_330, %parallel_loop3A_331] {strides = array<i32>} : memref<4x4096xf32, #tpu.memory_space<vmem>>, vector<16xf32>,
        %parallel_loop3A_333 = arith.mulf %parallel_loop3A_332, %get3A_33 : vector<16xf32>
        %parallel_loop3A_334 = arith.constant 2.560000e+02 : f32
        %parallel_loop3A_335 = vector.broadcast %parallel_loop3A_334 : f32 to vector<16xf32>
        %parallel_loop3A_336 = arith.addf %parallel_loop3A_333, %parallel_loop3A_335 : vector<16xf32>
        %parallel_loop3A_337 = arith.constant 5.120000e+02 : f32
        %parallel_loop3A_338 = vector.broadcast %parallel_loop3A_337 : f32 to vector<16xf32>
        %parallel_loop3A_339 = arith.minimumf %parallel_loop3A_336, %parallel_loop3A_338 : vector<16xf32>
        %parallel_loop3A_340 = arith.constant 0.000000e+00 : f32
        %parallel_loop3A_341 = vector.broadcast %parallel_loop3A_340 : f32 to vector<16xf32>
        %parallel_loop3A_342 = arith.maximumf %parallel_loop3A_339, %parallel_loop3A_341 : vector<16xf32>
        %parallel_loop3A_343 = arith.fptosi %parallel_loop3A_342 : vector<16xf32> to vector<16xi32>
        %parallel_loop3A_344 = tpu.vector_load_idx %arg11[%parallel_loop3A_343] : memref<1024xf32, #tpu.memory_space<vmem>>[vector<16xi32>], vector<16xf32>,
        %parallel_loop3A_345 = arith.constant 3 : i32
        %parallel_loop3A_346 = arith.index_cast %parallel_loop3A_345 : i32 to index
        %parallel_loop3A_347 = arith.index_cast %parallel_loop3A_328 : i32 to index
        %parallel_loop3A_348 = tpu.vector_load %arg8[%parallel_loop3A_346, %parallel_loop3A_347] {strides = array<i32>} : memref<4x4096xf32, #tpu.memory_space<vmem>>, vector<16xf32>,
        tpu.vector_store %arg8[%parallel_loop3A_346, %parallel_loop3A_347], %parallel_loop3A_344 {strides = array<i32>} : memref<4x4096xf32, #tpu.memory_space<vmem>>, vector<16xf32>,
      } {sc.loop_unroll_factor = 8 : i64, sc.parallel_access}
      %mul3A_256 = arith.constant 4 : i32
      %mul3A_257 = arith.muli %add3A_225, %mul3A_256 : i32
      %add3A_258 = arith.addi %select_n3A_32, %mul3A_257 : i32
      %dma_start3A_259 = arith.constant 0 : i32
      %dma_start3A_260 = tpu.memref_slice %arg5[%select_n3A, %add3A_258, %dma_start3A_259] : memref<2x8192x4096xf32, #tpu.memory_space<hbm>> -> memref<1x4x4096xf32, #tpu.memory_space<hbm>>
      %dma_start3A_261 = tpu.memref_squeeze %dma_start3A_260 : memref<1x4x4096xf32, #tpu.memory_space<hbm>> -> memref<4x4096xf32, #tpu.memory_space<hbm>>
      %dma_start3A_262 = arith.constant 0 : i32
      %dma_start3A_263 = tpu.memref_slice %arg5[%select_n3A, %add3A_258, %dma_start3A_262] : memref<2x8192x4096xf32, #tpu.memory_space<hbm>> -> memref<1x4x4096xf32, #tpu.memory_space<hbm>>
      %dma_start3A_264 = tpu.memref_squeeze %dma_start3A_263 : memref<1x4x4096xf32, #tpu.memory_space<hbm>> -> memref<4x4096xf32, #tpu.memory_space<hbm>>
      tpu.enqueue_dma source(%arg8 : memref<4x4096xf32, #tpu.memory_space<vmem>>) target(%dma_start3A_264 : memref<4x4096xf32, #tpu.memory_space<hbm>>) target_semaphore(%arg14 : memref<!tpu.dma_semaphore, #tpu.memory_space<semaphore_mem>>)
      %add3A_265 = arith.constant 2 : i32
      %add3A_266 = arith.addi %add3A_225, %add3A_265 : i32
      %mul3A_267 = arith.constant 4 : i32
      %mul3A_268 = arith.muli %add3A_266, %mul3A_267 : i32
      %add3A_269 = arith.addi %select_n3A_32, %mul3A_268 : i32
      %dma_start3A_270 = arith.constant 0 : i32
      %dma_start3A_271 = tpu.memref_slice %arg2[%select_n3A, %add3A_269, %dma_start3A_270] : memref<2x8192x4096xf32, #tpu.memory_space<hbm>> -> memref<1x4x4096xf32, #tpu.memory_space<hbm>>
      %dma_start3A_272 = tpu.memref_squeeze %dma_start3A_271 : memref<1x4x4096xf32, #tpu.memory_space<hbm>> -> memref<4x4096xf32, #tpu.memory_space<hbm>>
      %dma_start3A_273 = arith.constant 0 : i32
      %dma_start3A_274 = tpu.memref_slice %arg2[%select_n3A, %add3A_269, %dma_start3A_273] : memref<2x8192x4096xf32, #tpu.memory_space<hbm>> -> memref<1x4x4096xf32, #tpu.memory_space<hbm>>
      %dma_start3A_275 = tpu.memref_squeeze %dma_start3A_274 : memref<1x4x4096xf32, #tpu.memory_space<hbm>> -> memref<4x4096xf32, #tpu.memory_space<hbm>>
      tpu.enqueue_dma source(%dma_start3A_275 : memref<4x4096xf32, #tpu.memory_space<hbm>>) target(%arg6 : memref<4x4096xf32, #tpu.memory_space<vmem>>) target_semaphore(%arg12 : memref<!tpu.dma_semaphore, #tpu.memory_space<semaphore_mem>>)
      %add3A_276 = arith.constant 1 : i32
      %add3A_277 = arith.addi %add3A_223, %add3A_276 : i32
      %dma_wait3A_278 = arith.constant 0 : i32
      %dma_wait3A_279 = arith.constant 0 : i32
      %dma_wait3A_280 = arith.constant 0 : i32
      %dma_wait3A_281 = tpu.memref_slice %arg2[%dma_wait3A_278, %dma_wait3A_279, %dma_wait3A_280] : memref<2x8192x4096xf32, #tpu.memory_space<hbm>> -> memref<1x4x4096xf32, #tpu.memory_space<hbm>>
      %dma_wait3A_282 = tpu.memref_squeeze %dma_wait3A_281 : memref<1x4x4096xf32, #tpu.memory_space<hbm>> -> memref<4x4096xf32, #tpu.memory_space<hbm>>
      %dma_wait3A_283 = arith.constant 0 : i32
      %dma_wait3A_284 = arith.constant 0 : i32
      %dma_wait3A_285 = tpu.memref_slice %arg2[%dma_wait3A_278, %dma_wait3A_283, %dma_wait3A_284] : memref<2x8192x4096xf32, #tpu.memory_space<hbm>> -> memref<1x4x4096xf32, #tpu.memory_space<hbm>>
      %dma_wait3A_286 = tpu.memref_squeeze %dma_wait3A_285 : memref<1x4x4096xf32, #tpu.memory_space<hbm>> -> memref<4x4096xf32, #tpu.memory_space<hbm>>
      tpu.wait_dma2 semaphore(%arg13 : memref<!tpu.dma_semaphore, #tpu.memory_space<semaphore_mem>>) src(%dma_wait3A_286 : memref<4x4096xf32, #tpu.memory_space<hbm>>) dst(%arg7 : memref<4x4096xf32, #tpu.memory_space<vmem>>)
      %dma_wait3A_287 = arith.constant 0 : i32
      %dma_wait3A_288 = arith.constant 0 : i32
      %dma_wait3A_289 = arith.constant 0 : i32
      %dma_wait3A_290 = tpu.memref_slice %arg5[%dma_wait3A_287, %dma_wait3A_288, %dma_wait3A_289] : memref<2x8192x4096xf32, #tpu.memory_space<hbm>> -> memref<1x4x4096xf32, #tpu.memory_space<hbm>>
      %dma_wait3A_291 = tpu.memref_squeeze %dma_wait3A_290 : memref<1x4x4096xf32, #tpu.memory_space<hbm>> -> memref<4x4096xf32, #tpu.memory_space<hbm>>
      %dma_wait3A_292 = arith.constant 0 : i32
      %dma_wait3A_293 = arith.constant 0 : i32
      %dma_wait3A_294 = tpu.memref_slice %arg5[%dma_wait3A_287, %dma_wait3A_292, %dma_wait3A_293] : memref<2x8192x4096xf32, #tpu.memory_space<hbm>> -> memref<1x4x4096xf32, #tpu.memory_space<hbm>>
      %dma_wait3A_295 = tpu.memref_squeeze %dma_wait3A_294 : memref<1x4x4096xf32, #tpu.memory_space<hbm>> -> memref<4x4096xf32, #tpu.memory_space<hbm>>
      tpu.wait_dma2 semaphore(%arg15 : memref<!tpu.dma_semaphore, #tpu.memory_space<semaphore_mem>>) src(%arg9 : memref<4x4096xf32, #tpu.memory_space<vmem>>) dst(%dma_wait3A_295 : memref<4x4096xf32, #tpu.memory_space<hbm>>)
      %parallel_loop3A_296 = arith.constant 0 : i32
      %parallel_loop3A_297 = arith.constant 4096 : i32
      %parallel_loop3A_298 = arith.constant 16 : i32
      scf.for %parallel_loop3A_328 = %parallel_loop3A_296 to %parallel_loop3A_297 step %parallel_loop3A_298  : i32 {
        %parallel_loop3A_329 = arith.constant 0 : i32
        %parallel_loop3A_330 = arith.index_cast %parallel_loop3A_329 : i32 to index
        %parallel_loop3A_331 = arith.index_cast %parallel_loop3A_328 : i32 to index
        %parallel_loop3A_332 = tpu.vector_load %arg7[%parallel_loop3A_330, %parallel_loop3A_331] {strides = array<i32>} : memref<4x4096xf32, #tpu.memory_space<vmem>>, vector<16xf32>,
        %parallel_loop3A_333 = arith.mulf %parallel_loop3A_332, %get3A_33 : vector<16xf32>
        %parallel_loop3A_334 = arith.constant 2.560000e+02 : f32
        %parallel_loop3A_335 = vector.broadcast %parallel_loop3A_334 : f32 to vector<16xf32>
        %parallel_loop3A_336 = arith.addf %parallel_loop3A_333, %parallel_loop3A_335 : vector<16xf32>
        %parallel_loop3A_337 = arith.constant 5.120000e+02 : f32
        %parallel_loop3A_338 = vector.broadcast %parallel_loop3A_337 : f32 to vector<16xf32>
        %parallel_loop3A_339 = arith.minimumf %parallel_loop3A_336, %parallel_loop3A_338 : vector<16xf32>
        %parallel_loop3A_340 = arith.constant 0.000000e+00 : f32
        %parallel_loop3A_341 = vector.broadcast %parallel_loop3A_340 : f32 to vector<16xf32>
        %parallel_loop3A_342 = arith.maximumf %parallel_loop3A_339, %parallel_loop3A_341 : vector<16xf32>
        %parallel_loop3A_343 = arith.fptosi %parallel_loop3A_342 : vector<16xf32> to vector<16xi32>
        %parallel_loop3A_344 = tpu.vector_load_idx %arg11[%parallel_loop3A_343] : memref<1024xf32, #tpu.memory_space<vmem>>[vector<16xi32>], vector<16xf32>,
        %parallel_loop3A_345 = arith.constant 0 : i32
        %parallel_loop3A_346 = arith.index_cast %parallel_loop3A_345 : i32 to index
        %parallel_loop3A_347 = arith.index_cast %parallel_loop3A_328 : i32 to index
        %parallel_loop3A_348 = tpu.vector_load %arg9[%parallel_loop3A_346, %parallel_loop3A_347] {strides = array<i32>} : memref<4x4096xf32, #tpu.memory_space<vmem>>, vector<16xf32>,
        tpu.vector_store %arg9[%parallel_loop3A_346, %parallel_loop3A_347], %parallel_loop3A_344 {strides = array<i32>} : memref<4x4096xf32, #tpu.memory_space<vmem>>, vector<16xf32>,
      } {sc.loop_unroll_factor = 8 : i64, sc.parallel_access}
      %parallel_loop3A_299 = arith.constant 0 : i32
      %parallel_loop3A_300 = arith.constant 4096 : i32
      %parallel_loop3A_301 = arith.constant 16 : i32
      scf.for %parallel_loop3A_328 = %parallel_loop3A_299 to %parallel_loop3A_300 step %parallel_loop3A_301  : i32 {
        %parallel_loop3A_329 = arith.constant 1 : i32
        %parallel_loop3A_330 = arith.index_cast %parallel_loop3A_329 : i32 to index
        %parallel_loop3A_331 = arith.index_cast %parallel_loop3A_328 : i32 to index
        %parallel_loop3A_332 = tpu.vector_load %arg7[%parallel_loop3A_330, %parallel_loop3A_331] {strides = array<i32>} : memref<4x4096xf32, #tpu.memory_space<vmem>>, vector<16xf32>,
        %parallel_loop3A_333 = arith.mulf %parallel_loop3A_332, %get3A_33 : vector<16xf32>
        %parallel_loop3A_334 = arith.constant 2.560000e+02 : f32
        %parallel_loop3A_335 = vector.broadcast %parallel_loop3A_334 : f32 to vector<16xf32>
        %parallel_loop3A_336 = arith.addf %parallel_loop3A_333, %parallel_loop3A_335 : vector<16xf32>
        %parallel_loop3A_337 = arith.constant 5.120000e+02 : f32
        %parallel_loop3A_338 = vector.broadcast %parallel_loop3A_337 : f32 to vector<16xf32>
        %parallel_loop3A_339 = arith.minimumf %parallel_loop3A_336, %parallel_loop3A_338 : vector<16xf32>
        %parallel_loop3A_340 = arith.constant 0.000000e+00 : f32
        %parallel_loop3A_341 = vector.broadcast %parallel_loop3A_340 : f32 to vector<16xf32>
        %parallel_loop3A_342 = arith.maximumf %parallel_loop3A_339, %parallel_loop3A_341 : vector<16xf32>
        %parallel_loop3A_343 = arith.fptosi %parallel_loop3A_342 : vector<16xf32> to vector<16xi32>
        %parallel_loop3A_344 = tpu.vector_load_idx %arg11[%parallel_loop3A_343] : memref<1024xf32, #tpu.memory_space<vmem>>[vector<16xi32>], vector<16xf32>,
        %parallel_loop3A_345 = arith.constant 1 : i32
        %parallel_loop3A_346 = arith.index_cast %parallel_loop3A_345 : i32 to index
        %parallel_loop3A_347 = arith.index_cast %parallel_loop3A_328 : i32 to index
        %parallel_loop3A_348 = tpu.vector_load %arg9[%parallel_loop3A_346, %parallel_loop3A_347] {strides = array<i32>} : memref<4x4096xf32, #tpu.memory_space<vmem>>, vector<16xf32>,
        tpu.vector_store %arg9[%parallel_loop3A_346, %parallel_loop3A_347], %parallel_loop3A_344 {strides = array<i32>} : memref<4x4096xf32, #tpu.memory_space<vmem>>, vector<16xf32>,
      } {sc.loop_unroll_factor = 8 : i64, sc.parallel_access}
      %parallel_loop3A_302 = arith.constant 0 : i32
      %parallel_loop3A_303 = arith.constant 4096 : i32
      %parallel_loop3A_304 = arith.constant 16 : i32
      scf.for %parallel_loop3A_328 = %parallel_loop3A_302 to %parallel_loop3A_303 step %parallel_loop3A_304  : i32 {
        %parallel_loop3A_329 = arith.constant 2 : i32
        %parallel_loop3A_330 = arith.index_cast %parallel_loop3A_329 : i32 to index
        %parallel_loop3A_331 = arith.index_cast %parallel_loop3A_328 : i32 to index
        %parallel_loop3A_332 = tpu.vector_load %arg7[%parallel_loop3A_330, %parallel_loop3A_331] {strides = array<i32>} : memref<4x4096xf32, #tpu.memory_space<vmem>>, vector<16xf32>,
        %parallel_loop3A_333 = arith.mulf %parallel_loop3A_332, %get3A_33 : vector<16xf32>
        %parallel_loop3A_334 = arith.constant 2.560000e+02 : f32
        %parallel_loop3A_335 = vector.broadcast %parallel_loop3A_334 : f32 to vector<16xf32>
        %parallel_loop3A_336 = arith.addf %parallel_loop3A_333, %parallel_loop3A_335 : vector<16xf32>
        %parallel_loop3A_337 = arith.constant 5.120000e+02 : f32
        %parallel_loop3A_338 = vector.broadcast %parallel_loop3A_337 : f32 to vector<16xf32>
        %parallel_loop3A_339 = arith.minimumf %parallel_loop3A_336, %parallel_loop3A_338 : vector<16xf32>
        %parallel_loop3A_340 = arith.constant 0.000000e+00 : f32
        %parallel_loop3A_341 = vector.broadcast %parallel_loop3A_340 : f32 to vector<16xf32>
        %parallel_loop3A_342 = arith.maximumf %parallel_loop3A_339, %parallel_loop3A_341 : vector<16xf32>
        %parallel_loop3A_343 = arith.fptosi %parallel_loop3A_342 : vector<16xf32> to vector<16xi32>
        %parallel_loop3A_344 = tpu.vector_load_idx %arg11[%parallel_loop3A_343] : memref<1024xf32, #tpu.memory_space<vmem>>[vector<16xi32>], vector<16xf32>,
        %parallel_loop3A_345 = arith.constant 2 : i32
        %parallel_loop3A_346 = arith.index_cast %parallel_loop3A_345 : i32 to index
        %parallel_loop3A_347 = arith.index_cast %parallel_loop3A_328 : i32 to index
        %parallel_loop3A_348 = tpu.vector_load %arg9[%parallel_loop3A_346, %parallel_loop3A_347] {strides = array<i32>} : memref<4x4096xf32, #tpu.memory_space<vmem>>, vector<16xf32>,
        tpu.vector_store %arg9[%parallel_loop3A_346, %parallel_loop3A_347], %parallel_loop3A_344 {strides = array<i32>} : memref<4x4096xf32, #tpu.memory_space<vmem>>, vector<16xf32>,
      } {sc.loop_unroll_factor = 8 : i64, sc.parallel_access}
      %parallel_loop3A_305 = arith.constant 0 : i32
      %parallel_loop3A_306 = arith.constant 4096 : i32
      %parallel_loop3A_307 = arith.constant 16 : i32
      scf.for %parallel_loop3A_328 = %parallel_loop3A_305 to %parallel_loop3A_306 step %parallel_loop3A_307  : i32 {
        %parallel_loop3A_329 = arith.constant 3 : i32
        %parallel_loop3A_330 = arith.index_cast %parallel_loop3A_329 : i32 to index
        %parallel_loop3A_331 = arith.index_cast %parallel_loop3A_328 : i32 to index
        %parallel_loop3A_332 = tpu.vector_load %arg7[%parallel_loop3A_330, %parallel_loop3A_331] {strides = array<i32>} : memref<4x4096xf32, #tpu.memory_space<vmem>>, vector<16xf32>,
        %parallel_loop3A_333 = arith.mulf %parallel_loop3A_332, %get3A_33 : vector<16xf32>
        %parallel_loop3A_334 = arith.constant 2.560000e+02 : f32
        %parallel_loop3A_335 = vector.broadcast %parallel_loop3A_334 : f32 to vector<16xf32>
        %parallel_loop3A_336 = arith.addf %parallel_loop3A_333, %parallel_loop3A_335 : vector<16xf32>
        %parallel_loop3A_337 = arith.constant 5.120000e+02 : f32
        %parallel_loop3A_338 = vector.broadcast %parallel_loop3A_337 : f32 to vector<16xf32>
        %parallel_loop3A_339 = arith.minimumf %parallel_loop3A_336, %parallel_loop3A_338 : vector<16xf32>
        %parallel_loop3A_340 = arith.constant 0.000000e+00 : f32
        %parallel_loop3A_341 = vector.broadcast %parallel_loop3A_340 : f32 to vector<16xf32>
        %parallel_loop3A_342 = arith.maximumf %parallel_loop3A_339, %parallel_loop3A_341 : vector<16xf32>
        %parallel_loop3A_343 = arith.fptosi %parallel_loop3A_342 : vector<16xf32> to vector<16xi32>
        %parallel_loop3A_344 = tpu.vector_load_idx %arg11[%parallel_loop3A_343] : memref<1024xf32, #tpu.memory_space<vmem>>[vector<16xi32>], vector<16xf32>,
        %parallel_loop3A_345 = arith.constant 3 : i32
        %parallel_loop3A_346 = arith.index_cast %parallel_loop3A_345 : i32 to index
        %parallel_loop3A_347 = arith.index_cast %parallel_loop3A_328 : i32 to index
        %parallel_loop3A_348 = tpu.vector_load %arg9[%parallel_loop3A_346, %parallel_loop3A_347] {strides = array<i32>} : memref<4x4096xf32, #tpu.memory_space<vmem>>, vector<16xf32>,
        tpu.vector_store %arg9[%parallel_loop3A_346, %parallel_loop3A_347], %parallel_loop3A_344 {strides = array<i32>} : memref<4x4096xf32, #tpu.memory_space<vmem>>, vector<16xf32>,
      } {sc.loop_unroll_factor = 8 : i64, sc.parallel_access}
      %mul3A_308 = arith.constant 4 : i32
      %mul3A_309 = arith.muli %add3A_277, %mul3A_308 : i32
      %add3A_310 = arith.addi %select_n3A_32, %mul3A_309 : i32
      %dma_start3A_311 = arith.constant 0 : i32
      %dma_start3A_312 = tpu.memref_slice %arg5[%select_n3A, %add3A_310, %dma_start3A_311] : memref<2x8192x4096xf32, #tpu.memory_space<hbm>> -> memref<1x4x4096xf32, #tpu.memory_space<hbm>>
      %dma_start3A_313 = tpu.memref_squeeze %dma_start3A_312 : memref<1x4x4096xf32, #tpu.memory_space<hbm>> -> memref<4x4096xf32, #tpu.memory_space<hbm>>
      %dma_start3A_314 = arith.constant 0 : i32
      %dma_start3A_315 = tpu.memref_slice %arg5[%select_n3A, %add3A_310, %dma_start3A_314] : memref<2x8192x4096xf32, #tpu.memory_space<hbm>> -> memref<1x4x4096xf32, #tpu.memory_space<hbm>>
      %dma_start3A_316 = tpu.memref_squeeze %dma_start3A_315 : memref<1x4x4096xf32, #tpu.memory_space<hbm>> -> memref<4x4096xf32, #tpu.memory_space<hbm>>
      tpu.enqueue_dma source(%arg9 : memref<4x4096xf32, #tpu.memory_space<vmem>>) target(%dma_start3A_316 : memref<4x4096xf32, #tpu.memory_space<hbm>>) target_semaphore(%arg15 : memref<!tpu.dma_semaphore, #tpu.memory_space<semaphore_mem>>)
      %add3A_317 = arith.constant 2 : i32
      %add3A_318 = arith.addi %add3A_277, %add3A_317 : i32
      %mul3A_319 = arith.constant 4 : i32
      %mul3A_320 = arith.muli %add3A_318, %mul3A_319 : i32
      %add3A_321 = arith.addi %select_n3A_32, %mul3A_320 : i32
      %dma_start3A_322 = arith.constant 0 : i32
      %dma_start3A_323 = tpu.memref_slice %arg2[%select_n3A, %add3A_321, %dma_start3A_322] : memref<2x8192x4096xf32, #tpu.memory_space<hbm>> -> memref<1x4x4096xf32, #tpu.memory_space<hbm>>
      %dma_start3A_324 = tpu.memref_squeeze %dma_start3A_323 : memref<1x4x4096xf32, #tpu.memory_space<hbm>> -> memref<4x4096xf32, #tpu.memory_space<hbm>>
      %dma_start3A_325 = arith.constant 0 : i32
      %dma_start3A_326 = tpu.memref_slice %arg2[%select_n3A, %add3A_321, %dma_start3A_325] : memref<2x8192x4096xf32, #tpu.memory_space<hbm>> -> memref<1x4x4096xf32, #tpu.memory_space<hbm>>
      %dma_start3A_327 = tpu.memref_squeeze %dma_start3A_326 : memref<1x4x4096xf32, #tpu.memory_space<hbm>> -> memref<4x4096xf32, #tpu.memory_space<hbm>>
      tpu.enqueue_dma source(%dma_start3A_327 : memref<4x4096xf32, #tpu.memory_space<hbm>>) target(%arg7 : memref<4x4096xf32, #tpu.memory_space<vmem>>) target_semaphore(%arg13 : memref<!tpu.dma_semaphore, #tpu.memory_space<semaphore_mem>>)
    }
    %scan3A_124 = arith.constant 22 : i32
    %dma_wait3A_125 = arith.constant 0 : i32
    %dma_wait3A_126 = arith.constant 0 : i32
    %dma_wait3A_127 = arith.constant 0 : i32
    %dma_wait3A_128 = tpu.memref_slice %arg2[%dma_wait3A_125, %dma_wait3A_126, %dma_wait3A_127] : memref<2x8192x4096xf32, #tpu.memory_space<hbm>> -> memref<1x4x4096xf32, #tpu.memory_space<hbm>>
    %dma_wait3A_129 = tpu.memref_squeeze %dma_wait3A_128 : memref<1x4x4096xf32, #tpu.memory_space<hbm>> -> memref<4x4096xf32, #tpu.memory_space<hbm>>
    %dma_wait3A_130 = arith.constant 0 : i32
    %dma_wait3A_131 = arith.constant 0 : i32
    %dma_wait3A_132 = tpu.memref_slice %arg2[%dma_wait3A_125, %dma_wait3A_130, %dma_wait3A_131] : memref<2x8192x4096xf32, #tpu.memory_space<hbm>> -> memref<1x4x4096xf32, #tpu.memory_space<hbm>>
    %dma_wait3A_133 = tpu.memref_squeeze %dma_wait3A_132 : memref<1x4x4096xf32, #tpu.memory_space<hbm>> -> memref<4x4096xf32, #tpu.memory_space<hbm>>
    tpu.wait_dma2 semaphore(%arg12 : memref<!tpu.dma_semaphore, #tpu.memory_space<semaphore_mem>>) src(%dma_wait3A_133 : memref<4x4096xf32, #tpu.memory_space<hbm>>) dst(%arg6 : memref<4x4096xf32, #tpu.memory_space<vmem>>)
    %dma_wait3A_134 = arith.constant 0 : i32
    %dma_wait3A_135 = arith.constant 0 : i32
    %dma_wait3A_136 = arith.constant 0 : i32
    %dma_wait3A_137 = tpu.memref_slice %arg5[%dma_wait3A_134, %dma_wait3A_135, %dma_wait3A_136] : memref<2x8192x4096xf32, #tpu.memory_space<hbm>> -> memref<1x4x4096xf32, #tpu.memory_space<hbm>>
    %dma_wait3A_138 = tpu.memref_squeeze %dma_wait3A_137 : memref<1x4x4096xf32, #tpu.memory_space<hbm>> -> memref<4x4096xf32, #tpu.memory_space<hbm>>
    %dma_wait3A_139 = arith.constant 0 : i32
    %dma_wait3A_140 = arith.constant 0 : i32
    %dma_wait3A_141 = tpu.memref_slice %arg5[%dma_wait3A_134, %dma_wait3A_139, %dma_wait3A_140] : memref<2x8192x4096xf32, #tpu.memory_space<hbm>> -> memref<1x4x4096xf32, #tpu.memory_space<hbm>>
    %dma_wait3A_142 = tpu.memref_squeeze %dma_wait3A_141 : memref<1x4x4096xf32, #tpu.memory_space<hbm>> -> memref<4x4096xf32, #tpu.memory_space<hbm>>
    tpu.wait_dma2 semaphore(%arg14 : memref<!tpu.dma_semaphore, #tpu.memory_space<semaphore_mem>>) src(%arg8 : memref<4x4096xf32, #tpu.memory_space<vmem>>) dst(%dma_wait3A_142 : memref<4x4096xf32, #tpu.memory_space<hbm>>)
    %parallel_loop3A_143 = arith.constant 0 : i32
    %parallel_loop3A_144 = arith.constant 4096 : i32
    %parallel_loop3A_145 = arith.constant 16 : i32
    scf.for %parallel_loop3A_219 = %parallel_loop3A_143 to %parallel_loop3A_144 step %parallel_loop3A_145  : i32 {
      %parallel_loop3A_220 = arith.constant 0 : i32
      %parallel_loop3A_221 = arith.index_cast %parallel_loop3A_220 : i32 to index
      %parallel_loop3A_222 = arith.index_cast %parallel_loop3A_219 : i32 to index
      %parallel_loop3A_223 = tpu.vector_load %arg6[%parallel_loop3A_221, %parallel_loop3A_222] {strides = array<i32>} : memref<4x4096xf32, #tpu.memory_space<vmem>>, vector<16xf32>,
      %parallel_loop3A_224 = arith.mulf %parallel_loop3A_223, %get3A_33 : vector<16xf32>
      %parallel_loop3A_225 = arith.constant 2.560000e+02 : f32
      %parallel_loop3A_226 = vector.broadcast %parallel_loop3A_225 : f32 to vector<16xf32>
      %parallel_loop3A_227 = arith.addf %parallel_loop3A_224, %parallel_loop3A_226 : vector<16xf32>
      %parallel_loop3A_228 = arith.constant 5.120000e+02 : f32
      %parallel_loop3A_229 = vector.broadcast %parallel_loop3A_228 : f32 to vector<16xf32>
      %parallel_loop3A_230 = arith.minimumf %parallel_loop3A_227, %parallel_loop3A_229 : vector<16xf32>
      %parallel_loop3A_231 = arith.constant 0.000000e+00 : f32
      %parallel_loop3A_232 = vector.broadcast %parallel_loop3A_231 : f32 to vector<16xf32>
      %parallel_loop3A_233 = arith.maximumf %parallel_loop3A_230, %parallel_loop3A_232 : vector<16xf32>
      %parallel_loop3A_234 = arith.fptosi %parallel_loop3A_233 : vector<16xf32> to vector<16xi32>
      %parallel_loop3A_235 = tpu.vector_load_idx %arg11[%parallel_loop3A_234] : memref<1024xf32, #tpu.memory_space<vmem>>[vector<16xi32>], vector<16xf32>,
      %parallel_loop3A_236 = arith.constant 0 : i32
      %parallel_loop3A_237 = arith.index_cast %parallel_loop3A_236 : i32 to index
      %parallel_loop3A_238 = arith.index_cast %parallel_loop3A_219 : i32 to index
      %parallel_loop3A_239 = tpu.vector_load %arg8[%parallel_loop3A_237, %parallel_loop3A_238] {strides = array<i32>} : memref<4x4096xf32, #tpu.memory_space<vmem>>, vector<16xf32>,
      tpu.vector_store %arg8[%parallel_loop3A_237, %parallel_loop3A_238], %parallel_loop3A_235 {strides = array<i32>} : memref<4x4096xf32, #tpu.memory_space<vmem>>, vector<16xf32>,
    } {sc.loop_unroll_factor = 8 : i64, sc.parallel_access}
    %parallel_loop3A_146 = arith.constant 0 : i32
    %parallel_loop3A_147 = arith.constant 4096 : i32
    %parallel_loop3A_148 = arith.constant 16 : i32
    scf.for %parallel_loop3A_219 = %parallel_loop3A_146 to %parallel_loop3A_147 step %parallel_loop3A_148  : i32 {
      %parallel_loop3A_220 = arith.constant 1 : i32
      %parallel_loop3A_221 = arith.index_cast %parallel_loop3A_220 : i32 to index
      %parallel_loop3A_222 = arith.index_cast %parallel_loop3A_219 : i32 to index
      %parallel_loop3A_223 = tpu.vector_load %arg6[%parallel_loop3A_221, %parallel_loop3A_222] {strides = array<i32>} : memref<4x4096xf32, #tpu.memory_space<vmem>>, vector<16xf32>,
      %parallel_loop3A_224 = arith.mulf %parallel_loop3A_223, %get3A_33 : vector<16xf32>
      %parallel_loop3A_225 = arith.constant 2.560000e+02 : f32
      %parallel_loop3A_226 = vector.broadcast %parallel_loop3A_225 : f32 to vector<16xf32>
      %parallel_loop3A_227 = arith.addf %parallel_loop3A_224, %parallel_loop3A_226 : vector<16xf32>
      %parallel_loop3A_228 = arith.constant 5.120000e+02 : f32
      %parallel_loop3A_229 = vector.broadcast %parallel_loop3A_228 : f32 to vector<16xf32>
      %parallel_loop3A_230 = arith.minimumf %parallel_loop3A_227, %parallel_loop3A_229 : vector<16xf32>
      %parallel_loop3A_231 = arith.constant 0.000000e+00 : f32
      %parallel_loop3A_232 = vector.broadcast %parallel_loop3A_231 : f32 to vector<16xf32>
      %parallel_loop3A_233 = arith.maximumf %parallel_loop3A_230, %parallel_loop3A_232 : vector<16xf32>
      %parallel_loop3A_234 = arith.fptosi %parallel_loop3A_233 : vector<16xf32> to vector<16xi32>
      %parallel_loop3A_235 = tpu.vector_load_idx %arg11[%parallel_loop3A_234] : memref<1024xf32, #tpu.memory_space<vmem>>[vector<16xi32>], vector<16xf32>,
      %parallel_loop3A_236 = arith.constant 1 : i32
      %parallel_loop3A_237 = arith.index_cast %parallel_loop3A_236 : i32 to index
      %parallel_loop3A_238 = arith.index_cast %parallel_loop3A_219 : i32 to index
      %parallel_loop3A_239 = tpu.vector_load %arg8[%parallel_loop3A_237, %parallel_loop3A_238] {strides = array<i32>} : memref<4x4096xf32, #tpu.memory_space<vmem>>, vector<16xf32>,
      tpu.vector_store %arg8[%parallel_loop3A_237, %parallel_loop3A_238], %parallel_loop3A_235 {strides = array<i32>} : memref<4x4096xf32, #tpu.memory_space<vmem>>, vector<16xf32>,
    } {sc.loop_unroll_factor = 8 : i64, sc.parallel_access}
    %parallel_loop3A_149 = arith.constant 0 : i32
    %parallel_loop3A_150 = arith.constant 4096 : i32
    %parallel_loop3A_151 = arith.constant 16 : i32
    scf.for %parallel_loop3A_219 = %parallel_loop3A_149 to %parallel_loop3A_150 step %parallel_loop3A_151  : i32 {
      %parallel_loop3A_220 = arith.constant 2 : i32
      %parallel_loop3A_221 = arith.index_cast %parallel_loop3A_220 : i32 to index
      %parallel_loop3A_222 = arith.index_cast %parallel_loop3A_219 : i32 to index
      %parallel_loop3A_223 = tpu.vector_load %arg6[%parallel_loop3A_221, %parallel_loop3A_222] {strides = array<i32>} : memref<4x4096xf32, #tpu.memory_space<vmem>>, vector<16xf32>,
      %parallel_loop3A_224 = arith.mulf %parallel_loop3A_223, %get3A_33 : vector<16xf32>
      %parallel_loop3A_225 = arith.constant 2.560000e+02 : f32
      %parallel_loop3A_226 = vector.broadcast %parallel_loop3A_225 : f32 to vector<16xf32>
      %parallel_loop3A_227 = arith.addf %parallel_loop3A_224, %parallel_loop3A_226 : vector<16xf32>
      %parallel_loop3A_228 = arith.constant 5.120000e+02 : f32
      %parallel_loop3A_229 = vector.broadcast %parallel_loop3A_228 : f32 to vector<16xf32>
      %parallel_loop3A_230 = arith.minimumf %parallel_loop3A_227, %parallel_loop3A_229 : vector<16xf32>
      %parallel_loop3A_231 = arith.constant 0.000000e+00 : f32
      %parallel_loop3A_232 = vector.broadcast %parallel_loop3A_231 : f32 to vector<16xf32>
      %parallel_loop3A_233 = arith.maximumf %parallel_loop3A_230, %parallel_loop3A_232 : vector<16xf32>
      %parallel_loop3A_234 = arith.fptosi %parallel_loop3A_233 : vector<16xf32> to vector<16xi32>
      %parallel_loop3A_235 = tpu.vector_load_idx %arg11[%parallel_loop3A_234] : memref<1024xf32, #tpu.memory_space<vmem>>[vector<16xi32>], vector<16xf32>,
      %parallel_loop3A_236 = arith.constant 2 : i32
      %parallel_loop3A_237 = arith.index_cast %parallel_loop3A_236 : i32 to index
      %parallel_loop3A_238 = arith.index_cast %parallel_loop3A_219 : i32 to index
      %parallel_loop3A_239 = tpu.vector_load %arg8[%parallel_loop3A_237, %parallel_loop3A_238] {strides = array<i32>} : memref<4x4096xf32, #tpu.memory_space<vmem>>, vector<16xf32>,
      tpu.vector_store %arg8[%parallel_loop3A_237, %parallel_loop3A_238], %parallel_loop3A_235 {strides = array<i32>} : memref<4x4096xf32, #tpu.memory_space<vmem>>, vector<16xf32>,
    } {sc.loop_unroll_factor = 8 : i64, sc.parallel_access}
    %parallel_loop3A_152 = arith.constant 0 : i32
    %parallel_loop3A_153 = arith.constant 4096 : i32
    %parallel_loop3A_154 = arith.constant 16 : i32
    scf.for %parallel_loop3A_219 = %parallel_loop3A_152 to %parallel_loop3A_153 step %parallel_loop3A_154  : i32 {
      %parallel_loop3A_220 = arith.constant 3 : i32
      %parallel_loop3A_221 = arith.index_cast %parallel_loop3A_220 : i32 to index
      %parallel_loop3A_222 = arith.index_cast %parallel_loop3A_219 : i32 to index
      %parallel_loop3A_223 = tpu.vector_load %arg6[%parallel_loop3A_221, %parallel_loop3A_222] {strides = array<i32>} : memref<4x4096xf32, #tpu.memory_space<vmem>>, vector<16xf32>,
      %parallel_loop3A_224 = arith.mulf %parallel_loop3A_223, %get3A_33 : vector<16xf32>
      %parallel_loop3A_225 = arith.constant 2.560000e+02 : f32
      %parallel_loop3A_226 = vector.broadcast %parallel_loop3A_225 : f32 to vector<16xf32>
      %parallel_loop3A_227 = arith.addf %parallel_loop3A_224, %parallel_loop3A_226 : vector<16xf32>
      %parallel_loop3A_228 = arith.constant 5.120000e+02 : f32
      %parallel_loop3A_229 = vector.broadcast %parallel_loop3A_228 : f32 to vector<16xf32>
      %parallel_loop3A_230 = arith.minimumf %parallel_loop3A_227, %parallel_loop3A_229 : vector<16xf32>
      %parallel_loop3A_231 = arith.constant 0.000000e+00 : f32
      %parallel_loop3A_232 = vector.broadcast %parallel_loop3A_231 : f32 to vector<16xf32>
      %parallel_loop3A_233 = arith.maximumf %parallel_loop3A_230, %parallel_loop3A_232 : vector<16xf32>
      %parallel_loop3A_234 = arith.fptosi %parallel_loop3A_233 : vector<16xf32> to vector<16xi32>
      %parallel_loop3A_235 = tpu.vector_load_idx %arg11[%parallel_loop3A_234] : memref<1024xf32, #tpu.memory_space<vmem>>[vector<16xi32>], vector<16xf32>,
      %parallel_loop3A_236 = arith.constant 3 : i32
      %parallel_loop3A_237 = arith.index_cast %parallel_loop3A_236 : i32 to index
      %parallel_loop3A_238 = arith.index_cast %parallel_loop3A_219 : i32 to index
      %parallel_loop3A_239 = tpu.vector_load %arg8[%parallel_loop3A_237, %parallel_loop3A_238] {strides = array<i32>} : memref<4x4096xf32, #tpu.memory_space<vmem>>, vector<16xf32>,
      tpu.vector_store %arg8[%parallel_loop3A_237, %parallel_loop3A_238], %parallel_loop3A_235 {strides = array<i32>} : memref<4x4096xf32, #tpu.memory_space<vmem>>, vector<16xf32>,
    } {sc.loop_unroll_factor = 8 : i64, sc.parallel_access}
    %add3A_155 = arith.constant 184 : i32
    %add3A_156 = arith.addi %select_n3A_32, %add3A_155 : i32
    %dma_start3A_157 = arith.constant 0 : i32
    %dma_start3A_158 = tpu.memref_slice %arg5[%select_n3A, %add3A_156, %dma_start3A_157] : memref<2x8192x4096xf32, #tpu.memory_space<hbm>> -> memref<1x4x4096xf32, #tpu.memory_space<hbm>>
    %dma_start3A_159 = tpu.memref_squeeze %dma_start3A_158 : memref<1x4x4096xf32, #tpu.memory_space<hbm>> -> memref<4x4096xf32, #tpu.memory_space<hbm>>
    %dma_start3A_160 = arith.constant 0 : i32
    %dma_start3A_161 = tpu.memref_slice %arg5[%select_n3A, %add3A_156, %dma_start3A_160] : memref<2x8192x4096xf32, #tpu.memory_space<hbm>> -> memref<1x4x4096xf32, #tpu.memory_space<hbm>>
    %dma_start3A_162 = tpu.memref_squeeze %dma_start3A_161 : memref<1x4x4096xf32, #tpu.memory_space<hbm>> -> memref<4x4096xf32, #tpu.memory_space<hbm>>
    tpu.enqueue_dma source(%arg8 : memref<4x4096xf32, #tpu.memory_space<vmem>>) target(%dma_start3A_162 : memref<4x4096xf32, #tpu.memory_space<hbm>>) target_semaphore(%arg14 : memref<!tpu.dma_semaphore, #tpu.memory_space<semaphore_mem>>)
    %dma_wait3A_163 = arith.constant 0 : i32
    %dma_wait3A_164 = arith.constant 0 : i32
    %dma_wait3A_165 = arith.constant 0 : i32
    %dma_wait3A_166 = tpu.memref_slice %arg2[%dma_wait3A_163, %dma_wait3A_164, %dma_wait3A_165] : memref<2x8192x4096xf32, #tpu.memory_space<hbm>> -> memref<1x4x4096xf32, #tpu.memory_space<hbm>>
    %dma_wait3A_167 = tpu.memref_squeeze %dma_wait3A_166 : memref<1x4x4096xf32, #tpu.memory_space<hbm>> -> memref<4x4096xf32, #tpu.memory_space<hbm>>
    %dma_wait3A_168 = arith.constant 0 : i32
    %dma_wait3A_169 = arith.constant 0 : i32
    %dma_wait3A_170 = tpu.memref_slice %arg2[%dma_wait3A_163, %dma_wait3A_168, %dma_wait3A_169] : memref<2x8192x4096xf32, #tpu.memory_space<hbm>> -> memref<1x4x4096xf32, #tpu.memory_space<hbm>>
    %dma_wait3A_171 = tpu.memref_squeeze %dma_wait3A_170 : memref<1x4x4096xf32, #tpu.memory_space<hbm>> -> memref<4x4096xf32, #tpu.memory_space<hbm>>
    tpu.wait_dma2 semaphore(%arg13 : memref<!tpu.dma_semaphore, #tpu.memory_space<semaphore_mem>>) src(%dma_wait3A_171 : memref<4x4096xf32, #tpu.memory_space<hbm>>) dst(%arg7 : memref<4x4096xf32, #tpu.memory_space<vmem>>)
    %dma_wait3A_172 = arith.constant 0 : i32
    %dma_wait3A_173 = arith.constant 0 : i32
    %dma_wait3A_174 = arith.constant 0 : i32
    %dma_wait3A_175 = tpu.memref_slice %arg5[%dma_wait3A_172, %dma_wait3A_173, %dma_wait3A_174] : memref<2x8192x4096xf32, #tpu.memory_space<hbm>> -> memref<1x4x4096xf32, #tpu.memory_space<hbm>>
    %dma_wait3A_176 = tpu.memref_squeeze %dma_wait3A_175 : memref<1x4x4096xf32, #tpu.memory_space<hbm>> -> memref<4x4096xf32, #tpu.memory_space<hbm>>
    %dma_wait3A_177 = arith.constant 0 : i32
    %dma_wait3A_178 = arith.constant 0 : i32
    %dma_wait3A_179 = tpu.memref_slice %arg5[%dma_wait3A_172, %dma_wait3A_177, %dma_wait3A_178] : memref<2x8192x4096xf32, #tpu.memory_space<hbm>> -> memref<1x4x4096xf32, #tpu.memory_space<hbm>>
    %dma_wait3A_180 = tpu.memref_squeeze %dma_wait3A_179 : memref<1x4x4096xf32, #tpu.memory_space<hbm>> -> memref<4x4096xf32, #tpu.memory_space<hbm>>
    tpu.wait_dma2 semaphore(%arg15 : memref<!tpu.dma_semaphore, #tpu.memory_space<semaphore_mem>>) src(%arg9 : memref<4x4096xf32, #tpu.memory_space<vmem>>) dst(%dma_wait3A_180 : memref<4x4096xf32, #tpu.memory_space<hbm>>)
    %parallel_loop3A_181 = arith.constant 0 : i32
    %parallel_loop3A_182 = arith.constant 4096 : i32
    %parallel_loop3A_183 = arith.constant 16 : i32
    scf.for %parallel_loop3A_219 = %parallel_loop3A_181 to %parallel_loop3A_182 step %parallel_loop3A_183  : i32 {
      %parallel_loop3A_220 = arith.constant 0 : i32
      %parallel_loop3A_221 = arith.index_cast %parallel_loop3A_220 : i32 to index
      %parallel_loop3A_222 = arith.index_cast %parallel_loop3A_219 : i32 to index
      %parallel_loop3A_223 = tpu.vector_load %arg7[%parallel_loop3A_221, %parallel_loop3A_222] {strides = array<i32>} : memref<4x4096xf32, #tpu.memory_space<vmem>>, vector<16xf32>,
      %parallel_loop3A_224 = arith.mulf %parallel_loop3A_223, %get3A_33 : vector<16xf32>
      %parallel_loop3A_225 = arith.constant 2.560000e+02 : f32
      %parallel_loop3A_226 = vector.broadcast %parallel_loop3A_225 : f32 to vector<16xf32>
      %parallel_loop3A_227 = arith.addf %parallel_loop3A_224, %parallel_loop3A_226 : vector<16xf32>
      %parallel_loop3A_228 = arith.constant 5.120000e+02 : f32
      %parallel_loop3A_229 = vector.broadcast %parallel_loop3A_228 : f32 to vector<16xf32>
      %parallel_loop3A_230 = arith.minimumf %parallel_loop3A_227, %parallel_loop3A_229 : vector<16xf32>
      %parallel_loop3A_231 = arith.constant 0.000000e+00 : f32
      %parallel_loop3A_232 = vector.broadcast %parallel_loop3A_231 : f32 to vector<16xf32>
      %parallel_loop3A_233 = arith.maximumf %parallel_loop3A_230, %parallel_loop3A_232 : vector<16xf32>
      %parallel_loop3A_234 = arith.fptosi %parallel_loop3A_233 : vector<16xf32> to vector<16xi32>
      %parallel_loop3A_235 = tpu.vector_load_idx %arg11[%parallel_loop3A_234] : memref<1024xf32, #tpu.memory_space<vmem>>[vector<16xi32>], vector<16xf32>,
      %parallel_loop3A_236 = arith.constant 0 : i32
      %parallel_loop3A_237 = arith.index_cast %parallel_loop3A_236 : i32 to index
      %parallel_loop3A_238 = arith.index_cast %parallel_loop3A_219 : i32 to index
      %parallel_loop3A_239 = tpu.vector_load %arg9[%parallel_loop3A_237, %parallel_loop3A_238] {strides = array<i32>} : memref<4x4096xf32, #tpu.memory_space<vmem>>, vector<16xf32>,
      tpu.vector_store %arg9[%parallel_loop3A_237, %parallel_loop3A_238], %parallel_loop3A_235 {strides = array<i32>} : memref<4x4096xf32, #tpu.memory_space<vmem>>, vector<16xf32>,
    } {sc.loop_unroll_factor = 8 : i64, sc.parallel_access}
    %parallel_loop3A_184 = arith.constant 0 : i32
    %parallel_loop3A_185 = arith.constant 4096 : i32
    %parallel_loop3A_186 = arith.constant 16 : i32
    scf.for %parallel_loop3A_219 = %parallel_loop3A_184 to %parallel_loop3A_185 step %parallel_loop3A_186  : i32 {
      %parallel_loop3A_220 = arith.constant 1 : i32
      %parallel_loop3A_221 = arith.index_cast %parallel_loop3A_220 : i32 to index
      %parallel_loop3A_222 = arith.index_cast %parallel_loop3A_219 : i32 to index
      %parallel_loop3A_223 = tpu.vector_load %arg7[%parallel_loop3A_221, %parallel_loop3A_222] {strides = array<i32>} : memref<4x4096xf32, #tpu.memory_space<vmem>>, vector<16xf32>,
      %parallel_loop3A_224 = arith.mulf %parallel_loop3A_223, %get3A_33 : vector<16xf32>
      %parallel_loop3A_225 = arith.constant 2.560000e+02 : f32
      %parallel_loop3A_226 = vector.broadcast %parallel_loop3A_225 : f32 to vector<16xf32>
      %parallel_loop3A_227 = arith.addf %parallel_loop3A_224, %parallel_loop3A_226 : vector<16xf32>
      %parallel_loop3A_228 = arith.constant 5.120000e+02 : f32
      %parallel_loop3A_229 = vector.broadcast %parallel_loop3A_228 : f32 to vector<16xf32>
      %parallel_loop3A_230 = arith.minimumf %parallel_loop3A_227, %parallel_loop3A_229 : vector<16xf32>
      %parallel_loop3A_231 = arith.constant 0.000000e+00 : f32
      %parallel_loop3A_232 = vector.broadcast %parallel_loop3A_231 : f32 to vector<16xf32>
      %parallel_loop3A_233 = arith.maximumf %parallel_loop3A_230, %parallel_loop3A_232 : vector<16xf32>
      %parallel_loop3A_234 = arith.fptosi %parallel_loop3A_233 : vector<16xf32> to vector<16xi32>
      %parallel_loop3A_235 = tpu.vector_load_idx %arg11[%parallel_loop3A_234] : memref<1024xf32, #tpu.memory_space<vmem>>[vector<16xi32>], vector<16xf32>,
      %parallel_loop3A_236 = arith.constant 1 : i32
      %parallel_loop3A_237 = arith.index_cast %parallel_loop3A_236 : i32 to index
      %parallel_loop3A_238 = arith.index_cast %parallel_loop3A_219 : i32 to index
      %parallel_loop3A_239 = tpu.vector_load %arg9[%parallel_loop3A_237, %parallel_loop3A_238] {strides = array<i32>} : memref<4x4096xf32, #tpu.memory_space<vmem>>, vector<16xf32>,
      tpu.vector_store %arg9[%parallel_loop3A_237, %parallel_loop3A_238], %parallel_loop3A_235 {strides = array<i32>} : memref<4x4096xf32, #tpu.memory_space<vmem>>, vector<16xf32>,
    } {sc.loop_unroll_factor = 8 : i64, sc.parallel_access}
    %parallel_loop3A_187 = arith.constant 0 : i32
    %parallel_loop3A_188 = arith.constant 4096 : i32
    %parallel_loop3A_189 = arith.constant 16 : i32
    scf.for %parallel_loop3A_219 = %parallel_loop3A_187 to %parallel_loop3A_188 step %parallel_loop3A_189  : i32 {
      %parallel_loop3A_220 = arith.constant 2 : i32
      %parallel_loop3A_221 = arith.index_cast %parallel_loop3A_220 : i32 to index
      %parallel_loop3A_222 = arith.index_cast %parallel_loop3A_219 : i32 to index
      %parallel_loop3A_223 = tpu.vector_load %arg7[%parallel_loop3A_221, %parallel_loop3A_222] {strides = array<i32>} : memref<4x4096xf32, #tpu.memory_space<vmem>>, vector<16xf32>,
      %parallel_loop3A_224 = arith.mulf %parallel_loop3A_223, %get3A_33 : vector<16xf32>
      %parallel_loop3A_225 = arith.constant 2.560000e+02 : f32
      %parallel_loop3A_226 = vector.broadcast %parallel_loop3A_225 : f32 to vector<16xf32>
      %parallel_loop3A_227 = arith.addf %parallel_loop3A_224, %parallel_loop3A_226 : vector<16xf32>
      %parallel_loop3A_228 = arith.constant 5.120000e+02 : f32
      %parallel_loop3A_229 = vector.broadcast %parallel_loop3A_228 : f32 to vector<16xf32>
      %parallel_loop3A_230 = arith.minimumf %parallel_loop3A_227, %parallel_loop3A_229 : vector<16xf32>
      %parallel_loop3A_231 = arith.constant 0.000000e+00 : f32
      %parallel_loop3A_232 = vector.broadcast %parallel_loop3A_231 : f32 to vector<16xf32>
      %parallel_loop3A_233 = arith.maximumf %parallel_loop3A_230, %parallel_loop3A_232 : vector<16xf32>
      %parallel_loop3A_234 = arith.fptosi %parallel_loop3A_233 : vector<16xf32> to vector<16xi32>
      %parallel_loop3A_235 = tpu.vector_load_idx %arg11[%parallel_loop3A_234] : memref<1024xf32, #tpu.memory_space<vmem>>[vector<16xi32>], vector<16xf32>,
      %parallel_loop3A_236 = arith.constant 2 : i32
      %parallel_loop3A_237 = arith.index_cast %parallel_loop3A_236 : i32 to index
      %parallel_loop3A_238 = arith.index_cast %parallel_loop3A_219 : i32 to index
      %parallel_loop3A_239 = tpu.vector_load %arg9[%parallel_loop3A_237, %parallel_loop3A_238] {strides = array<i32>} : memref<4x4096xf32, #tpu.memory_space<vmem>>, vector<16xf32>,
      tpu.vector_store %arg9[%parallel_loop3A_237, %parallel_loop3A_238], %parallel_loop3A_235 {strides = array<i32>} : memref<4x4096xf32, #tpu.memory_space<vmem>>, vector<16xf32>,
    } {sc.loop_unroll_factor = 8 : i64, sc.parallel_access}
    %parallel_loop3A_190 = arith.constant 0 : i32
    %parallel_loop3A_191 = arith.constant 4096 : i32
    %parallel_loop3A_192 = arith.constant 16 : i32
    scf.for %parallel_loop3A_219 = %parallel_loop3A_190 to %parallel_loop3A_191 step %parallel_loop3A_192  : i32 {
      %parallel_loop3A_220 = arith.constant 3 : i32
      %parallel_loop3A_221 = arith.index_cast %parallel_loop3A_220 : i32 to index
      %parallel_loop3A_222 = arith.index_cast %parallel_loop3A_219 : i32 to index
      %parallel_loop3A_223 = tpu.vector_load %arg7[%parallel_loop3A_221, %parallel_loop3A_222] {strides = array<i32>} : memref<4x4096xf32, #tpu.memory_space<vmem>>, vector<16xf32>,
      %parallel_loop3A_224 = arith.mulf %parallel_loop3A_223, %get3A_33 : vector<16xf32>
      %parallel_loop3A_225 = arith.constant 2.560000e+02 : f32
      %parallel_loop3A_226 = vector.broadcast %parallel_loop3A_225 : f32 to vector<16xf32>
      %parallel_loop3A_227 = arith.addf %parallel_loop3A_224, %parallel_loop3A_226 : vector<16xf32>
      %parallel_loop3A_228 = arith.constant 5.120000e+02 : f32
      %parallel_loop3A_229 = vector.broadcast %parallel_loop3A_228 : f32 to vector<16xf32>
      %parallel_loop3A_230 = arith.minimumf %parallel_loop3A_227, %parallel_loop3A_229 : vector<16xf32>
      %parallel_loop3A_231 = arith.constant 0.000000e+00 : f32
      %parallel_loop3A_232 = vector.broadcast %parallel_loop3A_231 : f32 to vector<16xf32>
      %parallel_loop3A_233 = arith.maximumf %parallel_loop3A_230, %parallel_loop3A_232 : vector<16xf32>
      %parallel_loop3A_234 = arith.fptosi %parallel_loop3A_233 : vector<16xf32> to vector<16xi32>
      %parallel_loop3A_235 = tpu.vector_load_idx %arg11[%parallel_loop3A_234] : memref<1024xf32, #tpu.memory_space<vmem>>[vector<16xi32>], vector<16xf32>,
      %parallel_loop3A_236 = arith.constant 3 : i32
      %parallel_loop3A_237 = arith.index_cast %parallel_loop3A_236 : i32 to index
      %parallel_loop3A_238 = arith.index_cast %parallel_loop3A_219 : i32 to index
      %parallel_loop3A_239 = tpu.vector_load %arg9[%parallel_loop3A_237, %parallel_loop3A_238] {strides = array<i32>} : memref<4x4096xf32, #tpu.memory_space<vmem>>, vector<16xf32>,
      tpu.vector_store %arg9[%parallel_loop3A_237, %parallel_loop3A_238], %parallel_loop3A_235 {strides = array<i32>} : memref<4x4096xf32, #tpu.memory_space<vmem>>, vector<16xf32>,
    } {sc.loop_unroll_factor = 8 : i64, sc.parallel_access}
    %add3A_193 = arith.constant 188 : i32
    %add3A_194 = arith.addi %select_n3A_32, %add3A_193 : i32
    %dma_start3A_195 = arith.constant 0 : i32
    %dma_start3A_196 = tpu.memref_slice %arg5[%select_n3A, %add3A_194, %dma_start3A_195] : memref<2x8192x4096xf32, #tpu.memory_space<hbm>> -> memref<1x4x4096xf32, #tpu.memory_space<hbm>>
    %dma_start3A_197 = tpu.memref_squeeze %dma_start3A_196 : memref<1x4x4096xf32, #tpu.memory_space<hbm>> -> memref<4x4096xf32, #tpu.memory_space<hbm>>
    %dma_start3A_198 = arith.constant 0 : i32
    %dma_start3A_199 = tpu.memref_slice %arg5[%select_n3A, %add3A_194, %dma_start3A_198] : memref<2x8192x4096xf32, #tpu.memory_space<hbm>> -> memref<1x4x4096xf32, #tpu.memory_space<hbm>>
    %dma_start3A_200 = tpu.memref_squeeze %dma_start3A_199 : memref<1x4x4096xf32, #tpu.memory_space<hbm>> -> memref<4x4096xf32, #tpu.memory_space<hbm>>
    tpu.enqueue_dma source(%arg9 : memref<4x4096xf32, #tpu.memory_space<vmem>>) target(%dma_start3A_200 : memref<4x4096xf32, #tpu.memory_space<hbm>>) target_semaphore(%arg15 : memref<!tpu.dma_semaphore, #tpu.memory_space<semaphore_mem>>)
    %dma_wait3A_201 = arith.constant 0 : i32
    %dma_wait3A_202 = arith.constant 0 : i32
    %dma_wait3A_203 = arith.constant 0 : i32
    %dma_wait3A_204 = tpu.memref_slice %arg5[%dma_wait3A_201, %dma_wait3A_202, %dma_wait3A_203] : memref<2x8192x4096xf32, #tpu.memory_space<hbm>> -> memref<1x4x4096xf32, #tpu.memory_space<hbm>>
    %dma_wait3A_205 = tpu.memref_squeeze %dma_wait3A_204 : memref<1x4x4096xf32, #tpu.memory_space<hbm>> -> memref<4x4096xf32, #tpu.memory_space<hbm>>
    %dma_wait3A_206 = arith.constant 0 : i32
    %dma_wait3A_207 = arith.constant 0 : i32
    %dma_wait3A_208 = tpu.memref_slice %arg5[%dma_wait3A_201, %dma_wait3A_206, %dma_wait3A_207] : memref<2x8192x4096xf32, #tpu.memory_space<hbm>> -> memref<1x4x4096xf32, #tpu.memory_space<hbm>>
    %dma_wait3A_209 = tpu.memref_squeeze %dma_wait3A_208 : memref<1x4x4096xf32, #tpu.memory_space<hbm>> -> memref<4x4096xf32, #tpu.memory_space<hbm>>
    tpu.wait_dma2 semaphore(%arg14 : memref<!tpu.dma_semaphore, #tpu.memory_space<semaphore_mem>>) src(%arg8 : memref<4x4096xf32, #tpu.memory_space<vmem>>) dst(%dma_wait3A_209 : memref<4x4096xf32, #tpu.memory_space<hbm>>)
    %dma_wait3A_210 = arith.constant 0 : i32
    %dma_wait3A_211 = arith.constant 0 : i32
    %dma_wait3A_212 = arith.constant 0 : i32
    %dma_wait3A_213 = tpu.memref_slice %arg5[%dma_wait3A_210, %dma_wait3A_211, %dma_wait3A_212] : memref<2x8192x4096xf32, #tpu.memory_space<hbm>> -> memref<1x4x4096xf32, #tpu.memory_space<hbm>>
    %dma_wait3A_214 = tpu.memref_squeeze %dma_wait3A_213 : memref<1x4x4096xf32, #tpu.memory_space<hbm>> -> memref<4x4096xf32, #tpu.memory_space<hbm>>
    %dma_wait3A_215 = arith.constant 0 : i32
    %dma_wait3A_216 = arith.constant 0 : i32
    %dma_wait3A_217 = tpu.memref_slice %arg5[%dma_wait3A_210, %dma_wait3A_215, %dma_wait3A_216] : memref<2x8192x4096xf32, #tpu.memory_space<hbm>> -> memref<1x4x4096xf32, #tpu.memory_space<hbm>>
    %dma_wait3A_218 = tpu.memref_squeeze %dma_wait3A_217 : memref<1x4x4096xf32, #tpu.memory_space<hbm>> -> memref<4x4096xf32, #tpu.memory_space<hbm>>
    tpu.wait_dma2 semaphore(%arg15 : memref<!tpu.dma_semaphore, #tpu.memory_space<semaphore_mem>>) src(%arg9 : memref<4x4096xf32, #tpu.memory_space<vmem>>) dst(%dma_wait3A_218 : memref<4x4096xf32, #tpu.memory_space<hbm>>)
    return
  }
}

module attributes {stable_mosaic.version = 14 : i64} {
  func.func @_tc_body(%arg0: i32, %arg1: memref<1x2xf32, #tpu.memory_space<smem>>, %arg2: memref<1x1x128xf32, #tpu.memory_space<vmem>>, %arg3: memref<1x256x4096xf32, #tpu.memory_space<vmem>>, %arg4: memref<2x8192x4096xf32, #tpu.memory_space<hbm>>, %arg5: memref<1x256x4096xf32, #tpu.memory_space<vmem>>) attributes {dimension_semantics = [#tpu.dimension_semantics<arbitrary>], iteration_bounds = array<i64: 40>, scalar_prefetch = 0 : i64, scratch_operands = 0 : i64, tpu.core_type = #tpu.core_type<tc>, window_params = [{transform_indices = @transform_0, window_bounds = array<i64: 1, 2>}, {pipeline_mode = #tpu.pipeline_mode<synchronous>, transform_indices = @transform_1, window_bounds = array<i64: 1, 1, 128>}, {transform_indices = @transform_2, window_bounds = array<i64: 1, 256, 4096>}, {}, {transform_indices = @transform_4, window_bounds = array<i64: 1, 256, 4096>}]} {
    %get3A = arith.constant 0 : index
    %get3A_0 = arith.constant 0 : index
    %get3A_1 = memref.load %arg1[%get3A, %get3A_0] : memref<1x2xf32, #tpu.memory_space<smem>>
    %get3A_2 = arith.constant 0 : index
    %get3A_3 = arith.constant 1 : index
    %get3A_4 = memref.load %arg1[%get3A_2, %get3A_3] : memref<1x2xf32, #tpu.memory_space<smem>>
    %get3A_5 = arith.constant 0 : index
    %get3A_6 = arith.constant 0 : index
    %get3A_7 = arith.constant 0 : index
    %get3A_8 = vector.load %arg3[%get3A_5, %get3A_6, %get3A_7] : memref<1x256x4096xf32, #tpu.memory_space<vmem>>, vector<1x256x4096xf32>
    %abs3A = math.absf %get3A_8 : vector<1x256x4096xf32>
    %mul3A = vector.broadcast %get3A_1 : f32 to vector<1x256x4096xf32>
    %mul3A_9 = arith.mulf %abs3A, %mul3A : vector<1x256x4096xf32>
    %min3A = arith.constant 2.550000e+02 : f32
    %min3A_10 = vector.broadcast %min3A : f32 to vector<1x256x4096xf32>
    %min3A_11 = arith.minimumf %mul3A_9, %min3A_10 : vector<1x256x4096xf32>
    %convert_element_type3A = arith.fptosi %min3A_11 : vector<1x256x4096xf32> to vector<1x256x4096xi32>
    %and3A = arith.constant 127 : i32
    %and3A_12 = vector.broadcast %and3A : i32 to vector<1x256x4096xi32>
    %and3A_13 = arith.andi %convert_element_type3A, %and3A_12 : vector<1x256x4096xi32>
    %get3A_14 = arith.constant 0 : index
    %get3A_15 = arith.constant 0 : index
    %get3A_16 = arith.constant 0 : index
    %get3A_17 = vector.load %arg2[%get3A_14, %get3A_15, %get3A_16] : memref<1x1x128xf32, #tpu.memory_space<vmem>>, vector<1x1x128xf32>
    %broadcast_in_dim3A = vector.shape_cast %get3A_17 : vector<1x1x128xf32> to vector<1x1x128xf32>
    %broadcast_in_dim3A_18 = vector.broadcast %broadcast_in_dim3A : vector<1x1x128xf32> to vector<1x256x128xf32>
    %broadcast_in_dim3A_19 = vector.shape_cast %and3A_13 : vector<1x256x4096xi32> to vector<1x256x4096x1xi32>
    %gather3A = vector.shape_cast %broadcast_in_dim3A_19 : vector<1x256x4096x1xi32> to vector<1x256x4096xi32>
    %gather3A_20 = tpu.dynamic_gather %broadcast_in_dim3A_18[%gather3A] in [2] : vector<1x256x128xf32>, vector<1x256x4096xi32> -> vector<1x256x4096xf32>
    %bitcast_convert_type3A = tpu.bitcast %gather3A_20 : vector<1x256x4096xf32> -> vector<1x256x4096xi32>
    %ge3A = arith.constant 128 : i32
    %ge3A_21 = vector.broadcast %ge3A : i32 to vector<1x256x4096xi32>
    %ge3A_22 = arith.cmpi sge, %convert_element_type3A, %ge3A_21 : vector<1x256x4096xi32>
    %and3A_23 = arith.constant -65536 : i32
    %and3A_24 = vector.broadcast %and3A_23 : i32 to vector<1x256x4096xi32>
    %and3A_25 = arith.andi %bitcast_convert_type3A, %and3A_24 : vector<1x256x4096xi32>
    %shift_left3A = arith.constant 16 : i32
    %shift_left3A_26 = vector.broadcast %shift_left3A : i32 to vector<1x256x4096xi32>
    %shift_left3A_27 = arith.shli %bitcast_convert_type3A, %shift_left3A_26 : vector<1x256x4096xi32>
    %select_n3A = arith.select %ge3A_22, %and3A_25, %shift_left3A_27 : vector<1x256x4096xi1>, vector<1x256x4096xi32>
    %bitcast_convert_type3A_28 = tpu.bitcast %get3A_8 : vector<1x256x4096xf32> -> vector<1x256x4096xi32>
    %and3A_29 = arith.constant -2147483648 : i32
    %and3A_30 = vector.broadcast %and3A_29 : i32 to vector<1x256x4096xi32>
    %and3A_31 = arith.andi %bitcast_convert_type3A_28, %and3A_30 : vector<1x256x4096xi32>
    %or3A = arith.ori %select_n3A, %and3A_31 : vector<1x256x4096xi32>
    %bitcast_convert_type3A_32 = tpu.bitcast %or3A : vector<1x256x4096xi32> -> vector<1x256x4096xf32>
    %mul3A_33 = vector.broadcast %get3A_4 : f32 to vector<1x256x4096xf32>
    %mul3A_34 = arith.mulf %bitcast_convert_type3A_32, %mul3A_33 : vector<1x256x4096xf32>
    %swap3A = arith.constant 0 : index
    %swap3A_35 = arith.constant 0 : index
    %swap3A_36 = arith.constant 0 : index
    %swap3A_37 = vector.load %arg5[%swap3A, %swap3A_35, %swap3A_36] : memref<1x256x4096xf32, #tpu.memory_space<vmem>>, vector<1x256x4096xf32>
    tpu.vector_store %arg5[%swap3A, %swap3A_35, %swap3A_36], %mul3A_34 {strides = array<i32>} : memref<1x256x4096xf32, #tpu.memory_space<vmem>>, vector<1x256x4096xf32>,
    return
  }
  func.func @transform_0(%arg0: i32) -> (i32, i32) {
    %c0_i32 = arith.constant 0 : i32
    %c0_i32_0 = arith.constant 0 : i32
    %c0_i32_1 = arith.constant 0 : i32
    return %c0_i32, %c0_i32_0 : i32, i32
  }
  func.func @transform_1(%arg0: i32) -> (i32, i32, i32) {
    %c0_i32 = arith.constant 0 : i32
    %c0_i32_0 = arith.constant 0 : i32
    %c0_i32_1 = arith.constant 0 : i32
    %c0_i32_2 = arith.constant 0 : i32
    return %c0_i32, %c0_i32_0, %c0_i32_1 : i32, i32, i32
  }
  func.func @transform_2(%arg0: i32) -> (i32, i32, i32) {
    %mul3A = arith.constant 256 : i32
    %mul3A_0 = arith.muli %arg0, %mul3A : i32
    %add3A = arith.constant 6144 : i32
    %add3A_1 = arith.addi %add3A, %mul3A_0 : i32
    %jit3A = arith.constant 8192 : i32
    %div3A = arith.divsi %add3A_1, %jit3A : i32
    %sign3A = arith.constant 0 : i32
    %sign3A_2 = arith.cmpi sgt, %add3A_1, %sign3A : i32
    %sign3A_3 = arith.extui %sign3A_2 : i1 to i32
    %sign3A_4 = arith.constant 0 : i32
    %sign3A_5 = arith.cmpi slt, %add3A_1, %sign3A_4 : i32
    %sign3A_6 = arith.extui %sign3A_5 : i1 to i32
    %sign3A_7 = arith.subi %sign3A_3, %sign3A_6 : i32
    %sign3A_8 = arith.constant 0 : i32
    %sign3A_9 = arith.cmpi sgt, %jit3A, %sign3A_8 : i32
    %sign3A_10 = arith.extui %sign3A_9 : i1 to i32
    %sign3A_11 = arith.constant 0 : i32
    %sign3A_12 = arith.cmpi slt, %jit3A, %sign3A_11 : i32
    %sign3A_13 = arith.extui %sign3A_12 : i1 to i32
    %sign3A_14 = arith.subi %sign3A_10, %sign3A_13 : i32
    %ne3A = arith.cmpi ne, %sign3A_7, %sign3A_14 : i32
    %rem3A = arith.remsi %add3A_1, %jit3A : i32
    %ne3A_15 = arith.constant 0 : i32
    %ne3A_16 = arith.cmpi ne, %rem3A, %ne3A_15 : i32
    %and3A = arith.andi %ne3A, %ne3A_16 : i1
    %sub3A = arith.constant 1 : i32
    %sub3A_17 = arith.subi %div3A, %sub3A : i32
    %select_n3A = arith.select %and3A, %sub3A_17, %div3A : i32
    %jit3A_18 = arith.constant 8192 : i32
    %eq3A = arith.constant 0 : i32
    %eq3A_19 = arith.cmpi eq, %jit3A_18, %eq3A : i32
    %jit3A_20 = arith.constant 1 : i32
    %select_n3A_21 = arith.select %eq3A_19, %jit3A_20, %jit3A_18 : i32
    %rem3A_22 = arith.remsi %add3A_1, %select_n3A_21 : i32
    %ne3A_23 = arith.constant 0 : i32
    %ne3A_24 = arith.cmpi ne, %rem3A_22, %ne3A_23 : i32
    %lt3A = arith.constant 0 : i32
    %lt3A_25 = arith.cmpi slt, %rem3A_22, %lt3A : i32
    %lt3A_26 = arith.constant 0 : i32
    %lt3A_27 = arith.cmpi slt, %select_n3A_21, %lt3A_26 : i32
    %ne3A_28 = arith.xori %lt3A_25, %lt3A_27 : i1
    %and3A_29 = arith.andi %ne3A_28, %ne3A_24 : i1
    %add3A_30 = arith.addi %rem3A_22, %select_n3A_21 : i32
    %select_n3A_31 = arith.select %and3A_29, %add3A_30, %rem3A_22 : i32
    %jit3A_32 = arith.constant 256 : i32
    %div3A_33 = arith.divsi %select_n3A_31, %jit3A_32 : i32
    %sign3A_34 = arith.constant 0 : i32
    %sign3A_35 = arith.cmpi sgt, %select_n3A_31, %sign3A_34 : i32
    %sign3A_36 = arith.extui %sign3A_35 : i1 to i32
    %sign3A_37 = arith.constant 0 : i32
    %sign3A_38 = arith.cmpi slt, %select_n3A_31, %sign3A_37 : i32
    %sign3A_39 = arith.extui %sign3A_38 : i1 to i32
    %sign3A_40 = arith.subi %sign3A_36, %sign3A_39 : i32
    %sign3A_41 = arith.constant 0 : i32
    %sign3A_42 = arith.cmpi sgt, %jit3A_32, %sign3A_41 : i32
    %sign3A_43 = arith.extui %sign3A_42 : i1 to i32
    %sign3A_44 = arith.constant 0 : i32
    %sign3A_45 = arith.cmpi slt, %jit3A_32, %sign3A_44 : i32
    %sign3A_46 = arith.extui %sign3A_45 : i1 to i32
    %sign3A_47 = arith.subi %sign3A_43, %sign3A_46 : i32
    %ne3A_48 = arith.cmpi ne, %sign3A_40, %sign3A_47 : i32
    %rem3A_49 = arith.remsi %select_n3A_31, %jit3A_32 : i32
    %ne3A_50 = arith.constant 0 : i32
    %ne3A_51 = arith.cmpi ne, %rem3A_49, %ne3A_50 : i32
    %and3A_52 = arith.andi %ne3A_48, %ne3A_51 : i1
    %sub3A_53 = arith.constant 1 : i32
    %sub3A_54 = arith.subi %div3A_33, %sub3A_53 : i32
    %select_n3A_55 = arith.select %and3A_52, %sub3A_54, %div3A_33 : i32
    %c0_i32 = arith.constant 0 : i32
    %c0_i32_56 = arith.constant 0 : i32
    return %select_n3A, %select_n3A_55, %c0_i32 : i32, i32, i32
  }
  func.func @transform_4(%arg0: i32) -> (i32, i32, i32) {
    %mul3A = arith.constant 256 : i32
    %mul3A_0 = arith.muli %arg0, %mul3A : i32
    %add3A = arith.constant 6144 : i32
    %add3A_1 = arith.addi %add3A, %mul3A_0 : i32
    %jit3A = arith.constant 8192 : i32
    %div3A = arith.divsi %add3A_1, %jit3A : i32
    %sign3A = arith.constant 0 : i32
    %sign3A_2 = arith.cmpi sgt, %add3A_1, %sign3A : i32
    %sign3A_3 = arith.extui %sign3A_2 : i1 to i32
    %sign3A_4 = arith.constant 0 : i32
    %sign3A_5 = arith.cmpi slt, %add3A_1, %sign3A_4 : i32
    %sign3A_6 = arith.extui %sign3A_5 : i1 to i32
    %sign3A_7 = arith.subi %sign3A_3, %sign3A_6 : i32
    %sign3A_8 = arith.constant 0 : i32
    %sign3A_9 = arith.cmpi sgt, %jit3A, %sign3A_8 : i32
    %sign3A_10 = arith.extui %sign3A_9 : i1 to i32
    %sign3A_11 = arith.constant 0 : i32
    %sign3A_12 = arith.cmpi slt, %jit3A, %sign3A_11 : i32
    %sign3A_13 = arith.extui %sign3A_12 : i1 to i32
    %sign3A_14 = arith.subi %sign3A_10, %sign3A_13 : i32
    %ne3A = arith.cmpi ne, %sign3A_7, %sign3A_14 : i32
    %rem3A = arith.remsi %add3A_1, %jit3A : i32
    %ne3A_15 = arith.constant 0 : i32
    %ne3A_16 = arith.cmpi ne, %rem3A, %ne3A_15 : i32
    %and3A = arith.andi %ne3A, %ne3A_16 : i1
    %sub3A = arith.constant 1 : i32
    %sub3A_17 = arith.subi %div3A, %sub3A : i32
    %select_n3A = arith.select %and3A, %sub3A_17, %div3A : i32
    %jit3A_18 = arith.constant 8192 : i32
    %eq3A = arith.constant 0 : i32
    %eq3A_19 = arith.cmpi eq, %jit3A_18, %eq3A : i32
    %jit3A_20 = arith.constant 1 : i32
    %select_n3A_21 = arith.select %eq3A_19, %jit3A_20, %jit3A_18 : i32
    %rem3A_22 = arith.remsi %add3A_1, %select_n3A_21 : i32
    %ne3A_23 = arith.constant 0 : i32
    %ne3A_24 = arith.cmpi ne, %rem3A_22, %ne3A_23 : i32
    %lt3A = arith.constant 0 : i32
    %lt3A_25 = arith.cmpi slt, %rem3A_22, %lt3A : i32
    %lt3A_26 = arith.constant 0 : i32
    %lt3A_27 = arith.cmpi slt, %select_n3A_21, %lt3A_26 : i32
    %ne3A_28 = arith.xori %lt3A_25, %lt3A_27 : i1
    %and3A_29 = arith.andi %ne3A_28, %ne3A_24 : i1
    %add3A_30 = arith.addi %rem3A_22, %select_n3A_21 : i32
    %select_n3A_31 = arith.select %and3A_29, %add3A_30, %rem3A_22 : i32
    %jit3A_32 = arith.constant 256 : i32
    %div3A_33 = arith.divsi %select_n3A_31, %jit3A_32 : i32
    %sign3A_34 = arith.constant 0 : i32
    %sign3A_35 = arith.cmpi sgt, %select_n3A_31, %sign3A_34 : i32
    %sign3A_36 = arith.extui %sign3A_35 : i1 to i32
    %sign3A_37 = arith.constant 0 : i32
    %sign3A_38 = arith.cmpi slt, %select_n3A_31, %sign3A_37 : i32
    %sign3A_39 = arith.extui %sign3A_38 : i1 to i32
    %sign3A_40 = arith.subi %sign3A_36, %sign3A_39 : i32
    %sign3A_41 = arith.constant 0 : i32
    %sign3A_42 = arith.cmpi sgt, %jit3A_32, %sign3A_41 : i32
    %sign3A_43 = arith.extui %sign3A_42 : i1 to i32
    %sign3A_44 = arith.constant 0 : i32
    %sign3A_45 = arith.cmpi slt, %jit3A_32, %sign3A_44 : i32
    %sign3A_46 = arith.extui %sign3A_45 : i1 to i32
    %sign3A_47 = arith.subi %sign3A_43, %sign3A_46 : i32
    %ne3A_48 = arith.cmpi ne, %sign3A_40, %sign3A_47 : i32
    %rem3A_49 = arith.remsi %select_n3A_31, %jit3A_32 : i32
    %ne3A_50 = arith.constant 0 : i32
    %ne3A_51 = arith.cmpi ne, %rem3A_49, %ne3A_50 : i32
    %and3A_52 = arith.andi %ne3A_48, %ne3A_51 : i1
    %sub3A_53 = arith.constant 1 : i32
    %sub3A_54 = arith.subi %div3A_33, %sub3A_53 : i32
    %select_n3A_55 = arith.select %and3A_52, %sub3A_54, %div3A_33 : i32
    %c0_i32 = arith.constant 0 : i32
    %c0_i32_56 = arith.constant 0 : i32
    return %select_n3A, %select_n3A_55, %c0_i32 : i32, i32, i32
  }
}

</mosaic_0001>

<sc_bundles>
// kernel: kernel.4.cloned.1.call-start
scs
__scs_entry_jumppad:
0x0: {  	(pc) =	sbr.rel $0x88, $3  }
0x1: {  	(tag) =	ssettag $0x0;
	lr =	simm.s32 $0x1  }
0x2: {  	[smem:$0x3F9E] =	sst lr;
	_ =	strace $0xD0000000  }
0x3: {  	_ = 	snop  }
0x4: {  	_ = 	snop  }
0x5: {  	_ = 	snop  }
0x6: {  	_ = 	snop  }
0x7: {  	_ = 	snop  }
__scs_overlays_trampoline_lowered:
0x8: {  	[smem:$0x3FAD] =	sst s0  }
0x9: {  	[smem:$0x3FAE] =	sst s1  }
0xa: {  	[smem:$0x3FAF] =	sst s2  }
0xb: {  	[smem:$0x3FB0] =	sst s3  }
0xc: {  	[smem:$0x3FB1] =	sst s4  }
0xd: {  	[smem:$0x3FB2] =	sst s5  }
0xe: {  	[smem:$0x3FB3] =	sst s6  }
0xf: {  	[smem:$0x3FB4] =	sst s7  }
0x10: {  	[smem:$0x3FB5] =	sst s8  }
0x11: {  	[smem:$0x3FB6] =	sst s9;
	s0 =	simm.s32 @!p0 $0x0  }
0x12: {  	s1 =	sld [smem:$0x3F9C];
	s0 =	simm.s32 @p0 $0x1  }
0x13: {  	[smem:$0x3FB7] =	sst s0;
	s0 =	simm.s32 @!p1 $0x0  }
0x14: {  	s2 =	sld [smem:$0x3F9B];
	s0 =	simm.s32 @p1 $0x1  }
0x15: {  	[smem:$0x3FB8] =	sst s0;
	s0 =	simm.s32 @!p2 $0x0  }
0x16: {  	s3 =	sld [smem:$0x3FDB];
	s0 =	simm.s32 @p2 $0x1  }
0x17: {  	s4 =	simm.s32 $0x1BF5;
	[smem:$0x3FBA] =	sst s0  }
0x18: {  	s0 =	sld [smem:$0x3F9D];
	_ =	swait.ge [sflag:s4], $0x0  }
0x19: {  	s7 =	sld [smem:$0x3F9E]  }
0x1a: {  	s8 =	sadd.s32 $0xFFFFE003, lr  }
0x1b: {  	s9 =	sadd.s32 $0xFFFFFEF7, lr;
	s5 =	simm.s32 $0xFFFFFFFF;
	p2 =	slt.u32 s8, $0xFFFFF086  }
0x1c: {  	p1 =	slt.u32 s9, $0xF7A;
	s5 =	simm.s32 @!p2 $0x0  }
0x1d: {  	s5 =	simm.s32 @p1 $0x1;
	p0 =	seq.s32 s7, s2  }
0x1e: {  	s7 =	smul.u32 @!p0 $0xF7A, s2;
	p2 =	seq.s32 @!p0 s5, $0x0  }
0x1f: {  	s9 =	smul.u32 $0xF7A, s1;
	s8 =	simm.s32 @!p0 $0x1BF5;
	p2 =	por !p2, p0  }
0x20: {  	[sflag:s8] =	ssyncset.s32 @!p0 $0xFFFFF086;
	s6 =	sadd.s32 @!p0 s3, s7;
	s7 =	simm.s32 @!p0 $0x108  }
0x21: {  	s3 =	sadd.s32 s3, s9;
	s6 =	sadd.s32 @!p0 $0x88, s6;
	s7 =	simm.s32 @p2 $0x1082  }
0x22: {  	[simem:s7], [sflag:s8] =	dma.local @!p0 [hbm:s6], $0xF7A  }
0x23: {  	s9 =	sor.u32 $0xD0000000, s2;
	s6 =	simm.s32 $0x108;
	_ =	swait.ge @!p0 [sflag:s8], $0x0  }
0x24: {  	s3 =	sadd.s32 $0x88, s3;
	s6 =	simm.s32 @!p1 $0x1082;
	[sflag:s4] =	ssyncset.s32 $0xFFFFF086  }
0x25: {  	[simem:s6], [sflag:s4] =	dma.local [hbm:s3], $0xF7A  }
0x26: {  	[smem:$0x3F9E] =	sst s1;
	(tag) =	ssettag s2;
	_ =	strace s9  }
0x27: {  	s1 =	sld [smem:$0x3FAE]  }
0x28: {  	s2 =	sld [smem:$0x3FAF]  }
0x29: {  	s4 =	sld [smem:$0x3FB1]  }
0x2a: {  	p0 =	seq.s32 s5, $0x0;
	s5 =	sld [smem:$0x3FB2]  }
0x2b: {  	s6 =	sld [smem:$0x3FB3]  }
0x2c: {  	s7 =	sld [smem:$0x3FB4]  }
0x2d: {  	s3 =	simm.s32 $0x108;
	s8 =	sld [smem:$0x3FB5]  }
0x2e: {  	s3 =	simm.s32 @!p0 $0x1082;
	s9 =	sld [smem:$0x3FB6]  }
0x2f: {  	lr =	sadd.s32 s0, s3;
	s0 =	sld [smem:$0x3FAD]  }
0x30: {  	s3 =	sld [smem:$0x3FB0]  }
0x31: {  	[smem:$0x3FB9] =	sst s10  }
0x32: {  	s10 =	sld [smem:$0x3FB7];
	_ =	sdelay $0x3  }
0x33: {  	p0 =	seq.s32 s10, $0x1;
	s10 =	sld [smem:$0x3FB9];
	_ =	sdelay $0x3  }
0x34: {  	[smem:$0x3FB9] =	sst s10  }
0x35: {  	s10 =	sld [smem:$0x3FB8];
	_ =	sdelay $0x3  }
0x36: {  	p1 =	seq.s32 s10, $0x1;
	s10 =	sld [smem:$0x3FB9];
	_ =	sdelay $0x3  }
0x37: {  	[smem:$0x3FB9] =	sst s10  }
0x38: {  	s10 =	sld [smem:$0x3FBA]  }
0x39: {  	_ = 	snop;
	(pc) =	sbr.ind lr, $3  }
0x3a: {  	_ = 	snop  }
0x3b: {  	_ = 	snop  }
0x3c: {  	p2 =	seq.s32 s10, $0x1;
	s10 =	sld [smem:$0x3FB9]  }
0x3d: {  	_ =	shalt  }
0x3e: {  	_ =	shalt  }
0x3f: {  	_ =	shalt  }
0x40: {  	_ =	shalt  }
0x41: {  	_ =	shalt  }
0x42: {  	_ =	shalt  }
0x43: {  	_ =	shalt  }
0x44: {  	_ =	shalt  }
0x45: {  	_ =	shalt  }
0x46: {  	_ =	shalt  }
0x47: {  	_ =	shalt  }
0x48: {  	_ =	shalt  }
0x49: {  	_ =	shalt  }
0x4a: {  	_ =	shalt  }
0x4b: {  	_ =	shalt  }
0x4c: {  	_ =	shalt  }
0x4d: {  	_ =	shalt  }
0x4e: {  	_ =	shalt  }
0x4f: {  	_ =	shalt  }
0x50: {  	_ =	shalt  }
0x51: {  	_ =	shalt  }
0x52: {  	_ =	shalt  }
0x53: {  	_ =	shalt  }
0x54: {  	_ =	shalt  }
0x55: {  	_ =	shalt  }
0x56: {  	_ =	shalt  }
0x57: {  	_ =	shalt  }
0x58: {  	_ =	shalt  }
0x59: {  	_ =	shalt  }
0x5a: {  	_ =	shalt  }
0x5b: {  	_ =	shalt  }
0x5c: {  	_ =	shalt  }
0x5d: {  	_ =	shalt  }
0x5e: {  	_ =	shalt  }
0x5f: {  	_ =	shalt  }
0x60: {  	_ =	shalt  }
0x61: {  	_ =	shalt  }
0x62: {  	_ =	shalt  }
0x63: {  	_ =	shalt  }
0x64: {  	_ =	shalt  }
0x65: {  	_ =	shalt  }
0x66: {  	_ =	shalt  }
0x67: {  	_ =	shalt  }
0x68: {  	_ =	shalt  }
0x69: {  	_ =	shalt  }
0x6a: {  	_ =	shalt  }
0x6b: {  	_ =	shalt  }
0x6c: {  	_ =	shalt  }
0x6d: {  	_ =	shalt  }
0x6e: {  	_ =	shalt  }
0x6f: {  	_ =	shalt  }
0x70: {  	_ =	shalt  }
0x71: {  	_ =	shalt  }
0x72: {  	_ =	shalt  }
0x73: {  	_ =	shalt  }
0x74: {  	_ =	shalt  }
0x75: {  	_ =	shalt  }
0x76: {  	_ =	shalt  }
0x77: {  	_ =	shalt  }
0x78: {  	_ =	shalt  }
0x79: {  	_ =	shalt  }
0x7a: {  	_ =	shalt  }
0x7b: {  	_ =	shalt  }
0x7c: {  	_ =	shalt  }
0x7d: {  	_ =	shalt  }
0x7e: {  	_ =	shalt  }
0x7f: {  	_ =	shalt  }
0x80: {  	_ =	shalt  }
0x81: {  	_ =	shalt  }
0x82: {  	_ =	shalt  }
0x83: {  	_ =	shalt  }
0x84: {  	_ =	shalt  }
0x85: {  	_ =	shalt  }
0x86: {  	_ =	shalt  }
0x87: {  	_ =	shalt  }
.Lfunc_end0:
.L_simem_size_0:
called_computation_lowered:
.L_overlay_start_0:
0x88: {  	s2 =	sld [smem:$0x3FD9]  }
0x89: {  	s3 =	sld [smem:$0x3FFE];
	_ =	sdelay $0x1  }
0x8a: {  	s1 =	srdreg.scid  }
0x8b: {  	s0 =	sand.u32 $0x1, s1  }
0x8c: {  	s17 =	sshll.u32 s0, $0xA;
	s2 =	sadd.s32 s3, s2  }
0x8d: {  	s2 =	sadd.s32 s2, s17  }
0x8e: {  	[smem:$0x3FC5] =	sst s2  }
0x8f: {  	_ = 	snop  }
0x90: {  	s2 =	sld [smem:$0x3FC9]  }
0x91: {  	s18 =	sld [smem:$0x3FD0];
	(tm) =	ssettm $0x1  }
0x92: {  	s4 =	sld [smem:$0x3FFB];
	_ =	sdelay $0x3  }
0x93: {  	_ =	strace s4  }
0x94: {  	s4 =	sld [smem:$0x3FFC];
	_ =	sdelay $0x3  }
0x95: {  	_ =	strace s4  }
0x96: {  	s4 =	sld [smem:$0x3FFD];
	_ =	sdelay $0x3  }
0x97: {  	_ =	strace s4  }
0x98: {  	_ =	strace $0x8FFFFFFF  }
0x99: {  	s19 =	sld [smem:$0x3FDB];
	_ =	sdelay $0x1  }
0x9a: {  	s5 =	simm.s32 $_scs_section_size  }
0x9b: {  	s6 =	simm.s32 $_size__tile_overlayer_lowered;
	s7 =	simm.s32 $_tile_overlayer_lowered  }
0x9c: {  	s22 =	simm.s32 $0x1BFF;
	s21 =	sshll.u32 s7, $0x1;
	s4 =	sadd.s32 s5, s19  }
0x9d: {  	s8 =	simm.s32 $0x0;
	s20 =	sshll.u32 s6, $0x1;
	s6 =	sadd.s32 s21, s4  }
0x9e: {  	[timem:s8], [sflag:s22] =	dma.local [hbm:s6], s20  }
0x9f: {  	_ =	swait.ge [sflag:s22], s20  }
0xa0: {  	s5 =	ssub.s32 $0x0, s20;
	[sflag:s22] =	ssyncset.done $0x0  }
0xa1: {  	[sflag:s22] =	ssyncadd.s32 s5;
	_ =	sdelay $0x1  }
0xa2: {  	s23 =	simm.s32 $0x1B8B  }
0xa3: {  	_ =	swait.ge [sflag:s23], $0x1  }
0xa4: {  	[sflag:s23] =	ssyncset.done $0x0  }
0xa5: {  	s25 =	simm.s32 $0x1B8E;
	s24 =	sld [smem:$0x3FFE];
	[sflag:s23] =	ssyncadd.s32 $0xFFFFFFFF  }
0xa6: {  	s26 =	simm.s32 $execute0_lowered;
	[smem:$0x3FD2] =	sst s25  }
0xa7: {  	s6 =	sshll.u32 s26, $0x1;
	_ =	strace $0x80000046;
	[dreg:$0x1] =	wrdreg $0xFFFFFFFF  }
0xa8: {  	s28 =	simm.s32 $_size_execute0_lowered;
	s4 =	sadd.s32 s4, s6;
	[dreg:$0x0] =	wrdreg $0x0  }
0xa9: {  	s6 =	sshll.u32 s28, $0x1;
	[dreg:$0x2] =	wrdreg s4  }
0xaa: {  	[dreg:$0x3] =	wrdreg s6  }
0xab: {  	[dreg:$0x4] =	wrdreg $0xC0  }
0xac: {  	_ =	task [dreg:s8], $0x5FFFF  }
0xad: {  	[dreg:$0x1] =	wrdreg $0xFFFFFFFF  }
0xae: {  	[dreg:$0x0] =	wrdreg $0x60  }
0xaf: {  	[dreg:$0x2] =	wrdreg s2  }
0xb0: {  	[dreg:$0x3] =	wrdreg s24  }
0xb1: {  	[dreg:$0x4] =	wrdreg s18  }
0xb2: {  	[dreg:$0x5] =	wrdreg $0x9  }
0xb3: {  	_ =	task.clear_ibuf [dreg:s8], $0x6FFFF;
	_ =	strace $0x90000046  }
0xb4: {  	s29 =	simm.s32 $0x9;
	_ =	strace $0x80000048  }
0xb5: {  	_ =	swait.ge [sflag:s29], $0x1  }
0xb6: {  	[sflag:s29] =	ssyncadd.s32 $0xFFFFFFFF  }
0xb7: {  	_ =	strace $0x90000048  }
0xb8: {  	_ =	sfence  }
0xb9: {  	s30 =	sld [smem:$0x0];
	_ =	sdelay $0x2  }
0xba: {  	s31 =	sshll.u32 s1, $0xD;
	s1 =	sshrl.u32 s1, $0x2  }
0xbb: {  	s3 =	sand.u32 $0x4000, s31;
	s1 =	sadd.s32 s1, s30  }
0xbc: {  	s0 =	sor.u32 s3, s0;
	s1 =	sshll.u32 s1, $0x11  }
0xbd: {  	s0 =	sor.u32 s1, s0  }
0xbe: {  	s0 =	sadd.s32 $0x8F2B, s0  }
0xbf: {  	[sflag:s0] =	ssyncadd.remote.s32 $0x1  }
0xc0: {  	_ =	sfence.sel $0xFFFF  }
0xc1: {  	[dreg:$0x0] =	wrdreg $0xFFFFFFFF;
	(pc) =	sbr.abs _section_cstart, $3  }
0xc2: {  	[dreg:$0x1] =	wrdreg $0xFFFFFFFF  }
0xc3: {  	_ =	task.clear_ibuf [dreg:s8], $0x2FFFF;
	_ =	strace $0x9FFFFFFF  }
0xc4: {  	(tm) =	ssettm $0x7FFFFFFF  }
0xc5: {  	_ =	shalt  }
tec
execute0_lowered:
.L_overlay_start_1:
0x0: {  	(tag) =	ssettag $0x1  }
0x1: {  	s0 =	rddreg [dreg:$0x0]  }
0x2: {  	s1 =	srdreg.scid;
	s2 =	rddreg [dreg:$0x1]  }
0x3: {  	s3 =	rddreg [dreg:$0x2];
	s6 =	stileid.u32  }
0x4: {  	s4 =	simm.s32 $0x0;
	s21 =	simm.s32 $0x5;
	s22 =	simm.s32 $0x10080  }
0x5: {  	s28 =	simm.s32 $0x8000;
	s29 =	simm.s32 $0x2;
	s30 =	simm.s32 $0xC000  }
0x6: {  	s31 =	simm.s32 $0x3;
	s1 =	sand.u32 $0x1, s1;
	[smem:$0x7FF] =	sst s4  }
0x7: {  	s7 =	sadd.s32 $0x600, s2;
	s2 =	sadd.s32 $0x400, s2;
	s15 =	sadd.s32 $0x40, s3  }
0x8: {  	s16 =	sadd.s32 $0x40, s0;
	s5 =	sshll.u32 s1, $0x4;
	s1 =	ssub.s32 $0x2, s1  }
0x9: {  	_ =	strace $0x80000047;
	[dreg:$0x4] =	wrdreg s7;
	s5 =	sor.u32 s6, s5  }
0xa: {  	[dreg:$0x5] =	wrdreg s2;
	s23 =	sshrl.u32 s1, $0x1;
	s6 =	smul.u32 $0x18000, s5  }
0xb: {  	s1 =	ssub.s32 s1, s23;
	s5 =	smul.u32 $0xC0, s5;
	s23 =	simm.s32 $0x200  }
0xc: {  	s19 =	smax.u32 s1, $0x1;
	s1 =	simm.s32 $0x4;
	s24 =	sor.u32 $0x40, s6  }
0xd: {  	s7 =	sadd.s32 s0, s6;
	s9 =	sadd.s32 s3, s6;
	s8 =	sadd.s32 s0, s24  }
0xe: {  	s13 =	sor.u32 $0x8, s5;
	s25 =	sadd.s32 $0x1000, s7;
	[dreg:$0x6] =	wrdreg s8  }
0xf: {  	s14 =	sor.u32 $0x10, s5;
	s2 =	sadd.s32 s3, s24;
	[dreg:$0x7] =	wrdreg s25  }
0x10: {  	s26 =	sadd.s32 $0x1040, s7;
	s17 =	sadd.s32 $0x17000, s9;
	[dreg:$0x8] =	wrdreg s2  }
0x11: {  	s18 =	sadd.s32 $0x17040, s9;
	s24 =	simm.s32 $0x400;
	[dreg:$0x9] =	wrdreg s26  }
0x12: {  	s25 =	simm.s32 $0x4000;
	s26 =	simm.s32 $0x1;
	s2 =	simm.s32 $0x0  }
.LBB2_1:
0x13: {  	s5 =	rddreg [dreg:$0x4];
	s6 =	simm.s32 $0x10000  }
0x14: {  	[tilespmem:s6], [sflag:$0x5] =	stream.linear.gather [hbm4b:s5+s4], $0x80, $0x38;
	[tilespmem:$0x10480] =	vst v63  }
0x15: {  	_ =	swait.ge [sflag:s21], $0x80  }
0x16: {  	[sflag:s21] =	ssyncset.done $0x0  }
0x17: {  	s10 =	rddreg [dreg:$0x5];
	[sflag:s21] =	ssyncadd.s32 $0xFFFFFF80  }
0x18: {  	[tilespmem:s22], [sflag:$0x5] =	stream.linear.gather [hbm4b:s10+s4], $0x400, $0x38;
	[tilespmem:$0x10480] =	vst v63  }
0x19: {  	_ =	swait.ge [sflag:s21], $0x400  }
0x1a: {  	[sflag:s21] =	ssyncset.done $0x0  }
0x1b: {  	[sflag:s21] =	ssyncadd.s32 $0xFFFFFC00  }
0x1c: {  	v0 =	vld [tilespmem:$0x10000];
	[tilespmem:s4], [sflag:$0x1] =	stream.strided.gather [hbm4b:s7+s23], $0x4000, s24, s23, $0x38  }
0x1d: {  	s11 =	rddreg [dreg:$0x6]  }
0x1e: {  	[tilespmem:s25], [sflag:$0x2] =	stream.strided.gather [hbm4b:s11+s23], $0x4000, s24, s23, $0x38;
	[tilespmem:$0x10480] =	vst v63  }
0x1f: {  	_ =	swait.ge [sflag:s26], $0x4000  }
0x20: {  	[sflag:s26] =	ssyncset.done $0x0  }
0x21: {  	s12 =	simm.s32 $0x40;
	[sflag:s26] =	ssyncadd.s32 $0xFFFFC000  }
0x22: {  	v1 =	vld [tilespmem:s12+$0x30]  }
0x23: {  	v2 =	vld [tilespmem:s12+$0xFFFFFFD0]  }
0x24: {  	v3 =	vld [tilespmem:s12+$0xFFFFFFE0]  }
0x25: {  	v4 =	vld [tilespmem:s12+$0xFFFFFFF0]  }
0x26: {  	v5 =	vld [tilespmem:s12+$0x0]  }
0x27: {  	v6 =	vld [tilespmem:s12+$0x10]  }
0x28: {  	v7 =	vld [tilespmem:s12+$0x20]  }
0x29: {  	s20 =	simm.s32 $0x240;
	v8 =	vld [tilespmem:s12+$0xFFFFFFC0]  }
0x2a: {  	v9 =	vld [tilespmem:s20+$0x30]  }
0x2b: {  	v10 =	vld [tilespmem:s20+$0xFFFFFFD0];
	v1 =	vmul.f32 v1, v0;
	v2 =	vmul.f32 v2, v0  }
0x2c: {  	v11 =	vld [tilespmem:s20+$0xFFFFFFE0];
	v3 =	vmul.f32 v3, v0;
	v4 =	vmul.f32 v4, v0  }
0x2d: {  	v5 =	vmul.f32 v5, v0;
	v6 =	vmul.f32 v6, v0  }
0x2e: {  	v7 =	vmul.f32 v7, v0;
	v8 =	vmul.f32 v8, v0  }
0x2f: {  	v9 =	vmul.f32 v9, v0;
	v1 =	vadd.f32 $2.560000000e+02, v1;
	v2 =	vadd.f32 $2.560000000e+02, v2  }
0x30: {  	v10 =	vmul.f32 v10, v0;
	v3 =	vadd.f32 $2.560000000e+02, v3;
	v4 =	vadd.f32 $2.560000000e+02, v4  }
0x31: {  	v11 =	vmul.f32 v11, v0;
	v5 =	vadd.f32 $2.560000000e+02, v5;
	v6 =	vadd.f32 $2.560000000e+02, v6  }
0x32: {  	v7 =	vadd.f32 $2.560000000e+02, v7;
	v1 =	vclamp.gez.f32 v1, $5.120000000e+02;
	v2 =	vclamp.gez.f32 v2, $5.120000000e+02  }
0x33: {  	v8 =	vadd.f32 $2.560000000e+02, v8;
	v3 =	vclamp.gez.f32 v3, $5.120000000e+02;
	v4 =	vclamp.gez.f32 v4, $5.120000000e+02  }
0x34: {  	v9 =	vadd.f32 $2.560000000e+02, v9;
	v5 =	vclamp.gez.f32 v5, $5.120000000e+02;
	v6 =	vclamp.gez.f32 v6, $5.120000000e+02  }
0x35: {  	v7 =	vclamp.gez.f32 v7, $5.120000000e+02;
	v8 =	vclamp.gez.f32 v8, $5.120000000e+02  }
0x36: {  	v9 =	vclamp.gez.f32 v9, $5.120000000e+02;
	v1 =	vtrunc.f32 v1  }
0x37: {  	v2 =	vtrunc.f32 v2;
	v3 =	vtrunc.f32 v3  }
0x38: {  	v8 =	vtrunc.f32 v8;
	v1 =	vcvt.f32.s32 v1  }
0x39: {  	v12 =	vld [tilespmem:s20+$0xFFFFFFF0];
	v4 =	vtrunc.f32 v4;
	v8 =	vcvt.f32.s32 v8  }
0x3a: {  	v13 =	vld [tilespmem:s20+$0x0];
	v5 =	vtrunc.f32 v5;
	v2 =	vcvt.f32.s32 v2  }
0x3b: {  	v14 =	vld [tilespmem:s20+$0x10];
	v6 =	vtrunc.f32 v6;
	v3 =	vcvt.f32.s32 v3  }
0x3c: {  	v15 =	vld [tilespmem:s20+$0x20];
	v7 =	vtrunc.f32 v7;
	v4 =	vcvt.f32.s32 v4  }
0x3d: {  	v16 =	vld [tilespmem:s20+$0xFFFFFFC0];
	v5 =	vcvt.f32.s32 v5;
	v6 =	vcvt.f32.s32 v6  }
0x3e: {  	v18 =	vcvt.f32.s32 v7;
	v17 =	vld.idx.msk [tilespmem:v1+s22+$0x0], $0xffff;
	v1 =	vmul.f32 v12, v0  }
0x3f: {  	v7 =	vadd.f32 $2.560000000e+02, v10;
	v10 =	vld.idx.msk [tilespmem:v8+s22+$0x0], $0xffff;
	v8 =	vadd.f32 $2.560000000e+02, v11;
	v11 =	vmul.f32 v13, v0  }
0x40: {  	v19 =	vld.idx.msk [tilespmem:v2+s22+$0x0], $0xffff;
	v12 =	vmul.f32 v14, v0;
	v2 =	vtrunc.f32 v9;
	v13 =	vadd.f32 $2.560000000e+02, v1  }
0x41: {  	v1 =	vld.idx.msk [tilespmem:v3+s22+$0x0], $0xffff;
	v9 =	vadd.f32 $2.560000000e+02, v11;
	v11 =	vmul.f32 v15, v0;
	v3 =	vcvt.f32.s32 v2  }
0x42: {  	s5 =	simm.s32 $0x8040;
	v14 =	vmul.f32 v16, v0;
	v2 =	vld.idx.msk [tilespmem:v4+s22+$0x0], $0xffff;
	v15 =	vclamp.gez.f32 v7, $5.120000000e+02;
	v7 =	vadd.f32 $2.560000000e+02, v12  }
0x43: {  	v4 =	vld.idx.msk [tilespmem:v5+s22+$0x0], $0xffff;
	v12 =	vclamp.gez.f32 v8, $5.120000000e+02;
	v8 =	vclamp.gez.f32 v13, $5.120000000e+02;
	v63 =	vadd.f32 $2.560000000e+02, v11;
	[tilespmem:s5+$0x30] =	vst v17  }
0x44: {  	v5 =	vld.idx.msk [tilespmem:v6+s22+$0x0], $0xffff;
	v9 =	vclamp.gez.f32 v9, $5.120000000e+02;
	v7 =	vclamp.gez.f32 v7, $5.120000000e+02;
	v13 =	vadd.f32 $2.560000000e+02, v14;
	[tilespmem:s5+$0xFFFFFFC0] =	vst v10  }
0x45: {  	s8 =	simm.s32 $0x440;
	s6 =	simm.s32 $0x80;
	v6 =	vld.idx.msk [tilespmem:v18+s22+$0x0], $0xffff;
	v11 =	vtrunc.f32 v15;
	[tilespmem:s5+$0xFFFFFFD0] =	vst v19;
	v10 =	vclamp.gez.f32 v63, $5.120000000e+02  }
.LBB2_2:
0x46: {  	v14 =	vld [tilespmem:s8+$0x30];
	v13 =	vclamp.gez.f32 v13, $5.120000000e+02;
	v12 =	vtrunc.f32 v12;
	[tilespmem:s5+$0xFFFFFFE0] =	vst v1  }
0x47: {  	s6 =	sadd.s32 $0x80, s6;
	v8 =	vtrunc.f32 v8;
	v1 =	vtrunc.f32 v13;
	v3 =	vld.idx.msk [tilespmem:v3+s22+$0x0], $0xffff;
	[tilespmem:s5+$0xFFFFFFF0] =	vst v2  }
0x48: {  	v9 =	vtrunc.f32 v9;
	v7 =	vtrunc.f32 v7;
	p0 =	slt.u32 s6, $0xF80;
	v2 =	vld [tilespmem:s8+$0xFFFFFFD0];
	[tilespmem:s5+$0x0] =	vst v4  }
0x49: {  	v10 =	vtrunc.f32 v10;
	v1 =	vcvt.f32.s32 v1;
	v4 =	vld [tilespmem:s8+$0xFFFFFFE0];
	[tilespmem:s5+$0x10] =	vst v5  }
0x4a: {  	v11 =	vcvt.f32.s32 v11;
	v12 =	vcvt.f32.s32 v12;
	v5 =	vld [tilespmem:s8+$0xFFFFFFF0];
	[tilespmem:s5+$0x20] =	vst v6  }
0x4b: {  	v8 =	vcvt.f32.s32 v8;
	v9 =	vcvt.f32.s32 v9;
	v6 =	vld [tilespmem:s8+$0x0]  }
0x4c: {  	v7 =	vcvt.f32.s32 v7;
	s5 =	sadd.s32 $0x200, s5;
	v14 =	vmul.f32 v14, v0;
	v13 =	vld [tilespmem:s8+$0x10]  }
0x4d: {  	v10 =	vcvt.f32.s32 v10;
	v2 =	vmul.f32 v2, v0;
	v15 =	vld [tilespmem:s8+$0x20];
	[tilespmem:s5+$0x30] =	vst v3  }
0x4e: {  	v16 =	vld [tilespmem:s8+$0xFFFFFFC0];
	v3 =	vmul.f32 v4, v0;
	v4 =	vadd.f32 $2.560000000e+02, v14  }
0x4f: {  	v14 =	vadd.f32 $2.560000000e+02, v2;
	v2 =	vmul.f32 v5, v0;
	v17 =	vld.idx.msk [tilespmem:v1+s22+$0x0], $0xffff  }
0x50: {  	v5 =	vadd.f32 $2.560000000e+02, v3;
	v3 =	vmul.f32 v6, v0;
	v1 =	vclamp.gez.f32 v4, $5.120000000e+02;
	v18 =	vld.idx.msk [tilespmem:v11+s22+$0x0], $0xffff  }
0x51: {  	v6 =	vadd.f32 $2.560000000e+02, v2;
	v4 =	vmul.f32 v13, v0;
	v2 =	vtrunc.f32 v1;
	v1 =	vld.idx.msk [tilespmem:v12+s22+$0x0], $0xffff  }
.Ltmp0:
0x52: {  	v11 =	vadd.f32 $2.560000000e+02, v3;
	v13 =	vmul.f32 v15, v0;
	v3 =	vcvt.f32.s32 v2;
	v2 =	vld.idx.msk [tilespmem:v8+s22+$0x0], $0xffff;
	(pc) =	sbr.rel @p0 .LBB2_2-.Ltmp0, $4  }
0x53: {  	v14 =	vclamp.gez.f32 v14, $5.120000000e+02;
	v15 =	vmul.f32 v16, v0;
	v16 =	vadd.f32 $2.560000000e+02, v4;
	v4 =	vld.idx.msk [tilespmem:v9+s22+$0x0], $0xffff  }
0x54: {  	v12 =	vclamp.gez.f32 v5, $5.120000000e+02;
	v8 =	vclamp.gez.f32 v6, $5.120000000e+02;
	v19 =	vadd.f32 $2.560000000e+02, v13;
	v5 =	vld.idx.msk [tilespmem:v7+s22+$0x0], $0xffff  }
0x55: {  	v9 =	vclamp.gez.f32 v11, $5.120000000e+02;
	v13 =	vadd.f32 $2.560000000e+02, v15;
	v7 =	vclamp.gez.f32 v16, $5.120000000e+02;
	[tilespmem:s5+$0xFFFFFFC0] =	vst v17;
	v6 =	vld.idx.msk [tilespmem:v10+s22+$0x0], $0xffff  }
0x56: {  	s8 =	sadd.s32 $0x200, s8;
	v11 =	vtrunc.f32 v14;
	v10 =	vclamp.gez.f32 v19, $5.120000000e+02;
	[tilespmem:s5+$0xFFFFFFD0] =	vst v18  }
0x57: {  	v13 =	vclamp.gez.f32 v13, $5.120000000e+02  }
0x58: {  	v12 =	vtrunc.f32 v12;
	v11 =	vcvt.f32.s32 v11  }
0x59: {  	v8 =	vtrunc.f32 v8;
	v12 =	vcvt.f32.s32 v12  }
0x5a: {  	v9 =	vtrunc.f32 v9;
	v8 =	vcvt.f32.s32 v8  }
0x5b: {  	v7 =	vtrunc.f32 v7;
	v9 =	vcvt.f32.s32 v9  }
0x5c: {  	[tilespmem:s5+$0xFFFFFFE0] =	vst v1;
	v1 =	vld.idx.msk [tilespmem:v3+s22+$0x0], $0xffff;
	v3 =	vtrunc.f32 v10;
	v7 =	vcvt.f32.s32 v7  }
0x5d: {  	[tilespmem:s5+$0xFFFFFFF0] =	vst v2;
	v13 =	vtrunc.f32 v13;
	v2 =	vcvt.f32.s32 v3  }
0x5e: {  	[tilespmem:s5+$0x0] =	vst v4;
	v13 =	vcvt.f32.s32 v13;
	v4 =	vld.idx.msk [tilespmem:v11+s22+$0x0], $0xffff  }
0x5f: {  	[tilespmem:s5+$0x10] =	vst v5;
	v5 =	vld.idx.msk [tilespmem:v12+s22+$0x0], $0xffff  }
0x60: {  	s12 =	sadd.s32 $0x200, s5;
	[tilespmem:s5+$0x20] =	vst v6;
	v6 =	vld.idx.msk [tilespmem:v8+s22+$0x0], $0xffff  }
0x61: {  	[tilespmem:s12+$0x30] =	vst v1;
	v1 =	vld.idx.msk [tilespmem:v9+s22+$0x0], $0xffff  }
0x62: {  	v7 =	vld.idx.msk [tilespmem:v7+s22+$0x0], $0xffff  }
0x63: {  	v2 =	vld.idx.msk [tilespmem:v2+s22+$0x0], $0xffff;
	[tilespmem:s12+$0xFFFFFFD0] =	vst v4  }
0x64: {  	v3 =	vld.idx.msk [tilespmem:v13+s22+$0x0], $0xffff;
	[tilespmem:s12+$0xFFFFFFE0] =	vst v5  }
0x65: {  	[tilespmem:s12+$0xFFFFFFF0] =	vst v6  }
0x66: {  	[tilespmem:s12+$0x0] =	vst v1  }
0x67: {  	[tilespmem:s12+$0x10] =	vst v7  }
0x68: {  	[tilespmem:s12+$0x20] =	vst v2  }
0x69: {  	s6 =	simm.s32 $0xF0;
	[tilespmem:s12+$0xFFFFFFC0] =	vst v3  }
0x6a: {  	v1 =	vld [tilespmem:s6+$0x0]  }
0x6b: {  	v2 =	vld [tilespmem:s6+$0xFFFFFFA0]  }
0x6c: {  	v3 =	vld [tilespmem:s6+$0xFFFFFFB0]  }
0x6d: {  	v4 =	vld [tilespmem:s6+$0xFFFFFFC0]  }
0x6e: {  	v5 =	vld [tilespmem:s6+$0xFFFFFFD0]  }
0x6f: {  	v6 =	vld [tilespmem:s6+$0xFFFFFFE0]  }
0x70: {  	v7 =	vld [tilespmem:s6+$0xFFFFFFF0]  }
0x71: {  	s20 =	simm.s32 $0x2F0;
	v8 =	vld [tilespmem:s6+$0xFFFFFF90]  }
0x72: {  	v9 =	vld [tilespmem:s20+$0x0]  }
0x73: {  	v10 =	vld [tilespmem:s20+$0xFFFFFFA0];
	v1 =	vmul.f32 v1, v0;
	v2 =	vmul.f32 v2, v0  }
0x74: {  	v11 =	vld [tilespmem:s20+$0xFFFFFFB0];
	v3 =	vmul.f32 v3, v0;
	v4 =	vmul.f32 v4, v0  }
0x75: {  	v5 =	vmul.f32 v5, v0;
	v6 =	vmul.f32 v6, v0  }
0x76: {  	v7 =	vmul.f32 v7, v0;
	v8 =	vmul.f32 v8, v0  }
0x77: {  	v9 =	vmul.f32 v9, v0;
	v1 =	vadd.f32 $2.560000000e+02, v1;
	v2 =	vadd.f32 $2.560000000e+02, v2  }
0x78: {  	v10 =	vmul.f32 v10, v0;
	v3 =	vadd.f32 $2.560000000e+02, v3;
	v4 =	vadd.f32 $2.560000000e+02, v4  }
0x79: {  	v11 =	vmul.f32 v11, v0;
	v5 =	vadd.f32 $2.560000000e+02, v5;
	v6 =	vadd.f32 $2.560000000e+02, v6  }
0x7a: {  	v7 =	vadd.f32 $2.560000000e+02, v7;
	v1 =	vclamp.gez.f32 v1, $5.120000000e+02;
	v2 =	vclamp.gez.f32 v2, $5.120000000e+02  }
0x7b: {  	v8 =	vadd.f32 $2.560000000e+02, v8;
	v3 =	vclamp.gez.f32 v3, $5.120000000e+02;
	v4 =	vclamp.gez.f32 v4, $5.120000000e+02  }
0x7c: {  	v9 =	vadd.f32 $2.560000000e+02, v9;
	v5 =	vclamp.gez.f32 v5, $5.120000000e+02;
	v6 =	vclamp.gez.f32 v6, $5.120000000e+02  }
0x7d: {  	v7 =	vclamp.gez.f32 v7, $5.120000000e+02;
	v8 =	vclamp.gez.f32 v8, $5.120000000e+02  }
0x7e: {  	v9 =	vclamp.gez.f32 v9, $5.120000000e+02;
	v1 =	vtrunc.f32 v1  }
0x7f: {  	v2 =	vtrunc.f32 v2;
	v3 =	vtrunc.f32 v3  }
0x80: {  	v8 =	vtrunc.f32 v8;
	v1 =	vcvt.f32.s32 v1  }
0x81: {  	v12 =	vld [tilespmem:s20+$0xFFFFFFC0];
	v4 =	vtrunc.f32 v4;
	v8 =	vcvt.f32.s32 v8  }
0x82: {  	v13 =	vld [tilespmem:s20+$0xFFFFFFD0];
	v5 =	vtrunc.f32 v5;
	v2 =	vcvt.f32.s32 v2  }
0x83: {  	v14 =	vld [tilespmem:s20+$0xFFFFFFE0];
	v6 =	vtrunc.f32 v6;
	v3 =	vcvt.f32.s32 v3  }
0x84: {  	v15 =	vld [tilespmem:s20+$0xFFFFFFF0];
	v7 =	vtrunc.f32 v7;
	v4 =	vcvt.f32.s32 v4  }
0x85: {  	v16 =	vld [tilespmem:s20+$0xFFFFFF90];
	v5 =	vcvt.f32.s32 v5;
	v6 =	vcvt.f32.s32 v6  }
0x86: {  	v18 =	vcvt.f32.s32 v7;
	v17 =	vld.idx.msk [tilespmem:v1+s22+$0x0], $0xffff;
	v1 =	vmul.f32 v12, v0  }
0x87: {  	v7 =	vadd.f32 $2.560000000e+02, v10;
	v10 =	vld.idx.msk [tilespmem:v8+s22+$0x0], $0xffff;
	v8 =	vadd.f32 $2.560000000e+02, v11;
	v11 =	vmul.f32 v13, v0  }
0x88: {  	v19 =	vld.idx.msk [tilespmem:v2+s22+$0x0], $0xffff;
	v12 =	vmul.f32 v14, v0;
	v2 =	vtrunc.f32 v9;
	v13 =	vadd.f32 $2.560000000e+02, v1  }
0x89: {  	v1 =	vld.idx.msk [tilespmem:v3+s22+$0x0], $0xffff;
	v9 =	vadd.f32 $2.560000000e+02, v11;
	v11 =	vmul.f32 v15, v0;
	v3 =	vcvt.f32.s32 v2  }
0x8a: {  	s5 =	simm.s32 $0x80F0;
	v14 =	vmul.f32 v16, v0;
	v2 =	vld.idx.msk [tilespmem:v4+s22+$0x0], $0xffff;
	v15 =	vclamp.gez.f32 v7, $5.120000000e+02;
	v7 =	vadd.f32 $2.560000000e+02, v12  }
0x8b: {  	v4 =	vld.idx.msk [tilespmem:v5+s22+$0x0], $0xffff;
	v12 =	vclamp.gez.f32 v8, $5.120000000e+02;
	v8 =	vclamp.gez.f32 v13, $5.120000000e+02;
	v63 =	vadd.f32 $2.560000000e+02, v11;
	[tilespmem:s5+$0x0] =	vst v17  }
0x8c: {  	v5 =	vld.idx.msk [tilespmem:v6+s22+$0x0], $0xffff;
	v9 =	vclamp.gez.f32 v9, $5.120000000e+02;
	v7 =	vclamp.gez.f32 v7, $5.120000000e+02;
	v13 =	vadd.f32 $2.560000000e+02, v14;
	[tilespmem:s5+$0xFFFFFF90] =	vst v10  }
0x8d: {  	s8 =	simm.s32 $0x4F0;
	s6 =	simm.s32 $0x80;
	v6 =	vld.idx.msk [tilespmem:v18+s22+$0x0], $0xffff;
	v11 =	vtrunc.f32 v15;
	[tilespmem:s5+$0xFFFFFFA0] =	vst v19;
	v10 =	vclamp.gez.f32 v63, $5.120000000e+02  }
.LBB2_4:
0x8e: {  	v14 =	vld [tilespmem:s8+$0x0];
	v13 =	vclamp.gez.f32 v13, $5.120000000e+02;
	v12 =	vtrunc.f32 v12;
	[tilespmem:s5+$0xFFFFFFB0] =	vst v1  }
0x8f: {  	s6 =	sadd.s32 $0x80, s6;
	v8 =	vtrunc.f32 v8;
	v1 =	vtrunc.f32 v13;
	v3 =	vld.idx.msk [tilespmem:v3+s22+$0x0], $0xffff;
	[tilespmem:s5+$0xFFFFFFC0] =	vst v2  }
0x90: {  	v9 =	vtrunc.f32 v9;
	v7 =	vtrunc.f32 v7;
	p0 =	slt.u32 s6, $0xF80;
	v2 =	vld [tilespmem:s8+$0xFFFFFFA0];
	[tilespmem:s5+$0xFFFFFFD0] =	vst v4  }
0x91: {  	v10 =	vtrunc.f32 v10;
	v1 =	vcvt.f32.s32 v1;
	v4 =	vld [tilespmem:s8+$0xFFFFFFB0];
	[tilespmem:s5+$0xFFFFFFE0] =	vst v5  }
0x92: {  	v11 =	vcvt.f32.s32 v11;
	v12 =	vcvt.f32.s32 v12;
	v5 =	vld [tilespmem:s8+$0xFFFFFFC0];
	[tilespmem:s5+$0xFFFFFFF0] =	vst v6  }
0x93: {  	v8 =	vcvt.f32.s32 v8;
	v9 =	vcvt.f32.s32 v9;
	v6 =	vld [tilespmem:s8+$0xFFFFFFD0]  }
0x94: {  	v7 =	vcvt.f32.s32 v7;
	s5 =	sadd.s32 $0x200, s5;
	v14 =	vmul.f32 v14, v0;
	v13 =	vld [tilespmem:s8+$0xFFFFFFE0]  }
0x95: {  	v10 =	vcvt.f32.s32 v10;
	v2 =	vmul.f32 v2, v0;
	v15 =	vld [tilespmem:s8+$0xFFFFFFF0];
	[tilespmem:s5+$0x0] =	vst v3  }
0x96: {  	v16 =	vld [tilespmem:s8+$0xFFFFFF90];
	v3 =	vmul.f32 v4, v0;
	v4 =	vadd.f32 $2.560000000e+02, v14  }
0x97: {  	v14 =	vadd.f32 $2.560000000e+02, v2;
	v2 =	vmul.f32 v5, v0;
	v17 =	vld.idx.msk [tilespmem:v1+s22+$0x0], $0xffff  }
0x98: {  	v5 =	vadd.f32 $2.560000000e+02, v3;
	v3 =	vmul.f32 v6, v0;
	v1 =	vclamp.gez.f32 v4, $5.120000000e+02;
	v18 =	vld.idx.msk [tilespmem:v11+s22+$0x0], $0xffff  }
0x99: {  	v6 =	vadd.f32 $2.560000000e+02, v2;
	v4 =	vmul.f32 v13, v0;
	v2 =	vtrunc.f32 v1;
	v1 =	vld.idx.msk [tilespmem:v12+s22+$0x0], $0xffff  }
.Ltmp1:
0x9a: {  	v11 =	vadd.f32 $2.560000000e+02, v3;
	v13 =	vmul.f32 v15, v0;
	v3 =	vcvt.f32.s32 v2;
	v2 =	vld.idx.msk [tilespmem:v8+s22+$0x0], $0xffff;
	(pc) =	sbr.rel @p0 .LBB2_4-.Ltmp1, $4  }
0x9b: {  	v14 =	vclamp.gez.f32 v14, $5.120000000e+02;
	v15 =	vmul.f32 v16, v0;
	v16 =	vadd.f32 $2.560000000e+02, v4;
	v4 =	vld.idx.msk [tilespmem:v9+s22+$0x0], $0xffff  }
0x9c: {  	v12 =	vclamp.gez.f32 v5, $5.120000000e+02;
	v8 =	vclamp.gez.f32 v6, $5.120000000e+02;
	v19 =	vadd.f32 $2.560000000e+02, v13;
	v5 =	vld.idx.msk [tilespmem:v7+s22+$0x0], $0xffff  }
0x9d: {  	v9 =	vclamp.gez.f32 v11, $5.120000000e+02;
	v13 =	vadd.f32 $2.560000000e+02, v15;
	v7 =	vclamp.gez.f32 v16, $5.120000000e+02;
	[tilespmem:s5+$0xFFFFFF90] =	vst v17;
	v6 =	vld.idx.msk [tilespmem:v10+s22+$0x0], $0xffff  }
0x9e: {  	s8 =	sadd.s32 $0x200, s8;
	v11 =	vtrunc.f32 v14;
	v10 =	vclamp.gez.f32 v19, $5.120000000e+02;
	[tilespmem:s5+$0xFFFFFFA0] =	vst v18  }
0x9f: {  	v13 =	vclamp.gez.f32 v13, $5.120000000e+02  }
0xa0: {  	v12 =	vtrunc.f32 v12;
	v11 =	vcvt.f32.s32 v11  }
0xa1: {  	v8 =	vtrunc.f32 v8;
	v12 =	vcvt.f32.s32 v12  }
0xa2: {  	v9 =	vtrunc.f32 v9;
	v8 =	vcvt.f32.s32 v8  }
0xa3: {  	v7 =	vtrunc.f32 v7;
	v9 =	vcvt.f32.s32 v9  }
0xa4: {  	[tilespmem:s5+$0xFFFFFFB0] =	vst v1;
	v1 =	vld.idx.msk [tilespmem:v3+s22+$0x0], $0xffff;
	v3 =	vtrunc.f32 v10;
	v7 =	vcvt.f32.s32 v7  }
0xa5: {  	[tilespmem:s5+$0xFFFFFFC0] =	vst v2;
	v13 =	vtrunc.f32 v13;
	v2 =	vcvt.f32.s32 v3  }
0xa6: {  	[tilespmem:s5+$0xFFFFFFD0] =	vst v4;
	v13 =	vcvt.f32.s32 v13;
	v4 =	vld.idx.msk [tilespmem:v11+s22+$0x0], $0xffff  }
0xa7: {  	[tilespmem:s5+$0xFFFFFFE0] =	vst v5;
	v5 =	vld.idx.msk [tilespmem:v12+s22+$0x0], $0xffff  }
0xa8: {  	s20 =	sadd.s32 $0x200, s5;
	[tilespmem:s5+$0xFFFFFFF0] =	vst v6;
	v6 =	vld.idx.msk [tilespmem:v8+s22+$0x0], $0xffff  }
0xa9: {  	[tilespmem:s20+$0x0] =	vst v1;
	v1 =	vld.idx.msk [tilespmem:v9+s22+$0x0], $0xffff  }
0xaa: {  	v7 =	vld.idx.msk [tilespmem:v7+s22+$0x0], $0xffff  }
0xab: {  	v2 =	vld.idx.msk [tilespmem:v2+s22+$0x0], $0xffff;
	[tilespmem:s20+$0xFFFFFFA0] =	vst v4  }
0xac: {  	v3 =	vld.idx.msk [tilespmem:v13+s22+$0x0], $0xffff;
	[tilespmem:s20+$0xFFFFFFB0] =	vst v5  }
0xad: {  	[tilespmem:s20+$0xFFFFFFC0] =	vst v6  }
0xae: {  	[tilespmem:s20+$0xFFFFFFD0] =	vst v1  }
0xaf: {  	[tilespmem:s20+$0xFFFFFFE0] =	vst v7  }
0xb0: {  	[tilespmem:s20+$0xFFFFFFF0] =	vst v2  }
0xb1: {  	s6 =	simm.s32 $0x170;
	[tilespmem:s20+$0xFFFFFF90] =	vst v3  }
0xb2: {  	v1 =	vld [tilespmem:s6+$0x0]  }
0xb3: {  	v2 =	vld [tilespmem:s6+$0xFFFFFFA0]  }
0xb4: {  	v3 =	vld [tilespmem:s6+$0xFFFFFFB0]  }
0xb5: {  	v4 =	vld [tilespmem:s6+$0xFFFFFFC0]  }
0xb6: {  	v5 =	vld [tilespmem:s6+$0xFFFFFFD0]  }
0xb7: {  	v6 =	vld [tilespmem:s6+$0xFFFFFFE0]  }
0xb8: {  	v7 =	vld [tilespmem:s6+$0xFFFFFFF0]  }
0xb9: {  	v8 =	vld [tilespmem:s6+$0xFFFFFF90]  }
0xba: {  	v1 =	vmul.f32 v1, v0;
	v2 =	vmul.f32 v2, v0  }
0xbb: {  	v3 =	vmul.f32 v3, v0;
	v4 =	vmul.f32 v4, v0  }
0xbc: {  	v5 =	vmul.f32 v5, v0;
	v6 =	vmul.f32 v6, v0;
	v1 =	vadd.f32 $2.560000000e+02, v1  }
0xbd: {  	v7 =	vmul.f32 v7, v0;
	v2 =	vadd.f32 $2.560000000e+02, v2;
	v3 =	vadd.f32 $2.560000000e+02, v3  }
0xbe: {  	p1 =	por $0x1, $0x1;
	v10 =	vmul.f32 v8, v0;
	v4 =	vadd.f32 $2.560000000e+02, v4;
	v9 =	vadd.f32 $2.560000000e+02, v5  }
.Ltmp2:
0xbf: {  	v6 =	vadd.f32 $2.560000000e+02, v6;
	v1 =	vclamp.gez.f32 v1, $5.120000000e+02;
	v2 =	vclamp.gez.f32 v2, $5.120000000e+02;
	(pc) =	sbr.rel @!p1 .LBB2_6-.Ltmp2, $4  }
0xc0: {  	v12 =	vclamp.gez.f32 v3, $5.120000000e+02;
	v5 =	vclamp.gez.f32 v4, $5.120000000e+02  }
0xc1: {  	v3 =	vadd.f32 $2.560000000e+02, v7;
	v8 =	vclamp.gez.f32 v9, $5.120000000e+02;
	v7 =	vclamp.gez.f32 v6, $5.120000000e+02  }
0xc2: {  	v13 =	vadd.f32 $2.560000000e+02, v10;
	v1 =	vtrunc.f32 v1;
	v10 =	vtrunc.f32 v2  }
0xc3: {  	p0 =	por $0x0, $0x0;
	s5 =	simm.s32 $0x8170;
	s6 =	simm.s32 $0x370;
	v1 =	vcvt.f32.s32 v1;
	v9 =	vclamp.gez.f32 v3, $5.120000000e+02  }
0xc4: {  	v2 =	vld [tilespmem:s6+$0x0]  }
0xc5: {  	v3 =	vclamp.gez.f32 v13, $5.120000000e+02;
	v4 =	vtrunc.f32 v12;
	v6 =	vld [tilespmem:s6+$0xFFFFFFA0]  }
0xc6: {  	v5 =	vtrunc.f32 v5;
	v8 =	vtrunc.f32 v8;
	v11 =	vld [tilespmem:s6+$0xFFFFFFB0]  }
0xc7: {  	v7 =	vtrunc.f32 v7;
	v9 =	vtrunc.f32 v9;
	v12 =	vld [tilespmem:s6+$0xFFFFFFC0]  }
0xc8: {  	v10 =	vcvt.f32.s32 v10;
	v14 =	vld [tilespmem:s6+$0xFFFFFFE0];
	v3 =	vtrunc.f32 v3  }
0xc9: {  	v15 =	vld [tilespmem:s6+$0xFFFFFFF0];
	v4 =	vcvt.f32.s32 v4;
	v3 =	vcvt.f32.s32 v3  }
0xca: {  	v13 =	vld [tilespmem:s6+$0xFFFFFFD0];
	v5 =	vcvt.f32.s32 v5;
	v7 =	vcvt.f32.s32 v7  }
0xcb: {  	v8 =	vcvt.f32.s32 v8;
	v2 =	vmul.f32 v2, v0  }
0xcc: {  	v16 =	vld [tilespmem:s6+$0xFFFFFF90];
	v9 =	vcvt.f32.s32 v9;
	v6 =	vmul.f32 v6, v0  }
0xcd: {  	v17 =	vld.idx.msk [tilespmem:v1+s22+$0x0], $0xffff;
	v11 =	vmul.f32 v11, v0;
	v1 =	vmul.f32 v12, v0;
	v2 =	vadd.f32 $2.560000000e+02, v2  }
0xce: {  	v12 =	vmul.f32 v14, v0;
	v14 =	vmul.f32 v15, v0;
	v19 =	vld.idx.msk [tilespmem:v10+s22+$0x0], $0xffff;
	v6 =	vadd.f32 $2.560000000e+02, v6  }
0xcf: {  	v18 =	vld.idx.msk [tilespmem:v3+s22+$0x0], $0xffff;
	v3 =	vmul.f32 v13, v0;
	v2 =	vclamp.gez.f32 v2, $5.120000000e+02  }
0xd0: {  	p3 =	por $0x1, $0x1;
	v10 =	vadd.f32 $2.560000000e+02, v1;
	v63 =	vclamp.gez.f32 v6, $5.120000000e+02;
	v6 =	vld.idx.msk [tilespmem:v7+s22+$0x0], $0xffff;
	v1 =	vtrunc.f32 v2  }
.Ltmp3:
0xd1: {  	v11 =	vadd.f32 $2.560000000e+02, v11;
	v20 =	vadd.f32 $2.560000000e+02, v12;
	v2 =	vld.idx.msk [tilespmem:v4+s22+$0x0], $0xffff;
	v1 =	vcvt.f32.s32 v1;
	(pc) =	sbr.rel @!p3 .LBB2_8-.Ltmp3, $4  }
0xd2: {  	v15 =	vmul.f32 v16, v0;
	v14 =	vadd.f32 $2.560000000e+02, v14;
	v13 =	vadd.f32 $2.560000000e+02, v3;
	v3 =	vld.idx.msk [tilespmem:v5+s22+$0x0], $0xffff  }
0xd3: {  	[tilespmem:s5+$0x0] =	vst v17;
	v12 =	vclamp.gez.f32 v11, $5.120000000e+02;
	v7 =	vclamp.gez.f32 v20, $5.120000000e+02;
	v4 =	vld.idx.msk [tilespmem:v8+s22+$0x0], $0xffff  }
0xd4: {  	s8 =	simm.s32 $0x80;
	v11 =	vld.idx.msk [tilespmem:v9+s22+$0x0], $0xffff;
	v9 =	vclamp.gez.f32 v14, $5.120000000e+02;
	[tilespmem:s5+$0xFFFFFFA0] =	vst v19;
	v8 =	vclamp.gez.f32 v13, $5.120000000e+02;
	v13 =	vadd.f32 $2.560000000e+02, v15  }
0xd5: {  	s10 =	simm.s32 $0x570;
	p2 =	por $0x1, $0x1;
	s6 =	simm.s32 $0x8170;
	v5 =	vclamp.gez.f32 v10, $5.120000000e+02;
	v10 =	vtrunc.f32 v63;
	[tilespmem:s5+$0xFFFFFF90] =	vst v18  }
.LBB2_9:
0xd6: {  	v14 =	vld [tilespmem:s10+$0x0];
	v13 =	vclamp.gez.f32 v13, $5.120000000e+02;
	v12 =	vtrunc.f32 v12;
	[tilespmem:s6+$0xFFFFFFB0] =	vst v2  }
0xd7: {  	s8 =	sadd.s32 $0x80, s8;
	v5 =	vtrunc.f32 v5;
	v2 =	vtrunc.f32 v13;
	v1 =	vld.idx.msk [tilespmem:v1+s22+$0x0], $0xffff;
	[tilespmem:s6+$0xFFFFFFC0] =	vst v3  }
0xd8: {  	v8 =	vtrunc.f32 v8;
	v7 =	vtrunc.f32 v7;
	p3 =	slt.u32 s8, $0xF80;
	v3 =	vld [tilespmem:s10+$0xFFFFFFA0];
	[tilespmem:s6+$0xFFFFFFD0] =	vst v4  }
0xd9: {  	v9 =	vtrunc.f32 v9;
	v2 =	vcvt.f32.s32 v2;
	v4 =	vld [tilespmem:s10+$0xFFFFFFB0];
	[tilespmem:s6+$0xFFFFFFE0] =	vst v6  }
0xda: {  	v10 =	vcvt.f32.s32 v10;
	v12 =	vcvt.f32.s32 v12;
	v6 =	vld [tilespmem:s10+$0xFFFFFFC0];
	[tilespmem:s6+$0xFFFFFFF0] =	vst v11  }
0xdb: {  	v5 =	vcvt.f32.s32 v5;
	v8 =	vcvt.f32.s32 v8;
	v11 =	vld [tilespmem:s10+$0xFFFFFFD0]  }
0xdc: {  	v7 =	vcvt.f32.s32 v7;
	s6 =	sadd.s32 $0x200, s6;
	v14 =	vmul.f32 v14, v0;
	v13 =	vld [tilespmem:s10+$0xFFFFFFE0]  }
0xdd: {  	v9 =	vcvt.f32.s32 v9;
	v3 =	vmul.f32 v3, v0;
	v15 =	vld [tilespmem:s10+$0xFFFFFFF0];
	[tilespmem:s6+$0x0] =	vst v1  }
0xde: {  	v16 =	vld [tilespmem:s10+$0xFFFFFF90];
	v1 =	vmul.f32 v4, v0;
	v4 =	vadd.f32 $2.560000000e+02, v14  }
0xdf: {  	v14 =	vadd.f32 $2.560000000e+02, v3;
	v3 =	vmul.f32 v6, v0;
	v17 =	vld.idx.msk [tilespmem:v2+s22+$0x0], $0xffff  }
0xe0: {  	v6 =	vadd.f32 $2.560000000e+02, v1;
	v1 =	vmul.f32 v11, v0;
	v2 =	vclamp.gez.f32 v4, $5.120000000e+02;
	v18 =	vld.idx.msk [tilespmem:v10+s22+$0x0], $0xffff  }
0xe1: {  	v10 =	vadd.f32 $2.560000000e+02, v3;
	v4 =	vmul.f32 v13, v0;
	v3 =	vtrunc.f32 v2;
	v2 =	vld.idx.msk [tilespmem:v12+s22+$0x0], $0xffff  }
.Ltmp4:
0xe2: {  	v11 =	vadd.f32 $2.560000000e+02, v1;
	v13 =	vmul.f32 v15, v0;
	v1 =	vcvt.f32.s32 v3;
	v3 =	vld.idx.msk [tilespmem:v5+s22+$0x0], $0xffff;
	(pc) =	sbr.rel @p3 .LBB2_9-.Ltmp4, $4  }
0xe3: {  	v14 =	vclamp.gez.f32 v14, $5.120000000e+02;
	v15 =	vmul.f32 v16, v0;
	v16 =	vadd.f32 $2.560000000e+02, v4;
	v4 =	vld.idx.msk [tilespmem:v8+s22+$0x0], $0xffff  }
0xe4: {  	v12 =	vclamp.gez.f32 v6, $5.120000000e+02;
	v5 =	vclamp.gez.f32 v10, $5.120000000e+02;
	v19 =	vadd.f32 $2.560000000e+02, v13;
	v6 =	vld.idx.msk [tilespmem:v7+s22+$0x0], $0xffff  }
0xe5: {  	v8 =	vclamp.gez.f32 v11, $5.120000000e+02;
	v13 =	vadd.f32 $2.560000000e+02, v15;
	v7 =	vclamp.gez.f32 v16, $5.120000000e+02;
	[tilespmem:s6+$0xFFFFFF90] =	vst v17;
	v11 =	vld.idx.msk [tilespmem:v9+s22+$0x0], $0xffff  }
0xe6: {  	s10 =	sadd.s32 $0x200, s10;
	v10 =	vtrunc.f32 v14;
	v9 =	vclamp.gez.f32 v19, $5.120000000e+02;
	[tilespmem:s6+$0xFFFFFFA0] =	vst v18  }
.LBB2_10:
0xe7: {  	v13 =	vclamp.gez.f32 v13, $5.120000000e+02  }
0xe8: {  	v12 =	vtrunc.f32 v12;
	v10 =	vcvt.f32.s32 v10  }
0xe9: {  	v5 =	vtrunc.f32 v5;
	v12 =	vcvt.f32.s32 v12  }
0xea: {  	v8 =	vtrunc.f32 v8;
	v5 =	vcvt.f32.s32 v5  }
0xeb: {  	v7 =	vtrunc.f32 v7;
	v8 =	vcvt.f32.s32 v8  }
0xec: {  	[tilespmem:s6+$0xFFFFFFB0] =	vst @p2 v2;
	v1 =	vld.idx.msk [tilespmem:v1+s22+$0x0], $0xffff;
	v2 =	vtrunc.f32 v9;
	v7 =	vcvt.f32.s32 v7  }
0xed: {  	v13 =	vtrunc.f32 v13;
	v2 =	vcvt.f32.s32 v2  }
0xee: {  	[tilespmem:s6+$0xFFFFFFD0] =	vst @p2 v4;
	v13 =	vcvt.f32.s32 v13;
	v4 =	vld.idx.msk [tilespmem:v10+s22+$0x0], $0xffff  }
0xef: {  	s8 =	sadd.s32 @p2 $0x200, s6;
	[tilespmem:s6+$0xFFFFFFE0] =	vst @p2 v6;
	v6 =	vld.idx.msk [tilespmem:v12+s22+$0x0], $0xffff  }
0xf0: {  	[tilespmem:s6+$0xFFFFFFC0] =	vst @p2 v3;
	s5 =	smov.u32 @p2 s8;
	v5 =	vld.idx.msk [tilespmem:v5+s22+$0x0], $0xffff  }
0xf1: {  	[tilespmem:s5+$0x0] =	vst v1;
	v1 =	vld.idx.msk [tilespmem:v8+s22+$0x0], $0xffff  }
0xf2: {  	[tilespmem:s6+$0xFFFFFFF0] =	vst @p2 v11;
	v7 =	vld.idx.msk [tilespmem:v7+s22+$0x0], $0xffff  }
0xf3: {  	v2 =	vld.idx.msk [tilespmem:v2+s22+$0x0], $0xffff;
	[tilespmem:s5+$0xFFFFFFA0] =	vst v4  }
0xf4: {  	v3 =	vld.idx.msk [tilespmem:v13+s22+$0x0], $0xffff;
	[tilespmem:s5+$0xFFFFFFB0] =	vst v6  }
0xf5: {  	[tilespmem:s5+$0xFFFFFFC0] =	vst v5  }
0xf6: {  	[tilespmem:s5+$0xFFFFFFD0] =	vst v1  }
0xf7: {  	[tilespmem:s5+$0xFFFFFFE0] =	vst v7  }
0xf8: {  	[tilespmem:s5+$0xFFFFFFF0] =	vst v2  }
0xf9: {  	s20 =	simm.s32 $0x1F0;
	[tilespmem:s5+$0xFFFFFF90] =	vst v3  }
0xfa: {  	v1 =	vld [tilespmem:s20+$0x0]  }
0xfb: {  	v2 =	vld [tilespmem:s20+$0xFFFFFFA0]  }
0xfc: {  	v3 =	vld [tilespmem:s20+$0xFFFFFFB0]  }
0xfd: {  	v4 =	vld [tilespmem:s20+$0xFFFFFFC0]  }
0xfe: {  	v5 =	vld [tilespmem:s20+$0xFFFFFFD0]  }
0xff: {  	v6 =	vld [tilespmem:s20+$0xFFFFFFE0]  }
0x100: {  	v7 =	vld [tilespmem:s20+$0xFFFFFFF0]  }
0x101: {  	v8 =	vld [tilespmem:s20+$0xFFFFFF90]  }
0x102: {  	v1 =	vmul.f32 v1, v0;
	v2 =	vmul.f32 v2, v0  }
0x103: {  	v3 =	vmul.f32 v3, v0;
	v4 =	vmul.f32 v4, v0  }
0x104: {  	v5 =	vmul.f32 v5, v0;
	v6 =	vmul.f32 v6, v0;
	v1 =	vadd.f32 $2.560000000e+02, v1  }
0x105: {  	v7 =	vmul.f32 v7, v0;
	v2 =	vadd.f32 $2.560000000e+02, v2;
	v3 =	vadd.f32 $2.560000000e+02, v3  }
0x106: {  	v9 =	vmul.f32 v8, v0;
	v4 =	vadd.f32 $2.560000000e+02, v4;
	v5 =	vadd.f32 $2.560000000e+02, v5  }
.Ltmp5:
0x107: {  	v10 =	vadd.f32 $2.560000000e+02, v6;
	v1 =	vclamp.gez.f32 v1, $5.120000000e+02;
	v2 =	vclamp.gez.f32 v2, $5.120000000e+02;
	(pc) =	sbr.rel @!p1 .LBB2_11-.Ltmp5, $4  }
0x108: {  	v12 =	vclamp.gez.f32 v3, $5.120000000e+02;
	v6 =	vclamp.gez.f32 v4, $5.120000000e+02  }
0x109: {  	v3 =	vadd.f32 $2.560000000e+02, v7;
	v8 =	vclamp.gez.f32 v5, $5.120000000e+02;
	v7 =	vclamp.gez.f32 v10, $5.120000000e+02  }
0x10a: {  	v1 =	vtrunc.f32 v1;
	v11 =	vtrunc.f32 v2  }
0x10b: {  	s6 =	simm.s32 $0x3F0;
	s5 =	simm.s32 $0x81F0;
	v13 =	vadd.f32 $2.560000000e+02, v9;
	v1 =	vcvt.f32.s32 v1;
	v10 =	vclamp.gez.f32 v3, $5.120000000e+02  }
0x10c: {  	v2 =	vld [tilespmem:s6+$0x0]  }
0x10d: {  	v4 =	vtrunc.f32 v12;
	v5 =	vtrunc.f32 v6;
	v6 =	vld [tilespmem:s6+$0xFFFFFFA0]  }
0x10e: {  	v8 =	vtrunc.f32 v8;
	v7 =	vtrunc.f32 v7;
	v9 =	vld [tilespmem:s6+$0xFFFFFFB0]  }
0x10f: {  	v10 =	vtrunc.f32 v10;
	v12 =	vld [tilespmem:s6+$0xFFFFFFC0];
	v3 =	vclamp.gez.f32 v13, $5.120000000e+02  }
0x110: {  	v11 =	vcvt.f32.s32 v11;
	v14 =	vld [tilespmem:s6+$0xFFFFFFE0];
	v3 =	vtrunc.f32 v3  }
0x111: {  	v15 =	vld [tilespmem:s6+$0xFFFFFFF0];
	v4 =	vcvt.f32.s32 v4;
	v3 =	vcvt.f32.s32 v3  }
0x112: {  	v13 =	vld [tilespmem:s6+$0xFFFFFFD0];
	v5 =	vcvt.f32.s32 v5;
	v10 =	vcvt.f32.s32 v10  }
0x113: {  	v8 =	vcvt.f32.s32 v8;
	v2 =	vmul.f32 v2, v0  }
0x114: {  	v16 =	vld [tilespmem:s6+$0xFFFFFF90];
	v7 =	vcvt.f32.s32 v7;
	v9 =	vmul.f32 v9, v0  }
0x115: {  	v17 =	vld.idx.msk [tilespmem:v1+s22+$0x0], $0xffff;
	v6 =	vmul.f32 v6, v0;
	v1 =	vmul.f32 v12, v0;
	v2 =	vadd.f32 $2.560000000e+02, v2  }
0x116: {  	v12 =	vmul.f32 v14, v0;
	v14 =	vmul.f32 v15, v0;
	v19 =	vld.idx.msk [tilespmem:v11+s22+$0x0], $0xffff;
	v9 =	vadd.f32 $2.560000000e+02, v9  }
0x117: {  	v11 =	vadd.f32 $2.560000000e+02, v1;
	v18 =	vld.idx.msk [tilespmem:v3+s22+$0x0], $0xffff;
	v3 =	vmul.f32 v13, v0;
	v2 =	vclamp.gez.f32 v2, $5.120000000e+02  }
0x118: {  	p1 =	por $0x1, $0x1;
	v20 =	vadd.f32 $2.560000000e+02, v12;
	v12 =	vclamp.gez.f32 v9, $5.120000000e+02;
	v9 =	vld.idx.msk [tilespmem:v10+s22+$0x0], $0xffff;
	v1 =	vtrunc.f32 v2  }
.Ltmp6:
0x119: {  	v6 =	vadd.f32 $2.560000000e+02, v6;
	v2 =	vld.idx.msk [tilespmem:v4+s22+$0x0], $0xffff;
	v1 =	vcvt.f32.s32 v1;
	(pc) =	sbr.rel @!p1 .LBB2_13-.Ltmp6, $4  }
0x11a: {  	v15 =	vmul.f32 v16, v0;
	v14 =	vadd.f32 $2.560000000e+02, v14;
	v13 =	vadd.f32 $2.560000000e+02, v3;
	v3 =	vld.idx.msk [tilespmem:v5+s22+$0x0], $0xffff  }
0x11b: {  	[tilespmem:s5+$0x0] =	vst v17;
	v63 =	vclamp.gez.f32 v6, $5.120000000e+02;
	v6 =	vclamp.gez.f32 v11, $5.120000000e+02;
	v4 =	vld.idx.msk [tilespmem:v8+s22+$0x0], $0xffff  }
0x11c: {  	s8 =	simm.s32 $0x80;
	v10 =	vclamp.gez.f32 v14, $5.120000000e+02;
	v5 =	vld.idx.msk [tilespmem:v7+s22+$0x0], $0xffff;
	[tilespmem:s5+$0xFFFFFFA0] =	vst v19;
	v8 =	vclamp.gez.f32 v13, $5.120000000e+02;
	v13 =	vadd.f32 $2.560000000e+02, v15  }
0x11d: {  	s10 =	simm.s32 $0x5F0;
	p0 =	por $0x1, $0x1;
	s6 =	simm.s32 $0x81F0;
	v11 =	vtrunc.f32 v63;
	v7 =	vclamp.gez.f32 v20, $5.120000000e+02;
	[tilespmem:s5+$0xFFFFFF90] =	vst v18  }
.LBB2_14:
0x11e: {  	v14 =	vld [tilespmem:s10+$0x0];
	v13 =	vclamp.gez.f32 v13, $5.120000000e+02;
	v12 =	vtrunc.f32 v12;
	[tilespmem:s6+$0xFFFFFFB0] =	vst v2  }
0x11f: {  	s8 =	sadd.s32 $0x80, s8;
	v6 =	vtrunc.f32 v6;
	v2 =	vtrunc.f32 v13;
	v1 =	vld.idx.msk [tilespmem:v1+s22+$0x0], $0xffff;
	[tilespmem:s6+$0xFFFFFFC0] =	vst v3  }
0x120: {  	v8 =	vtrunc.f32 v8;
	v7 =	vtrunc.f32 v7;
	p1 =	slt.u32 s8, $0xF80;
	v3 =	vld [tilespmem:s10+$0xFFFFFFA0];
	[tilespmem:s6+$0xFFFFFFD0] =	vst v4  }
0x121: {  	v10 =	vtrunc.f32 v10;
	v2 =	vcvt.f32.s32 v2;
	v4 =	vld [tilespmem:s10+$0xFFFFFFB0];
	[tilespmem:s6+$0xFFFFFFE0] =	vst v5  }
0x122: {  	v11 =	vcvt.f32.s32 v11;
	v12 =	vcvt.f32.s32 v12;
	v5 =	vld [tilespmem:s10+$0xFFFFFFC0];
	[tilespmem:s6+$0xFFFFFFF0] =	vst v9  }
0x123: {  	v6 =	vcvt.f32.s32 v6;
	v8 =	vcvt.f32.s32 v8;
	v9 =	vld [tilespmem:s10+$0xFFFFFFD0]  }
0x124: {  	v7 =	vcvt.f32.s32 v7;
	s6 =	sadd.s32 $0x200, s6;
	v14 =	vmul.f32 v14, v0;
	v13 =	vld [tilespmem:s10+$0xFFFFFFE0]  }
0x125: {  	v10 =	vcvt.f32.s32 v10;
	v3 =	vmul.f32 v3, v0;
	v15 =	vld [tilespmem:s10+$0xFFFFFFF0];
	[tilespmem:s6+$0x0] =	vst v1  }
0x126: {  	v16 =	vld [tilespmem:s10+$0xFFFFFF90];
	v1 =	vmul.f32 v4, v0;
	v4 =	vadd.f32 $2.560000000e+02, v14  }
0x127: {  	v14 =	vadd.f32 $2.560000000e+02, v3;
	v3 =	vmul.f32 v5, v0;
	v17 =	vld.idx.msk [tilespmem:v2+s22+$0x0], $0xffff  }
0x128: {  	v5 =	vadd.f32 $2.560000000e+02, v1;
	v1 =	vmul.f32 v9, v0;
	v2 =	vclamp.gez.f32 v4, $5.120000000e+02;
	v18 =	vld.idx.msk [tilespmem:v11+s22+$0x0], $0xffff  }
0x129: {  	v9 =	vadd.f32 $2.560000000e+02, v3;
	v4 =	vmul.f32 v13, v0;
	v3 =	vtrunc.f32 v2;
	v2 =	vld.idx.msk [tilespmem:v12+s22+$0x0], $0xffff  }
.Ltmp7:
0x12a: {  	v11 =	vadd.f32 $2.560000000e+02, v1;
	v13 =	vmul.f32 v15, v0;
	v1 =	vcvt.f32.s32 v3;
	v3 =	vld.idx.msk [tilespmem:v6+s22+$0x0], $0xffff;
	(pc) =	sbr.rel @p1 .LBB2_14-.Ltmp7, $4  }
0x12b: {  	v14 =	vclamp.gez.f32 v14, $5.120000000e+02;
	v15 =	vmul.f32 v16, v0;
	v16 =	vadd.f32 $2.560000000e+02, v4;
	v4 =	vld.idx.msk [tilespmem:v8+s22+$0x0], $0xffff  }
0x12c: {  	v12 =	vclamp.gez.f32 v5, $5.120000000e+02;
	v6 =	vclamp.gez.f32 v9, $5.120000000e+02;
	v19 =	vadd.f32 $2.560000000e+02, v13;
	v5 =	vld.idx.msk [tilespmem:v7+s22+$0x0], $0xffff  }
0x12d: {  	v8 =	vclamp.gez.f32 v11, $5.120000000e+02;
	v13 =	vadd.f32 $2.560000000e+02, v15;
	v7 =	vclamp.gez.f32 v16, $5.120000000e+02;
	[tilespmem:s6+$0xFFFFFF90] =	vst v17;
	v9 =	vld.idx.msk [tilespmem:v10+s22+$0x0], $0xffff  }
0x12e: {  	s10 =	sadd.s32 $0x200, s10;
	v11 =	vtrunc.f32 v14;
	v10 =	vclamp.gez.f32 v19, $5.120000000e+02;
	[tilespmem:s6+$0xFFFFFFA0] =	vst v18  }
.LBB2_15:
0x12f: {  	v13 =	vclamp.gez.f32 v13, $5.120000000e+02  }
0x130: {  	v12 =	vtrunc.f32 v12;
	v11 =	vcvt.f32.s32 v11  }
0x131: {  	v6 =	vtrunc.f32 v6;
	v12 =	vcvt.f32.s32 v12  }
0x132: {  	v8 =	vtrunc.f32 v8;
	v6 =	vcvt.f32.s32 v6  }
0x133: {  	v7 =	vtrunc.f32 v7;
	v8 =	vcvt.f32.s32 v8  }
0x134: {  	[tilespmem:s6+$0xFFFFFFB0] =	vst @p0 v2;
	v1 =	vld.idx.msk [tilespmem:v1+s22+$0x0], $0xffff;
	v2 =	vtrunc.f32 v10;
	v7 =	vcvt.f32.s32 v7  }
0x135: {  	v13 =	vtrunc.f32 v13;
	v2 =	vcvt.f32.s32 v2  }
0x136: {  	[tilespmem:s6+$0xFFFFFFD0] =	vst @p0 v4;
	v13 =	vcvt.f32.s32 v13;
	v4 =	vld.idx.msk [tilespmem:v11+s22+$0x0], $0xffff  }
0x137: {  	s8 =	sadd.s32 @p0 $0x200, s6;
	[tilespmem:s6+$0xFFFFFFE0] =	vst @p0 v5;
	v5 =	vld.idx.msk [tilespmem:v12+s22+$0x0], $0xffff  }
0x138: {  	[tilespmem:s6+$0xFFFFFFC0] =	vst @p0 v3;
	s5 =	smov.u32 @p0 s8;
	v6 =	vld.idx.msk [tilespmem:v6+s22+$0x0], $0xffff  }
0x139: {  	[tilespmem:s5+$0x0] =	vst v1;
	v1 =	vld.idx.msk [tilespmem:v8+s22+$0x0], $0xffff  }
0x13a: {  	[tilespmem:s6+$0xFFFFFFF0] =	vst @p0 v9;
	v7 =	vld.idx.msk [tilespmem:v7+s22+$0x0], $0xffff  }
0x13b: {  	v2 =	vld.idx.msk [tilespmem:v2+s22+$0x0], $0xffff;
	[tilespmem:s5+$0xFFFFFFA0] =	vst v4  }
0x13c: {  	v3 =	vld.idx.msk [tilespmem:v13+s22+$0x0], $0xffff;
	[tilespmem:s5+$0xFFFFFFB0] =	vst v5  }
0x13d: {  	[tilespmem:s5+$0xFFFFFFC0] =	vst v6  }
0x13e: {  	[tilespmem:s5+$0xFFFFFFD0] =	vst v1  }
0x13f: {  	[tilespmem:s5+$0xFFFFFFE0] =	vst v7  }
0x140: {  	[tilespmem:s5+$0xFFFFFFF0] =	vst v2  }
0x141: {  	[tilespmem:s5+$0xFFFFFF90] =	vst v3  }
0x142: {  	[hbm4b:s9+s23] =	stream.strided.scatter [tilespmem:s28], [sflag:$0x3], $0x4000, s24, s23, $0x38;
	[tilespmem:$0x10480] =	vst v63  }
0x143: {  	s5 =	rddreg [dreg:$0x7]  }
0x144: {  	[tilespmem:s4], [sflag:$0x1] =	stream.strided.gather [hbm4b:s5+s23], $0x4000, s24, s23, $0x38;
	[tilespmem:$0x10480] =	vst v63  }
0x145: {  	_ =	swait.ge [sflag:s29], $0x4000  }
0x146: {  	[sflag:s29] =	ssyncset.done $0x0  }
0x147: {  	s12 =	simm.s32 $0x4040;
	[sflag:s29] =	ssyncadd.s32 $0xFFFFC000  }
0x148: {  	v1 =	vld [tilespmem:s12+$0x30]  }
0x149: {  	v2 =	vld [tilespmem:s12+$0xFFFFFFD0]  }
0x14a: {  	v3 =	vld [tilespmem:s12+$0xFFFFFFE0]  }
0x14b: {  	v4 =	vld [tilespmem:s12+$0xFFFFFFF0]  }
0x14c: {  	v5 =	vld [tilespmem:s12+$0x0]  }
0x14d: {  	v6 =	vld [tilespmem:s12+$0x10]  }
0x14e: {  	v7 =	vld [tilespmem:s12+$0x20]  }
0x14f: {  	s20 =	simm.s32 $0x4240;
	v8 =	vld [tilespmem:s12+$0xFFFFFFC0]  }
0x150: {  	v9 =	vld [tilespmem:s20+$0x30]  }
0x151: {  	v10 =	vld [tilespmem:s20+$0xFFFFFFD0];
	v1 =	vmul.f32 v1, v0;
	v2 =	vmul.f32 v2, v0  }
0x152: {  	v11 =	vld [tilespmem:s20+$0xFFFFFFE0];
	v3 =	vmul.f32 v3, v0;
	v4 =	vmul.f32 v4, v0  }
0x153: {  	v5 =	vmul.f32 v5, v0;
	v6 =	vmul.f32 v6, v0  }
0x154: {  	v7 =	vmul.f32 v7, v0;
	v8 =	vmul.f32 v8, v0  }
0x155: {  	v9 =	vmul.f32 v9, v0;
	v1 =	vadd.f32 $2.560000000e+02, v1;
	v2 =	vadd.f32 $2.560000000e+02, v2  }
0x156: {  	v10 =	vmul.f32 v10, v0;
	v3 =	vadd.f32 $2.560000000e+02, v3;
	v4 =	vadd.f32 $2.560000000e+02, v4  }
0x157: {  	v11 =	vmul.f32 v11, v0;
	v5 =	vadd.f32 $2.560000000e+02, v5;
	v6 =	vadd.f32 $2.560000000e+02, v6  }
0x158: {  	v7 =	vadd.f32 $2.560000000e+02, v7;
	v1 =	vclamp.gez.f32 v1, $5.120000000e+02;
	v2 =	vclamp.gez.f32 v2, $5.120000000e+02  }
0x159: {  	v8 =	vadd.f32 $2.560000000e+02, v8;
	v3 =	vclamp.gez.f32 v3, $5.120000000e+02;
	v4 =	vclamp.gez.f32 v4, $5.120000000e+02  }
0x15a: {  	v9 =	vadd.f32 $2.560000000e+02, v9;
	v5 =	vclamp.gez.f32 v5, $5.120000000e+02;
	v6 =	vclamp.gez.f32 v6, $5.120000000e+02  }
0x15b: {  	v7 =	vclamp.gez.f32 v7, $5.120000000e+02;
	v8 =	vclamp.gez.f32 v8, $5.120000000e+02  }
0x15c: {  	v9 =	vclamp.gez.f32 v9, $5.120000000e+02;
	v1 =	vtrunc.f32 v1  }
0x15d: {  	v2 =	vtrunc.f32 v2;
	v3 =	vtrunc.f32 v3  }
0x15e: {  	v8 =	vtrunc.f32 v8;
	v1 =	vcvt.f32.s32 v1  }
0x15f: {  	v12 =	vld [tilespmem:s20+$0xFFFFFFF0];
	v4 =	vtrunc.f32 v4;
	v8 =	vcvt.f32.s32 v8  }
0x160: {  	v13 =	vld [tilespmem:s20+$0x0];
	v5 =	vtrunc.f32 v5;
	v2 =	vcvt.f32.s32 v2  }
0x161: {  	v14 =	vld [tilespmem:s20+$0x10];
	v6 =	vtrunc.f32 v6;
	v3 =	vcvt.f32.s32 v3  }
0x162: {  	v15 =	vld [tilespmem:s20+$0x20];
	v7 =	vtrunc.f32 v7;
	v4 =	vcvt.f32.s32 v4  }
0x163: {  	v16 =	vld [tilespmem:s20+$0xFFFFFFC0];
	v5 =	vcvt.f32.s32 v5;
	v6 =	vcvt.f32.s32 v6  }
0x164: {  	v18 =	vcvt.f32.s32 v7;
	v17 =	vld.idx.msk [tilespmem:v1+s22+$0x0], $0xffff;
	v1 =	vmul.f32 v12, v0  }
0x165: {  	v7 =	vadd.f32 $2.560000000e+02, v10;
	v10 =	vld.idx.msk [tilespmem:v8+s22+$0x0], $0xffff;
	v8 =	vadd.f32 $2.560000000e+02, v11;
	v11 =	vmul.f32 v13, v0  }
0x166: {  	v19 =	vld.idx.msk [tilespmem:v2+s22+$0x0], $0xffff;
	v12 =	vmul.f32 v14, v0;
	v2 =	vtrunc.f32 v9;
	v13 =	vadd.f32 $2.560000000e+02, v1  }
0x167: {  	v1 =	vld.idx.msk [tilespmem:v3+s22+$0x0], $0xffff;
	v9 =	vadd.f32 $2.560000000e+02, v11;
	v11 =	vmul.f32 v15, v0;
	v3 =	vcvt.f32.s32 v2  }
0x168: {  	s5 =	simm.s32 $0xC040;
	v14 =	vmul.f32 v16, v0;
	v2 =	vld.idx.msk [tilespmem:v4+s22+$0x0], $0xffff;
	v15 =	vclamp.gez.f32 v7, $5.120000000e+02;
	v7 =	vadd.f32 $2.560000000e+02, v12  }
0x169: {  	v4 =	vld.idx.msk [tilespmem:v5+s22+$0x0], $0xffff;
	v12 =	vclamp.gez.f32 v8, $5.120000000e+02;
	v8 =	vclamp.gez.f32 v13, $5.120000000e+02;
	v63 =	vadd.f32 $2.560000000e+02, v11;
	[tilespmem:s5+$0x30] =	vst v17  }
0x16a: {  	v5 =	vld.idx.msk [tilespmem:v6+s22+$0x0], $0xffff;
	v9 =	vclamp.gez.f32 v9, $5.120000000e+02;
	v7 =	vclamp.gez.f32 v7, $5.120000000e+02;
	v13 =	vadd.f32 $2.560000000e+02, v14;
	[tilespmem:s5+$0xFFFFFFC0] =	vst v10  }
0x16b: {  	s8 =	simm.s32 $0x4440;
	s6 =	simm.s32 $0x80;
	v6 =	vld.idx.msk [tilespmem:v18+s22+$0x0], $0xffff;
	v11 =	vtrunc.f32 v15;
	[tilespmem:s5+$0xFFFFFFD0] =	vst v19;
	v10 =	vclamp.gez.f32 v63, $5.120000000e+02  }
.LBB2_16:
0x16c: {  	v14 =	vld [tilespmem:s8+$0x30];
	v13 =	vclamp.gez.f32 v13, $5.120000000e+02;
	v12 =	vtrunc.f32 v12;
	[tilespmem:s5+$0xFFFFFFE0] =	vst v1  }
0x16d: {  	s6 =	sadd.s32 $0x80, s6;
	v8 =	vtrunc.f32 v8;
	v1 =	vtrunc.f32 v13;
	v3 =	vld.idx.msk [tilespmem:v3+s22+$0x0], $0xffff;
	[tilespmem:s5+$0xFFFFFFF0] =	vst v2  }
0x16e: {  	v9 =	vtrunc.f32 v9;
	v7 =	vtrunc.f32 v7;
	p0 =	slt.u32 s6, $0xF80;
	v2 =	vld [tilespmem:s8+$0xFFFFFFD0];
	[tilespmem:s5+$0x0] =	vst v4  }
0x16f: {  	v10 =	vtrunc.f32 v10;
	v1 =	vcvt.f32.s32 v1;
	v4 =	vld [tilespmem:s8+$0xFFFFFFE0];
	[tilespmem:s5+$0x10] =	vst v5  }
0x170: {  	v11 =	vcvt.f32.s32 v11;
	v12 =	vcvt.f32.s32 v12;
	v5 =	vld [tilespmem:s8+$0xFFFFFFF0];
	[tilespmem:s5+$0x20] =	vst v6  }
0x171: {  	v8 =	vcvt.f32.s32 v8;
	v9 =	vcvt.f32.s32 v9;
	v6 =	vld [tilespmem:s8+$0x0]  }
0x172: {  	v7 =	vcvt.f32.s32 v7;
	s5 =	sadd.s32 $0x200, s5;
	v14 =	vmul.f32 v14, v0;
	v13 =	vld [tilespmem:s8+$0x10]  }
0x173: {  	v10 =	vcvt.f32.s32 v10;
	v2 =	vmul.f32 v2, v0;
	v15 =	vld [tilespmem:s8+$0x20];
	[tilespmem:s5+$0x30] =	vst v3  }
0x174: {  	v16 =	vld [tilespmem:s8+$0xFFFFFFC0];
	v3 =	vmul.f32 v4, v0;
	v4 =	vadd.f32 $2.560000000e+02, v14  }
0x175: {  	v14 =	vadd.f32 $2.560000000e+02, v2;
	v2 =	vmul.f32 v5, v0;
	v17 =	vld.idx.msk [tilespmem:v1+s22+$0x0], $0xffff  }
0x176: {  	v5 =	vadd.f32 $2.560000000e+02, v3;
	v3 =	vmul.f32 v6, v0;
	v1 =	vclamp.gez.f32 v4, $5.120000000e+02;
	v18 =	vld.idx.msk [tilespmem:v11+s22+$0x0], $0xffff  }
0x177: {  	v6 =	vadd.f32 $2.560000000e+02, v2;
	v4 =	vmul.f32 v13, v0;
	v2 =	vtrunc.f32 v1;
	v1 =	vld.idx.msk [tilespmem:v12+s22+$0x0], $0xffff  }
.Ltmp8:
0x178: {  	v11 =	vadd.f32 $2.560000000e+02, v3;
	v13 =	vmul.f32 v15, v0;
	v3 =	vcvt.f32.s32 v2;
	v2 =	vld.idx.msk [tilespmem:v8+s22+$0x0], $0xffff;
	(pc) =	sbr.rel @p0 .LBB2_16-.Ltmp8, $4  }
0x179: {  	v14 =	vclamp.gez.f32 v14, $5.120000000e+02;
	v15 =	vmul.f32 v16, v0;
	v16 =	vadd.f32 $2.560000000e+02, v4;
	v4 =	vld.idx.msk [tilespmem:v9+s22+$0x0], $0xffff  }
0x17a: {  	v12 =	vclamp.gez.f32 v5, $5.120000000e+02;
	v8 =	vclamp.gez.f32 v6, $5.120000000e+02;
	v19 =	vadd.f32 $2.560000000e+02, v13;
	v5 =	vld.idx.msk [tilespmem:v7+s22+$0x0], $0xffff  }
0x17b: {  	v9 =	vclamp.gez.f32 v11, $5.120000000e+02;
	v13 =	vadd.f32 $2.560000000e+02, v15;
	v7 =	vclamp.gez.f32 v16, $5.120000000e+02;
	[tilespmem:s5+$0xFFFFFFC0] =	vst v17;
	v6 =	vld.idx.msk [tilespmem:v10+s22+$0x0], $0xffff  }
0x17c: {  	s8 =	sadd.s32 $0x200, s8;
	v11 =	vtrunc.f32 v14;
	v10 =	vclamp.gez.f32 v19, $5.120000000e+02;
	[tilespmem:s5+$0xFFFFFFD0] =	vst v18  }
0x17d: {  	v13 =	vclamp.gez.f32 v13, $5.120000000e+02  }
0x17e: {  	v12 =	vtrunc.f32 v12;
	v11 =	vcvt.f32.s32 v11  }
0x17f: {  	v8 =	vtrunc.f32 v8;
	v12 =	vcvt.f32.s32 v12  }
0x180: {  	v9 =	vtrunc.f32 v9;
	v8 =	vcvt.f32.s32 v8  }
0x181: {  	v7 =	vtrunc.f32 v7;
	v9 =	vcvt.f32.s32 v9  }
0x182: {  	[tilespmem:s5+$0xFFFFFFE0] =	vst v1;
	v1 =	vld.idx.msk [tilespmem:v3+s22+$0x0], $0xffff;
	v3 =	vtrunc.f32 v10;
	v7 =	vcvt.f32.s32 v7  }
0x183: {  	[tilespmem:s5+$0xFFFFFFF0] =	vst v2;
	v13 =	vtrunc.f32 v13;
	v2 =	vcvt.f32.s32 v3  }
0x184: {  	[tilespmem:s5+$0x0] =	vst v4;
	v13 =	vcvt.f32.s32 v13;
	v4 =	vld.idx.msk [tilespmem:v11+s22+$0x0], $0xffff  }
0x185: {  	[tilespmem:s5+$0x10] =	vst v5;
	v5 =	vld.idx.msk [tilespmem:v12+s22+$0x0], $0xffff  }
0x186: {  	s12 =	sadd.s32 $0x200, s5;
	[tilespmem:s5+$0x20] =	vst v6;
	v6 =	vld.idx.msk [tilespmem:v8+s22+$0x0], $0xffff  }
0x187: {  	[tilespmem:s12+$0x30] =	vst v1;
	v1 =	vld.idx.msk [tilespmem:v9+s22+$0x0], $0xffff  }
0x188: {  	v7 =	vld.idx.msk [tilespmem:v7+s22+$0x0], $0xffff  }
0x189: {  	v2 =	vld.idx.msk [tilespmem:v2+s22+$0x0], $0xffff;
	[tilespmem:s12+$0xFFFFFFD0] =	vst v4  }
0x18a: {  	v3 =	vld.idx.msk [tilespmem:v13+s22+$0x0], $0xffff;
	[tilespmem:s12+$0xFFFFFFE0] =	vst v5  }
0x18b: {  	[tilespmem:s12+$0xFFFFFFF0] =	vst v6  }
0x18c: {  	[tilespmem:s12+$0x0] =	vst v1  }
0x18d: {  	[tilespmem:s12+$0x10] =	vst v7  }
0x18e: {  	[tilespmem:s12+$0x20] =	vst v2  }
0x18f: {  	s6 =	simm.s32 $0x40F0;
	[tilespmem:s12+$0xFFFFFFC0] =	vst v3  }
0x190: {  	v1 =	vld [tilespmem:s6+$0x0]  }
0x191: {  	v2 =	vld [tilespmem:s6+$0xFFFFFFA0]  }
0x192: {  	v3 =	vld [tilespmem:s6+$0xFFFFFFB0]  }
0x193: {  	v4 =	vld [tilespmem:s6+$0xFFFFFFC0]  }
0x194: {  	v5 =	vld [tilespmem:s6+$0xFFFFFFD0]  }
0x195: {  	v6 =	vld [tilespmem:s6+$0xFFFFFFE0]  }
0x196: {  	v7 =	vld [tilespmem:s6+$0xFFFFFFF0]  }
0x197: {  	s20 =	simm.s32 $0x42F0;
	v8 =	vld [tilespmem:s6+$0xFFFFFF90]  }
0x198: {  	v9 =	vld [tilespmem:s20+$0x0]  }
0x199: {  	v10 =	vld [tilespmem:s20+$0xFFFFFFA0];
	v1 =	vmul.f32 v1, v0;
	v2 =	vmul.f32 v2, v0  }
0x19a: {  	v11 =	vld [tilespmem:s20+$0xFFFFFFB0];
	v3 =	vmul.f32 v3, v0;
	v4 =	vmul.f32 v4, v0  }
0x19b: {  	v5 =	vmul.f32 v5, v0;
	v6 =	vmul.f32 v6, v0  }
0x19c: {  	v7 =	vmul.f32 v7, v0;
	v8 =	vmul.f32 v8, v0  }
0x19d: {  	v9 =	vmul.f32 v9, v0;
	v1 =	vadd.f32 $2.560000000e+02, v1;
	v2 =	vadd.f32 $2.560000000e+02, v2  }
0x19e: {  	v10 =	vmul.f32 v10, v0;
	v3 =	vadd.f32 $2.560000000e+02, v3;
	v4 =	vadd.f32 $2.560000000e+02, v4  }
0x19f: {  	v11 =	vmul.f32 v11, v0;
	v5 =	vadd.f32 $2.560000000e+02, v5;
	v6 =	vadd.f32 $2.560000000e+02, v6  }
0x1a0: {  	v7 =	vadd.f32 $2.560000000e+02, v7;
	v1 =	vclamp.gez.f32 v1, $5.120000000e+02;
	v2 =	vclamp.gez.f32 v2, $5.120000000e+02  }
0x1a1: {  	v8 =	vadd.f32 $2.560000000e+02, v8;
	v3 =	vclamp.gez.f32 v3, $5.120000000e+02;
	v4 =	vclamp.gez.f32 v4, $5.120000000e+02  }
0x1a2: {  	v9 =	vadd.f32 $2.560000000e+02, v9;
	v5 =	vclamp.gez.f32 v5, $5.120000000e+02;
	v6 =	vclamp.gez.f32 v6, $5.120000000e+02  }
0x1a3: {  	v7 =	vclamp.gez.f32 v7, $5.120000000e+02;
	v8 =	vclamp.gez.f32 v8, $5.120000000e+02  }
0x1a4: {  	v9 =	vclamp.gez.f32 v9, $5.120000000e+02;
	v1 =	vtrunc.f32 v1  }
0x1a5: {  	v2 =	vtrunc.f32 v2;
	v3 =	vtrunc.f32 v3  }
0x1a6: {  	v8 =	vtrunc.f32 v8;
	v1 =	vcvt.f32.s32 v1  }
0x1a7: {  	v12 =	vld [tilespmem:s20+$0xFFFFFFC0];
	v4 =	vtrunc.f32 v4;
	v8 =	vcvt.f32.s32 v8  }
0x1a8: {  	v13 =	vld [tilespmem:s20+$0xFFFFFFD0];
	v5 =	vtrunc.f32 v5;
	v2 =	vcvt.f32.s32 v2  }
0x1a9: {  	v14 =	vld [tilespmem:s20+$0xFFFFFFE0];
	v6 =	vtrunc.f32 v6;
	v3 =	vcvt.f32.s32 v3  }
0x1aa: {  	v15 =	vld [tilespmem:s20+$0xFFFFFFF0];
	v7 =	vtrunc.f32 v7;
	v4 =	vcvt.f32.s32 v4  }
0x1ab: {  	v16 =	vld [tilespmem:s20+$0xFFFFFF90];
	v5 =	vcvt.f32.s32 v5;
	v6 =	vcvt.f32.s32 v6  }
0x1ac: {  	v18 =	vcvt.f32.s32 v7;
	v17 =	vld.idx.msk [tilespmem:v1+s22+$0x0], $0xffff;
	v1 =	vmul.f32 v12, v0  }
0x1ad: {  	v7 =	vadd.f32 $2.560000000e+02, v10;
	v10 =	vld.idx.msk [tilespmem:v8+s22+$0x0], $0xffff;
	v8 =	vadd.f32 $2.560000000e+02, v11;
	v11 =	vmul.f32 v13, v0  }
0x1ae: {  	v19 =	vld.idx.msk [tilespmem:v2+s22+$0x0], $0xffff;
	v12 =	vmul.f32 v14, v0;
	v2 =	vtrunc.f32 v9;
	v13 =	vadd.f32 $2.560000000e+02, v1  }
0x1af: {  	v1 =	vld.idx.msk [tilespmem:v3+s22+$0x0], $0xffff;
	v9 =	vadd.f32 $2.560000000e+02, v11;
	v11 =	vmul.f32 v15, v0;
	v3 =	vcvt.f32.s32 v2  }
0x1b0: {  	s5 =	simm.s32 $0xC0F0;
	v14 =	vmul.f32 v16, v0;
	v2 =	vld.idx.msk [tilespmem:v4+s22+$0x0], $0xffff;
	v15 =	vclamp.gez.f32 v7, $5.120000000e+02;
	v7 =	vadd.f32 $2.560000000e+02, v12  }
0x1b1: {  	v4 =	vld.idx.msk [tilespmem:v5+s22+$0x0], $0xffff;
	v12 =	vclamp.gez.f32 v8, $5.120000000e+02;
	v8 =	vclamp.gez.f32 v13, $5.120000000e+02;
	v63 =	vadd.f32 $2.560000000e+02, v11;
	[tilespmem:s5+$0x0] =	vst v17  }
0x1b2: {  	v5 =	vld.idx.msk [tilespmem:v6+s22+$0x0], $0xffff;
	v9 =	vclamp.gez.f32 v9, $5.120000000e+02;
	v7 =	vclamp.gez.f32 v7, $5.120000000e+02;
	v13 =	vadd.f32 $2.560000000e+02, v14;
	[tilespmem:s5+$0xFFFFFF90] =	vst v10  }
0x1b3: {  	s8 =	simm.s32 $0x44F0;
	s6 =	simm.s32 $0x80;
	v6 =	vld.idx.msk [tilespmem:v18+s22+$0x0], $0xffff;
	v11 =	vtrunc.f32 v15;
	[tilespmem:s5+$0xFFFFFFA0] =	vst v19;
	v10 =	vclamp.gez.f32 v63, $5.120000000e+02  }
.LBB2_18:
0x1b4: {  	v14 =	vld [tilespmem:s8+$0x0];
	v13 =	vclamp.gez.f32 v13, $5.120000000e+02;
	v12 =	vtrunc.f32 v12;
	[tilespmem:s5+$0xFFFFFFB0] =	vst v1  }
0x1b5: {  	s6 =	sadd.s32 $0x80, s6;
	v8 =	vtrunc.f32 v8;
	v1 =	vtrunc.f32 v13;
	v3 =	vld.idx.msk [tilespmem:v3+s22+$0x0], $0xffff;
	[tilespmem:s5+$0xFFFFFFC0] =	vst v2  }
0x1b6: {  	v9 =	vtrunc.f32 v9;
	v7 =	vtrunc.f32 v7;
	p0 =	slt.u32 s6, $0xF80;
	v2 =	vld [tilespmem:s8+$0xFFFFFFA0];
	[tilespmem:s5+$0xFFFFFFD0] =	vst v4  }
0x1b7: {  	v10 =	vtrunc.f32 v10;
	v1 =	vcvt.f32.s32 v1;
	v4 =	vld [tilespmem:s8+$0xFFFFFFB0];
	[tilespmem:s5+$0xFFFFFFE0] =	vst v5  }
0x1b8: {  	v11 =	vcvt.f32.s32 v11;
	v12 =	vcvt.f32.s32 v12;
	v5 =	vld [tilespmem:s8+$0xFFFFFFC0];
	[tilespmem:s5+$0xFFFFFFF0] =	vst v6  }
0x1b9: {  	v8 =	vcvt.f32.s32 v8;
	v9 =	vcvt.f32.s32 v9;
	v6 =	vld [tilespmem:s8+$0xFFFFFFD0]  }
0x1ba: {  	v7 =	vcvt.f32.s32 v7;
	s5 =	sadd.s32 $0x200, s5;
	v14 =	vmul.f32 v14, v0;
	v13 =	vld [tilespmem:s8+$0xFFFFFFE0]  }
0x1bb: {  	v10 =	vcvt.f32.s32 v10;
	v2 =	vmul.f32 v2, v0;
	v15 =	vld [tilespmem:s8+$0xFFFFFFF0];
	[tilespmem:s5+$0x0] =	vst v3  }
0x1bc: {  	v16 =	vld [tilespmem:s8+$0xFFFFFF90];
	v3 =	vmul.f32 v4, v0;
	v4 =	vadd.f32 $2.560000000e+02, v14  }
0x1bd: {  	v14 =	vadd.f32 $2.560000000e+02, v2;
	v2 =	vmul.f32 v5, v0;
	v17 =	vld.idx.msk [tilespmem:v1+s22+$0x0], $0xffff  }
0x1be: {  	v5 =	vadd.f32 $2.560000000e+02, v3;
	v3 =	vmul.f32 v6, v0;
	v1 =	vclamp.gez.f32 v4, $5.120000000e+02;
	v18 =	vld.idx.msk [tilespmem:v11+s22+$0x0], $0xffff  }
0x1bf: {  	v6 =	vadd.f32 $2.560000000e+02, v2;
	v4 =	vmul.f32 v13, v0;
	v2 =	vtrunc.f32 v1;
	v1 =	vld.idx.msk [tilespmem:v12+s22+$0x0], $0xffff  }
.Ltmp9:
0x1c0: {  	v11 =	vadd.f32 $2.560000000e+02, v3;
	v13 =	vmul.f32 v15, v0;
	v3 =	vcvt.f32.s32 v2;
	v2 =	vld.idx.msk [tilespmem:v8+s22+$0x0], $0xffff;
	(pc) =	sbr.rel @p0 .LBB2_18-.Ltmp9, $4  }
0x1c1: {  	v14 =	vclamp.gez.f32 v14, $5.120000000e+02;
	v15 =	vmul.f32 v16, v0;
	v16 =	vadd.f32 $2.560000000e+02, v4;
	v4 =	vld.idx.msk [tilespmem:v9+s22+$0x0], $0xffff  }
0x1c2: {  	v12 =	vclamp.gez.f32 v5, $5.120000000e+02;
	v8 =	vclamp.gez.f32 v6, $5.120000000e+02;
	v19 =	vadd.f32 $2.560000000e+02, v13;
	v5 =	vld.idx.msk [tilespmem:v7+s22+$0x0], $0xffff  }
0x1c3: {  	v9 =	vclamp.gez.f32 v11, $5.120000000e+02;
	v13 =	vadd.f32 $2.560000000e+02, v15;
	v7 =	vclamp.gez.f32 v16, $5.120000000e+02;
	[tilespmem:s5+$0xFFFFFF90] =	vst v17;
	v6 =	vld.idx.msk [tilespmem:v10+s22+$0x0], $0xffff  }
0x1c4: {  	s8 =	sadd.s32 $0x200, s8;
	v11 =	vtrunc.f32 v14;
	v10 =	vclamp.gez.f32 v19, $5.120000000e+02;
	[tilespmem:s5+$0xFFFFFFA0] =	vst v18  }
0x1c5: {  	v13 =	vclamp.gez.f32 v13, $5.120000000e+02  }
0x1c6: {  	v12 =	vtrunc.f32 v12;
	v11 =	vcvt.f32.s32 v11  }
0x1c7: {  	v8 =	vtrunc.f32 v8;
	v12 =	vcvt.f32.s32 v12  }
0x1c8: {  	v9 =	vtrunc.f32 v9;
	v8 =	vcvt.f32.s32 v8  }
0x1c9: {  	v7 =	vtrunc.f32 v7;
	v9 =	vcvt.f32.s32 v9  }
0x1ca: {  	[tilespmem:s5+$0xFFFFFFB0] =	vst v1;
	v1 =	vld.idx.msk [tilespmem:v3+s22+$0x0], $0xffff;
	v3 =	vtrunc.f32 v10;
	v7 =	vcvt.f32.s32 v7  }
0x1cb: {  	[tilespmem:s5+$0xFFFFFFC0] =	vst v2;
	v13 =	vtrunc.f32 v13;
	v2 =	vcvt.f32.s32 v3  }
0x1cc: {  	[tilespmem:s5+$0xFFFFFFD0] =	vst v4;
	v13 =	vcvt.f32.s32 v13;
	v4 =	vld.idx.msk [tilespmem:v11+s22+$0x0], $0xffff  }
0x1cd: {  	[tilespmem:s5+$0xFFFFFFE0] =	vst v5;
	v5 =	vld.idx.msk [tilespmem:v12+s22+$0x0], $0xffff  }
0x1ce: {  	s20 =	sadd.s32 $0x200, s5;
	[tilespmem:s5+$0xFFFFFFF0] =	vst v6;
	v6 =	vld.idx.msk [tilespmem:v8+s22+$0x0], $0xffff  }
0x1cf: {  	[tilespmem:s20+$0x0] =	vst v1;
	v1 =	vld.idx.msk [tilespmem:v9+s22+$0x0], $0xffff  }
0x1d0: {  	v7 =	vld.idx.msk [tilespmem:v7+s22+$0x0], $0xffff  }
0x1d1: {  	v2 =	vld.idx.msk [tilespmem:v2+s22+$0x0], $0xffff;
	[tilespmem:s20+$0xFFFFFFA0] =	vst v4  }
0x1d2: {  	v3 =	vld.idx.msk [tilespmem:v13+s22+$0x0], $0xffff;
	[tilespmem:s20+$0xFFFFFFB0] =	vst v5  }
0x1d3: {  	[tilespmem:s20+$0xFFFFFFC0] =	vst v6  }
0x1d4: {  	[tilespmem:s20+$0xFFFFFFD0] =	vst v1  }
0x1d5: {  	[tilespmem:s20+$0xFFFFFFE0] =	vst v7  }
0x1d6: {  	[tilespmem:s20+$0xFFFFFFF0] =	vst v2  }
0x1d7: {  	s6 =	simm.s32 $0x4170;
	[tilespmem:s20+$0xFFFFFF90] =	vst v3  }
0x1d8: {  	v1 =	vld [tilespmem:s6+$0x0]  }
0x1d9: {  	v2 =	vld [tilespmem:s6+$0xFFFFFFA0]  }
0x1da: {  	v3 =	vld [tilespmem:s6+$0xFFFFFFB0]  }
0x1db: {  	v4 =	vld [tilespmem:s6+$0xFFFFFFC0]  }
0x1dc: {  	v5 =	vld [tilespmem:s6+$0xFFFFFFD0]  }
0x1dd: {  	v6 =	vld [tilespmem:s6+$0xFFFFFFE0]  }
0x1de: {  	v7 =	vld [tilespmem:s6+$0xFFFFFFF0]  }
0x1df: {  	v8 =	vld [tilespmem:s6+$0xFFFFFF90]  }
0x1e0: {  	v1 =	vmul.f32 v1, v0;
	v2 =	vmul.f32 v2, v0  }
0x1e1: {  	v3 =	vmul.f32 v3, v0;
	v4 =	vmul.f32 v4, v0  }
0x1e2: {  	v5 =	vmul.f32 v5, v0;
	v6 =	vmul.f32 v6, v0;
	v1 =	vadd.f32 $2.560000000e+02, v1  }
0x1e3: {  	v7 =	vmul.f32 v7, v0;
	v2 =	vadd.f32 $2.560000000e+02, v2;
	v3 =	vadd.f32 $2.560000000e+02, v3  }
0x1e4: {  	p1 =	por $0x1, $0x1;
	v10 =	vmul.f32 v8, v0;
	v4 =	vadd.f32 $2.560000000e+02, v4;
	v9 =	vadd.f32 $2.560000000e+02, v5  }
.Ltmp10:
0x1e5: {  	v6 =	vadd.f32 $2.560000000e+02, v6;
	v1 =	vclamp.gez.f32 v1, $5.120000000e+02;
	v2 =	vclamp.gez.f32 v2, $5.120000000e+02;
	(pc) =	sbr.rel @!p1 .LBB2_20-.Ltmp10, $4  }
0x1e6: {  	v12 =	vclamp.gez.f32 v3, $5.120000000e+02;
	v5 =	vclamp.gez.f32 v4, $5.120000000e+02  }
0x1e7: {  	v3 =	vadd.f32 $2.560000000e+02, v7;
	v8 =	vclamp.gez.f32 v9, $5.120000000e+02;
	v7 =	vclamp.gez.f32 v6, $5.120000000e+02  }
0x1e8: {  	v13 =	vadd.f32 $2.560000000e+02, v10;
	v1 =	vtrunc.f32 v1;
	v10 =	vtrunc.f32 v2  }
0x1e9: {  	p0 =	por $0x0, $0x0;
	s5 =	simm.s32 $0xC170;
	s6 =	simm.s32 $0x4370;
	v1 =	vcvt.f32.s32 v1;
	v9 =	vclamp.gez.f32 v3, $5.120000000e+02  }
0x1ea: {  	v2 =	vld [tilespmem:s6+$0x0]  }
0x1eb: {  	v3 =	vclamp.gez.f32 v13, $5.120000000e+02;
	v4 =	vtrunc.f32 v12;
	v6 =	vld [tilespmem:s6+$0xFFFFFFA0]  }
0x1ec: {  	v5 =	vtrunc.f32 v5;
	v8 =	vtrunc.f32 v8;
	v11 =	vld [tilespmem:s6+$0xFFFFFFB0]  }
0x1ed: {  	v7 =	vtrunc.f32 v7;
	v9 =	vtrunc.f32 v9;
	v12 =	vld [tilespmem:s6+$0xFFFFFFC0]  }
0x1ee: {  	v10 =	vcvt.f32.s32 v10;
	v14 =	vld [tilespmem:s6+$0xFFFFFFE0];
	v3 =	vtrunc.f32 v3  }
0x1ef: {  	v15 =	vld [tilespmem:s6+$0xFFFFFFF0];
	v4 =	vcvt.f32.s32 v4;
	v3 =	vcvt.f32.s32 v3  }
0x1f0: {  	v13 =	vld [tilespmem:s6+$0xFFFFFFD0];
	v5 =	vcvt.f32.s32 v5;
	v7 =	vcvt.f32.s32 v7  }
0x1f1: {  	v8 =	vcvt.f32.s32 v8;
	v2 =	vmul.f32 v2, v0  }
0x1f2: {  	v16 =	vld [tilespmem:s6+$0xFFFFFF90];
	v9 =	vcvt.f32.s32 v9;
	v6 =	vmul.f32 v6, v0  }
0x1f3: {  	v17 =	vld.idx.msk [tilespmem:v1+s22+$0x0], $0xffff;
	v11 =	vmul.f32 v11, v0;
	v1 =	vmul.f32 v12, v0;
	v2 =	vadd.f32 $2.560000000e+02, v2  }
0x1f4: {  	v12 =	vmul.f32 v14, v0;
	v14 =	vmul.f32 v15, v0;
	v19 =	vld.idx.msk [tilespmem:v10+s22+$0x0], $0xffff;
	v6 =	vadd.f32 $2.560000000e+02, v6  }
0x1f5: {  	v18 =	vld.idx.msk [tilespmem:v3+s22+$0x0], $0xffff;
	v3 =	vmul.f32 v13, v0;
	v2 =	vclamp.gez.f32 v2, $5.120000000e+02  }
0x1f6: {  	p3 =	por $0x1, $0x1;
	v10 =	vadd.f32 $2.560000000e+02, v1;
	v63 =	vclamp.gez.f32 v6, $5.120000000e+02;
	v6 =	vld.idx.msk [tilespmem:v7+s22+$0x0], $0xffff;
	v1 =	vtrunc.f32 v2  }
.Ltmp11:
0x1f7: {  	v11 =	vadd.f32 $2.560000000e+02, v11;
	v20 =	vadd.f32 $2.560000000e+02, v12;
	v2 =	vld.idx.msk [tilespmem:v4+s22+$0x0], $0xffff;
	v1 =	vcvt.f32.s32 v1;
	(pc) =	sbr.rel @!p3 .LBB2_22-.Ltmp11, $4  }
0x1f8: {  	v15 =	vmul.f32 v16, v0;
	v14 =	vadd.f32 $2.560000000e+02, v14;
	v13 =	vadd.f32 $2.560000000e+02, v3;
	v3 =	vld.idx.msk [tilespmem:v5+s22+$0x0], $0xffff  }
0x1f9: {  	[tilespmem:s5+$0x0] =	vst v17;
	v12 =	vclamp.gez.f32 v11, $5.120000000e+02;
	v7 =	vclamp.gez.f32 v20, $5.120000000e+02;
	v4 =	vld.idx.msk [tilespmem:v8+s22+$0x0], $0xffff  }
0x1fa: {  	s8 =	simm.s32 $0x80;
	v11 =	vld.idx.msk [tilespmem:v9+s22+$0x0], $0xffff;
	v9 =	vclamp.gez.f32 v14, $5.120000000e+02;
	[tilespmem:s5+$0xFFFFFFA0] =	vst v19;
	v8 =	vclamp.gez.f32 v13, $5.120000000e+02;
	v13 =	vadd.f32 $2.560000000e+02, v15  }
0x1fb: {  	s10 =	simm.s32 $0x4570;
	p2 =	por $0x1, $0x1;
	s6 =	simm.s32 $0xC170;
	v5 =	vclamp.gez.f32 v10, $5.120000000e+02;
	v10 =	vtrunc.f32 v63;
	[tilespmem:s5+$0xFFFFFF90] =	vst v18  }
.LBB2_23:
0x1fc: {  	v14 =	vld [tilespmem:s10+$0x0];
	v13 =	vclamp.gez.f32 v13, $5.120000000e+02;
	v12 =	vtrunc.f32 v12;
	[tilespmem:s6+$0xFFFFFFB0] =	vst v2  }
0x1fd: {  	s8 =	sadd.s32 $0x80, s8;
	v5 =	vtrunc.f32 v5;
	v2 =	vtrunc.f32 v13;
	v1 =	vld.idx.msk [tilespmem:v1+s22+$0x0], $0xffff;
	[tilespmem:s6+$0xFFFFFFC0] =	vst v3  }
0x1fe: {  	v8 =	vtrunc.f32 v8;
	v7 =	vtrunc.f32 v7;
	p3 =	slt.u32 s8, $0xF80;
	v3 =	vld [tilespmem:s10+$0xFFFFFFA0];
	[tilespmem:s6+$0xFFFFFFD0] =	vst v4  }
0x1ff: {  	v9 =	vtrunc.f32 v9;
	v2 =	vcvt.f32.s32 v2;
	v4 =	vld [tilespmem:s10+$0xFFFFFFB0];
	[tilespmem:s6+$0xFFFFFFE0] =	vst v6  }
0x200: {  	v10 =	vcvt.f32.s32 v10;
	v12 =	vcvt.f32.s32 v12;
	v6 =	vld [tilespmem:s10+$0xFFFFFFC0];
	[tilespmem:s6+$0xFFFFFFF0] =	vst v11  }
0x201: {  	v5 =	vcvt.f32.s32 v5;
	v8 =	vcvt.f32.s32 v8;
	v11 =	vld [tilespmem:s10+$0xFFFFFFD0]  }
0x202: {  	v7 =	vcvt.f32.s32 v7;
	s6 =	sadd.s32 $0x200, s6;
	v14 =	vmul.f32 v14, v0;
	v13 =	vld [tilespmem:s10+$0xFFFFFFE0]  }
0x203: {  	v9 =	vcvt.f32.s32 v9;
	v3 =	vmul.f32 v3, v0;
	v15 =	vld [tilespmem:s10+$0xFFFFFFF0];
	[tilespmem:s6+$0x0] =	vst v1  }
0x204: {  	v16 =	vld [tilespmem:s10+$0xFFFFFF90];
	v1 =	vmul.f32 v4, v0;
	v4 =	vadd.f32 $2.560000000e+02, v14  }
0x205: {  	v14 =	vadd.f32 $2.560000000e+02, v3;
	v3 =	vmul.f32 v6, v0;
	v17 =	vld.idx.msk [tilespmem:v2+s22+$0x0], $0xffff  }
0x206: {  	v6 =	vadd.f32 $2.560000000e+02, v1;
	v1 =	vmul.f32 v11, v0;
	v2 =	vclamp.gez.f32 v4, $5.120000000e+02;
	v18 =	vld.idx.msk [tilespmem:v10+s22+$0x0], $0xffff  }
0x207: {  	v10 =	vadd.f32 $2.560000000e+02, v3;
	v4 =	vmul.f32 v13, v0;
	v3 =	vtrunc.f32 v2;
	v2 =	vld.idx.msk [tilespmem:v12+s22+$0x0], $0xffff  }
.Ltmp12:
0x208: {  	v11 =	vadd.f32 $2.560000000e+02, v1;
	v13 =	vmul.f32 v15, v0;
	v1 =	vcvt.f32.s32 v3;
	v3 =	vld.idx.msk [tilespmem:v5+s22+$0x0], $0xffff;
	(pc) =	sbr.rel @p3 .LBB2_23-.Ltmp12, $4  }
0x209: {  	v14 =	vclamp.gez.f32 v14, $5.120000000e+02;
	v15 =	vmul.f32 v16, v0;
	v16 =	vadd.f32 $2.560000000e+02, v4;
	v4 =	vld.idx.msk [tilespmem:v8+s22+$0x0], $0xffff  }
0x20a: {  	v12 =	vclamp.gez.f32 v6, $5.120000000e+02;
	v5 =	vclamp.gez.f32 v10, $5.120000000e+02;
	v19 =	vadd.f32 $2.560000000e+02, v13;
	v6 =	vld.idx.msk [tilespmem:v7+s22+$0x0], $0xffff  }
0x20b: {  	v8 =	vclamp.gez.f32 v11, $5.120000000e+02;
	v13 =	vadd.f32 $2.560000000e+02, v15;
	v7 =	vclamp.gez.f32 v16, $5.120000000e+02;
	[tilespmem:s6+$0xFFFFFF90] =	vst v17;
	v11 =	vld.idx.msk [tilespmem:v9+s22+$0x0], $0xffff  }
0x20c: {  	s10 =	sadd.s32 $0x200, s10;
	v10 =	vtrunc.f32 v14;
	v9 =	vclamp.gez.f32 v19, $5.120000000e+02;
	[tilespmem:s6+$0xFFFFFFA0] =	vst v18  }
.LBB2_24:
0x20d: {  	v13 =	vclamp.gez.f32 v13, $5.120000000e+02  }
0x20e: {  	v12 =	vtrunc.f32 v12;
	v10 =	vcvt.f32.s32 v10  }
0x20f: {  	v5 =	vtrunc.f32 v5;
	v12 =	vcvt.f32.s32 v12  }
0x210: {  	v8 =	vtrunc.f32 v8;
	v5 =	vcvt.f32.s32 v5  }
0x211: {  	v7 =	vtrunc.f32 v7;
	v8 =	vcvt.f32.s32 v8  }
0x212: {  	[tilespmem:s6+$0xFFFFFFB0] =	vst @p2 v2;
	v1 =	vld.idx.msk [tilespmem:v1+s22+$0x0], $0xffff;
	v2 =	vtrunc.f32 v9;
	v7 =	vcvt.f32.s32 v7  }
0x213: {  	v13 =	vtrunc.f32 v13;
	v2 =	vcvt.f32.s32 v2  }
0x214: {  	[tilespmem:s6+$0xFFFFFFD0] =	vst @p2 v4;
	v13 =	vcvt.f32.s32 v13;
	v4 =	vld.idx.msk [tilespmem:v10+s22+$0x0], $0xffff  }
0x215: {  	s8 =	sadd.s32 @p2 $0x200, s6;
	[tilespmem:s6+$0xFFFFFFE0] =	vst @p2 v6;
	v6 =	vld.idx.msk [tilespmem:v12+s22+$0x0], $0xffff  }
0x216: {  	[tilespmem:s6+$0xFFFFFFC0] =	vst @p2 v3;
	s5 =	smov.u32 @p2 s8;
	v5 =	vld.idx.msk [tilespmem:v5+s22+$0x0], $0xffff  }
0x217: {  	[tilespmem:s5+$0x0] =	vst v1;
	v1 =	vld.idx.msk [tilespmem:v8+s22+$0x0], $0xffff  }
0x218: {  	[tilespmem:s6+$0xFFFFFFF0] =	vst @p2 v11;
	v7 =	vld.idx.msk [tilespmem:v7+s22+$0x0], $0xffff  }
0x219: {  	v2 =	vld.idx.msk [tilespmem:v2+s22+$0x0], $0xffff;
	[tilespmem:s5+$0xFFFFFFA0] =	vst v4  }
0x21a: {  	v3 =	vld.idx.msk [tilespmem:v13+s22+$0x0], $0xffff;
	[tilespmem:s5+$0xFFFFFFB0] =	vst v6  }
0x21b: {  	[tilespmem:s5+$0xFFFFFFC0] =	vst v5  }
0x21c: {  	[tilespmem:s5+$0xFFFFFFD0] =	vst v1  }
0x21d: {  	[tilespmem:s5+$0xFFFFFFE0] =	vst v7  }
0x21e: {  	[tilespmem:s5+$0xFFFFFFF0] =	vst v2  }
0x21f: {  	s20 =	simm.s32 $0x41F0;
	[tilespmem:s5+$0xFFFFFF90] =	vst v3  }
0x220: {  	v1 =	vld [tilespmem:s20+$0x0]  }
0x221: {  	v2 =	vld [tilespmem:s20+$0xFFFFFFA0]  }
0x222: {  	v3 =	vld [tilespmem:s20+$0xFFFFFFB0]  }
0x223: {  	v4 =	vld [tilespmem:s20+$0xFFFFFFC0]  }
0x224: {  	v5 =	vld [tilespmem:s20+$0xFFFFFFD0]  }
0x225: {  	v6 =	vld [tilespmem:s20+$0xFFFFFFE0]  }
0x226: {  	v7 =	vld [tilespmem:s20+$0xFFFFFFF0]  }
0x227: {  	v8 =	vld [tilespmem:s20+$0xFFFFFF90]  }
0x228: {  	v1 =	vmul.f32 v1, v0;
	v2 =	vmul.f32 v2, v0  }
0x229: {  	v3 =	vmul.f32 v3, v0;
	v4 =	vmul.f32 v4, v0  }
0x22a: {  	v5 =	vmul.f32 v5, v0;
	v6 =	vmul.f32 v6, v0;
	v1 =	vadd.f32 $2.560000000e+02, v1  }
0x22b: {  	v7 =	vmul.f32 v7, v0;
	v2 =	vadd.f32 $2.560000000e+02, v2;
	v3 =	vadd.f32 $2.560000000e+02, v3  }
0x22c: {  	v9 =	vmul.f32 v8, v0;
	v4 =	vadd.f32 $2.560000000e+02, v4;
	v5 =	vadd.f32 $2.560000000e+02, v5  }
.Ltmp13:
0x22d: {  	v10 =	vadd.f32 $2.560000000e+02, v6;
	v1 =	vclamp.gez.f32 v1, $5.120000000e+02;
	v2 =	vclamp.gez.f32 v2, $5.120000000e+02;
	(pc) =	sbr.rel @!p1 .LBB2_25-.Ltmp13, $4  }
0x22e: {  	v12 =	vclamp.gez.f32 v3, $5.120000000e+02;
	v6 =	vclamp.gez.f32 v4, $5.120000000e+02  }
0x22f: {  	v3 =	vadd.f32 $2.560000000e+02, v7;
	v8 =	vclamp.gez.f32 v5, $5.120000000e+02;
	v7 =	vclamp.gez.f32 v10, $5.120000000e+02  }
0x230: {  	v1 =	vtrunc.f32 v1;
	v11 =	vtrunc.f32 v2  }
0x231: {  	s6 =	simm.s32 $0x43F0;
	s5 =	simm.s32 $0xC1F0;
	v13 =	vadd.f32 $2.560000000e+02, v9;
	v1 =	vcvt.f32.s32 v1;
	v10 =	vclamp.gez.f32 v3, $5.120000000e+02  }
0x232: {  	v2 =	vld [tilespmem:s6+$0x0]  }
0x233: {  	v4 =	vtrunc.f32 v12;
	v5 =	vtrunc.f32 v6;
	v6 =	vld [tilespmem:s6+$0xFFFFFFA0]  }
0x234: {  	v8 =	vtrunc.f32 v8;
	v7 =	vtrunc.f32 v7;
	v9 =	vld [tilespmem:s6+$0xFFFFFFB0]  }
0x235: {  	v10 =	vtrunc.f32 v10;
	v12 =	vld [tilespmem:s6+$0xFFFFFFC0];
	v3 =	vclamp.gez.f32 v13, $5.120000000e+02  }
0x236: {  	v11 =	vcvt.f32.s32 v11;
	v14 =	vld [tilespmem:s6+$0xFFFFFFE0];
	v3 =	vtrunc.f32 v3  }
0x237: {  	v15 =	vld [tilespmem:s6+$0xFFFFFFF0];
	v4 =	vcvt.f32.s32 v4;
	v3 =	vcvt.f32.s32 v3  }
0x238: {  	v13 =	vld [tilespmem:s6+$0xFFFFFFD0];
	v5 =	vcvt.f32.s32 v5;
	v10 =	vcvt.f32.s32 v10  }
0x239: {  	v8 =	vcvt.f32.s32 v8;
	v2 =	vmul.f32 v2, v0  }
0x23a: {  	v16 =	vld [tilespmem:s6+$0xFFFFFF90];
	v7 =	vcvt.f32.s32 v7;
	v9 =	vmul.f32 v9, v0  }
0x23b: {  	v17 =	vld.idx.msk [tilespmem:v1+s22+$0x0], $0xffff;
	v6 =	vmul.f32 v6, v0;
	v1 =	vmul.f32 v12, v0;
	v2 =	vadd.f32 $2.560000000e+02, v2  }
0x23c: {  	v12 =	vmul.f32 v14, v0;
	v14 =	vmul.f32 v15, v0;
	v19 =	vld.idx.msk [tilespmem:v11+s22+$0x0], $0xffff;
	v9 =	vadd.f32 $2.560000000e+02, v9  }
0x23d: {  	v11 =	vadd.f32 $2.560000000e+02, v1;
	v18 =	vld.idx.msk [tilespmem:v3+s22+$0x0], $0xffff;
	v3 =	vmul.f32 v13, v0;
	v2 =	vclamp.gez.f32 v2, $5.120000000e+02  }
0x23e: {  	p1 =	por $0x1, $0x1;
	v20 =	vadd.f32 $2.560000000e+02, v12;
	v12 =	vclamp.gez.f32 v9, $5.120000000e+02;
	v9 =	vld.idx.msk [tilespmem:v10+s22+$0x0], $0xffff;
	v1 =	vtrunc.f32 v2  }
.Ltmp14:
0x23f: {  	v6 =	vadd.f32 $2.560000000e+02, v6;
	v2 =	vld.idx.msk [tilespmem:v4+s22+$0x0], $0xffff;
	v1 =	vcvt.f32.s32 v1;
	(pc) =	sbr.rel @!p1 .LBB2_27-.Ltmp14, $4  }
0x240: {  	v15 =	vmul.f32 v16, v0;
	v14 =	vadd.f32 $2.560000000e+02, v14;
	v13 =	vadd.f32 $2.560000000e+02, v3;
	v3 =	vld.idx.msk [tilespmem:v5+s22+$0x0], $0xffff  }
0x241: {  	[tilespmem:s5+$0x0] =	vst v17;
	v63 =	vclamp.gez.f32 v6, $5.120000000e+02;
	v6 =	vclamp.gez.f32 v11, $5.120000000e+02;
	v4 =	vld.idx.msk [tilespmem:v8+s22+$0x0], $0xffff  }
0x242: {  	s8 =	simm.s32 $0x80;
	v10 =	vclamp.gez.f32 v14, $5.120000000e+02;
	v5 =	vld.idx.msk [tilespmem:v7+s22+$0x0], $0xffff;
	[tilespmem:s5+$0xFFFFFFA0] =	vst v19;
	v8 =	vclamp.gez.f32 v13, $5.120000000e+02;
	v13 =	vadd.f32 $2.560000000e+02, v15  }
0x243: {  	s10 =	simm.s32 $0x45F0;
	p0 =	por $0x1, $0x1;
	s6 =	simm.s32 $0xC1F0;
	v11 =	vtrunc.f32 v63;
	v7 =	vclamp.gez.f32 v20, $5.120000000e+02;
	[tilespmem:s5+$0xFFFFFF90] =	vst v18  }
.LBB2_28:
0x244: {  	v14 =	vld [tilespmem:s10+$0x0];
	v13 =	vclamp.gez.f32 v13, $5.120000000e+02;
	v12 =	vtrunc.f32 v12;
	[tilespmem:s6+$0xFFFFFFB0] =	vst v2  }
0x245: {  	s8 =	sadd.s32 $0x80, s8;
	v6 =	vtrunc.f32 v6;
	v2 =	vtrunc.f32 v13;
	v1 =	vld.idx.msk [tilespmem:v1+s22+$0x0], $0xffff;
	[tilespmem:s6+$0xFFFFFFC0] =	vst v3  }
0x246: {  	v8 =	vtrunc.f32 v8;
	v7 =	vtrunc.f32 v7;
	p1 =	slt.u32 s8, $0xF80;
	v3 =	vld [tilespmem:s10+$0xFFFFFFA0];
	[tilespmem:s6+$0xFFFFFFD0] =	vst v4  }
0x247: {  	v10 =	vtrunc.f32 v10;
	v2 =	vcvt.f32.s32 v2;
	v4 =	vld [tilespmem:s10+$0xFFFFFFB0];
	[tilespmem:s6+$0xFFFFFFE0] =	vst v5  }
0x248: {  	v11 =	vcvt.f32.s32 v11;
	v12 =	vcvt.f32.s32 v12;
	v5 =	vld [tilespmem:s10+$0xFFFFFFC0];
	[tilespmem:s6+$0xFFFFFFF0] =	vst v9  }
0x249: {  	v6 =	vcvt.f32.s32 v6;
	v8 =	vcvt.f32.s32 v8;
	v9 =	vld [tilespmem:s10+$0xFFFFFFD0]  }
0x24a: {  	v7 =	vcvt.f32.s32 v7;
	s6 =	sadd.s32 $0x200, s6;
	v14 =	vmul.f32 v14, v0;
	v13 =	vld [tilespmem:s10+$0xFFFFFFE0]  }
0x24b: {  	v10 =	vcvt.f32.s32 v10;
	v3 =	vmul.f32 v3, v0;
	v15 =	vld [tilespmem:s10+$0xFFFFFFF0];
	[tilespmem:s6+$0x0] =	vst v1  }
0x24c: {  	v16 =	vld [tilespmem:s10+$0xFFFFFF90];
	v1 =	vmul.f32 v4, v0;
	v4 =	vadd.f32 $2.560000000e+02, v14  }
0x24d: {  	v14 =	vadd.f32 $2.560000000e+02, v3;
	v3 =	vmul.f32 v5, v0;
	v17 =	vld.idx.msk [tilespmem:v2+s22+$0x0], $0xffff  }
0x24e: {  	v5 =	vadd.f32 $2.560000000e+02, v1;
	v1 =	vmul.f32 v9, v0;
	v2 =	vclamp.gez.f32 v4, $5.120000000e+02;
	v18 =	vld.idx.msk [tilespmem:v11+s22+$0x0], $0xffff  }
0x24f: {  	v9 =	vadd.f32 $2.560000000e+02, v3;
	v4 =	vmul.f32 v13, v0;
	v3 =	vtrunc.f32 v2;
	v2 =	vld.idx.msk [tilespmem:v12+s22+$0x0], $0xffff  }
.Ltmp15:
0x250: {  	v11 =	vadd.f32 $2.560000000e+02, v1;
	v13 =	vmul.f32 v15, v0;
	v1 =	vcvt.f32.s32 v3;
	v3 =	vld.idx.msk [tilespmem:v6+s22+$0x0], $0xffff;
	(pc) =	sbr.rel @p1 .LBB2_28-.Ltmp15, $4  }
0x251: {  	v14 =	vclamp.gez.f32 v14, $5.120000000e+02;
	v15 =	vmul.f32 v16, v0;
	v16 =	vadd.f32 $2.560000000e+02, v4;
	v4 =	vld.idx.msk [tilespmem:v8+s22+$0x0], $0xffff  }
0x252: {  	v12 =	vclamp.gez.f32 v5, $5.120000000e+02;
	v6 =	vclamp.gez.f32 v9, $5.120000000e+02;
	v19 =	vadd.f32 $2.560000000e+02, v13;
	v5 =	vld.idx.msk [tilespmem:v7+s22+$0x0], $0xffff  }
0x253: {  	v8 =	vclamp.gez.f32 v11, $5.120000000e+02;
	v13 =	vadd.f32 $2.560000000e+02, v15;
	v7 =	vclamp.gez.f32 v16, $5.120000000e+02;
	[tilespmem:s6+$0xFFFFFF90] =	vst v17;
	v9 =	vld.idx.msk [tilespmem:v10+s22+$0x0], $0xffff  }
0x254: {  	s10 =	sadd.s32 $0x200, s10;
	v11 =	vtrunc.f32 v14;
	v10 =	vclamp.gez.f32 v19, $5.120000000e+02;
	[tilespmem:s6+$0xFFFFFFA0] =	vst v18  }
.LBB2_29:
0x255: {  	v13 =	vclamp.gez.f32 v13, $5.120000000e+02  }
0x256: {  	v12 =	vtrunc.f32 v12;
	v11 =	vcvt.f32.s32 v11  }
0x257: {  	v6 =	vtrunc.f32 v6;
	v12 =	vcvt.f32.s32 v12  }
0x258: {  	v8 =	vtrunc.f32 v8;
	v6 =	vcvt.f32.s32 v6  }
0x259: {  	v7 =	vtrunc.f32 v7;
	v8 =	vcvt.f32.s32 v8  }
0x25a: {  	[tilespmem:s6+$0xFFFFFFB0] =	vst @p0 v2;
	v1 =	vld.idx.msk [tilespmem:v1+s22+$0x0], $0xffff;
	v2 =	vtrunc.f32 v10;
	v7 =	vcvt.f32.s32 v7  }
0x25b: {  	v13 =	vtrunc.f32 v13;
	v2 =	vcvt.f32.s32 v2  }
0x25c: {  	[tilespmem:s6+$0xFFFFFFC0] =	vst @p0 v3;
	v13 =	vcvt.f32.s32 v13;
	v62 =	vld.idx.msk [tilespmem:v11+s22+$0x0], $0xffff  }
0x25d: {  	s8 =	sadd.s32 @p0 $0x200, s6;
	[tilespmem:s6+$0xFFFFFFD0] =	vst @p0 v4;
	v63 =	vld.idx.msk [tilespmem:v12+s22+$0x0], $0xffff  }
0x25e: {  	s5 =	smov.u32 @p0 s8;
	[tilespmem:s6+$0xFFFFFFE0] =	vst @p0 v5;
	v6 =	vld.idx.msk [tilespmem:v6+s22+$0x0], $0xffff  }
0x25f: {  	[tilespmem:s5+$0x0] =	vst v1;
	v1 =	vld.idx.msk [tilespmem:v8+s22+$0x0], $0xffff  }
0x260: {  	[tilespmem:s6+$0xFFFFFFF0] =	vst @p0 v9;
	v7 =	vld.idx.msk [tilespmem:v7+s22+$0x0], $0xffff  }
0x261: {  	v2 =	vld.idx.msk [tilespmem:v2+s22+$0x0], $0xffff;
	[tilespmem:s5+$0xFFFFFFA0] =	vst v62  }
0x262: {  	v3 =	vld.idx.msk [tilespmem:v13+s22+$0x0], $0xffff;
	[tilespmem:s5+$0xFFFFFFB0] =	vst v63  }
0x263: {  	[tilespmem:s5+$0xFFFFFFC0] =	vst v6  }
0x264: {  	[tilespmem:s5+$0xFFFFFFD0] =	vst v1  }
0x265: {  	[tilespmem:s5+$0xFFFFFFE0] =	vst v7  }
0x266: {  	[tilespmem:s5+$0xFFFFFFF0] =	vst v2  }
0x267: {  	[tilespmem:s5+$0xFFFFFF90] =	vst v3  }
0x268: {  	s5 =	rddreg [dreg:$0x8]  }
0x269: {  	[hbm4b:s5+s23] =	stream.strided.scatter [tilespmem:s30], [sflag:$0x4], $0x4000, s24, s23, $0x38;
	[tilespmem:$0x10480] =	vst v63  }
0x26a: {  	s20 =	rddreg [dreg:$0x9]  }
0x26b: {  	[tilespmem:s25], [sflag:$0x2] =	stream.strided.gather [hbm4b:s20+s23], $0x4000, s24, s23, $0x38;
	[tilespmem:$0x10480] =	vst v63  }
0x26c: {  	s20 =	simm.s32 $0x0  }
.LBB2_30:
0x26d: {  	_ =	swait.ge [sflag:s26], $0x4000  }
0x26e: {  	[sflag:s26] =	ssyncset.done $0x0  }
0x26f: {  	[sflag:s26] =	ssyncadd.s32 $0xFFFFC000  }
0x270: {  	_ =	swait.ge [sflag:s31], $0x4000  }
0x271: {  	[sflag:s31] =	ssyncset.done $0x0  }
0x272: {  	s5 =	simm.s32 $0x40;
	[sflag:s31] =	ssyncadd.s32 $0xFFFFC000  }
0x273: {  	v1 =	vld [tilespmem:s5+$0x30]  }
0x274: {  	v2 =	vld [tilespmem:s5+$0xFFFFFFD0]  }
0x275: {  	v3 =	vld [tilespmem:s5+$0xFFFFFFE0]  }
0x276: {  	v4 =	vld [tilespmem:s5+$0xFFFFFFF0]  }
0x277: {  	v5 =	vld [tilespmem:s5+$0x0]  }
0x278: {  	v6 =	vld [tilespmem:s5+$0x10]  }
0x279: {  	v7 =	vld [tilespmem:s5+$0x20]  }
0x27a: {  	s12 =	simm.s32 $0x240;
	v8 =	vld [tilespmem:s5+$0xFFFFFFC0]  }
0x27b: {  	v9 =	vld [tilespmem:s12+$0x30]  }
0x27c: {  	v10 =	vld [tilespmem:s12+$0xFFFFFFD0];
	v1 =	vmul.f32 v1, v0;
	v2 =	vmul.f32 v2, v0  }
0x27d: {  	v11 =	vld [tilespmem:s12+$0xFFFFFFE0];
	v3 =	vmul.f32 v3, v0;
	v4 =	vmul.f32 v4, v0  }
0x27e: {  	v5 =	vmul.f32 v5, v0;
	v6 =	vmul.f32 v6, v0  }
0x27f: {  	v7 =	vmul.f32 v7, v0;
	v8 =	vmul.f32 v8, v0  }
0x280: {  	v9 =	vmul.f32 v9, v0;
	v1 =	vadd.f32 $2.560000000e+02, v1;
	v2 =	vadd.f32 $2.560000000e+02, v2  }
0x281: {  	v10 =	vmul.f32 v10, v0;
	v3 =	vadd.f32 $2.560000000e+02, v3;
	v4 =	vadd.f32 $2.560000000e+02, v4  }
0x282: {  	v11 =	vmul.f32 v11, v0;
	v5 =	vadd.f32 $2.560000000e+02, v5;
	v6 =	vadd.f32 $2.560000000e+02, v6  }
0x283: {  	v7 =	vadd.f32 $2.560000000e+02, v7;
	v1 =	vclamp.gez.f32 v1, $5.120000000e+02;
	v2 =	vclamp.gez.f32 v2, $5.120000000e+02  }
0x284: {  	v8 =	vadd.f32 $2.560000000e+02, v8;
	v3 =	vclamp.gez.f32 v3, $5.120000000e+02;
	v4 =	vclamp.gez.f32 v4, $5.120000000e+02  }
0x285: {  	v9 =	vadd.f32 $2.560000000e+02, v9;
	v5 =	vclamp.gez.f32 v5, $5.120000000e+02;
	v6 =	vclamp.gez.f32 v6, $5.120000000e+02  }
0x286: {  	v7 =	vclamp.gez.f32 v7, $5.120000000e+02;
	v8 =	vclamp.gez.f32 v8, $5.120000000e+02  }
0x287: {  	v9 =	vclamp.gez.f32 v9, $5.120000000e+02;
	v1 =	vtrunc.f32 v1  }
0x288: {  	v2 =	vtrunc.f32 v2;
	v3 =	vtrunc.f32 v3  }
0x289: {  	v8 =	vtrunc.f32 v8;
	v1 =	vcvt.f32.s32 v1  }
0x28a: {  	v12 =	vld [tilespmem:s12+$0xFFFFFFF0];
	v4 =	vtrunc.f32 v4;
	v8 =	vcvt.f32.s32 v8  }
0x28b: {  	v13 =	vld [tilespmem:s12+$0x0];
	v5 =	vtrunc.f32 v5;
	v2 =	vcvt.f32.s32 v2  }
0x28c: {  	v14 =	vld [tilespmem:s12+$0x10];
	v6 =	vtrunc.f32 v6;
	v3 =	vcvt.f32.s32 v3  }
0x28d: {  	v15 =	vld [tilespmem:s12+$0x20];
	v7 =	vtrunc.f32 v7;
	v4 =	vcvt.f32.s32 v4  }
0x28e: {  	v16 =	vld [tilespmem:s12+$0xFFFFFFC0];
	v5 =	vcvt.f32.s32 v5;
	v6 =	vcvt.f32.s32 v6  }
0x28f: {  	v18 =	vcvt.f32.s32 v7;
	v17 =	vld.idx.msk [tilespmem:v1+s22+$0x0], $0xffff;
	v1 =	vmul.f32 v12, v0  }
0x290: {  	v7 =	vadd.f32 $2.560000000e+02, v10;
	v10 =	vld.idx.msk [tilespmem:v8+s22+$0x0], $0xffff;
	v8 =	vadd.f32 $2.560000000e+02, v11;
	v11 =	vmul.f32 v13, v0  }
0x291: {  	v19 =	vld.idx.msk [tilespmem:v2+s22+$0x0], $0xffff;
	v12 =	vmul.f32 v14, v0;
	v2 =	vtrunc.f32 v9;
	v13 =	vadd.f32 $2.560000000e+02, v1  }
0x292: {  	v1 =	vld.idx.msk [tilespmem:v3+s22+$0x0], $0xffff;
	v9 =	vadd.f32 $2.560000000e+02, v11;
	v11 =	vmul.f32 v15, v0;
	v3 =	vcvt.f32.s32 v2  }
0x293: {  	s5 =	simm.s32 $0x8040;
	v14 =	vmul.f32 v16, v0;
	v2 =	vld.idx.msk [tilespmem:v4+s22+$0x0], $0xffff;
	v15 =	vclamp.gez.f32 v7, $5.120000000e+02;
	v7 =	vadd.f32 $2.560000000e+02, v12  }
0x294: {  	v4 =	vld.idx.msk [tilespmem:v5+s22+$0x0], $0xffff;
	v12 =	vclamp.gez.f32 v8, $5.120000000e+02;
	v8 =	vclamp.gez.f32 v13, $5.120000000e+02;
	v63 =	vadd.f32 $2.560000000e+02, v11;
	[tilespmem:s5+$0x30] =	vst v17  }
0x295: {  	v5 =	vld.idx.msk [tilespmem:v6+s22+$0x0], $0xffff;
	v9 =	vclamp.gez.f32 v9, $5.120000000e+02;
	v7 =	vclamp.gez.f32 v7, $5.120000000e+02;
	v13 =	vadd.f32 $2.560000000e+02, v14;
	[tilespmem:s5+$0xFFFFFFC0] =	vst v10  }
0x296: {  	s6 =	simm.s32 $0x80;
	s8 =	simm.s32 $0x440;
	v6 =	vld.idx.msk [tilespmem:v18+s22+$0x0], $0xffff;
	v11 =	vtrunc.f32 v15;
	[tilespmem:s5+$0xFFFFFFD0] =	vst v19;
	v10 =	vclamp.gez.f32 v63, $5.120000000e+02  }
.LBB2_31:
0x297: {  	v14 =	vld [tilespmem:s8+$0x30];
	v13 =	vclamp.gez.f32 v13, $5.120000000e+02;
	v12 =	vtrunc.f32 v12;
	[tilespmem:s5+$0xFFFFFFE0] =	vst v1  }
0x298: {  	s6 =	sadd.s32 $0x80, s6;
	v8 =	vtrunc.f32 v8;
	v1 =	vtrunc.f32 v13;
	v3 =	vld.idx.msk [tilespmem:v3+s22+$0x0], $0xffff;
	[tilespmem:s5+$0xFFFFFFF0] =	vst v2  }
0x299: {  	v9 =	vtrunc.f32 v9;
	v7 =	vtrunc.f32 v7;
	p0 =	slt.u32 s6, $0xF80;
	v2 =	vld [tilespmem:s8+$0xFFFFFFD0];
	[tilespmem:s5+$0x0] =	vst v4  }
0x29a: {  	v10 =	vtrunc.f32 v10;
	v1 =	vcvt.f32.s32 v1;
	v4 =	vld [tilespmem:s8+$0xFFFFFFE0];
	[tilespmem:s5+$0x10] =	vst v5  }
0x29b: {  	v11 =	vcvt.f32.s32 v11;
	v12 =	vcvt.f32.s32 v12;
	v5 =	vld [tilespmem:s8+$0xFFFFFFF0];
	[tilespmem:s5+$0x20] =	vst v6  }
0x29c: {  	v8 =	vcvt.f32.s32 v8;
	v9 =	vcvt.f32.s32 v9;
	v6 =	vld [tilespmem:s8+$0x0]  }
0x29d: {  	v7 =	vcvt.f32.s32 v7;
	s5 =	sadd.s32 $0x200, s5;
	v14 =	vmul.f32 v14, v0;
	v13 =	vld [tilespmem:s8+$0x10]  }
0x29e: {  	v10 =	vcvt.f32.s32 v10;
	v2 =	vmul.f32 v2, v0;
	v15 =	vld [tilespmem:s8+$0x20];
	[tilespmem:s5+$0x30] =	vst v3  }
0x29f: {  	v16 =	vld [tilespmem:s8+$0xFFFFFFC0];
	v3 =	vmul.f32 v4, v0;
	v4 =	vadd.f32 $2.560000000e+02, v14  }
0x2a0: {  	v14 =	vadd.f32 $2.560000000e+02, v2;
	v2 =	vmul.f32 v5, v0;
	v17 =	vld.idx.msk [tilespmem:v1+s22+$0x0], $0xffff  }
0x2a1: {  	v5 =	vadd.f32 $2.560000000e+02, v3;
	v3 =	vmul.f32 v6, v0;
	v1 =	vclamp.gez.f32 v4, $5.120000000e+02;
	v18 =	vld.idx.msk [tilespmem:v11+s22+$0x0], $0xffff  }
0x2a2: {  	v6 =	vadd.f32 $2.560000000e+02, v2;
	v4 =	vmul.f32 v13, v0;
	v2 =	vtrunc.f32 v1;
	v1 =	vld.idx.msk [tilespmem:v12+s22+$0x0], $0xffff  }
.Ltmp16:
0x2a3: {  	v11 =	vadd.f32 $2.560000000e+02, v3;
	v13 =	vmul.f32 v15, v0;
	v3 =	vcvt.f32.s32 v2;
	v2 =	vld.idx.msk [tilespmem:v8+s22+$0x0], $0xffff;
	(pc) =	sbr.rel @p0 .LBB2_31-.Ltmp16, $4  }
0x2a4: {  	v14 =	vclamp.gez.f32 v14, $5.120000000e+02;
	v15 =	vmul.f32 v16, v0;
	v16 =	vadd.f32 $2.560000000e+02, v4;
	v4 =	vld.idx.msk [tilespmem:v9+s22+$0x0], $0xffff  }
0x2a5: {  	v12 =	vclamp.gez.f32 v5, $5.120000000e+02;
	v8 =	vclamp.gez.f32 v6, $5.120000000e+02;
	v19 =	vadd.f32 $2.560000000e+02, v13;
	v5 =	vld.idx.msk [tilespmem:v7+s22+$0x0], $0xffff  }
0x2a6: {  	v9 =	vclamp.gez.f32 v11, $5.120000000e+02;
	v13 =	vadd.f32 $2.560000000e+02, v15;
	v7 =	vclamp.gez.f32 v16, $5.120000000e+02;
	[tilespmem:s5+$0xFFFFFFC0] =	vst v17;
	v6 =	vld.idx.msk [tilespmem:v10+s22+$0x0], $0xffff  }
0x2a7: {  	s8 =	sadd.s32 $0x200, s8;
	v11 =	vtrunc.f32 v14;
	v10 =	vclamp.gez.f32 v19, $5.120000000e+02;
	[tilespmem:s5+$0xFFFFFFD0] =	vst v18  }
0x2a8: {  	v13 =	vclamp.gez.f32 v13, $5.120000000e+02  }
0x2a9: {  	v12 =	vtrunc.f32 v12;
	v11 =	vcvt.f32.s32 v11  }
0x2aa: {  	v8 =	vtrunc.f32 v8;
	v12 =	vcvt.f32.s32 v12  }
0x2ab: {  	v9 =	vtrunc.f32 v9;
	v8 =	vcvt.f32.s32 v8  }
0x2ac: {  	v7 =	vtrunc.f32 v7;
	v9 =	vcvt.f32.s32 v9  }
0x2ad: {  	[tilespmem:s5+$0xFFFFFFE0] =	vst v1;
	v1 =	vld.idx.msk [tilespmem:v3+s22+$0x0], $0xffff;
	v3 =	vtrunc.f32 v10;
	v7 =	vcvt.f32.s32 v7  }
0x2ae: {  	[tilespmem:s5+$0xFFFFFFF0] =	vst v2;
	v13 =	vtrunc.f32 v13;
	v2 =	vcvt.f32.s32 v3  }
0x2af: {  	[tilespmem:s5+$0x0] =	vst v4;
	v13 =	vcvt.f32.s32 v13;
	v4 =	vld.idx.msk [tilespmem:v11+s22+$0x0], $0xffff  }
0x2b0: {  	[tilespmem:s5+$0x10] =	vst v5;
	v5 =	vld.idx.msk [tilespmem:v12+s22+$0x0], $0xffff  }
0x2b1: {  	s11 =	sadd.s32 $0x200, s5;
	[tilespmem:s5+$0x20] =	vst v6;
	v6 =	vld.idx.msk [tilespmem:v8+s22+$0x0], $0xffff  }
0x2b2: {  	[tilespmem:s11+$0x30] =	vst v1;
	v1 =	vld.idx.msk [tilespmem:v9+s22+$0x0], $0xffff  }
0x2b3: {  	v7 =	vld.idx.msk [tilespmem:v7+s22+$0x0], $0xffff  }
0x2b4: {  	v2 =	vld.idx.msk [tilespmem:v2+s22+$0x0], $0xffff;
	[tilespmem:s11+$0xFFFFFFD0] =	vst v4  }
0x2b5: {  	v3 =	vld.idx.msk [tilespmem:v13+s22+$0x0], $0xffff;
	[tilespmem:s11+$0xFFFFFFE0] =	vst v5  }
0x2b6: {  	[tilespmem:s11+$0xFFFFFFF0] =	vst v6  }
0x2b7: {  	[tilespmem:s11+$0x0] =	vst v1  }
0x2b8: {  	[tilespmem:s11+$0x10] =	vst v7  }
0x2b9: {  	[tilespmem:s11+$0x20] =	vst v2  }
0x2ba: {  	s6 =	simm.s32 $0xF0;
	[tilespmem:s11+$0xFFFFFFC0] =	vst v3  }
0x2bb: {  	v1 =	vld [tilespmem:s6+$0x0]  }
0x2bc: {  	v2 =	vld [tilespmem:s6+$0xFFFFFFA0]  }
0x2bd: {  	v3 =	vld [tilespmem:s6+$0xFFFFFFB0]  }
0x2be: {  	v4 =	vld [tilespmem:s6+$0xFFFFFFC0]  }
0x2bf: {  	v5 =	vld [tilespmem:s6+$0xFFFFFFD0]  }
0x2c0: {  	v6 =	vld [tilespmem:s6+$0xFFFFFFE0]  }
0x2c1: {  	v7 =	vld [tilespmem:s6+$0xFFFFFFF0]  }
0x2c2: {  	s12 =	simm.s32 $0x2F0;
	v8 =	vld [tilespmem:s6+$0xFFFFFF90]  }
0x2c3: {  	v9 =	vld [tilespmem:s12+$0x0]  }
0x2c4: {  	v10 =	vld [tilespmem:s12+$0xFFFFFFA0];
	v1 =	vmul.f32 v1, v0;
	v2 =	vmul.f32 v2, v0  }
0x2c5: {  	v11 =	vld [tilespmem:s12+$0xFFFFFFB0];
	v3 =	vmul.f32 v3, v0;
	v4 =	vmul.f32 v4, v0  }
0x2c6: {  	v5 =	vmul.f32 v5, v0;
	v6 =	vmul.f32 v6, v0  }
0x2c7: {  	v7 =	vmul.f32 v7, v0;
	v8 =	vmul.f32 v8, v0  }
0x2c8: {  	v9 =	vmul.f32 v9, v0;
	v1 =	vadd.f32 $2.560000000e+02, v1;
	v2 =	vadd.f32 $2.560000000e+02, v2  }
0x2c9: {  	v10 =	vmul.f32 v10, v0;
	v3 =	vadd.f32 $2.560000000e+02, v3;
	v4 =	vadd.f32 $2.560000000e+02, v4  }
0x2ca: {  	v11 =	vmul.f32 v11, v0;
	v5 =	vadd.f32 $2.560000000e+02, v5;
	v6 =	vadd.f32 $2.560000000e+02, v6  }
0x2cb: {  	v7 =	vadd.f32 $2.560000000e+02, v7;
	v1 =	vclamp.gez.f32 v1, $5.120000000e+02;
	v2 =	vclamp.gez.f32 v2, $5.120000000e+02  }
0x2cc: {  	v8 =	vadd.f32 $2.560000000e+02, v8;
	v3 =	vclamp.gez.f32 v3, $5.120000000e+02;
	v4 =	vclamp.gez.f32 v4, $5.120000000e+02  }
0x2cd: {  	v9 =	vadd.f32 $2.560000000e+02, v9;
	v5 =	vclamp.gez.f32 v5, $5.120000000e+02;
	v6 =	vclamp.gez.f32 v6, $5.120000000e+02  }
0x2ce: {  	v7 =	vclamp.gez.f32 v7, $5.120000000e+02;
	v8 =	vclamp.gez.f32 v8, $5.120000000e+02  }
0x2cf: {  	v9 =	vclamp.gez.f32 v9, $5.120000000e+02;
	v1 =	vtrunc.f32 v1  }
0x2d0: {  	v2 =	vtrunc.f32 v2;
	v3 =	vtrunc.f32 v3  }
0x2d1: {  	v8 =	vtrunc.f32 v8;
	v1 =	vcvt.f32.s32 v1  }
0x2d2: {  	v12 =	vld [tilespmem:s12+$0xFFFFFFC0];
	v4 =	vtrunc.f32 v4;
	v8 =	vcvt.f32.s32 v8  }
0x2d3: {  	v13 =	vld [tilespmem:s12+$0xFFFFFFD0];
	v5 =	vtrunc.f32 v5;
	v2 =	vcvt.f32.s32 v2  }
0x2d4: {  	v14 =	vld [tilespmem:s12+$0xFFFFFFE0];
	v6 =	vtrunc.f32 v6;
	v3 =	vcvt.f32.s32 v3  }
0x2d5: {  	v15 =	vld [tilespmem:s12+$0xFFFFFFF0];
	v7 =	vtrunc.f32 v7;
	v4 =	vcvt.f32.s32 v4  }
0x2d6: {  	v16 =	vld [tilespmem:s12+$0xFFFFFF90];
	v5 =	vcvt.f32.s32 v5;
	v6 =	vcvt.f32.s32 v6  }
0x2d7: {  	v18 =	vcvt.f32.s32 v7;
	v17 =	vld.idx.msk [tilespmem:v1+s22+$0x0], $0xffff;
	v1 =	vmul.f32 v12, v0  }
0x2d8: {  	v7 =	vadd.f32 $2.560000000e+02, v10;
	v10 =	vld.idx.msk [tilespmem:v8+s22+$0x0], $0xffff;
	v8 =	vadd.f32 $2.560000000e+02, v11;
	v11 =	vmul.f32 v13, v0  }
0x2d9: {  	v19 =	vld.idx.msk [tilespmem:v2+s22+$0x0], $0xffff;
	v12 =	vmul.f32 v14, v0;
	v2 =	vtrunc.f32 v9;
	v13 =	vadd.f32 $2.560000000e+02, v1  }
0x2da: {  	v1 =	vld.idx.msk [tilespmem:v3+s22+$0x0], $0xffff;
	v9 =	vadd.f32 $2.560000000e+02, v11;
	v11 =	vmul.f32 v15, v0;
	v3 =	vcvt.f32.s32 v2  }
0x2db: {  	s5 =	simm.s32 $0x80F0;
	v14 =	vmul.f32 v16, v0;
	v2 =	vld.idx.msk [tilespmem:v4+s22+$0x0], $0xffff;
	v15 =	vclamp.gez.f32 v7, $5.120000000e+02;
	v7 =	vadd.f32 $2.560000000e+02, v12  }
0x2dc: {  	v4 =	vld.idx.msk [tilespmem:v5+s22+$0x0], $0xffff;
	v12 =	vclamp.gez.f32 v8, $5.120000000e+02;
	v8 =	vclamp.gez.f32 v13, $5.120000000e+02;
	v63 =	vadd.f32 $2.560000000e+02, v11;
	[tilespmem:s5+$0x0] =	vst v17  }
0x2dd: {  	v5 =	vld.idx.msk [tilespmem:v6+s22+$0x0], $0xffff;
	v9 =	vclamp.gez.f32 v9, $5.120000000e+02;
	v7 =	vclamp.gez.f32 v7, $5.120000000e+02;
	v13 =	vadd.f32 $2.560000000e+02, v14;
	[tilespmem:s5+$0xFFFFFF90] =	vst v10  }
0x2de: {  	s8 =	simm.s32 $0x4F0;
	s6 =	simm.s32 $0x80;
	v6 =	vld.idx.msk [tilespmem:v18+s22+$0x0], $0xffff;
	v11 =	vtrunc.f32 v15;
	[tilespmem:s5+$0xFFFFFFA0] =	vst v19;
	v10 =	vclamp.gez.f32 v63, $5.120000000e+02  }
.LBB2_33:
0x2df: {  	v14 =	vld [tilespmem:s8+$0x0];
	v13 =	vclamp.gez.f32 v13, $5.120000000e+02;
	v12 =	vtrunc.f32 v12;
	[tilespmem:s5+$0xFFFFFFB0] =	vst v1  }
0x2e0: {  	s6 =	sadd.s32 $0x80, s6;
	v8 =	vtrunc.f32 v8;
	v1 =	vtrunc.f32 v13;
	v3 =	vld.idx.msk [tilespmem:v3+s22+$0x0], $0xffff;
	[tilespmem:s5+$0xFFFFFFC0] =	vst v2  }
0x2e1: {  	v9 =	vtrunc.f32 v9;
	v7 =	vtrunc.f32 v7;
	p0 =	slt.u32 s6, $0xF80;
	v2 =	vld [tilespmem:s8+$0xFFFFFFA0];
	[tilespmem:s5+$0xFFFFFFD0] =	vst v4  }
0x2e2: {  	v10 =	vtrunc.f32 v10;
	v1 =	vcvt.f32.s32 v1;
	v4 =	vld [tilespmem:s8+$0xFFFFFFB0];
	[tilespmem:s5+$0xFFFFFFE0] =	vst v5  }
0x2e3: {  	v11 =	vcvt.f32.s32 v11;
	v12 =	vcvt.f32.s32 v12;
	v5 =	vld [tilespmem:s8+$0xFFFFFFC0];
	[tilespmem:s5+$0xFFFFFFF0] =	vst v6  }
0x2e4: {  	v8 =	vcvt.f32.s32 v8;
	v9 =	vcvt.f32.s32 v9;
	v6 =	vld [tilespmem:s8+$0xFFFFFFD0]  }
0x2e5: {  	v7 =	vcvt.f32.s32 v7;
	s5 =	sadd.s32 $0x200, s5;
	v14 =	vmul.f32 v14, v0;
	v13 =	vld [tilespmem:s8+$0xFFFFFFE0]  }
0x2e6: {  	v10 =	vcvt.f32.s32 v10;
	v2 =	vmul.f32 v2, v0;
	v15 =	vld [tilespmem:s8+$0xFFFFFFF0];
	[tilespmem:s5+$0x0] =	vst v3  }
0x2e7: {  	v16 =	vld [tilespmem:s8+$0xFFFFFF90];
	v3 =	vmul.f32 v4, v0;
	v4 =	vadd.f32 $2.560000000e+02, v14  }
0x2e8: {  	v14 =	vadd.f32 $2.560000000e+02, v2;
	v2 =	vmul.f32 v5, v0;
	v17 =	vld.idx.msk [tilespmem:v1+s22+$0x0], $0xffff  }
0x2e9: {  	v5 =	vadd.f32 $2.560000000e+02, v3;
	v3 =	vmul.f32 v6, v0;
	v1 =	vclamp.gez.f32 v4, $5.120000000e+02;
	v18 =	vld.idx.msk [tilespmem:v11+s22+$0x0], $0xffff  }
0x2ea: {  	v6 =	vadd.f32 $2.560000000e+02, v2;
	v4 =	vmul.f32 v13, v0;
	v2 =	vtrunc.f32 v1;
	v1 =	vld.idx.msk [tilespmem:v12+s22+$0x0], $0xffff  }
.Ltmp17:
0x2eb: {  	v11 =	vadd.f32 $2.560000000e+02, v3;
	v13 =	vmul.f32 v15, v0;
	v3 =	vcvt.f32.s32 v2;
	v2 =	vld.idx.msk [tilespmem:v8+s22+$0x0], $0xffff;
	(pc) =	sbr.rel @p0 .LBB2_33-.Ltmp17, $4  }
0x2ec: {  	v14 =	vclamp.gez.f32 v14, $5.120000000e+02;
	v15 =	vmul.f32 v16, v0;
	v16 =	vadd.f32 $2.560000000e+02, v4;
	v4 =	vld.idx.msk [tilespmem:v9+s22+$0x0], $0xffff  }
0x2ed: {  	v12 =	vclamp.gez.f32 v5, $5.120000000e+02;
	v8 =	vclamp.gez.f32 v6, $5.120000000e+02;
	v19 =	vadd.f32 $2.560000000e+02, v13;
	v5 =	vld.idx.msk [tilespmem:v7+s22+$0x0], $0xffff  }
0x2ee: {  	v9 =	vclamp.gez.f32 v11, $5.120000000e+02;
	v13 =	vadd.f32 $2.560000000e+02, v15;
	v7 =	vclamp.gez.f32 v16, $5.120000000e+02;
	[tilespmem:s5+$0xFFFFFF90] =	vst v17;
	v6 =	vld.idx.msk [tilespmem:v10+s22+$0x0], $0xffff  }
0x2ef: {  	s8 =	sadd.s32 $0x200, s8;
	v11 =	vtrunc.f32 v14;
	v10 =	vclamp.gez.f32 v19, $5.120000000e+02;
	[tilespmem:s5+$0xFFFFFFA0] =	vst v18  }
0x2f0: {  	v13 =	vclamp.gez.f32 v13, $5.120000000e+02  }
0x2f1: {  	v12 =	vtrunc.f32 v12;
	v11 =	vcvt.f32.s32 v11  }
0x2f2: {  	v8 =	vtrunc.f32 v8;
	v12 =	vcvt.f32.s32 v12  }
0x2f3: {  	v9 =	vtrunc.f32 v9;
	v8 =	vcvt.f32.s32 v8  }
0x2f4: {  	v7 =	vtrunc.f32 v7;
	v9 =	vcvt.f32.s32 v9  }
0x2f5: {  	[tilespmem:s5+$0xFFFFFFB0] =	vst v1;
	v1 =	vld.idx.msk [tilespmem:v3+s22+$0x0], $0xffff;
	v3 =	vtrunc.f32 v10;
	v7 =	vcvt.f32.s32 v7  }
0x2f6: {  	[tilespmem:s5+$0xFFFFFFC0] =	vst v2;
	v13 =	vtrunc.f32 v13;
	v2 =	vcvt.f32.s32 v3  }
0x2f7: {  	[tilespmem:s5+$0xFFFFFFD0] =	vst v4;
	v13 =	vcvt.f32.s32 v13;
	v4 =	vld.idx.msk [tilespmem:v11+s22+$0x0], $0xffff  }
0x2f8: {  	[tilespmem:s5+$0xFFFFFFE0] =	vst v5;
	v5 =	vld.idx.msk [tilespmem:v12+s22+$0x0], $0xffff  }
0x2f9: {  	s12 =	sadd.s32 $0x200, s5;
	[tilespmem:s5+$0xFFFFFFF0] =	vst v6;
	v6 =	vld.idx.msk [tilespmem:v8+s22+$0x0], $0xffff  }
0x2fa: {  	[tilespmem:s12+$0x0] =	vst v1;
	v1 =	vld.idx.msk [tilespmem:v9+s22+$0x0], $0xffff  }
0x2fb: {  	v7 =	vld.idx.msk [tilespmem:v7+s22+$0x0], $0xffff  }
0x2fc: {  	v2 =	vld.idx.msk [tilespmem:v2+s22+$0x0], $0xffff;
	[tilespmem:s12+$0xFFFFFFA0] =	vst v4  }
0x2fd: {  	v3 =	vld.idx.msk [tilespmem:v13+s22+$0x0], $0xffff;
	[tilespmem:s12+$0xFFFFFFB0] =	vst v5  }
0x2fe: {  	[tilespmem:s12+$0xFFFFFFC0] =	vst v6  }
0x2ff: {  	[tilespmem:s12+$0xFFFFFFD0] =	vst v1  }
0x300: {  	[tilespmem:s12+$0xFFFFFFE0] =	vst v7  }
0x301: {  	[tilespmem:s12+$0xFFFFFFF0] =	vst v2  }
0x302: {  	s6 =	simm.s32 $0x170;
	[tilespmem:s12+$0xFFFFFF90] =	vst v3  }
0x303: {  	v1 =	vld [tilespmem:s6+$0x0]  }
0x304: {  	v2 =	vld [tilespmem:s6+$0xFFFFFFA0]  }
0x305: {  	v3 =	vld [tilespmem:s6+$0xFFFFFFB0]  }
0x306: {  	v4 =	vld [tilespmem:s6+$0xFFFFFFC0]  }
0x307: {  	v5 =	vld [tilespmem:s6+$0xFFFFFFD0]  }
0x308: {  	v6 =	vld [tilespmem:s6+$0xFFFFFFE0]  }
0x309: {  	v7 =	vld [tilespmem:s6+$0xFFFFFFF0]  }
0x30a: {  	v8 =	vld [tilespmem:s6+$0xFFFFFF90]  }
0x30b: {  	v1 =	vmul.f32 v1, v0;
	v2 =	vmul.f32 v2, v0  }
0x30c: {  	v3 =	vmul.f32 v3, v0;
	v4 =	vmul.f32 v4, v0  }
0x30d: {  	v5 =	vmul.f32 v5, v0;
	v6 =	vmul.f32 v6, v0;
	v1 =	vadd.f32 $2.560000000e+02, v1  }
0x30e: {  	v7 =	vmul.f32 v7, v0;
	v2 =	vadd.f32 $2.560000000e+02, v2;
	v3 =	vadd.f32 $2.560000000e+02, v3  }
0x30f: {  	p1 =	por $0x1, $0x1;
	v10 =	vmul.f32 v8, v0;
	v4 =	vadd.f32 $2.560000000e+02, v4;
	v9 =	vadd.f32 $2.560000000e+02, v5  }
.Ltmp18:
0x310: {  	v6 =	vadd.f32 $2.560000000e+02, v6;
	v1 =	vclamp.gez.f32 v1, $5.120000000e+02;
	v2 =	vclamp.gez.f32 v2, $5.120000000e+02;
	(pc) =	sbr.rel @!p1 .LBB2_35-.Ltmp18, $4  }
0x311: {  	v12 =	vclamp.gez.f32 v3, $5.120000000e+02;
	v5 =	vclamp.gez.f32 v4, $5.120000000e+02  }
0x312: {  	v3 =	vadd.f32 $2.560000000e+02, v7;
	v8 =	vclamp.gez.f32 v9, $5.120000000e+02;
	v7 =	vclamp.gez.f32 v6, $5.120000000e+02  }
0x313: {  	v13 =	vadd.f32 $2.560000000e+02, v10;
	v1 =	vtrunc.f32 v1;
	v10 =	vtrunc.f32 v2  }
0x314: {  	p0 =	por $0x0, $0x0;
	s5 =	simm.s32 $0x8170;
	s6 =	simm.s32 $0x370;
	v1 =	vcvt.f32.s32 v1;
	v9 =	vclamp.gez.f32 v3, $5.120000000e+02  }
0x315: {  	v2 =	vld [tilespmem:s6+$0x0]  }
0x316: {  	v3 =	vclamp.gez.f32 v13, $5.120000000e+02;
	v4 =	vtrunc.f32 v12;
	v6 =	vld [tilespmem:s6+$0xFFFFFFA0]  }
0x317: {  	v5 =	vtrunc.f32 v5;
	v8 =	vtrunc.f32 v8;
	v11 =	vld [tilespmem:s6+$0xFFFFFFB0]  }
0x318: {  	v7 =	vtrunc.f32 v7;
	v9 =	vtrunc.f32 v9;
	v12 =	vld [tilespmem:s6+$0xFFFFFFC0]  }
0x319: {  	v10 =	vcvt.f32.s32 v10;
	v14 =	vld [tilespmem:s6+$0xFFFFFFE0];
	v3 =	vtrunc.f32 v3  }
0x31a: {  	v15 =	vld [tilespmem:s6+$0xFFFFFFF0];
	v4 =	vcvt.f32.s32 v4;
	v3 =	vcvt.f32.s32 v3  }
0x31b: {  	v13 =	vld [tilespmem:s6+$0xFFFFFFD0];
	v5 =	vcvt.f32.s32 v5;
	v7 =	vcvt.f32.s32 v7  }
0x31c: {  	v8 =	vcvt.f32.s32 v8;
	v2 =	vmul.f32 v2, v0  }
0x31d: {  	v16 =	vld [tilespmem:s6+$0xFFFFFF90];
	v9 =	vcvt.f32.s32 v9;
	v6 =	vmul.f32 v6, v0  }
0x31e: {  	v17 =	vld.idx.msk [tilespmem:v1+s22+$0x0], $0xffff;
	v11 =	vmul.f32 v11, v0;
	v1 =	vmul.f32 v12, v0;
	v2 =	vadd.f32 $2.560000000e+02, v2  }
0x31f: {  	v12 =	vmul.f32 v14, v0;
	v14 =	vmul.f32 v15, v0;
	v19 =	vld.idx.msk [tilespmem:v10+s22+$0x0], $0xffff;
	v6 =	vadd.f32 $2.560000000e+02, v6  }
0x320: {  	v18 =	vld.idx.msk [tilespmem:v3+s22+$0x0], $0xffff;
	v3 =	vmul.f32 v13, v0;
	v2 =	vclamp.gez.f32 v2, $5.120000000e+02  }
0x321: {  	p3 =	por $0x1, $0x1;
	v10 =	vadd.f32 $2.560000000e+02, v1;
	v63 =	vclamp.gez.f32 v6, $5.120000000e+02;
	v6 =	vld.idx.msk [tilespmem:v7+s22+$0x0], $0xffff;
	v1 =	vtrunc.f32 v2  }
.Ltmp19:
0x322: {  	v11 =	vadd.f32 $2.560000000e+02, v11;
	v20 =	vadd.f32 $2.560000000e+02, v12;
	v2 =	vld.idx.msk [tilespmem:v4+s22+$0x0], $0xffff;
	v1 =	vcvt.f32.s32 v1;
	(pc) =	sbr.rel @!p3 .LBB2_37-.Ltmp19, $4  }
0x323: {  	v15 =	vmul.f32 v16, v0;
	v14 =	vadd.f32 $2.560000000e+02, v14;
	v13 =	vadd.f32 $2.560000000e+02, v3;
	v3 =	vld.idx.msk [tilespmem:v5+s22+$0x0], $0xffff  }
0x324: {  	[tilespmem:s5+$0x0] =	vst v17;
	v12 =	vclamp.gez.f32 v11, $5.120000000e+02;
	v7 =	vclamp.gez.f32 v20, $5.120000000e+02;
	v4 =	vld.idx.msk [tilespmem:v8+s22+$0x0], $0xffff  }
0x325: {  	s8 =	simm.s32 $0x80;
	v11 =	vld.idx.msk [tilespmem:v9+s22+$0x0], $0xffff;
	v9 =	vclamp.gez.f32 v14, $5.120000000e+02;
	[tilespmem:s5+$0xFFFFFFA0] =	vst v19;
	v8 =	vclamp.gez.f32 v13, $5.120000000e+02;
	v13 =	vadd.f32 $2.560000000e+02, v15  }
0x326: {  	s10 =	simm.s32 $0x570;
	p2 =	por $0x1, $0x1;
	s6 =	simm.s32 $0x8170;
	v5 =	vclamp.gez.f32 v10, $5.120000000e+02;
	v10 =	vtrunc.f32 v63;
	[tilespmem:s5+$0xFFFFFF90] =	vst v18  }
.LBB2_38:
0x327: {  	v14 =	vld [tilespmem:s10+$0x0];
	v13 =	vclamp.gez.f32 v13, $5.120000000e+02;
	v12 =	vtrunc.f32 v12;
	[tilespmem:s6+$0xFFFFFFB0] =	vst v2  }
0x328: {  	s8 =	sadd.s32 $0x80, s8;
	v5 =	vtrunc.f32 v5;
	v2 =	vtrunc.f32 v13;
	v1 =	vld.idx.msk [tilespmem:v1+s22+$0x0], $0xffff;
	[tilespmem:s6+$0xFFFFFFC0] =	vst v3  }
0x329: {  	v8 =	vtrunc.f32 v8;
	v7 =	vtrunc.f32 v7;
	p3 =	slt.u32 s8, $0xF80;
	v3 =	vld [tilespmem:s10+$0xFFFFFFA0];
	[tilespmem:s6+$0xFFFFFFD0] =	vst v4  }
0x32a: {  	v9 =	vtrunc.f32 v9;
	v2 =	vcvt.f32.s32 v2;
	v4 =	vld [tilespmem:s10+$0xFFFFFFB0];
	[tilespmem:s6+$0xFFFFFFE0] =	vst v6  }
0x32b: {  	v10 =	vcvt.f32.s32 v10;
	v12 =	vcvt.f32.s32 v12;
	v6 =	vld [tilespmem:s10+$0xFFFFFFC0];
	[tilespmem:s6+$0xFFFFFFF0] =	vst v11  }
0x32c: {  	v5 =	vcvt.f32.s32 v5;
	v8 =	vcvt.f32.s32 v8;
	v11 =	vld [tilespmem:s10+$0xFFFFFFD0]  }
0x32d: {  	v7 =	vcvt.f32.s32 v7;
	s6 =	sadd.s32 $0x200, s6;
	v14 =	vmul.f32 v14, v0;
	v13 =	vld [tilespmem:s10+$0xFFFFFFE0]  }
0x32e: {  	v9 =	vcvt.f32.s32 v9;
	v3 =	vmul.f32 v3, v0;
	v15 =	vld [tilespmem:s10+$0xFFFFFFF0];
	[tilespmem:s6+$0x0] =	vst v1  }
0x32f: {  	v16 =	vld [tilespmem:s10+$0xFFFFFF90];
	v1 =	vmul.f32 v4, v0;
	v4 =	vadd.f32 $2.560000000e+02, v14  }
0x330: {  	v14 =	vadd.f32 $2.560000000e+02, v3;
	v3 =	vmul.f32 v6, v0;
	v17 =	vld.idx.msk [tilespmem:v2+s22+$0x0], $0xffff  }
0x331: {  	v6 =	vadd.f32 $2.560000000e+02, v1;
	v1 =	vmul.f32 v11, v0;
	v2 =	vclamp.gez.f32 v4, $5.120000000e+02;
	v18 =	vld.idx.msk [tilespmem:v10+s22+$0x0], $0xffff  }
0x332: {  	v10 =	vadd.f32 $2.560000000e+02, v3;
	v4 =	vmul.f32 v13, v0;
	v3 =	vtrunc.f32 v2;
	v2 =	vld.idx.msk [tilespmem:v12+s22+$0x0], $0xffff  }
.Ltmp20:
0x333: {  	v11 =	vadd.f32 $2.560000000e+02, v1;
	v13 =	vmul.f32 v15, v0;
	v1 =	vcvt.f32.s32 v3;
	v3 =	vld.idx.msk [tilespmem:v5+s22+$0x0], $0xffff;
	(pc) =	sbr.rel @p3 .LBB2_38-.Ltmp20, $4  }
0x334: {  	v14 =	vclamp.gez.f32 v14, $5.120000000e+02;
	v15 =	vmul.f32 v16, v0;
	v16 =	vadd.f32 $2.560000000e+02, v4;
	v4 =	vld.idx.msk [tilespmem:v8+s22+$0x0], $0xffff  }
0x335: {  	v12 =	vclamp.gez.f32 v6, $5.120000000e+02;
	v5 =	vclamp.gez.f32 v10, $5.120000000e+02;
	v19 =	vadd.f32 $2.560000000e+02, v13;
	v6 =	vld.idx.msk [tilespmem:v7+s22+$0x0], $0xffff  }
0x336: {  	v8 =	vclamp.gez.f32 v11, $5.120000000e+02;
	v13 =	vadd.f32 $2.560000000e+02, v15;
	v7 =	vclamp.gez.f32 v16, $5.120000000e+02;
	[tilespmem:s6+$0xFFFFFF90] =	vst v17;
	v11 =	vld.idx.msk [tilespmem:v9+s22+$0x0], $0xffff  }
0x337: {  	s10 =	sadd.s32 $0x200, s10;
	v10 =	vtrunc.f32 v14;
	v9 =	vclamp.gez.f32 v19, $5.120000000e+02;
	[tilespmem:s6+$0xFFFFFFA0] =	vst v18  }
.LBB2_39:
0x338: {  	v13 =	vclamp.gez.f32 v13, $5.120000000e+02  }
0x339: {  	v12 =	vtrunc.f32 v12;
	v10 =	vcvt.f32.s32 v10  }
0x33a: {  	v5 =	vtrunc.f32 v5;
	v12 =	vcvt.f32.s32 v12  }
0x33b: {  	v8 =	vtrunc.f32 v8;
	v5 =	vcvt.f32.s32 v5  }
0x33c: {  	v7 =	vtrunc.f32 v7;
	v8 =	vcvt.f32.s32 v8  }
0x33d: {  	[tilespmem:s6+$0xFFFFFFB0] =	vst @p2 v2;
	v1 =	vld.idx.msk [tilespmem:v1+s22+$0x0], $0xffff;
	v2 =	vtrunc.f32 v9;
	v7 =	vcvt.f32.s32 v7  }
0x33e: {  	v13 =	vtrunc.f32 v13;
	v2 =	vcvt.f32.s32 v2  }
0x33f: {  	[tilespmem:s6+$0xFFFFFFD0] =	vst @p2 v4;
	v13 =	vcvt.f32.s32 v13;
	v4 =	vld.idx.msk [tilespmem:v10+s22+$0x0], $0xffff  }
0x340: {  	s8 =	sadd.s32 @p2 $0x200, s6;
	[tilespmem:s6+$0xFFFFFFE0] =	vst @p2 v6;
	v6 =	vld.idx.msk [tilespmem:v12+s22+$0x0], $0xffff  }
0x341: {  	[tilespmem:s6+$0xFFFFFFC0] =	vst @p2 v3;
	s5 =	smov.u32 @p2 s8;
	v5 =	vld.idx.msk [tilespmem:v5+s22+$0x0], $0xffff  }
0x342: {  	[tilespmem:s5+$0x0] =	vst v1;
	v1 =	vld.idx.msk [tilespmem:v8+s22+$0x0], $0xffff  }
0x343: {  	[tilespmem:s6+$0xFFFFFFF0] =	vst @p2 v11;
	v7 =	vld.idx.msk [tilespmem:v7+s22+$0x0], $0xffff  }
0x344: {  	v2 =	vld.idx.msk [tilespmem:v2+s22+$0x0], $0xffff;
	[tilespmem:s5+$0xFFFFFFA0] =	vst v4  }
0x345: {  	v3 =	vld.idx.msk [tilespmem:v13+s22+$0x0], $0xffff;
	[tilespmem:s5+$0xFFFFFFB0] =	vst v6  }
0x346: {  	[tilespmem:s5+$0xFFFFFFC0] =	vst v5  }
0x347: {  	[tilespmem:s5+$0xFFFFFFD0] =	vst v1  }
0x348: {  	[tilespmem:s5+$0xFFFFFFE0] =	vst v7  }
0x349: {  	[tilespmem:s5+$0xFFFFFFF0] =	vst v2  }
0x34a: {  	s12 =	simm.s32 $0x1F0;
	[tilespmem:s5+$0xFFFFFF90] =	vst v3  }
0x34b: {  	v1 =	vld [tilespmem:s12+$0x0]  }
0x34c: {  	v2 =	vld [tilespmem:s12+$0xFFFFFFA0]  }
0x34d: {  	v3 =	vld [tilespmem:s12+$0xFFFFFFB0]  }
0x34e: {  	v4 =	vld [tilespmem:s12+$0xFFFFFFC0]  }
0x34f: {  	v5 =	vld [tilespmem:s12+$0xFFFFFFD0]  }
0x350: {  	v6 =	vld [tilespmem:s12+$0xFFFFFFE0]  }
0x351: {  	v7 =	vld [tilespmem:s12+$0xFFFFFFF0]  }
0x352: {  	v8 =	vld [tilespmem:s12+$0xFFFFFF90]  }
0x353: {  	v1 =	vmul.f32 v1, v0;
	v2 =	vmul.f32 v2, v0  }
0x354: {  	v3 =	vmul.f32 v3, v0;
	v4 =	vmul.f32 v4, v0  }
0x355: {  	v5 =	vmul.f32 v5, v0;
	v6 =	vmul.f32 v6, v0;
	v1 =	vadd.f32 $2.560000000e+02, v1  }
0x356: {  	v7 =	vmul.f32 v7, v0;
	v2 =	vadd.f32 $2.560000000e+02, v2;
	v3 =	vadd.f32 $2.560000000e+02, v3  }
0x357: {  	v9 =	vmul.f32 v8, v0;
	v4 =	vadd.f32 $2.560000000e+02, v4;
	v5 =	vadd.f32 $2.560000000e+02, v5  }
.Ltmp21:
0x358: {  	v10 =	vadd.f32 $2.560000000e+02, v6;
	v1 =	vclamp.gez.f32 v1, $5.120000000e+02;
	v2 =	vclamp.gez.f32 v2, $5.120000000e+02;
	(pc) =	sbr.rel @!p1 .LBB2_40-.Ltmp21, $4  }
0x359: {  	v12 =	vclamp.gez.f32 v3, $5.120000000e+02;
	v6 =	vclamp.gez.f32 v4, $5.120000000e+02  }
0x35a: {  	v3 =	vadd.f32 $2.560000000e+02, v7;
	v8 =	vclamp.gez.f32 v5, $5.120000000e+02;
	v7 =	vclamp.gez.f32 v10, $5.120000000e+02  }
0x35b: {  	v1 =	vtrunc.f32 v1;
	v11 =	vtrunc.f32 v2  }
0x35c: {  	s6 =	simm.s32 $0x81F0;
	s5 =	simm.s32 $0x3F0;
	v13 =	vadd.f32 $2.560000000e+02, v9;
	v1 =	vcvt.f32.s32 v1;
	v10 =	vclamp.gez.f32 v3, $5.120000000e+02  }
0x35d: {  	v2 =	vld [tilespmem:s5+$0x0]  }
0x35e: {  	v4 =	vtrunc.f32 v12;
	v5 =	vtrunc.f32 v6;
	v6 =	vld [tilespmem:s5+$0xFFFFFFA0]  }
0x35f: {  	v8 =	vtrunc.f32 v8;
	v7 =	vtrunc.f32 v7;
	v9 =	vld [tilespmem:s5+$0xFFFFFFB0]  }
0x360: {  	v10 =	vtrunc.f32 v10;
	v12 =	vld [tilespmem:s5+$0xFFFFFFC0];
	v3 =	vclamp.gez.f32 v13, $5.120000000e+02  }
0x361: {  	v11 =	vcvt.f32.s32 v11;
	v14 =	vld [tilespmem:s5+$0xFFFFFFE0];
	v3 =	vtrunc.f32 v3  }
0x362: {  	v15 =	vld [tilespmem:s5+$0xFFFFFFF0];
	v4 =	vcvt.f32.s32 v4;
	v3 =	vcvt.f32.s32 v3  }
0x363: {  	v13 =	vld [tilespmem:s5+$0xFFFFFFD0];
	v5 =	vcvt.f32.s32 v5;
	v10 =	vcvt.f32.s32 v10  }
0x364: {  	v8 =	vcvt.f32.s32 v8;
	v2 =	vmul.f32 v2, v0  }
0x365: {  	v16 =	vld [tilespmem:s5+$0xFFFFFF90];
	v7 =	vcvt.f32.s32 v7;
	v9 =	vmul.f32 v9, v0  }
0x366: {  	v17 =	vld.idx.msk [tilespmem:v1+s22+$0x0], $0xffff;
	v6 =	vmul.f32 v6, v0;
	v1 =	vmul.f32 v12, v0;
	v2 =	vadd.f32 $2.560000000e+02, v2  }
0x367: {  	v12 =	vmul.f32 v14, v0;
	v14 =	vmul.f32 v15, v0;
	v19 =	vld.idx.msk [tilespmem:v11+s22+$0x0], $0xffff;
	v9 =	vadd.f32 $2.560000000e+02, v9  }
0x368: {  	v11 =	vadd.f32 $2.560000000e+02, v1;
	v18 =	vld.idx.msk [tilespmem:v3+s22+$0x0], $0xffff;
	v3 =	vmul.f32 v13, v0;
	v2 =	vclamp.gez.f32 v2, $5.120000000e+02  }
0x369: {  	p1 =	por $0x1, $0x1;
	v20 =	vadd.f32 $2.560000000e+02, v12;
	v12 =	vclamp.gez.f32 v9, $5.120000000e+02;
	v9 =	vld.idx.msk [tilespmem:v10+s22+$0x0], $0xffff;
	v1 =	vtrunc.f32 v2  }
.Ltmp22:
0x36a: {  	v6 =	vadd.f32 $2.560000000e+02, v6;
	v2 =	vld.idx.msk [tilespmem:v4+s22+$0x0], $0xffff;
	v1 =	vcvt.f32.s32 v1;
	(pc) =	sbr.rel @!p1 .LBB2_42-.Ltmp22, $4  }
0x36b: {  	v15 =	vmul.f32 v16, v0;
	v14 =	vadd.f32 $2.560000000e+02, v14;
	v13 =	vadd.f32 $2.560000000e+02, v3;
	v3 =	vld.idx.msk [tilespmem:v5+s22+$0x0], $0xffff  }
0x36c: {  	[tilespmem:s6+$0x0] =	vst v17;
	v63 =	vclamp.gez.f32 v6, $5.120000000e+02;
	v6 =	vclamp.gez.f32 v11, $5.120000000e+02;
	v4 =	vld.idx.msk [tilespmem:v8+s22+$0x0], $0xffff  }
0x36d: {  	s8 =	simm.s32 $0x80;
	v10 =	vclamp.gez.f32 v14, $5.120000000e+02;
	v5 =	vld.idx.msk [tilespmem:v7+s22+$0x0], $0xffff;
	[tilespmem:s6+$0xFFFFFFA0] =	vst v19;
	v8 =	vclamp.gez.f32 v13, $5.120000000e+02;
	v13 =	vadd.f32 $2.560000000e+02, v15  }
0x36e: {  	s10 =	simm.s32 $0x5F0;
	p0 =	por $0x1, $0x1;
	s5 =	simm.s32 $0x81F0;
	v11 =	vtrunc.f32 v63;
	v7 =	vclamp.gez.f32 v20, $5.120000000e+02;
	[tilespmem:s6+$0xFFFFFF90] =	vst v18  }
.LBB2_43:
0x36f: {  	v14 =	vld [tilespmem:s10+$0x0];
	v13 =	vclamp.gez.f32 v13, $5.120000000e+02;
	v12 =	vtrunc.f32 v12;
	[tilespmem:s5+$0xFFFFFFB0] =	vst v2  }
0x370: {  	s8 =	sadd.s32 $0x80, s8;
	v6 =	vtrunc.f32 v6;
	v2 =	vtrunc.f32 v13;
	v1 =	vld.idx.msk [tilespmem:v1+s22+$0x0], $0xffff;
	[tilespmem:s5+$0xFFFFFFC0] =	vst v3  }
0x371: {  	v8 =	vtrunc.f32 v8;
	v7 =	vtrunc.f32 v7;
	p1 =	slt.u32 s8, $0xF80;
	v3 =	vld [tilespmem:s10+$0xFFFFFFA0];
	[tilespmem:s5+$0xFFFFFFD0] =	vst v4  }
0x372: {  	v10 =	vtrunc.f32 v10;
	v2 =	vcvt.f32.s32 v2;
	v4 =	vld [tilespmem:s10+$0xFFFFFFB0];
	[tilespmem:s5+$0xFFFFFFE0] =	vst v5  }
0x373: {  	v11 =	vcvt.f32.s32 v11;
	v12 =	vcvt.f32.s32 v12;
	v5 =	vld [tilespmem:s10+$0xFFFFFFC0];
	[tilespmem:s5+$0xFFFFFFF0] =	vst v9  }
0x374: {  	v6 =	vcvt.f32.s32 v6;
	v8 =	vcvt.f32.s32 v8;
	v9 =	vld [tilespmem:s10+$0xFFFFFFD0]  }
0x375: {  	v7 =	vcvt.f32.s32 v7;
	s5 =	sadd.s32 $0x200, s5;
	v14 =	vmul.f32 v14, v0;
	v13 =	vld [tilespmem:s10+$0xFFFFFFE0]  }
0x376: {  	v10 =	vcvt.f32.s32 v10;
	v3 =	vmul.f32 v3, v0;
	v15 =	vld [tilespmem:s10+$0xFFFFFFF0];
	[tilespmem:s5+$0x0] =	vst v1  }
0x377: {  	v16 =	vld [tilespmem:s10+$0xFFFFFF90];
	v1 =	vmul.f32 v4, v0;
	v4 =	vadd.f32 $2.560000000e+02, v14  }
0x378: {  	v14 =	vadd.f32 $2.560000000e+02, v3;
	v3 =	vmul.f32 v5, v0;
	v17 =	vld.idx.msk [tilespmem:v2+s22+$0x0], $0xffff  }
0x379: {  	v5 =	vadd.f32 $2.560000000e+02, v1;
	v1 =	vmul.f32 v9, v0;
	v2 =	vclamp.gez.f32 v4, $5.120000000e+02;
	v18 =	vld.idx.msk [tilespmem:v11+s22+$0x0], $0xffff  }
0x37a: {  	v9 =	vadd.f32 $2.560000000e+02, v3;
	v4 =	vmul.f32 v13, v0;
	v3 =	vtrunc.f32 v2;
	v2 =	vld.idx.msk [tilespmem:v12+s22+$0x0], $0xffff  }
.Ltmp23:
0x37b: {  	v11 =	vadd.f32 $2.560000000e+02, v1;
	v13 =	vmul.f32 v15, v0;
	v1 =	vcvt.f32.s32 v3;
	v3 =	vld.idx.msk [tilespmem:v6+s22+$0x0], $0xffff;
	(pc) =	sbr.rel @p1 .LBB2_43-.Ltmp23, $4  }
0x37c: {  	v14 =	vclamp.gez.f32 v14, $5.120000000e+02;
	v15 =	vmul.f32 v16, v0;
	v16 =	vadd.f32 $2.560000000e+02, v4;
	v4 =	vld.idx.msk [tilespmem:v8+s22+$0x0], $0xffff  }
0x37d: {  	v12 =	vclamp.gez.f32 v5, $5.120000000e+02;
	v6 =	vclamp.gez.f32 v9, $5.120000000e+02;
	v19 =	vadd.f32 $2.560000000e+02, v13;
	v5 =	vld.idx.msk [tilespmem:v7+s22+$0x0], $0xffff  }
0x37e: {  	v8 =	vclamp.gez.f32 v11, $5.120000000e+02;
	v13 =	vadd.f32 $2.560000000e+02, v15;
	v7 =	vclamp.gez.f32 v16, $5.120000000e+02;
	[tilespmem:s5+$0xFFFFFF90] =	vst v17;
	v9 =	vld.idx.msk [tilespmem:v10+s22+$0x0], $0xffff  }
0x37f: {  	s10 =	sadd.s32 $0x200, s10;
	v11 =	vtrunc.f32 v14;
	v10 =	vclamp.gez.f32 v19, $5.120000000e+02;
	[tilespmem:s5+$0xFFFFFFA0] =	vst v18  }
.LBB2_44:
0x380: {  	v13 =	vclamp.gez.f32 v13, $5.120000000e+02  }
0x381: {  	v12 =	vtrunc.f32 v12;
	v11 =	vcvt.f32.s32 v11  }
0x382: {  	v6 =	vtrunc.f32 v6;
	v12 =	vcvt.f32.s32 v12  }
0x383: {  	v8 =	vtrunc.f32 v8;
	v6 =	vcvt.f32.s32 v6  }
0x384: {  	v7 =	vtrunc.f32 v7;
	v8 =	vcvt.f32.s32 v8  }
0x385: {  	[tilespmem:s5+$0xFFFFFFB0] =	vst @p0 v2;
	v1 =	vld.idx.msk [tilespmem:v1+s22+$0x0], $0xffff;
	v2 =	vtrunc.f32 v10;
	v7 =	vcvt.f32.s32 v7  }
0x386: {  	v13 =	vtrunc.f32 v13;
	v2 =	vcvt.f32.s32 v2  }
0x387: {  	[tilespmem:s5+$0xFFFFFFD0] =	vst @p0 v4;
	v13 =	vcvt.f32.s32 v13;
	v4 =	vld.idx.msk [tilespmem:v11+s22+$0x0], $0xffff  }
0x388: {  	s8 =	sadd.s32 @p0 $0x200, s5;
	[tilespmem:s5+$0xFFFFFFE0] =	vst @p0 v5;
	v5 =	vld.idx.msk [tilespmem:v12+s22+$0x0], $0xffff  }
0x389: {  	[tilespmem:s5+$0xFFFFFFC0] =	vst @p0 v3;
	s6 =	smov.u32 @p0 s8;
	v6 =	vld.idx.msk [tilespmem:v6+s22+$0x0], $0xffff  }
0x38a: {  	[tilespmem:s6+$0x0] =	vst v1;
	v1 =	vld.idx.msk [tilespmem:v8+s22+$0x0], $0xffff  }
0x38b: {  	[tilespmem:s5+$0xFFFFFFF0] =	vst @p0 v9;
	v7 =	vld.idx.msk [tilespmem:v7+s22+$0x0], $0xffff  }
0x38c: {  	v2 =	vld.idx.msk [tilespmem:v2+s22+$0x0], $0xffff;
	[tilespmem:s6+$0xFFFFFFA0] =	vst v4  }
0x38d: {  	v3 =	vld.idx.msk [tilespmem:v13+s22+$0x0], $0xffff;
	[tilespmem:s6+$0xFFFFFFB0] =	vst v5  }
0x38e: {  	[tilespmem:s6+$0xFFFFFFC0] =	vst v6  }
0x38f: {  	s10 =	sshll.u32 s20, $0x3;
	[tilespmem:s6+$0xFFFFFFD0] =	vst v1  }
0x390: {  	s11 =	sadd.s32 s10, s13;
	[tilespmem:s6+$0xFFFFFFE0] =	vst v7  }
0x391: {  	s8 =	sadd.s32 s10, s14;
	s5 =	sshll.u32 s11, $0x9;
	[tilespmem:s6+$0xFFFFFFF0] =	vst v2  }
0x392: {  	s12 =	sadd.s32 s3, s5;
	[tilespmem:s6+$0xFFFFFF90] =	vst v3;
	s6 =	sshll.u32 s8, $0x9  }
0x393: {  	[hbm4b:s12+s23] =	stream.strided.scatter [tilespmem:s28], [sflag:$0x3], $0x4000, s24, s23, $0x38;
	[tilespmem:$0x10480] =	vst v63  }
0x394: {  	s10 =	sadd.s32 s0, s6  }
0x395: {  	[tilespmem:s4], [sflag:$0x1] =	stream.strided.gather [hbm4b:s10+s23], $0x4000, s24, s23, $0x38;
	[tilespmem:$0x10480] =	vst v63  }
0x396: {  	_ =	swait.ge [sflag:s29], $0x4000  }
0x397: {  	[sflag:s29] =	ssyncset.done $0x0  }
0x398: {  	[sflag:s29] =	ssyncadd.s32 $0xFFFFC000  }
0x399: {  	_ =	swait.ge [sflag:s1], $0x4000  }
0x39a: {  	[sflag:s1] =	ssyncset.done $0x0  }
0x39b: {  	s11 =	simm.s32 $0x4040;
	[sflag:s1] =	ssyncadd.s32 $0xFFFFC000  }
0x39c: {  	v1 =	vld [tilespmem:s11+$0x30]  }
0x39d: {  	v2 =	vld [tilespmem:s11+$0xFFFFFFD0]  }
0x39e: {  	v3 =	vld [tilespmem:s11+$0xFFFFFFE0]  }
0x39f: {  	v4 =	vld [tilespmem:s11+$0xFFFFFFF0]  }
0x3a0: {  	v5 =	vld [tilespmem:s11+$0x0]  }
0x3a1: {  	v6 =	vld [tilespmem:s11+$0x10]  }
0x3a2: {  	v7 =	vld [tilespmem:s11+$0x20]  }
0x3a3: {  	s12 =	simm.s32 $0x4240;
	v8 =	vld [tilespmem:s11+$0xFFFFFFC0]  }
0x3a4: {  	v9 =	vld [tilespmem:s12+$0x30]  }
0x3a5: {  	v10 =	vld [tilespmem:s12+$0xFFFFFFD0];
	v1 =	vmul.f32 v1, v0;
	v2 =	vmul.f32 v2, v0  }
0x3a6: {  	v11 =	vld [tilespmem:s12+$0xFFFFFFE0];
	v3 =	vmul.f32 v3, v0;
	v4 =	vmul.f32 v4, v0  }
0x3a7: {  	v5 =	vmul.f32 v5, v0;
	v6 =	vmul.f32 v6, v0  }
0x3a8: {  	v7 =	vmul.f32 v7, v0;
	v8 =	vmul.f32 v8, v0  }
0x3a9: {  	v9 =	vmul.f32 v9, v0;
	v1 =	vadd.f32 $2.560000000e+02, v1;
	v2 =	vadd.f32 $2.560000000e+02, v2  }
0x3aa: {  	v10 =	vmul.f32 v10, v0;
	v3 =	vadd.f32 $2.560000000e+02, v3;
	v4 =	vadd.f32 $2.560000000e+02, v4  }
0x3ab: {  	v11 =	vmul.f32 v11, v0;
	v5 =	vadd.f32 $2.560000000e+02, v5;
	v6 =	vadd.f32 $2.560000000e+02, v6  }
0x3ac: {  	v7 =	vadd.f32 $2.560000000e+02, v7;
	v1 =	vclamp.gez.f32 v1, $5.120000000e+02;
	v2 =	vclamp.gez.f32 v2, $5.120000000e+02  }
0x3ad: {  	v8 =	vadd.f32 $2.560000000e+02, v8;
	v3 =	vclamp.gez.f32 v3, $5.120000000e+02;
	v4 =	vclamp.gez.f32 v4, $5.120000000e+02  }
0x3ae: {  	v9 =	vadd.f32 $2.560000000e+02, v9;
	v5 =	vclamp.gez.f32 v5, $5.120000000e+02;
	v6 =	vclamp.gez.f32 v6, $5.120000000e+02  }
0x3af: {  	v7 =	vclamp.gez.f32 v7, $5.120000000e+02;
	v8 =	vclamp.gez.f32 v8, $5.120000000e+02  }
0x3b0: {  	v9 =	vclamp.gez.f32 v9, $5.120000000e+02;
	v1 =	vtrunc.f32 v1  }
0x3b1: {  	v2 =	vtrunc.f32 v2;
	v3 =	vtrunc.f32 v3  }
0x3b2: {  	v8 =	vtrunc.f32 v8;
	v1 =	vcvt.f32.s32 v1  }
0x3b3: {  	v12 =	vld [tilespmem:s12+$0xFFFFFFF0];
	v4 =	vtrunc.f32 v4;
	v8 =	vcvt.f32.s32 v8  }
0x3b4: {  	v13 =	vld [tilespmem:s12+$0x0];
	v5 =	vtrunc.f32 v5;
	v2 =	vcvt.f32.s32 v2  }
0x3b5: {  	v14 =	vld [tilespmem:s12+$0x10];
	v6 =	vtrunc.f32 v6;
	v3 =	vcvt.f32.s32 v3  }
0x3b6: {  	v15 =	vld [tilespmem:s12+$0x20];
	v7 =	vtrunc.f32 v7;
	v4 =	vcvt.f32.s32 v4  }
0x3b7: {  	v16 =	vld [tilespmem:s12+$0xFFFFFFC0];
	v5 =	vcvt.f32.s32 v5;
	v6 =	vcvt.f32.s32 v6  }
0x3b8: {  	v18 =	vcvt.f32.s32 v7;
	v17 =	vld.idx.msk [tilespmem:v1+s22+$0x0], $0xffff;
	v1 =	vmul.f32 v12, v0  }
0x3b9: {  	v7 =	vadd.f32 $2.560000000e+02, v10;
	v10 =	vld.idx.msk [tilespmem:v8+s22+$0x0], $0xffff;
	v8 =	vadd.f32 $2.560000000e+02, v11;
	v11 =	vmul.f32 v13, v0  }
0x3ba: {  	v19 =	vld.idx.msk [tilespmem:v2+s22+$0x0], $0xffff;
	v12 =	vmul.f32 v14, v0;
	v2 =	vtrunc.f32 v9;
	v13 =	vadd.f32 $2.560000000e+02, v1  }
0x3bb: {  	v1 =	vld.idx.msk [tilespmem:v3+s22+$0x0], $0xffff;
	v9 =	vadd.f32 $2.560000000e+02, v11;
	v11 =	vmul.f32 v15, v0;
	v3 =	vcvt.f32.s32 v2  }
0x3bc: {  	s8 =	simm.s32 $0xC040;
	v14 =	vmul.f32 v16, v0;
	v2 =	vld.idx.msk [tilespmem:v4+s22+$0x0], $0xffff;
	v15 =	vclamp.gez.f32 v7, $5.120000000e+02;
	v7 =	vadd.f32 $2.560000000e+02, v12  }
0x3bd: {  	v4 =	vld.idx.msk [tilespmem:v5+s22+$0x0], $0xffff;
	v12 =	vclamp.gez.f32 v8, $5.120000000e+02;
	v8 =	vclamp.gez.f32 v13, $5.120000000e+02;
	v63 =	vadd.f32 $2.560000000e+02, v11;
	[tilespmem:s8+$0x30] =	vst v17  }
0x3be: {  	v5 =	vld.idx.msk [tilespmem:v6+s22+$0x0], $0xffff;
	v9 =	vclamp.gez.f32 v9, $5.120000000e+02;
	v7 =	vclamp.gez.f32 v7, $5.120000000e+02;
	v13 =	vadd.f32 $2.560000000e+02, v14;
	[tilespmem:s8+$0xFFFFFFC0] =	vst v10  }
0x3bf: {  	s10 =	simm.s32 $0x80;
	s11 =	simm.s32 $0x4440;
	v6 =	vld.idx.msk [tilespmem:v18+s22+$0x0], $0xffff;
	v11 =	vtrunc.f32 v15;
	[tilespmem:s8+$0xFFFFFFD0] =	vst v19;
	v10 =	vclamp.gez.f32 v63, $5.120000000e+02  }
.LBB2_45:
0x3c0: {  	v14 =	vld [tilespmem:s11+$0x30];
	v13 =	vclamp.gez.f32 v13, $5.120000000e+02;
	v12 =	vtrunc.f32 v12;
	[tilespmem:s8+$0xFFFFFFE0] =	vst v1  }
0x3c1: {  	s10 =	sadd.s32 $0x80, s10;
	v8 =	vtrunc.f32 v8;
	v1 =	vtrunc.f32 v13;
	v3 =	vld.idx.msk [tilespmem:v3+s22+$0x0], $0xffff;
	[tilespmem:s8+$0xFFFFFFF0] =	vst v2  }
0x3c2: {  	v9 =	vtrunc.f32 v9;
	v7 =	vtrunc.f32 v7;
	p0 =	slt.u32 s10, $0xF80;
	v2 =	vld [tilespmem:s11+$0xFFFFFFD0];
	[tilespmem:s8+$0x0] =	vst v4  }
0x3c3: {  	v10 =	vtrunc.f32 v10;
	v1 =	vcvt.f32.s32 v1;
	v4 =	vld [tilespmem:s11+$0xFFFFFFE0];
	[tilespmem:s8+$0x10] =	vst v5  }
0x3c4: {  	v11 =	vcvt.f32.s32 v11;
	v12 =	vcvt.f32.s32 v12;
	v5 =	vld [tilespmem:s11+$0xFFFFFFF0];
	[tilespmem:s8+$0x20] =	vst v6  }
0x3c5: {  	v8 =	vcvt.f32.s32 v8;
	v9 =	vcvt.f32.s32 v9;
	v6 =	vld [tilespmem:s11+$0x0]  }
0x3c6: {  	v7 =	vcvt.f32.s32 v7;
	s8 =	sadd.s32 $0x200, s8;
	v14 =	vmul.f32 v14, v0;
	v13 =	vld [tilespmem:s11+$0x10]  }
0x3c7: {  	v10 =	vcvt.f32.s32 v10;
	v2 =	vmul.f32 v2, v0;
	v15 =	vld [tilespmem:s11+$0x20];
	[tilespmem:s8+$0x30] =	vst v3  }
0x3c8: {  	v16 =	vld [tilespmem:s11+$0xFFFFFFC0];
	v3 =	vmul.f32 v4, v0;
	v4 =	vadd.f32 $2.560000000e+02, v14  }
0x3c9: {  	v14 =	vadd.f32 $2.560000000e+02, v2;
	v2 =	vmul.f32 v5, v0;
	v17 =	vld.idx.msk [tilespmem:v1+s22+$0x0], $0xffff  }
0x3ca: {  	v5 =	vadd.f32 $2.560000000e+02, v3;
	v3 =	vmul.f32 v6, v0;
	v1 =	vclamp.gez.f32 v4, $5.120000000e+02;
	v18 =	vld.idx.msk [tilespmem:v11+s22+$0x0], $0xffff  }
0x3cb: {  	v6 =	vadd.f32 $2.560000000e+02, v2;
	v4 =	vmul.f32 v13, v0;
	v2 =	vtrunc.f32 v1;
	v1 =	vld.idx.msk [tilespmem:v12+s22+$0x0], $0xffff  }
.Ltmp24:
0x3cc: {  	v11 =	vadd.f32 $2.560000000e+02, v3;
	v13 =	vmul.f32 v15, v0;
	v3 =	vcvt.f32.s32 v2;
	v2 =	vld.idx.msk [tilespmem:v8+s22+$0x0], $0xffff;
	(pc) =	sbr.rel @p0 .LBB2_45-.Ltmp24, $4  }
0x3cd: {  	v14 =	vclamp.gez.f32 v14, $5.120000000e+02;
	v15 =	vmul.f32 v16, v0;
	v16 =	vadd.f32 $2.560000000e+02, v4;
	v4 =	vld.idx.msk [tilespmem:v9+s22+$0x0], $0xffff  }
0x3ce: {  	v12 =	vclamp.gez.f32 v5, $5.120000000e+02;
	v8 =	vclamp.gez.f32 v6, $5.120000000e+02;
	v19 =	vadd.f32 $2.560000000e+02, v13;
	v5 =	vld.idx.msk [tilespmem:v7+s22+$0x0], $0xffff  }
0x3cf: {  	v9 =	vclamp.gez.f32 v11, $5.120000000e+02;
	v13 =	vadd.f32 $2.560000000e+02, v15;
	v7 =	vclamp.gez.f32 v16, $5.120000000e+02;
	[tilespmem:s8+$0xFFFFFFC0] =	vst v17;
	v6 =	vld.idx.msk [tilespmem:v10+s22+$0x0], $0xffff  }
0x3d0: {  	s11 =	sadd.s32 $0x200, s11;
	v11 =	vtrunc.f32 v14;
	v10 =	vclamp.gez.f32 v19, $5.120000000e+02;
	[tilespmem:s8+$0xFFFFFFD0] =	vst v18  }
0x3d1: {  	v13 =	vclamp.gez.f32 v13, $5.120000000e+02  }
0x3d2: {  	v12 =	vtrunc.f32 v12;
	v11 =	vcvt.f32.s32 v11  }
0x3d3: {  	v8 =	vtrunc.f32 v8;
	v12 =	vcvt.f32.s32 v12  }
0x3d4: {  	v9 =	vtrunc.f32 v9;
	v8 =	vcvt.f32.s32 v8  }
0x3d5: {  	v7 =	vtrunc.f32 v7;
	v9 =	vcvt.f32.s32 v9  }
0x3d6: {  	[tilespmem:s8+$0xFFFFFFE0] =	vst v1;
	v1 =	vld.idx.msk [tilespmem:v3+s22+$0x0], $0xffff;
	v3 =	vtrunc.f32 v10;
	v7 =	vcvt.f32.s32 v7  }
0x3d7: {  	[tilespmem:s8+$0xFFFFFFF0] =	vst v2;
	v13 =	vtrunc.f32 v13;
	v2 =	vcvt.f32.s32 v3  }
0x3d8: {  	[tilespmem:s8+$0x0] =	vst v4;
	v13 =	vcvt.f32.s32 v13;
	v4 =	vld.idx.msk [tilespmem:v11+s22+$0x0], $0xffff  }
0x3d9: {  	[tilespmem:s8+$0x10] =	vst v5;
	v5 =	vld.idx.msk [tilespmem:v12+s22+$0x0], $0xffff  }
0x3da: {  	s11 =	sadd.s32 $0x200, s8;
	[tilespmem:s8+$0x20] =	vst v6;
	v6 =	vld.idx.msk [tilespmem:v8+s22+$0x0], $0xffff  }
0x3db: {  	[tilespmem:s11+$0x30] =	vst v1;
	v1 =	vld.idx.msk [tilespmem:v9+s22+$0x0], $0xffff  }
0x3dc: {  	v7 =	vld.idx.msk [tilespmem:v7+s22+$0x0], $0xffff  }
0x3dd: {  	v2 =	vld.idx.msk [tilespmem:v2+s22+$0x0], $0xffff;
	[tilespmem:s11+$0xFFFFFFD0] =	vst v4  }
0x3de: {  	v3 =	vld.idx.msk [tilespmem:v13+s22+$0x0], $0xffff;
	[tilespmem:s11+$0xFFFFFFE0] =	vst v5  }
0x3df: {  	[tilespmem:s11+$0xFFFFFFF0] =	vst v6  }
0x3e0: {  	[tilespmem:s11+$0x0] =	vst v1  }
0x3e1: {  	[tilespmem:s11+$0x10] =	vst v7  }
0x3e2: {  	[tilespmem:s11+$0x20] =	vst v2  }
0x3e3: {  	s10 =	simm.s32 $0x40F0;
	[tilespmem:s11+$0xFFFFFFC0] =	vst v3  }
0x3e4: {  	v1 =	vld [tilespmem:s10+$0x0]  }
0x3e5: {  	v2 =	vld [tilespmem:s10+$0xFFFFFFA0]  }
0x3e6: {  	v3 =	vld [tilespmem:s10+$0xFFFFFFB0]  }
0x3e7: {  	v4 =	vld [tilespmem:s10+$0xFFFFFFC0]  }
0x3e8: {  	v5 =	vld [tilespmem:s10+$0xFFFFFFD0]  }
0x3e9: {  	v6 =	vld [tilespmem:s10+$0xFFFFFFE0]  }
0x3ea: {  	v7 =	vld [tilespmem:s10+$0xFFFFFFF0]  }
0x3eb: {  	s12 =	simm.s32 $0x42F0;
	v8 =	vld [tilespmem:s10+$0xFFFFFF90]  }
0x3ec: {  	v9 =	vld [tilespmem:s12+$0x0]  }
0x3ed: {  	v10 =	vld [tilespmem:s12+$0xFFFFFFA0];
	v1 =	vmul.f32 v1, v0;
	v2 =	vmul.f32 v2, v0  }
0x3ee: {  	v11 =	vld [tilespmem:s12+$0xFFFFFFB0];
	v3 =	vmul.f32 v3, v0;
	v4 =	vmul.f32 v4, v0  }
0x3ef: {  	v5 =	vmul.f32 v5, v0;
	v6 =	vmul.f32 v6, v0  }
0x3f0: {  	v7 =	vmul.f32 v7, v0;
	v8 =	vmul.f32 v8, v0  }
0x3f1: {  	v9 =	vmul.f32 v9, v0;
	v1 =	vadd.f32 $2.560000000e+02, v1;
	v2 =	vadd.f32 $2.560000000e+02, v2  }
0x3f2: {  	v10 =	vmul.f32 v10, v0;
	v3 =	vadd.f32 $2.560000000e+02, v3;
	v4 =	vadd.f32 $2.560000000e+02, v4  }
0x3f3: {  	v11 =	vmul.f32 v11, v0;
	v5 =	vadd.f32 $2.560000000e+02, v5;
	v6 =	vadd.f32 $2.560000000e+02, v6  }
0x3f4: {  	v7 =	vadd.f32 $2.560000000e+02, v7;
	v1 =	vclamp.gez.f32 v1, $5.120000000e+02;
	v2 =	vclamp.gez.f32 v2, $5.120000000e+02  }
0x3f5: {  	v8 =	vadd.f32 $2.560000000e+02, v8;
	v3 =	vclamp.gez.f32 v3, $5.120000000e+02;
	v4 =	vclamp.gez.f32 v4, $5.120000000e+02  }
0x3f6: {  	v9 =	vadd.f32 $2.560000000e+02, v9;
	v5 =	vclamp.gez.f32 v5, $5.120000000e+02;
	v6 =	vclamp.gez.f32 v6, $5.120000000e+02  }
0x3f7: {  	v7 =	vclamp.gez.f32 v7, $5.120000000e+02;
	v8 =	vclamp.gez.f32 v8, $5.120000000e+02  }
0x3f8: {  	v9 =	vclamp.gez.f32 v9, $5.120000000e+02;
	v1 =	vtrunc.f32 v1  }
0x3f9: {  	v2 =	vtrunc.f32 v2;
	v3 =	vtrunc.f32 v3  }
0x3fa: {  	v8 =	vtrunc.f32 v8;
	v1 =	vcvt.f32.s32 v1  }
0x3fb: {  	v12 =	vld [tilespmem:s12+$0xFFFFFFC0];
	v4 =	vtrunc.f32 v4;
	v8 =	vcvt.f32.s32 v8  }
0x3fc: {  	v13 =	vld [tilespmem:s12+$0xFFFFFFD0];
	v5 =	vtrunc.f32 v5;
	v2 =	vcvt.f32.s32 v2  }
0x3fd: {  	v14 =	vld [tilespmem:s12+$0xFFFFFFE0];
	v6 =	vtrunc.f32 v6;
	v3 =	vcvt.f32.s32 v3  }
0x3fe: {  	v15 =	vld [tilespmem:s12+$0xFFFFFFF0];
	v7 =	vtrunc.f32 v7;
	v4 =	vcvt.f32.s32 v4  }
0x3ff: {  	v16 =	vld [tilespmem:s12+$0xFFFFFF90];
	v5 =	vcvt.f32.s32 v5;
	v6 =	vcvt.f32.s32 v6  }
0x400: {  	v18 =	vcvt.f32.s32 v7;
	v17 =	vld.idx.msk [tilespmem:v1+s22+$0x0], $0xffff;
	v1 =	vmul.f32 v12, v0  }
0x401: {  	v7 =	vadd.f32 $2.560000000e+02, v10;
	v10 =	vld.idx.msk [tilespmem:v8+s22+$0x0], $0xffff;
	v8 =	vadd.f32 $2.560000000e+02, v11;
	v11 =	vmul.f32 v13, v0  }
0x402: {  	v19 =	vld.idx.msk [tilespmem:v2+s22+$0x0], $0xffff;
	v12 =	vmul.f32 v14, v0;
	v2 =	vtrunc.f32 v9;
	v13 =	vadd.f32 $2.560000000e+02, v1  }
0x403: {  	v1 =	vld.idx.msk [tilespmem:v3+s22+$0x0], $0xffff;
	v9 =	vadd.f32 $2.560000000e+02, v11;
	v11 =	vmul.f32 v15, v0;
	v3 =	vcvt.f32.s32 v2  }
0x404: {  	s8 =	simm.s32 $0xC0F0;
	v14 =	vmul.f32 v16, v0;
	v2 =	vld.idx.msk [tilespmem:v4+s22+$0x0], $0xffff;
	v15 =	vclamp.gez.f32 v7, $5.120000000e+02;
	v7 =	vadd.f32 $2.560000000e+02, v12  }
0x405: {  	v4 =	vld.idx.msk [tilespmem:v5+s22+$0x0], $0xffff;
	v12 =	vclamp.gez.f32 v8, $5.120000000e+02;
	v8 =	vclamp.gez.f32 v13, $5.120000000e+02;
	v63 =	vadd.f32 $2.560000000e+02, v11;
	[tilespmem:s8+$0x0] =	vst v17  }
0x406: {  	v5 =	vld.idx.msk [tilespmem:v6+s22+$0x0], $0xffff;
	v9 =	vclamp.gez.f32 v9, $5.120000000e+02;
	v7 =	vclamp.gez.f32 v7, $5.120000000e+02;
	v13 =	vadd.f32 $2.560000000e+02, v14;
	[tilespmem:s8+$0xFFFFFF90] =	vst v10  }
0x407: {  	s11 =	simm.s32 $0x44F0;
	s10 =	simm.s32 $0x80;
	v6 =	vld.idx.msk [tilespmem:v18+s22+$0x0], $0xffff;
	v11 =	vtrunc.f32 v15;
	[tilespmem:s8+$0xFFFFFFA0] =	vst v19;
	v10 =	vclamp.gez.f32 v63, $5.120000000e+02  }
.LBB2_47:
0x408: {  	v14 =	vld [tilespmem:s11+$0x0];
	v13 =	vclamp.gez.f32 v13, $5.120000000e+02;
	v12 =	vtrunc.f32 v12;
	[tilespmem:s8+$0xFFFFFFB0] =	vst v1  }
0x409: {  	s10 =	sadd.s32 $0x80, s10;
	v8 =	vtrunc.f32 v8;
	v1 =	vtrunc.f32 v13;
	v3 =	vld.idx.msk [tilespmem:v3+s22+$0x0], $0xffff;
	[tilespmem:s8+$0xFFFFFFC0] =	vst v2  }
0x40a: {  	v9 =	vtrunc.f32 v9;
	v7 =	vtrunc.f32 v7;
	p0 =	slt.u32 s10, $0xF80;
	v2 =	vld [tilespmem:s11+$0xFFFFFFA0];
	[tilespmem:s8+$0xFFFFFFD0] =	vst v4  }
0x40b: {  	v10 =	vtrunc.f32 v10;
	v1 =	vcvt.f32.s32 v1;
	v4 =	vld [tilespmem:s11+$0xFFFFFFB0];
	[tilespmem:s8+$0xFFFFFFE0] =	vst v5  }
0x40c: {  	v11 =	vcvt.f32.s32 v11;
	v12 =	vcvt.f32.s32 v12;
	v5 =	vld [tilespmem:s11+$0xFFFFFFC0];
	[tilespmem:s8+$0xFFFFFFF0] =	vst v6  }
0x40d: {  	v8 =	vcvt.f32.s32 v8;
	v9 =	vcvt.f32.s32 v9;
	v6 =	vld [tilespmem:s11+$0xFFFFFFD0]  }
0x40e: {  	v7 =	vcvt.f32.s32 v7;
	s8 =	sadd.s32 $0x200, s8;
	v14 =	vmul.f32 v14, v0;
	v13 =	vld [tilespmem:s11+$0xFFFFFFE0]  }
0x40f: {  	v10 =	vcvt.f32.s32 v10;
	v2 =	vmul.f32 v2, v0;
	v15 =	vld [tilespmem:s11+$0xFFFFFFF0];
	[tilespmem:s8+$0x0] =	vst v3  }
0x410: {  	v16 =	vld [tilespmem:s11+$0xFFFFFF90];
	v3 =	vmul.f32 v4, v0;
	v4 =	vadd.f32 $2.560000000e+02, v14  }
0x411: {  	v14 =	vadd.f32 $2.560000000e+02, v2;
	v2 =	vmul.f32 v5, v0;
	v17 =	vld.idx.msk [tilespmem:v1+s22+$0x0], $0xffff  }
0x412: {  	v5 =	vadd.f32 $2.560000000e+02, v3;
	v3 =	vmul.f32 v6, v0;
	v1 =	vclamp.gez.f32 v4, $5.120000000e+02;
	v18 =	vld.idx.msk [tilespmem:v11+s22+$0x0], $0xffff  }
0x413: {  	v6 =	vadd.f32 $2.560000000e+02, v2;
	v4 =	vmul.f32 v13, v0;
	v2 =	vtrunc.f32 v1;
	v1 =	vld.idx.msk [tilespmem:v12+s22+$0x0], $0xffff  }
.Ltmp25:
0x414: {  	v11 =	vadd.f32 $2.560000000e+02, v3;
	v13 =	vmul.f32 v15, v0;
	v3 =	vcvt.f32.s32 v2;
	v2 =	vld.idx.msk [tilespmem:v8+s22+$0x0], $0xffff;
	(pc) =	sbr.rel @p0 .LBB2_47-.Ltmp25, $4  }
0x415: {  	v14 =	vclamp.gez.f32 v14, $5.120000000e+02;
	v15 =	vmul.f32 v16, v0;
	v16 =	vadd.f32 $2.560000000e+02, v4;
	v4 =	vld.idx.msk [tilespmem:v9+s22+$0x0], $0xffff  }
0x416: {  	v12 =	vclamp.gez.f32 v5, $5.120000000e+02;
	v8 =	vclamp.gez.f32 v6, $5.120000000e+02;
	v19 =	vadd.f32 $2.560000000e+02, v13;
	v5 =	vld.idx.msk [tilespmem:v7+s22+$0x0], $0xffff  }
0x417: {  	v9 =	vclamp.gez.f32 v11, $5.120000000e+02;
	v13 =	vadd.f32 $2.560000000e+02, v15;
	v7 =	vclamp.gez.f32 v16, $5.120000000e+02;
	[tilespmem:s8+$0xFFFFFF90] =	vst v17;
	v6 =	vld.idx.msk [tilespmem:v10+s22+$0x0], $0xffff  }
0x418: {  	s11 =	sadd.s32 $0x200, s11;
	v11 =	vtrunc.f32 v14;
	v10 =	vclamp.gez.f32 v19, $5.120000000e+02;
	[tilespmem:s8+$0xFFFFFFA0] =	vst v18  }
0x419: {  	v13 =	vclamp.gez.f32 v13, $5.120000000e+02  }
0x41a: {  	v12 =	vtrunc.f32 v12;
	v11 =	vcvt.f32.s32 v11  }
0x41b: {  	v8 =	vtrunc.f32 v8;
	v12 =	vcvt.f32.s32 v12  }
0x41c: {  	v9 =	vtrunc.f32 v9;
	v8 =	vcvt.f32.s32 v8  }
0x41d: {  	v7 =	vtrunc.f32 v7;
	v9 =	vcvt.f32.s32 v9  }
0x41e: {  	[tilespmem:s8+$0xFFFFFFB0] =	vst v1;
	v1 =	vld.idx.msk [tilespmem:v3+s22+$0x0], $0xffff;
	v3 =	vtrunc.f32 v10;
	v7 =	vcvt.f32.s32 v7  }
0x41f: {  	[tilespmem:s8+$0xFFFFFFC0] =	vst v2;
	v13 =	vtrunc.f32 v13;
	v2 =	vcvt.f32.s32 v3  }
0x420: {  	[tilespmem:s8+$0xFFFFFFD0] =	vst v4;
	v13 =	vcvt.f32.s32 v13;
	v4 =	vld.idx.msk [tilespmem:v11+s22+$0x0], $0xffff  }
0x421: {  	[tilespmem:s8+$0xFFFFFFE0] =	vst v5;
	v5 =	vld.idx.msk [tilespmem:v12+s22+$0x0], $0xffff  }
0x422: {  	s12 =	sadd.s32 $0x200, s8;
	[tilespmem:s8+$0xFFFFFFF0] =	vst v6;
	v6 =	vld.idx.msk [tilespmem:v8+s22+$0x0], $0xffff  }
0x423: {  	[tilespmem:s12+$0x0] =	vst v1;
	v1 =	vld.idx.msk [tilespmem:v9+s22+$0x0], $0xffff  }
0x424: {  	v7 =	vld.idx.msk [tilespmem:v7+s22+$0x0], $0xffff  }
0x425: {  	v2 =	vld.idx.msk [tilespmem:v2+s22+$0x0], $0xffff;
	[tilespmem:s12+$0xFFFFFFA0] =	vst v4  }
0x426: {  	v3 =	vld.idx.msk [tilespmem:v13+s22+$0x0], $0xffff;
	[tilespmem:s12+$0xFFFFFFB0] =	vst v5  }
0x427: {  	[tilespmem:s12+$0xFFFFFFC0] =	vst v6  }
0x428: {  	[tilespmem:s12+$0xFFFFFFD0] =	vst v1  }
0x429: {  	[tilespmem:s12+$0xFFFFFFE0] =	vst v7  }
0x42a: {  	[tilespmem:s12+$0xFFFFFFF0] =	vst v2  }
0x42b: {  	s10 =	simm.s32 $0x4170;
	[tilespmem:s12+$0xFFFFFF90] =	vst v3  }
0x42c: {  	v1 =	vld [tilespmem:s10+$0x0]  }
0x42d: {  	v2 =	vld [tilespmem:s10+$0xFFFFFFA0]  }
0x42e: {  	v3 =	vld [tilespmem:s10+$0xFFFFFFB0]  }
0x42f: {  	v4 =	vld [tilespmem:s10+$0xFFFFFFC0]  }
0x430: {  	v5 =	vld [tilespmem:s10+$0xFFFFFFD0]  }
0x431: {  	v6 =	vld [tilespmem:s10+$0xFFFFFFE0]  }
0x432: {  	v7 =	vld [tilespmem:s10+$0xFFFFFFF0]  }
0x433: {  	v8 =	vld [tilespmem:s10+$0xFFFFFF90]  }
0x434: {  	v1 =	vmul.f32 v1, v0;
	v2 =	vmul.f32 v2, v0  }
0x435: {  	v3 =	vmul.f32 v3, v0;
	v4 =	vmul.f32 v4, v0  }
0x436: {  	v5 =	vmul.f32 v5, v0;
	v6 =	vmul.f32 v6, v0;
	v1 =	vadd.f32 $2.560000000e+02, v1  }
0x437: {  	v7 =	vmul.f32 v7, v0;
	v2 =	vadd.f32 $2.560000000e+02, v2;
	v3 =	vadd.f32 $2.560000000e+02, v3  }
0x438: {  	p1 =	por $0x1, $0x1;
	v10 =	vmul.f32 v8, v0;
	v4 =	vadd.f32 $2.560000000e+02, v4;
	v9 =	vadd.f32 $2.560000000e+02, v5  }
.Ltmp26:
0x439: {  	v6 =	vadd.f32 $2.560000000e+02, v6;
	v1 =	vclamp.gez.f32 v1, $5.120000000e+02;
	v2 =	vclamp.gez.f32 v2, $5.120000000e+02;
	(pc) =	sbr.rel @!p1 .LBB2_49-.Ltmp26, $4  }
0x43a: {  	v12 =	vclamp.gez.f32 v3, $5.120000000e+02;
	v5 =	vclamp.gez.f32 v4, $5.120000000e+02  }
0x43b: {  	v3 =	vadd.f32 $2.560000000e+02, v7;
	v8 =	vclamp.gez.f32 v9, $5.120000000e+02;
	v7 =	vclamp.gez.f32 v6, $5.120000000e+02  }
0x43c: {  	v13 =	vadd.f32 $2.560000000e+02, v10;
	v1 =	vtrunc.f32 v1;
	v10 =	vtrunc.f32 v2  }
0x43d: {  	p0 =	por $0x0, $0x0;
	s8 =	simm.s32 $0xC170;
	s10 =	simm.s32 $0x4370;
	v1 =	vcvt.f32.s32 v1;
	v9 =	vclamp.gez.f32 v3, $5.120000000e+02  }
0x43e: {  	v2 =	vld [tilespmem:s10+$0x0]  }
0x43f: {  	v3 =	vclamp.gez.f32 v13, $5.120000000e+02;
	v4 =	vtrunc.f32 v12;
	v6 =	vld [tilespmem:s10+$0xFFFFFFA0]  }
0x440: {  	v5 =	vtrunc.f32 v5;
	v8 =	vtrunc.f32 v8;
	v11 =	vld [tilespmem:s10+$0xFFFFFFB0]  }
0x441: {  	v7 =	vtrunc.f32 v7;
	v9 =	vtrunc.f32 v9;
	v12 =	vld [tilespmem:s10+$0xFFFFFFC0]  }
0x442: {  	v10 =	vcvt.f32.s32 v10;
	v14 =	vld [tilespmem:s10+$0xFFFFFFE0];
	v3 =	vtrunc.f32 v3  }
0x443: {  	v15 =	vld [tilespmem:s10+$0xFFFFFFF0];
	v4 =	vcvt.f32.s32 v4;
	v3 =	vcvt.f32.s32 v3  }
0x444: {  	v13 =	vld [tilespmem:s10+$0xFFFFFFD0];
	v5 =	vcvt.f32.s32 v5;
	v7 =	vcvt.f32.s32 v7  }
0x445: {  	v8 =	vcvt.f32.s32 v8;
	v2 =	vmul.f32 v2, v0  }
0x446: {  	v16 =	vld [tilespmem:s10+$0xFFFFFF90];
	v9 =	vcvt.f32.s32 v9;
	v6 =	vmul.f32 v6, v0  }
0x447: {  	v17 =	vld.idx.msk [tilespmem:v1+s22+$0x0], $0xffff;
	v11 =	vmul.f32 v11, v0;
	v1 =	vmul.f32 v12, v0;
	v2 =	vadd.f32 $2.560000000e+02, v2  }
0x448: {  	v12 =	vmul.f32 v14, v0;
	v14 =	vmul.f32 v15, v0;
	v19 =	vld.idx.msk [tilespmem:v10+s22+$0x0], $0xffff;
	v6 =	vadd.f32 $2.560000000e+02, v6  }
0x449: {  	v18 =	vld.idx.msk [tilespmem:v3+s22+$0x0], $0xffff;
	v3 =	vmul.f32 v13, v0;
	v2 =	vclamp.gez.f32 v2, $5.120000000e+02  }
0x44a: {  	p3 =	por $0x1, $0x1;
	v10 =	vadd.f32 $2.560000000e+02, v1;
	v63 =	vclamp.gez.f32 v6, $5.120000000e+02;
	v6 =	vld.idx.msk [tilespmem:v7+s22+$0x0], $0xffff;
	v1 =	vtrunc.f32 v2  }
.Ltmp27:
0x44b: {  	v11 =	vadd.f32 $2.560000000e+02, v11;
	v20 =	vadd.f32 $2.560000000e+02, v12;
	v2 =	vld.idx.msk [tilespmem:v4+s22+$0x0], $0xffff;
	v1 =	vcvt.f32.s32 v1;
	(pc) =	sbr.rel @!p3 .LBB2_51-.Ltmp27, $4  }
0x44c: {  	v15 =	vmul.f32 v16, v0;
	v14 =	vadd.f32 $2.560000000e+02, v14;
	v13 =	vadd.f32 $2.560000000e+02, v3;
	v3 =	vld.idx.msk [tilespmem:v5+s22+$0x0], $0xffff  }
0x44d: {  	[tilespmem:s8+$0x0] =	vst v17;
	v12 =	vclamp.gez.f32 v11, $5.120000000e+02;
	v7 =	vclamp.gez.f32 v20, $5.120000000e+02;
	v4 =	vld.idx.msk [tilespmem:v8+s22+$0x0], $0xffff  }
0x44e: {  	s11 =	simm.s32 $0x80;
	v11 =	vld.idx.msk [tilespmem:v9+s22+$0x0], $0xffff;
	v9 =	vclamp.gez.f32 v14, $5.120000000e+02;
	[tilespmem:s8+$0xFFFFFFA0] =	vst v19;
	v8 =	vclamp.gez.f32 v13, $5.120000000e+02;
	v13 =	vadd.f32 $2.560000000e+02, v15  }
0x44f: {  	s12 =	simm.s32 $0x4570;
	p2 =	por $0x1, $0x1;
	s10 =	simm.s32 $0xC170;
	v5 =	vclamp.gez.f32 v10, $5.120000000e+02;
	v10 =	vtrunc.f32 v63;
	[tilespmem:s8+$0xFFFFFF90] =	vst v18  }
.LBB2_52:
0x450: {  	v14 =	vld [tilespmem:s12+$0x0];
	v13 =	vclamp.gez.f32 v13, $5.120000000e+02;
	v12 =	vtrunc.f32 v12;
	[tilespmem:s10+$0xFFFFFFB0] =	vst v2  }
0x451: {  	s11 =	sadd.s32 $0x80, s11;
	v5 =	vtrunc.f32 v5;
	v2 =	vtrunc.f32 v13;
	v1 =	vld.idx.msk [tilespmem:v1+s22+$0x0], $0xffff;
	[tilespmem:s10+$0xFFFFFFC0] =	vst v3  }
0x452: {  	v8 =	vtrunc.f32 v8;
	v7 =	vtrunc.f32 v7;
	p3 =	slt.u32 s11, $0xF80;
	v3 =	vld [tilespmem:s12+$0xFFFFFFA0];
	[tilespmem:s10+$0xFFFFFFD0] =	vst v4  }
0x453: {  	v9 =	vtrunc.f32 v9;
	v2 =	vcvt.f32.s32 v2;
	v4 =	vld [tilespmem:s12+$0xFFFFFFB0];
	[tilespmem:s10+$0xFFFFFFE0] =	vst v6  }
0x454: {  	v10 =	vcvt.f32.s32 v10;
	v12 =	vcvt.f32.s32 v12;
	v6 =	vld [tilespmem:s12+$0xFFFFFFC0];
	[tilespmem:s10+$0xFFFFFFF0] =	vst v11  }
0x455: {  	v5 =	vcvt.f32.s32 v5;
	v8 =	vcvt.f32.s32 v8;
	v11 =	vld [tilespmem:s12+$0xFFFFFFD0]  }
0x456: {  	v7 =	vcvt.f32.s32 v7;
	s10 =	sadd.s32 $0x200, s10;
	v14 =	vmul.f32 v14, v0;
	v13 =	vld [tilespmem:s12+$0xFFFFFFE0]  }
0x457: {  	v9 =	vcvt.f32.s32 v9;
	v3 =	vmul.f32 v3, v0;
	v15 =	vld [tilespmem:s12+$0xFFFFFFF0];
	[tilespmem:s10+$0x0] =	vst v1  }
0x458: {  	v16 =	vld [tilespmem:s12+$0xFFFFFF90];
	v1 =	vmul.f32 v4, v0;
	v4 =	vadd.f32 $2.560000000e+02, v14  }
0x459: {  	v14 =	vadd.f32 $2.560000000e+02, v3;
	v3 =	vmul.f32 v6, v0;
	v17 =	vld.idx.msk [tilespmem:v2+s22+$0x0], $0xffff  }
0x45a: {  	v6 =	vadd.f32 $2.560000000e+02, v1;
	v1 =	vmul.f32 v11, v0;
	v2 =	vclamp.gez.f32 v4, $5.120000000e+02;
	v18 =	vld.idx.msk [tilespmem:v10+s22+$0x0], $0xffff  }
0x45b: {  	v10 =	vadd.f32 $2.560000000e+02, v3;
	v4 =	vmul.f32 v13, v0;
	v3 =	vtrunc.f32 v2;
	v2 =	vld.idx.msk [tilespmem:v12+s22+$0x0], $0xffff  }
.Ltmp28:
0x45c: {  	v11 =	vadd.f32 $2.560000000e+02, v1;
	v13 =	vmul.f32 v15, v0;
	v1 =	vcvt.f32.s32 v3;
	v3 =	vld.idx.msk [tilespmem:v5+s22+$0x0], $0xffff;
	(pc) =	sbr.rel @p3 .LBB2_52-.Ltmp28, $4  }
0x45d: {  	v14 =	vclamp.gez.f32 v14, $5.120000000e+02;
	v15 =	vmul.f32 v16, v0;
	v16 =	vadd.f32 $2.560000000e+02, v4;
	v4 =	vld.idx.msk [tilespmem:v8+s22+$0x0], $0xffff  }
0x45e: {  	v12 =	vclamp.gez.f32 v6, $5.120000000e+02;
	v5 =	vclamp.gez.f32 v10, $5.120000000e+02;
	v19 =	vadd.f32 $2.560000000e+02, v13;
	v6 =	vld.idx.msk [tilespmem:v7+s22+$0x0], $0xffff  }
0x45f: {  	v8 =	vclamp.gez.f32 v11, $5.120000000e+02;
	v13 =	vadd.f32 $2.560000000e+02, v15;
	v7 =	vclamp.gez.f32 v16, $5.120000000e+02;
	[tilespmem:s10+$0xFFFFFF90] =	vst v17;
	v11 =	vld.idx.msk [tilespmem:v9+s22+$0x0], $0xffff  }
0x460: {  	s12 =	sadd.s32 $0x200, s12;
	v10 =	vtrunc.f32 v14;
	v9 =	vclamp.gez.f32 v19, $5.120000000e+02;
	[tilespmem:s10+$0xFFFFFFA0] =	vst v18  }
.LBB2_53:
0x461: {  	v13 =	vclamp.gez.f32 v13, $5.120000000e+02  }
0x462: {  	v12 =	vtrunc.f32 v12;
	v10 =	vcvt.f32.s32 v10  }
0x463: {  	v5 =	vtrunc.f32 v5;
	v12 =	vcvt.f32.s32 v12  }
0x464: {  	v8 =	vtrunc.f32 v8;
	v5 =	vcvt.f32.s32 v5  }
0x465: {  	v7 =	vtrunc.f32 v7;
	v8 =	vcvt.f32.s32 v8  }
0x466: {  	[tilespmem:s10+$0xFFFFFFB0] =	vst @p2 v2;
	v1 =	vld.idx.msk [tilespmem:v1+s22+$0x0], $0xffff;
	v2 =	vtrunc.f32 v9;
	v7 =	vcvt.f32.s32 v7  }
0x467: {  	v13 =	vtrunc.f32 v13;
	v2 =	vcvt.f32.s32 v2  }
0x468: {  	[tilespmem:s10+$0xFFFFFFD0] =	vst @p2 v4;
	v13 =	vcvt.f32.s32 v13;
	v4 =	vld.idx.msk [tilespmem:v10+s22+$0x0], $0xffff  }
0x469: {  	s11 =	sadd.s32 @p2 $0x200, s10;
	[tilespmem:s10+$0xFFFFFFE0] =	vst @p2 v6;
	v6 =	vld.idx.msk [tilespmem:v12+s22+$0x0], $0xffff  }
0x46a: {  	[tilespmem:s10+$0xFFFFFFC0] =	vst @p2 v3;
	s8 =	smov.u32 @p2 s11;
	v5 =	vld.idx.msk [tilespmem:v5+s22+$0x0], $0xffff  }
0x46b: {  	[tilespmem:s8+$0x0] =	vst v1;
	v1 =	vld.idx.msk [tilespmem:v8+s22+$0x0], $0xffff  }
0x46c: {  	[tilespmem:s10+$0xFFFFFFF0] =	vst @p2 v11;
	v7 =	vld.idx.msk [tilespmem:v7+s22+$0x0], $0xffff  }
0x46d: {  	v2 =	vld.idx.msk [tilespmem:v2+s22+$0x0], $0xffff;
	[tilespmem:s8+$0xFFFFFFA0] =	vst v4  }
0x46e: {  	v3 =	vld.idx.msk [tilespmem:v13+s22+$0x0], $0xffff;
	[tilespmem:s8+$0xFFFFFFB0] =	vst v6  }
0x46f: {  	[tilespmem:s8+$0xFFFFFFC0] =	vst v5  }
0x470: {  	[tilespmem:s8+$0xFFFFFFD0] =	vst v1  }
0x471: {  	[tilespmem:s8+$0xFFFFFFE0] =	vst v7  }
0x472: {  	[tilespmem:s8+$0xFFFFFFF0] =	vst v2  }
0x473: {  	s12 =	simm.s32 $0x41F0;
	[tilespmem:s8+$0xFFFFFF90] =	vst v3  }
0x474: {  	v1 =	vld [tilespmem:s12+$0x0]  }
0x475: {  	v2 =	vld [tilespmem:s12+$0xFFFFFFA0]  }
0x476: {  	v3 =	vld [tilespmem:s12+$0xFFFFFFB0]  }
0x477: {  	v4 =	vld [tilespmem:s12+$0xFFFFFFC0]  }
0x478: {  	v5 =	vld [tilespmem:s12+$0xFFFFFFD0]  }
0x479: {  	v6 =	vld [tilespmem:s12+$0xFFFFFFE0]  }
0x47a: {  	v7 =	vld [tilespmem:s12+$0xFFFFFFF0]  }
0x47b: {  	v8 =	vld [tilespmem:s12+$0xFFFFFF90]  }
0x47c: {  	v1 =	vmul.f32 v1, v0;
	v2 =	vmul.f32 v2, v0  }
0x47d: {  	v3 =	vmul.f32 v3, v0;
	v4 =	vmul.f32 v4, v0  }
0x47e: {  	v5 =	vmul.f32 v5, v0;
	v6 =	vmul.f32 v6, v0;
	v1 =	vadd.f32 $2.560000000e+02, v1  }
0x47f: {  	v7 =	vmul.f32 v7, v0;
	v2 =	vadd.f32 $2.560000000e+02, v2;
	v3 =	vadd.f32 $2.560000000e+02, v3  }
0x480: {  	v9 =	vmul.f32 v8, v0;
	v4 =	vadd.f32 $2.560000000e+02, v4;
	v5 =	vadd.f32 $2.560000000e+02, v5  }
.Ltmp29:
0x481: {  	v10 =	vadd.f32 $2.560000000e+02, v6;
	v1 =	vclamp.gez.f32 v1, $5.120000000e+02;
	v2 =	vclamp.gez.f32 v2, $5.120000000e+02;
	(pc) =	sbr.rel @!p1 .LBB2_54-.Ltmp29, $4  }
0x482: {  	v12 =	vclamp.gez.f32 v3, $5.120000000e+02;
	v6 =	vclamp.gez.f32 v4, $5.120000000e+02  }
0x483: {  	v3 =	vadd.f32 $2.560000000e+02, v7;
	v8 =	vclamp.gez.f32 v5, $5.120000000e+02;
	v7 =	vclamp.gez.f32 v10, $5.120000000e+02  }
0x484: {  	v1 =	vtrunc.f32 v1;
	v11 =	vtrunc.f32 v2  }
0x485: {  	s10 =	simm.s32 $0x43F0;
	s8 =	simm.s32 $0xC1F0;
	v13 =	vadd.f32 $2.560000000e+02, v9;
	v1 =	vcvt.f32.s32 v1;
	v10 =	vclamp.gez.f32 v3, $5.120000000e+02  }
0x486: {  	v2 =	vld [tilespmem:s10+$0x0]  }
0x487: {  	v4 =	vtrunc.f32 v12;
	v5 =	vtrunc.f32 v6;
	v6 =	vld [tilespmem:s10+$0xFFFFFFA0]  }
0x488: {  	v8 =	vtrunc.f32 v8;
	v7 =	vtrunc.f32 v7;
	v9 =	vld [tilespmem:s10+$0xFFFFFFB0]  }
0x489: {  	v10 =	vtrunc.f32 v10;
	v12 =	vld [tilespmem:s10+$0xFFFFFFC0];
	v3 =	vclamp.gez.f32 v13, $5.120000000e+02  }
0x48a: {  	v11 =	vcvt.f32.s32 v11;
	v14 =	vld [tilespmem:s10+$0xFFFFFFE0];
	v3 =	vtrunc.f32 v3  }
0x48b: {  	v15 =	vld [tilespmem:s10+$0xFFFFFFF0];
	v4 =	vcvt.f32.s32 v4;
	v3 =	vcvt.f32.s32 v3  }
0x48c: {  	v13 =	vld [tilespmem:s10+$0xFFFFFFD0];
	v5 =	vcvt.f32.s32 v5;
	v10 =	vcvt.f32.s32 v10  }
0x48d: {  	v8 =	vcvt.f32.s32 v8;
	v2 =	vmul.f32 v2, v0  }
0x48e: {  	v16 =	vld [tilespmem:s10+$0xFFFFFF90];
	v7 =	vcvt.f32.s32 v7;
	v9 =	vmul.f32 v9, v0  }
0x48f: {  	v17 =	vld.idx.msk [tilespmem:v1+s22+$0x0], $0xffff;
	v6 =	vmul.f32 v6, v0;
	v1 =	vmul.f32 v12, v0;
	v2 =	vadd.f32 $2.560000000e+02, v2  }
0x490: {  	v12 =	vmul.f32 v14, v0;
	v14 =	vmul.f32 v15, v0;
	v19 =	vld.idx.msk [tilespmem:v11+s22+$0x0], $0xffff;
	v9 =	vadd.f32 $2.560000000e+02, v9  }
0x491: {  	v11 =	vadd.f32 $2.560000000e+02, v1;
	v18 =	vld.idx.msk [tilespmem:v3+s22+$0x0], $0xffff;
	v3 =	vmul.f32 v13, v0;
	v2 =	vclamp.gez.f32 v2, $5.120000000e+02  }
0x492: {  	p1 =	por $0x1, $0x1;
	v20 =	vadd.f32 $2.560000000e+02, v12;
	v12 =	vclamp.gez.f32 v9, $5.120000000e+02;
	v9 =	vld.idx.msk [tilespmem:v10+s22+$0x0], $0xffff;
	v1 =	vtrunc.f32 v2  }
.Ltmp30:
0x493: {  	v6 =	vadd.f32 $2.560000000e+02, v6;
	v2 =	vld.idx.msk [tilespmem:v4+s22+$0x0], $0xffff;
	v1 =	vcvt.f32.s32 v1;
	(pc) =	sbr.rel @!p1 .LBB2_56-.Ltmp30, $4  }
0x494: {  	v15 =	vmul.f32 v16, v0;
	v14 =	vadd.f32 $2.560000000e+02, v14;
	v13 =	vadd.f32 $2.560000000e+02, v3;
	v3 =	vld.idx.msk [tilespmem:v5+s22+$0x0], $0xffff  }
0x495: {  	[tilespmem:s8+$0x0] =	vst v17;
	v63 =	vclamp.gez.f32 v6, $5.120000000e+02;
	v6 =	vclamp.gez.f32 v11, $5.120000000e+02;
	v4 =	vld.idx.msk [tilespmem:v8+s22+$0x0], $0xffff  }
0x496: {  	s11 =	simm.s32 $0x80;
	v10 =	vclamp.gez.f32 v14, $5.120000000e+02;
	v5 =	vld.idx.msk [tilespmem:v7+s22+$0x0], $0xffff;
	[tilespmem:s8+$0xFFFFFFA0] =	vst v19;
	v8 =	vclamp.gez.f32 v13, $5.120000000e+02;
	v13 =	vadd.f32 $2.560000000e+02, v15  }
0x497: {  	s12 =	simm.s32 $0x45F0;
	p0 =	por $0x1, $0x1;
	s10 =	simm.s32 $0xC1F0;
	v11 =	vtrunc.f32 v63;
	v7 =	vclamp.gez.f32 v20, $5.120000000e+02;
	[tilespmem:s8+$0xFFFFFF90] =	vst v18  }
.LBB2_57:
0x498: {  	v14 =	vld [tilespmem:s12+$0x0];
	v13 =	vclamp.gez.f32 v13, $5.120000000e+02;
	v12 =	vtrunc.f32 v12;
	[tilespmem:s10+$0xFFFFFFB0] =	vst v2  }
0x499: {  	s11 =	sadd.s32 $0x80, s11;
	v6 =	vtrunc.f32 v6;
	v2 =	vtrunc.f32 v13;
	v1 =	vld.idx.msk [tilespmem:v1+s22+$0x0], $0xffff;
	[tilespmem:s10+$0xFFFFFFC0] =	vst v3  }
0x49a: {  	v8 =	vtrunc.f32 v8;
	v7 =	vtrunc.f32 v7;
	p1 =	slt.u32 s11, $0xF80;
	v3 =	vld [tilespmem:s12+$0xFFFFFFA0];
	[tilespmem:s10+$0xFFFFFFD0] =	vst v4  }
0x49b: {  	v10 =	vtrunc.f32 v10;
	v2 =	vcvt.f32.s32 v2;
	v4 =	vld [tilespmem:s12+$0xFFFFFFB0];
	[tilespmem:s10+$0xFFFFFFE0] =	vst v5  }
0x49c: {  	v11 =	vcvt.f32.s32 v11;
	v12 =	vcvt.f32.s32 v12;
	v5 =	vld [tilespmem:s12+$0xFFFFFFC0];
	[tilespmem:s10+$0xFFFFFFF0] =	vst v9  }
0x49d: {  	v6 =	vcvt.f32.s32 v6;
	v8 =	vcvt.f32.s32 v8;
	v9 =	vld [tilespmem:s12+$0xFFFFFFD0]  }
0x49e: {  	v7 =	vcvt.f32.s32 v7;
	s10 =	sadd.s32 $0x200, s10;
	v14 =	vmul.f32 v14, v0;
	v13 =	vld [tilespmem:s12+$0xFFFFFFE0]  }
0x49f: {  	v10 =	vcvt.f32.s32 v10;
	v3 =	vmul.f32 v3, v0;
	v15 =	vld [tilespmem:s12+$0xFFFFFFF0];
	[tilespmem:s10+$0x0] =	vst v1  }
0x4a0: {  	v16 =	vld [tilespmem:s12+$0xFFFFFF90];
	v1 =	vmul.f32 v4, v0;
	v4 =	vadd.f32 $2.560000000e+02, v14  }
0x4a1: {  	v14 =	vadd.f32 $2.560000000e+02, v3;
	v3 =	vmul.f32 v5, v0;
	v17 =	vld.idx.msk [tilespmem:v2+s22+$0x0], $0xffff  }
0x4a2: {  	v5 =	vadd.f32 $2.560000000e+02, v1;
	v1 =	vmul.f32 v9, v0;
	v2 =	vclamp.gez.f32 v4, $5.120000000e+02;
	v18 =	vld.idx.msk [tilespmem:v11+s22+$0x0], $0xffff  }
0x4a3: {  	v9 =	vadd.f32 $2.560000000e+02, v3;
	v4 =	vmul.f32 v13, v0;
	v3 =	vtrunc.f32 v2;
	v2 =	vld.idx.msk [tilespmem:v12+s22+$0x0], $0xffff  }
.Ltmp31:
0x4a4: {  	v11 =	vadd.f32 $2.560000000e+02, v1;
	v13 =	vmul.f32 v15, v0;
	v1 =	vcvt.f32.s32 v3;
	v3 =	vld.idx.msk [tilespmem:v6+s22+$0x0], $0xffff;
	(pc) =	sbr.rel @p1 .LBB2_57-.Ltmp31, $4  }
0x4a5: {  	v14 =	vclamp.gez.f32 v14, $5.120000000e+02;
	v15 =	vmul.f32 v16, v0;
	v16 =	vadd.f32 $2.560000000e+02, v4;
	v4 =	vld.idx.msk [tilespmem:v8+s22+$0x0], $0xffff  }
0x4a6: {  	v12 =	vclamp.gez.f32 v5, $5.120000000e+02;
	v6 =	vclamp.gez.f32 v9, $5.120000000e+02;
	v19 =	vadd.f32 $2.560000000e+02, v13;
	v5 =	vld.idx.msk [tilespmem:v7+s22+$0x0], $0xffff  }
0x4a7: {  	v8 =	vclamp.gez.f32 v11, $5.120000000e+02;
	v13 =	vadd.f32 $2.560000000e+02, v15;
	v7 =	vclamp.gez.f32 v16, $5.120000000e+02;
	[tilespmem:s10+$0xFFFFFF90] =	vst v17;
	v9 =	vld.idx.msk [tilespmem:v10+s22+$0x0], $0xffff  }
0x4a8: {  	s12 =	sadd.s32 $0x200, s12;
	v11 =	vtrunc.f32 v14;
	v10 =	vclamp.gez.f32 v19, $5.120000000e+02;
	[tilespmem:s10+$0xFFFFFFA0] =	vst v18  }
.LBB2_58:
0x4a9: {  	v13 =	vclamp.gez.f32 v13, $5.120000000e+02  }
0x4aa: {  	v12 =	vtrunc.f32 v12;
	v11 =	vcvt.f32.s32 v11  }
0x4ab: {  	v6 =	vtrunc.f32 v6;
	v12 =	vcvt.f32.s32 v12  }
0x4ac: {  	v8 =	vtrunc.f32 v8;
	v6 =	vcvt.f32.s32 v6  }
0x4ad: {  	v7 =	vtrunc.f32 v7;
	v8 =	vcvt.f32.s32 v8  }
0x4ae: {  	[tilespmem:s10+$0xFFFFFFB0] =	vst @p0 v2;
	v1 =	vld.idx.msk [tilespmem:v1+s22+$0x0], $0xffff;
	v2 =	vtrunc.f32 v10;
	v7 =	vcvt.f32.s32 v7  }
0x4af: {  	v13 =	vtrunc.f32 v13;
	v2 =	vcvt.f32.s32 v2  }
0x4b0: {  	[tilespmem:s10+$0xFFFFFFC0] =	vst @p0 v3;
	v13 =	vcvt.f32.s32 v13;
	v62 =	vld.idx.msk [tilespmem:v11+s22+$0x0], $0xffff  }
0x4b1: {  	s11 =	sadd.s32 @p0 $0x200, s10;
	[tilespmem:s10+$0xFFFFFFD0] =	vst @p0 v4;
	v63 =	vld.idx.msk [tilespmem:v12+s22+$0x0], $0xffff  }
0x4b2: {  	s8 =	smov.u32 @p0 s11;
	[tilespmem:s10+$0xFFFFFFE0] =	vst @p0 v5;
	v6 =	vld.idx.msk [tilespmem:v6+s22+$0x0], $0xffff  }
0x4b3: {  	[tilespmem:s8+$0x0] =	vst v1;
	v1 =	vld.idx.msk [tilespmem:v8+s22+$0x0], $0xffff  }
0x4b4: {  	[tilespmem:s10+$0xFFFFFFF0] =	vst @p0 v9;
	v7 =	vld.idx.msk [tilespmem:v7+s22+$0x0], $0xffff  }
0x4b5: {  	v2 =	vld.idx.msk [tilespmem:v2+s22+$0x0], $0xffff;
	[tilespmem:s8+$0xFFFFFFA0] =	vst v62  }
0x4b6: {  	v3 =	vld.idx.msk [tilespmem:v13+s22+$0x0], $0xffff;
	[tilespmem:s8+$0xFFFFFFB0] =	vst v63  }
0x4b7: {  	[tilespmem:s8+$0xFFFFFFC0] =	vst v6  }
0x4b8: {  	s20 =	sadd.s32 $0x1, s20;
	[tilespmem:s8+$0xFFFFFFD0] =	vst v1  }
0x4b9: {  	p0 =	sne.s32 s20, $0x16;
	[tilespmem:s8+$0xFFFFFFE0] =	vst v7  }
.Ltmp32:
0x4ba: {  	s5 =	sand.u32 $0xFFFF000, s5;
	[tilespmem:s8+$0xFFFFFFF0] =	vst v2;
	(pc) =	sbr.rel @p0 .LBB2_30-.Ltmp32, $4  }
.Ltmp33:
0x4bb: {  	s12 =	sand.u32 $0xFFFF000, s6;
	s5 =	sadd.s32 s5, s15;
	[tilespmem:s8+$0xFFFFFF90] =	vst v3;
	(pc) =	sbr.rel @!p0 .LBB2_59-.Ltmp33, $4  }
0x4bc: {  	[hbm4b:s5+s23] =	stream.strided.scatter [tilespmem:s30], [sflag:$0x4], $0x4000, s24, s23, $0x38;
	[tilespmem:$0x10480] =	vst v63  }
0x4bd: {  	s5 =	sadd.s32 s12, s16  }
0x4be: {  	[tilespmem:s25], [sflag:$0x2] =	stream.strided.gather [hbm4b:s5+s23], $0x4000, s24, s23, $0x38;
	[tilespmem:$0x10480] =	vst v63  }
0x4bf: {  	_ = 	snop  }
.LBB2_35:
.Ltmp34:
0x4c0: {  	(pc) =	sbr.rel .LBB2_39-.Ltmp34, $2  }
0x4c1: {  	_ =	sdelay $0x2  }
0x4c2: {  	s6 =	simm.s32 $0x8170;
	p2 =	por $0x0, $0x0  }
.LBB2_40:
.Ltmp35:
0x4c3: {  	(pc) =	sbr.rel .LBB2_44-.Ltmp35, $2  }
0x4c4: {  	_ =	sdelay $0x2  }
0x4c5: {  	s5 =	simm.s32 $0x81F0  }
.LBB2_49:
.Ltmp36:
0x4c6: {  	(pc) =	sbr.rel .LBB2_53-.Ltmp36, $2  }
0x4c7: {  	_ =	sdelay $0x2  }
0x4c8: {  	s10 =	simm.s32 $0xC170;
	p2 =	por $0x0, $0x0  }
.LBB2_54:
.Ltmp37:
0x4c9: {  	(pc) =	sbr.rel .LBB2_58-.Ltmp37, $2  }
0x4ca: {  	_ =	sdelay $0x2  }
0x4cb: {  	s10 =	simm.s32 $0xC1F0  }
.LBB2_37:
.Ltmp38:
0x4cc: {  	(pc) =	sbr.rel .LBB2_39-.Ltmp38, $2  }
0x4cd: {  	_ =	sdelay $0x2  }
0x4ce: {  	s6 =	simm.s32 $0x8170  }
.LBB2_42:
.Ltmp39:
0x4cf: {  	(pc) =	sbr.rel .LBB2_44-.Ltmp39, $2  }
0x4d0: {  	_ =	sdelay $0x2  }
0x4d1: {  	s5 =	simm.s32 $0x81F0  }
.LBB2_51:
.Ltmp40:
0x4d2: {  	(pc) =	sbr.rel .LBB2_53-.Ltmp40, $2  }
0x4d3: {  	_ =	sdelay $0x2  }
0x4d4: {  	s10 =	simm.s32 $0xC170  }
.LBB2_56:
.Ltmp41:
0x4d5: {  	(pc) =	sbr.rel .LBB2_58-.Ltmp41, $2  }
0x4d6: {  	_ =	sdelay $0x2  }
0x4d7: {  	s10 =	simm.s32 $0xC1F0  }
.LBB2_59:
0x4d8: {  	_ =	swait.ge [sflag:s26], $0x4000  }
0x4d9: {  	[sflag:s26] =	ssyncset.done $0x0  }
0x4da: {  	[sflag:s26] =	ssyncadd.s32 $0xFFFFC000  }
0x4db: {  	_ =	swait.ge [sflag:s31], $0x4000  }
0x4dc: {  	[sflag:s31] =	ssyncset.done $0x0  }
0x4dd: {  	s5 =	simm.s32 $0x40;
	[sflag:s31] =	ssyncadd.s32 $0xFFFFC000  }
0x4de: {  	v1 =	vld [tilespmem:s5+$0x30]  }
0x4df: {  	v2 =	vld [tilespmem:s5+$0xFFFFFFD0]  }
0x4e0: {  	v3 =	vld [tilespmem:s5+$0xFFFFFFE0]  }
0x4e1: {  	v4 =	vld [tilespmem:s5+$0xFFFFFFF0]  }
0x4e2: {  	v5 =	vld [tilespmem:s5+$0x0]  }
0x4e3: {  	v6 =	vld [tilespmem:s5+$0x10]  }
0x4e4: {  	v7 =	vld [tilespmem:s5+$0x20]  }
0x4e5: {  	s20 =	simm.s32 $0x240;
	v8 =	vld [tilespmem:s5+$0xFFFFFFC0]  }
0x4e6: {  	v9 =	vld [tilespmem:s20+$0x30]  }
0x4e7: {  	v10 =	vld [tilespmem:s20+$0xFFFFFFD0];
	v1 =	vmul.f32 v1, v0;
	v2 =	vmul.f32 v2, v0  }
0x4e8: {  	v11 =	vld [tilespmem:s20+$0xFFFFFFE0];
	v3 =	vmul.f32 v3, v0;
	v4 =	vmul.f32 v4, v0  }
0x4e9: {  	v5 =	vmul.f32 v5, v0;
	v6 =	vmul.f32 v6, v0  }
0x4ea: {  	v7 =	vmul.f32 v7, v0;
	v8 =	vmul.f32 v8, v0  }
0x4eb: {  	v9 =	vmul.f32 v9, v0;
	v1 =	vadd.f32 $2.560000000e+02, v1;
	v2 =	vadd.f32 $2.560000000e+02, v2  }
0x4ec: {  	v10 =	vmul.f32 v10, v0;
	v3 =	vadd.f32 $2.560000000e+02, v3;
	v4 =	vadd.f32 $2.560000000e+02, v4  }
0x4ed: {  	v11 =	vmul.f32 v11, v0;
	v5 =	vadd.f32 $2.560000000e+02, v5;
	v6 =	vadd.f32 $2.560000000e+02, v6  }
0x4ee: {  	v7 =	vadd.f32 $2.560000000e+02, v7;
	v1 =	vclamp.gez.f32 v1, $5.120000000e+02;
	v2 =	vclamp.gez.f32 v2, $5.120000000e+02  }
0x4ef: {  	v8 =	vadd.f32 $2.560000000e+02, v8;
	v3 =	vclamp.gez.f32 v3, $5.120000000e+02;
	v4 =	vclamp.gez.f32 v4, $5.120000000e+02  }
0x4f0: {  	v9 =	vadd.f32 $2.560000000e+02, v9;
	v5 =	vclamp.gez.f32 v5, $5.120000000e+02;
	v6 =	vclamp.gez.f32 v6, $5.120000000e+02  }
0x4f1: {  	v7 =	vclamp.gez.f32 v7, $5.120000000e+02;
	v8 =	vclamp.gez.f32 v8, $5.120000000e+02  }
0x4f2: {  	v9 =	vclamp.gez.f32 v9, $5.120000000e+02;
	v1 =	vtrunc.f32 v1  }
0x4f3: {  	v2 =	vtrunc.f32 v2;
	v3 =	vtrunc.f32 v3  }
0x4f4: {  	v8 =	vtrunc.f32 v8;
	v1 =	vcvt.f32.s32 v1  }
0x4f5: {  	v12 =	vld [tilespmem:s20+$0xFFFFFFF0];
	v4 =	vtrunc.f32 v4;
	v8 =	vcvt.f32.s32 v8  }
0x4f6: {  	v13 =	vld [tilespmem:s20+$0x0];
	v5 =	vtrunc.f32 v5;
	v2 =	vcvt.f32.s32 v2  }
0x4f7: {  	v14 =	vld [tilespmem:s20+$0x10];
	v6 =	vtrunc.f32 v6;
	v3 =	vcvt.f32.s32 v3  }
0x4f8: {  	v15 =	vld [tilespmem:s20+$0x20];
	v7 =	vtrunc.f32 v7;
	v4 =	vcvt.f32.s32 v4  }
0x4f9: {  	v16 =	vld [tilespmem:s20+$0xFFFFFFC0];
	v5 =	vcvt.f32.s32 v5;
	v6 =	vcvt.f32.s32 v6  }
0x4fa: {  	v18 =	vcvt.f32.s32 v7;
	v17 =	vld.idx.msk [tilespmem:v1+s22+$0x0], $0xffff;
	v1 =	vmul.f32 v12, v0  }
0x4fb: {  	v7 =	vadd.f32 $2.560000000e+02, v10;
	v10 =	vld.idx.msk [tilespmem:v8+s22+$0x0], $0xffff;
	v8 =	vadd.f32 $2.560000000e+02, v11;
	v11 =	vmul.f32 v13, v0  }
0x4fc: {  	v19 =	vld.idx.msk [tilespmem:v2+s22+$0x0], $0xffff;
	v12 =	vmul.f32 v14, v0;
	v2 =	vtrunc.f32 v9;
	v13 =	vadd.f32 $2.560000000e+02, v1  }
0x4fd: {  	v1 =	vld.idx.msk [tilespmem:v3+s22+$0x0], $0xffff;
	v9 =	vadd.f32 $2.560000000e+02, v11;
	v11 =	vmul.f32 v15, v0;
	v3 =	vcvt.f32.s32 v2  }
0x4fe: {  	s5 =	simm.s32 $0x8040;
	v14 =	vmul.f32 v16, v0;
	v2 =	vld.idx.msk [tilespmem:v4+s22+$0x0], $0xffff;
	v15 =	vclamp.gez.f32 v7, $5.120000000e+02;
	v7 =	vadd.f32 $2.560000000e+02, v12  }
0x4ff: {  	v4 =	vld.idx.msk [tilespmem:v5+s22+$0x0], $0xffff;
	v12 =	vclamp.gez.f32 v8, $5.120000000e+02;
	v8 =	vclamp.gez.f32 v13, $5.120000000e+02;
	v63 =	vadd.f32 $2.560000000e+02, v11;
	[tilespmem:s5+$0x30] =	vst v17  }
0x500: {  	v5 =	vld.idx.msk [tilespmem:v6+s22+$0x0], $0xffff;
	v9 =	vclamp.gez.f32 v9, $5.120000000e+02;
	v7 =	vclamp.gez.f32 v7, $5.120000000e+02;
	v13 =	vadd.f32 $2.560000000e+02, v14;
	[tilespmem:s5+$0xFFFFFFC0] =	vst v10  }
0x501: {  	s6 =	simm.s32 $0x80;
	s8 =	simm.s32 $0x440;
	v6 =	vld.idx.msk [tilespmem:v18+s22+$0x0], $0xffff;
	v11 =	vtrunc.f32 v15;
	[tilespmem:s5+$0xFFFFFFD0] =	vst v19;
	v10 =	vclamp.gez.f32 v63, $5.120000000e+02  }
.LBB2_60:
0x502: {  	v14 =	vld [tilespmem:s8+$0x30];
	v13 =	vclamp.gez.f32 v13, $5.120000000e+02;
	v12 =	vtrunc.f32 v12;
	[tilespmem:s5+$0xFFFFFFE0] =	vst v1  }
0x503: {  	s6 =	sadd.s32 $0x80, s6;
	v8 =	vtrunc.f32 v8;
	v1 =	vtrunc.f32 v13;
	v3 =	vld.idx.msk [tilespmem:v3+s22+$0x0], $0xffff;
	[tilespmem:s5+$0xFFFFFFF0] =	vst v2  }
0x504: {  	v9 =	vtrunc.f32 v9;
	v7 =	vtrunc.f32 v7;
	p0 =	slt.u32 s6, $0xF80;
	v2 =	vld [tilespmem:s8+$0xFFFFFFD0];
	[tilespmem:s5+$0x0] =	vst v4  }
0x505: {  	v10 =	vtrunc.f32 v10;
	v1 =	vcvt.f32.s32 v1;
	v4 =	vld [tilespmem:s8+$0xFFFFFFE0];
	[tilespmem:s5+$0x10] =	vst v5  }
0x506: {  	v11 =	vcvt.f32.s32 v11;
	v12 =	vcvt.f32.s32 v12;
	v5 =	vld [tilespmem:s8+$0xFFFFFFF0];
	[tilespmem:s5+$0x20] =	vst v6  }
0x507: {  	v8 =	vcvt.f32.s32 v8;
	v9 =	vcvt.f32.s32 v9;
	v6 =	vld [tilespmem:s8+$0x0]  }
0x508: {  	v7 =	vcvt.f32.s32 v7;
	s5 =	sadd.s32 $0x200, s5;
	v14 =	vmul.f32 v14, v0;
	v13 =	vld [tilespmem:s8+$0x10]  }
0x509: {  	v10 =	vcvt.f32.s32 v10;
	v2 =	vmul.f32 v2, v0;
	v15 =	vld [tilespmem:s8+$0x20];
	[tilespmem:s5+$0x30] =	vst v3  }
0x50a: {  	v16 =	vld [tilespmem:s8+$0xFFFFFFC0];
	v3 =	vmul.f32 v4, v0;
	v4 =	vadd.f32 $2.560000000e+02, v14  }
0x50b: {  	v14 =	vadd.f32 $2.560000000e+02, v2;
	v2 =	vmul.f32 v5, v0;
	v17 =	vld.idx.msk [tilespmem:v1+s22+$0x0], $0xffff  }
0x50c: {  	v5 =	vadd.f32 $2.560000000e+02, v3;
	v3 =	vmul.f32 v6, v0;
	v1 =	vclamp.gez.f32 v4, $5.120000000e+02;
	v18 =	vld.idx.msk [tilespmem:v11+s22+$0x0], $0xffff  }
0x50d: {  	v6 =	vadd.f32 $2.560000000e+02, v2;
	v4 =	vmul.f32 v13, v0;
	v2 =	vtrunc.f32 v1;
	v1 =	vld.idx.msk [tilespmem:v12+s22+$0x0], $0xffff  }
.Ltmp42:
0x50e: {  	v11 =	vadd.f32 $2.560000000e+02, v3;
	v13 =	vmul.f32 v15, v0;
	v3 =	vcvt.f32.s32 v2;
	v2 =	vld.idx.msk [tilespmem:v8+s22+$0x0], $0xffff;
	(pc) =	sbr.rel @p0 .LBB2_60-.Ltmp42, $4  }
0x50f: {  	v14 =	vclamp.gez.f32 v14, $5.120000000e+02;
	v15 =	vmul.f32 v16, v0;
	v16 =	vadd.f32 $2.560000000e+02, v4;
	v4 =	vld.idx.msk [tilespmem:v9+s22+$0x0], $0xffff  }
0x510: {  	v12 =	vclamp.gez.f32 v5, $5.120000000e+02;
	v8 =	vclamp.gez.f32 v6, $5.120000000e+02;
	v19 =	vadd.f32 $2.560000000e+02, v13;
	v5 =	vld.idx.msk [tilespmem:v7+s22+$0x0], $0xffff  }
0x511: {  	v9 =	vclamp.gez.f32 v11, $5.120000000e+02;
	v13 =	vadd.f32 $2.560000000e+02, v15;
	v7 =	vclamp.gez.f32 v16, $5.120000000e+02;
	[tilespmem:s5+$0xFFFFFFC0] =	vst v17;
	v6 =	vld.idx.msk [tilespmem:v10+s22+$0x0], $0xffff  }
0x512: {  	s8 =	sadd.s32 $0x200, s8;
	v11 =	vtrunc.f32 v14;
	v10 =	vclamp.gez.f32 v19, $5.120000000e+02;
	[tilespmem:s5+$0xFFFFFFD0] =	vst v18  }
0x513: {  	v13 =	vclamp.gez.f32 v13, $5.120000000e+02  }
0x514: {  	v12 =	vtrunc.f32 v12;
	v11 =	vcvt.f32.s32 v11  }
0x515: {  	v8 =	vtrunc.f32 v8;
	v12 =	vcvt.f32.s32 v12  }
0x516: {  	v9 =	vtrunc.f32 v9;
	v8 =	vcvt.f32.s32 v8  }
0x517: {  	v7 =	vtrunc.f32 v7;
	v9 =	vcvt.f32.s32 v9  }
0x518: {  	[tilespmem:s5+$0xFFFFFFE0] =	vst v1;
	v1 =	vld.idx.msk [tilespmem:v3+s22+$0x0], $0xffff;
	v3 =	vtrunc.f32 v10;
	v7 =	vcvt.f32.s32 v7  }
0x519: {  	[tilespmem:s5+$0xFFFFFFF0] =	vst v2;
	v13 =	vtrunc.f32 v13;
	v2 =	vcvt.f32.s32 v3  }
0x51a: {  	[tilespmem:s5+$0x0] =	vst v4;
	v13 =	vcvt.f32.s32 v13;
	v4 =	vld.idx.msk [tilespmem:v11+s22+$0x0], $0xffff  }
0x51b: {  	[tilespmem:s5+$0x10] =	vst v5;
	v5 =	vld.idx.msk [tilespmem:v12+s22+$0x0], $0xffff  }
0x51c: {  	s12 =	sadd.s32 $0x200, s5;
	[tilespmem:s5+$0x20] =	vst v6;
	v6 =	vld.idx.msk [tilespmem:v8+s22+$0x0], $0xffff  }
0x51d: {  	[tilespmem:s12+$0x30] =	vst v1;
	v1 =	vld.idx.msk [tilespmem:v9+s22+$0x0], $0xffff  }
0x51e: {  	v7 =	vld.idx.msk [tilespmem:v7+s22+$0x0], $0xffff  }
0x51f: {  	v2 =	vld.idx.msk [tilespmem:v2+s22+$0x0], $0xffff;
	[tilespmem:s12+$0xFFFFFFD0] =	vst v4  }
0x520: {  	v3 =	vld.idx.msk [tilespmem:v13+s22+$0x0], $0xffff;
	[tilespmem:s12+$0xFFFFFFE0] =	vst v5  }
0x521: {  	[tilespmem:s12+$0xFFFFFFF0] =	vst v6  }
0x522: {  	[tilespmem:s12+$0x0] =	vst v1  }
0x523: {  	[tilespmem:s12+$0x10] =	vst v7  }
0x524: {  	[tilespmem:s12+$0x20] =	vst v2  }
0x525: {  	s6 =	simm.s32 $0xF0;
	[tilespmem:s12+$0xFFFFFFC0] =	vst v3  }
0x526: {  	v1 =	vld [tilespmem:s6+$0x0]  }
0x527: {  	v2 =	vld [tilespmem:s6+$0xFFFFFFA0]  }
0x528: {  	v3 =	vld [tilespmem:s6+$0xFFFFFFB0]  }
0x529: {  	v4 =	vld [tilespmem:s6+$0xFFFFFFC0]  }
0x52a: {  	v5 =	vld [tilespmem:s6+$0xFFFFFFD0]  }
0x52b: {  	v6 =	vld [tilespmem:s6+$0xFFFFFFE0]  }
0x52c: {  	v7 =	vld [tilespmem:s6+$0xFFFFFFF0]  }
0x52d: {  	s20 =	simm.s32 $0x2F0;
	v8 =	vld [tilespmem:s6+$0xFFFFFF90]  }
0x52e: {  	v9 =	vld [tilespmem:s20+$0x0]  }
0x52f: {  	v10 =	vld [tilespmem:s20+$0xFFFFFFA0];
	v1 =	vmul.f32 v1, v0;
	v2 =	vmul.f32 v2, v0  }
0x530: {  	v11 =	vld [tilespmem:s20+$0xFFFFFFB0];
	v3 =	vmul.f32 v3, v0;
	v4 =	vmul.f32 v4, v0  }
0x531: {  	v5 =	vmul.f32 v5, v0;
	v6 =	vmul.f32 v6, v0  }
0x532: {  	v7 =	vmul.f32 v7, v0;
	v8 =	vmul.f32 v8, v0  }
0x533: {  	v9 =	vmul.f32 v9, v0;
	v1 =	vadd.f32 $2.560000000e+02, v1;
	v2 =	vadd.f32 $2.560000000e+02, v2  }
0x534: {  	v10 =	vmul.f32 v10, v0;
	v3 =	vadd.f32 $2.560000000e+02, v3;
	v4 =	vadd.f32 $2.560000000e+02, v4  }
0x535: {  	v11 =	vmul.f32 v11, v0;
	v5 =	vadd.f32 $2.560000000e+02, v5;
	v6 =	vadd.f32 $2.560000000e+02, v6  }
0x536: {  	v7 =	vadd.f32 $2.560000000e+02, v7;
	v1 =	vclamp.gez.f32 v1, $5.120000000e+02;
	v2 =	vclamp.gez.f32 v2, $5.120000000e+02  }
0x537: {  	v8 =	vadd.f32 $2.560000000e+02, v8;
	v3 =	vclamp.gez.f32 v3, $5.120000000e+02;
	v4 =	vclamp.gez.f32 v4, $5.120000000e+02  }
0x538: {  	v9 =	vadd.f32 $2.560000000e+02, v9;
	v5 =	vclamp.gez.f32 v5, $5.120000000e+02;
	v6 =	vclamp.gez.f32 v6, $5.120000000e+02  }
0x539: {  	v7 =	vclamp.gez.f32 v7, $5.120000000e+02;
	v8 =	vclamp.gez.f32 v8, $5.120000000e+02  }
0x53a: {  	v9 =	vclamp.gez.f32 v9, $5.120000000e+02;
	v1 =	vtrunc.f32 v1  }
0x53b: {  	v2 =	vtrunc.f32 v2;
	v3 =	vtrunc.f32 v3  }
0x53c: {  	v8 =	vtrunc.f32 v8;
	v1 =	vcvt.f32.s32 v1  }
0x53d: {  	v12 =	vld [tilespmem:s20+$0xFFFFFFC0];
	v4 =	vtrunc.f32 v4;
	v8 =	vcvt.f32.s32 v8  }
0x53e: {  	v13 =	vld [tilespmem:s20+$0xFFFFFFD0];
	v5 =	vtrunc.f32 v5;
	v2 =	vcvt.f32.s32 v2  }
0x53f: {  	v14 =	vld [tilespmem:s20+$0xFFFFFFE0];
	v6 =	vtrunc.f32 v6;
	v3 =	vcvt.f32.s32 v3  }
0x540: {  	v15 =	vld [tilespmem:s20+$0xFFFFFFF0];
	v7 =	vtrunc.f32 v7;
	v4 =	vcvt.f32.s32 v4  }
0x541: {  	v16 =	vld [tilespmem:s20+$0xFFFFFF90];
	v5 =	vcvt.f32.s32 v5;
	v6 =	vcvt.f32.s32 v6  }
0x542: {  	v18 =	vcvt.f32.s32 v7;
	v17 =	vld.idx.msk [tilespmem:v1+s22+$0x0], $0xffff;
	v1 =	vmul.f32 v12, v0  }
0x543: {  	v7 =	vadd.f32 $2.560000000e+02, v10;
	v10 =	vld.idx.msk [tilespmem:v8+s22+$0x0], $0xffff;
	v8 =	vadd.f32 $2.560000000e+02, v11;
	v11 =	vmul.f32 v13, v0  }
0x544: {  	v19 =	vld.idx.msk [tilespmem:v2+s22+$0x0], $0xffff;
	v12 =	vmul.f32 v14, v0;
	v2 =	vtrunc.f32 v9;
	v13 =	vadd.f32 $2.560000000e+02, v1  }
0x545: {  	v1 =	vld.idx.msk [tilespmem:v3+s22+$0x0], $0xffff;
	v9 =	vadd.f32 $2.560000000e+02, v11;
	v11 =	vmul.f32 v15, v0;
	v3 =	vcvt.f32.s32 v2  }
0x546: {  	s5 =	simm.s32 $0x80F0;
	v14 =	vmul.f32 v16, v0;
	v2 =	vld.idx.msk [tilespmem:v4+s22+$0x0], $0xffff;
	v15 =	vclamp.gez.f32 v7, $5.120000000e+02;
	v7 =	vadd.f32 $2.560000000e+02, v12  }
0x547: {  	v4 =	vld.idx.msk [tilespmem:v5+s22+$0x0], $0xffff;
	v12 =	vclamp.gez.f32 v8, $5.120000000e+02;
	v8 =	vclamp.gez.f32 v13, $5.120000000e+02;
	v63 =	vadd.f32 $2.560000000e+02, v11;
	[tilespmem:s5+$0x0] =	vst v17  }
0x548: {  	v5 =	vld.idx.msk [tilespmem:v6+s22+$0x0], $0xffff;
	v9 =	vclamp.gez.f32 v9, $5.120000000e+02;
	v7 =	vclamp.gez.f32 v7, $5.120000000e+02;
	v13 =	vadd.f32 $2.560000000e+02, v14;
	[tilespmem:s5+$0xFFFFFF90] =	vst v10  }
0x549: {  	s8 =	simm.s32 $0x4F0;
	s6 =	simm.s32 $0x80;
	v6 =	vld.idx.msk [tilespmem:v18+s22+$0x0], $0xffff;
	v11 =	vtrunc.f32 v15;
	[tilespmem:s5+$0xFFFFFFA0] =	vst v19;
	v10 =	vclamp.gez.f32 v63, $5.120000000e+02  }
.LBB2_62:
0x54a: {  	v14 =	vld [tilespmem:s8+$0x0];
	v13 =	vclamp.gez.f32 v13, $5.120000000e+02;
	v12 =	vtrunc.f32 v12;
	[tilespmem:s5+$0xFFFFFFB0] =	vst v1  }
0x54b: {  	s6 =	sadd.s32 $0x80, s6;
	v8 =	vtrunc.f32 v8;
	v1 =	vtrunc.f32 v13;
	v3 =	vld.idx.msk [tilespmem:v3+s22+$0x0], $0xffff;
	[tilespmem:s5+$0xFFFFFFC0] =	vst v2  }
0x54c: {  	v9 =	vtrunc.f32 v9;
	v7 =	vtrunc.f32 v7;
	p0 =	slt.u32 s6, $0xF80;
	v2 =	vld [tilespmem:s8+$0xFFFFFFA0];
	[tilespmem:s5+$0xFFFFFFD0] =	vst v4  }
0x54d: {  	v10 =	vtrunc.f32 v10;
	v1 =	vcvt.f32.s32 v1;
	v4 =	vld [tilespmem:s8+$0xFFFFFFB0];
	[tilespmem:s5+$0xFFFFFFE0] =	vst v5  }
0x54e: {  	v11 =	vcvt.f32.s32 v11;
	v12 =	vcvt.f32.s32 v12;
	v5 =	vld [tilespmem:s8+$0xFFFFFFC0];
	[tilespmem:s5+$0xFFFFFFF0] =	vst v6  }
0x54f: {  	v8 =	vcvt.f32.s32 v8;
	v9 =	vcvt.f32.s32 v9;
	v6 =	vld [tilespmem:s8+$0xFFFFFFD0]  }
0x550: {  	v7 =	vcvt.f32.s32 v7;
	s5 =	sadd.s32 $0x200, s5;
	v14 =	vmul.f32 v14, v0;
	v13 =	vld [tilespmem:s8+$0xFFFFFFE0]  }
0x551: {  	v10 =	vcvt.f32.s32 v10;
	v2 =	vmul.f32 v2, v0;
	v15 =	vld [tilespmem:s8+$0xFFFFFFF0];
	[tilespmem:s5+$0x0] =	vst v3  }
0x552: {  	v16 =	vld [tilespmem:s8+$0xFFFFFF90];
	v3 =	vmul.f32 v4, v0;
	v4 =	vadd.f32 $2.560000000e+02, v14  }
0x553: {  	v14 =	vadd.f32 $2.560000000e+02, v2;
	v2 =	vmul.f32 v5, v0;
	v17 =	vld.idx.msk [tilespmem:v1+s22+$0x0], $0xffff  }
0x554: {  	v5 =	vadd.f32 $2.560000000e+02, v3;
	v3 =	vmul.f32 v6, v0;
	v1 =	vclamp.gez.f32 v4, $5.120000000e+02;
	v18 =	vld.idx.msk [tilespmem:v11+s22+$0x0], $0xffff  }
0x555: {  	v6 =	vadd.f32 $2.560000000e+02, v2;
	v4 =	vmul.f32 v13, v0;
	v2 =	vtrunc.f32 v1;
	v1 =	vld.idx.msk [tilespmem:v12+s22+$0x0], $0xffff  }
.Ltmp43:
0x556: {  	v11 =	vadd.f32 $2.560000000e+02, v3;
	v13 =	vmul.f32 v15, v0;
	v3 =	vcvt.f32.s32 v2;
	v2 =	vld.idx.msk [tilespmem:v8+s22+$0x0], $0xffff;
	(pc) =	sbr.rel @p0 .LBB2_62-.Ltmp43, $4  }
0x557: {  	v14 =	vclamp.gez.f32 v14, $5.120000000e+02;
	v15 =	vmul.f32 v16, v0;
	v16 =	vadd.f32 $2.560000000e+02, v4;
	v4 =	vld.idx.msk [tilespmem:v9+s22+$0x0], $0xffff  }
0x558: {  	v12 =	vclamp.gez.f32 v5, $5.120000000e+02;
	v8 =	vclamp.gez.f32 v6, $5.120000000e+02;
	v19 =	vadd.f32 $2.560000000e+02, v13;
	v5 =	vld.idx.msk [tilespmem:v7+s22+$0x0], $0xffff  }
0x559: {  	v9 =	vclamp.gez.f32 v11, $5.120000000e+02;
	v13 =	vadd.f32 $2.560000000e+02, v15;
	v7 =	vclamp.gez.f32 v16, $5.120000000e+02;
	[tilespmem:s5+$0xFFFFFF90] =	vst v17;
	v6 =	vld.idx.msk [tilespmem:v10+s22+$0x0], $0xffff  }
0x55a: {  	s8 =	sadd.s32 $0x200, s8;
	v11 =	vtrunc.f32 v14;
	v10 =	vclamp.gez.f32 v19, $5.120000000e+02;
	[tilespmem:s5+$0xFFFFFFA0] =	vst v18  }
0x55b: {  	v13 =	vclamp.gez.f32 v13, $5.120000000e+02  }
0x55c: {  	v12 =	vtrunc.f32 v12;
	v11 =	vcvt.f32.s32 v11  }
0x55d: {  	v8 =	vtrunc.f32 v8;
	v12 =	vcvt.f32.s32 v12  }
0x55e: {  	v9 =	vtrunc.f32 v9;
	v8 =	vcvt.f32.s32 v8  }
0x55f: {  	v7 =	vtrunc.f32 v7;
	v9 =	vcvt.f32.s32 v9  }
0x560: {  	[tilespmem:s5+$0xFFFFFFB0] =	vst v1;
	v1 =	vld.idx.msk [tilespmem:v3+s22+$0x0], $0xffff;
	v3 =	vtrunc.f32 v10;
	v7 =	vcvt.f32.s32 v7  }
0x561: {  	[tilespmem:s5+$0xFFFFFFC0] =	vst v2;
	v13 =	vtrunc.f32 v13;
	v2 =	vcvt.f32.s32 v3  }
0x562: {  	[tilespmem:s5+$0xFFFFFFD0] =	vst v4;
	v13 =	vcvt.f32.s32 v13;
	v4 =	vld.idx.msk [tilespmem:v11+s22+$0x0], $0xffff  }
0x563: {  	[tilespmem:s5+$0xFFFFFFE0] =	vst v5;
	v5 =	vld.idx.msk [tilespmem:v12+s22+$0x0], $0xffff  }
0x564: {  	s20 =	sadd.s32 $0x200, s5;
	[tilespmem:s5+$0xFFFFFFF0] =	vst v6;
	v6 =	vld.idx.msk [tilespmem:v8+s22+$0x0], $0xffff  }
0x565: {  	[tilespmem:s20+$0x0] =	vst v1;
	v1 =	vld.idx.msk [tilespmem:v9+s22+$0x0], $0xffff  }
0x566: {  	v7 =	vld.idx.msk [tilespmem:v7+s22+$0x0], $0xffff  }
0x567: {  	v2 =	vld.idx.msk [tilespmem:v2+s22+$0x0], $0xffff;
	[tilespmem:s20+$0xFFFFFFA0] =	vst v4  }
0x568: {  	v3 =	vld.idx.msk [tilespmem:v13+s22+$0x0], $0xffff;
	[tilespmem:s20+$0xFFFFFFB0] =	vst v5  }
0x569: {  	[tilespmem:s20+$0xFFFFFFC0] =	vst v6  }
0x56a: {  	[tilespmem:s20+$0xFFFFFFD0] =	vst v1  }
0x56b: {  	[tilespmem:s20+$0xFFFFFFE0] =	vst v7  }
0x56c: {  	[tilespmem:s20+$0xFFFFFFF0] =	vst v2  }
0x56d: {  	s6 =	simm.s32 $0x170;
	[tilespmem:s20+$0xFFFFFF90] =	vst v3  }
0x56e: {  	v1 =	vld [tilespmem:s6+$0x0]  }
0x56f: {  	v2 =	vld [tilespmem:s6+$0xFFFFFFA0]  }
0x570: {  	v3 =	vld [tilespmem:s6+$0xFFFFFFB0]  }
0x571: {  	v4 =	vld [tilespmem:s6+$0xFFFFFFC0]  }
0x572: {  	v5 =	vld [tilespmem:s6+$0xFFFFFFD0]  }
0x573: {  	v6 =	vld [tilespmem:s6+$0xFFFFFFE0]  }
0x574: {  	v7 =	vld [tilespmem:s6+$0xFFFFFFF0]  }
0x575: {  	v8 =	vld [tilespmem:s6+$0xFFFFFF90]  }
0x576: {  	v1 =	vmul.f32 v1, v0;
	v2 =	vmul.f32 v2, v0  }
0x577: {  	v3 =	vmul.f32 v3, v0;
	v4 =	vmul.f32 v4, v0  }
0x578: {  	v5 =	vmul.f32 v5, v0;
	v6 =	vmul.f32 v6, v0;
	v1 =	vadd.f32 $2.560000000e+02, v1  }
0x579: {  	v7 =	vmul.f32 v7, v0;
	v2 =	vadd.f32 $2.560000000e+02, v2;
	v3 =	vadd.f32 $2.560000000e+02, v3  }
0x57a: {  	p1 =	por $0x1, $0x1;
	v10 =	vmul.f32 v8, v0;
	v4 =	vadd.f32 $2.560000000e+02, v4;
	v9 =	vadd.f32 $2.560000000e+02, v5  }
.Ltmp44:
0x57b: {  	v6 =	vadd.f32 $2.560000000e+02, v6;
	v1 =	vclamp.gez.f32 v1, $5.120000000e+02;
	v2 =	vclamp.gez.f32 v2, $5.120000000e+02;
	(pc) =	sbr.rel @!p1 .LBB2_64-.Ltmp44, $4  }
0x57c: {  	v12 =	vclamp.gez.f32 v3, $5.120000000e+02;
	v5 =	vclamp.gez.f32 v4, $5.120000000e+02  }
0x57d: {  	v3 =	vadd.f32 $2.560000000e+02, v7;
	v8 =	vclamp.gez.f32 v9, $5.120000000e+02;
	v7 =	vclamp.gez.f32 v6, $5.120000000e+02  }
0x57e: {  	v13 =	vadd.f32 $2.560000000e+02, v10;
	v1 =	vtrunc.f32 v1;
	v10 =	vtrunc.f32 v2  }
0x57f: {  	p0 =	por $0x0, $0x0;
	s5 =	simm.s32 $0x8170;
	s6 =	simm.s32 $0x370;
	v1 =	vcvt.f32.s32 v1;
	v9 =	vclamp.gez.f32 v3, $5.120000000e+02  }
0x580: {  	v2 =	vld [tilespmem:s6+$0x0]  }
0x581: {  	v3 =	vclamp.gez.f32 v13, $5.120000000e+02;
	v4 =	vtrunc.f32 v12;
	v6 =	vld [tilespmem:s6+$0xFFFFFFA0]  }
0x582: {  	v5 =	vtrunc.f32 v5;
	v8 =	vtrunc.f32 v8;
	v11 =	vld [tilespmem:s6+$0xFFFFFFB0]  }
0x583: {  	v7 =	vtrunc.f32 v7;
	v9 =	vtrunc.f32 v9;
	v12 =	vld [tilespmem:s6+$0xFFFFFFC0]  }
0x584: {  	v10 =	vcvt.f32.s32 v10;
	v14 =	vld [tilespmem:s6+$0xFFFFFFE0];
	v3 =	vtrunc.f32 v3  }
0x585: {  	v15 =	vld [tilespmem:s6+$0xFFFFFFF0];
	v4 =	vcvt.f32.s32 v4;
	v3 =	vcvt.f32.s32 v3  }
0x586: {  	v13 =	vld [tilespmem:s6+$0xFFFFFFD0];
	v5 =	vcvt.f32.s32 v5;
	v7 =	vcvt.f32.s32 v7  }
0x587: {  	v8 =	vcvt.f32.s32 v8;
	v2 =	vmul.f32 v2, v0  }
0x588: {  	v16 =	vld [tilespmem:s6+$0xFFFFFF90];
	v9 =	vcvt.f32.s32 v9;
	v6 =	vmul.f32 v6, v0  }
0x589: {  	v17 =	vld.idx.msk [tilespmem:v1+s22+$0x0], $0xffff;
	v11 =	vmul.f32 v11, v0;
	v1 =	vmul.f32 v12, v0;
	v2 =	vadd.f32 $2.560000000e+02, v2  }
0x58a: {  	v12 =	vmul.f32 v14, v0;
	v14 =	vmul.f32 v15, v0;
	v19 =	vld.idx.msk [tilespmem:v10+s22+$0x0], $0xffff;
	v6 =	vadd.f32 $2.560000000e+02, v6  }
0x58b: {  	v18 =	vld.idx.msk [tilespmem:v3+s22+$0x0], $0xffff;
	v3 =	vmul.f32 v13, v0;
	v2 =	vclamp.gez.f32 v2, $5.120000000e+02  }
0x58c: {  	p3 =	por $0x1, $0x1;
	v10 =	vadd.f32 $2.560000000e+02, v1;
	v63 =	vclamp.gez.f32 v6, $5.120000000e+02;
	v6 =	vld.idx.msk [tilespmem:v7+s22+$0x0], $0xffff;
	v1 =	vtrunc.f32 v2  }
.Ltmp45:
0x58d: {  	v11 =	vadd.f32 $2.560000000e+02, v11;
	v20 =	vadd.f32 $2.560000000e+02, v12;
	v2 =	vld.idx.msk [tilespmem:v4+s22+$0x0], $0xffff;
	v1 =	vcvt.f32.s32 v1;
	(pc) =	sbr.rel @!p3 .LBB2_66-.Ltmp45, $4  }
0x58e: {  	v15 =	vmul.f32 v16, v0;
	v14 =	vadd.f32 $2.560000000e+02, v14;
	v13 =	vadd.f32 $2.560000000e+02, v3;
	v3 =	vld.idx.msk [tilespmem:v5+s22+$0x0], $0xffff  }
0x58f: {  	[tilespmem:s5+$0x0] =	vst v17;
	v12 =	vclamp.gez.f32 v11, $5.120000000e+02;
	v7 =	vclamp.gez.f32 v20, $5.120000000e+02;
	v4 =	vld.idx.msk [tilespmem:v8+s22+$0x0], $0xffff  }
0x590: {  	s8 =	simm.s32 $0x80;
	v11 =	vld.idx.msk [tilespmem:v9+s22+$0x0], $0xffff;
	v9 =	vclamp.gez.f32 v14, $5.120000000e+02;
	[tilespmem:s5+$0xFFFFFFA0] =	vst v19;
	v8 =	vclamp.gez.f32 v13, $5.120000000e+02;
	v13 =	vadd.f32 $2.560000000e+02, v15  }
0x591: {  	s10 =	simm.s32 $0x570;
	p2 =	por $0x1, $0x1;
	s6 =	simm.s32 $0x8170;
	v5 =	vclamp.gez.f32 v10, $5.120000000e+02;
	v10 =	vtrunc.f32 v63;
	[tilespmem:s5+$0xFFFFFF90] =	vst v18  }
.LBB2_67:
0x592: {  	v14 =	vld [tilespmem:s10+$0x0];
	v13 =	vclamp.gez.f32 v13, $5.120000000e+02;
	v12 =	vtrunc.f32 v12;
	[tilespmem:s6+$0xFFFFFFB0] =	vst v2  }
0x593: {  	s8 =	sadd.s32 $0x80, s8;
	v5 =	vtrunc.f32 v5;
	v2 =	vtrunc.f32 v13;
	v1 =	vld.idx.msk [tilespmem:v1+s22+$0x0], $0xffff;
	[tilespmem:s6+$0xFFFFFFC0] =	vst v3  }
0x594: {  	v8 =	vtrunc.f32 v8;
	v7 =	vtrunc.f32 v7;
	p3 =	slt.u32 s8, $0xF80;
	v3 =	vld [tilespmem:s10+$0xFFFFFFA0];
	[tilespmem:s6+$0xFFFFFFD0] =	vst v4  }
0x595: {  	v9 =	vtrunc.f32 v9;
	v2 =	vcvt.f32.s32 v2;
	v4 =	vld [tilespmem:s10+$0xFFFFFFB0];
	[tilespmem:s6+$0xFFFFFFE0] =	vst v6  }
0x596: {  	v10 =	vcvt.f32.s32 v10;
	v12 =	vcvt.f32.s32 v12;
	v6 =	vld [tilespmem:s10+$0xFFFFFFC0];
	[tilespmem:s6+$0xFFFFFFF0] =	vst v11  }
0x597: {  	v5 =	vcvt.f32.s32 v5;
	v8 =	vcvt.f32.s32 v8;
	v11 =	vld [tilespmem:s10+$0xFFFFFFD0]  }
0x598: {  	v7 =	vcvt.f32.s32 v7;
	s6 =	sadd.s32 $0x200, s6;
	v14 =	vmul.f32 v14, v0;
	v13 =	vld [tilespmem:s10+$0xFFFFFFE0]  }
0x599: {  	v9 =	vcvt.f32.s32 v9;
	v3 =	vmul.f32 v3, v0;
	v15 =	vld [tilespmem:s10+$0xFFFFFFF0];
	[tilespmem:s6+$0x0] =	vst v1  }
0x59a: {  	v16 =	vld [tilespmem:s10+$0xFFFFFF90];
	v1 =	vmul.f32 v4, v0;
	v4 =	vadd.f32 $2.560000000e+02, v14  }
0x59b: {  	v14 =	vadd.f32 $2.560000000e+02, v3;
	v3 =	vmul.f32 v6, v0;
	v17 =	vld.idx.msk [tilespmem:v2+s22+$0x0], $0xffff  }
0x59c: {  	v6 =	vadd.f32 $2.560000000e+02, v1;
	v1 =	vmul.f32 v11, v0;
	v2 =	vclamp.gez.f32 v4, $5.120000000e+02;
	v18 =	vld.idx.msk [tilespmem:v10+s22+$0x0], $0xffff  }
0x59d: {  	v10 =	vadd.f32 $2.560000000e+02, v3;
	v4 =	vmul.f32 v13, v0;
	v3 =	vtrunc.f32 v2;
	v2 =	vld.idx.msk [tilespmem:v12+s22+$0x0], $0xffff  }
.Ltmp46:
0x59e: {  	v11 =	vadd.f32 $2.560000000e+02, v1;
	v13 =	vmul.f32 v15, v0;
	v1 =	vcvt.f32.s32 v3;
	v3 =	vld.idx.msk [tilespmem:v5+s22+$0x0], $0xffff;
	(pc) =	sbr.rel @p3 .LBB2_67-.Ltmp46, $4  }
0x59f: {  	v14 =	vclamp.gez.f32 v14, $5.120000000e+02;
	v15 =	vmul.f32 v16, v0;
	v16 =	vadd.f32 $2.560000000e+02, v4;
	v4 =	vld.idx.msk [tilespmem:v8+s22+$0x0], $0xffff  }
0x5a0: {  	v12 =	vclamp.gez.f32 v6, $5.120000000e+02;
	v5 =	vclamp.gez.f32 v10, $5.120000000e+02;
	v19 =	vadd.f32 $2.560000000e+02, v13;
	v6 =	vld.idx.msk [tilespmem:v7+s22+$0x0], $0xffff  }
0x5a1: {  	v8 =	vclamp.gez.f32 v11, $5.120000000e+02;
	v13 =	vadd.f32 $2.560000000e+02, v15;
	v7 =	vclamp.gez.f32 v16, $5.120000000e+02;
	[tilespmem:s6+$0xFFFFFF90] =	vst v17;
	v11 =	vld.idx.msk [tilespmem:v9+s22+$0x0], $0xffff  }
0x5a2: {  	s10 =	sadd.s32 $0x200, s10;
	v10 =	vtrunc.f32 v14;
	v9 =	vclamp.gez.f32 v19, $5.120000000e+02;
	[tilespmem:s6+$0xFFFFFFA0] =	vst v18  }
.LBB2_68:
0x5a3: {  	v13 =	vclamp.gez.f32 v13, $5.120000000e+02  }
0x5a4: {  	v12 =	vtrunc.f32 v12;
	v10 =	vcvt.f32.s32 v10  }
0x5a5: {  	v5 =	vtrunc.f32 v5;
	v12 =	vcvt.f32.s32 v12  }
0x5a6: {  	v8 =	vtrunc.f32 v8;
	v5 =	vcvt.f32.s32 v5  }
0x5a7: {  	v7 =	vtrunc.f32 v7;
	v8 =	vcvt.f32.s32 v8  }
0x5a8: {  	[tilespmem:s6+$0xFFFFFFB0] =	vst @p2 v2;
	v1 =	vld.idx.msk [tilespmem:v1+s22+$0x0], $0xffff;
	v2 =	vtrunc.f32 v9;
	v7 =	vcvt.f32.s32 v7  }
0x5a9: {  	v13 =	vtrunc.f32 v13;
	v2 =	vcvt.f32.s32 v2  }
0x5aa: {  	[tilespmem:s6+$0xFFFFFFD0] =	vst @p2 v4;
	v13 =	vcvt.f32.s32 v13;
	v4 =	vld.idx.msk [tilespmem:v10+s22+$0x0], $0xffff  }
0x5ab: {  	s8 =	sadd.s32 @p2 $0x200, s6;
	[tilespmem:s6+$0xFFFFFFE0] =	vst @p2 v6;
	v6 =	vld.idx.msk [tilespmem:v12+s22+$0x0], $0xffff  }
0x5ac: {  	[tilespmem:s6+$0xFFFFFFC0] =	vst @p2 v3;
	s5 =	smov.u32 @p2 s8;
	v5 =	vld.idx.msk [tilespmem:v5+s22+$0x0], $0xffff  }
0x5ad: {  	[tilespmem:s5+$0x0] =	vst v1;
	v1 =	vld.idx.msk [tilespmem:v8+s22+$0x0], $0xffff  }
0x5ae: {  	[tilespmem:s6+$0xFFFFFFF0] =	vst @p2 v11;
	v7 =	vld.idx.msk [tilespmem:v7+s22+$0x0], $0xffff  }
0x5af: {  	v2 =	vld.idx.msk [tilespmem:v2+s22+$0x0], $0xffff;
	[tilespmem:s5+$0xFFFFFFA0] =	vst v4  }
0x5b0: {  	v3 =	vld.idx.msk [tilespmem:v13+s22+$0x0], $0xffff;
	[tilespmem:s5+$0xFFFFFFB0] =	vst v6  }
0x5b1: {  	[tilespmem:s5+$0xFFFFFFC0] =	vst v5  }
0x5b2: {  	[tilespmem:s5+$0xFFFFFFD0] =	vst v1  }
0x5b3: {  	[tilespmem:s5+$0xFFFFFFE0] =	vst v7  }
0x5b4: {  	[tilespmem:s5+$0xFFFFFFF0] =	vst v2  }
0x5b5: {  	s20 =	simm.s32 $0x1F0;
	[tilespmem:s5+$0xFFFFFF90] =	vst v3  }
0x5b6: {  	v1 =	vld [tilespmem:s20+$0x0]  }
0x5b7: {  	v2 =	vld [tilespmem:s20+$0xFFFFFFA0]  }
0x5b8: {  	v3 =	vld [tilespmem:s20+$0xFFFFFFB0]  }
0x5b9: {  	v4 =	vld [tilespmem:s20+$0xFFFFFFC0]  }
0x5ba: {  	v5 =	vld [tilespmem:s20+$0xFFFFFFD0]  }
0x5bb: {  	v6 =	vld [tilespmem:s20+$0xFFFFFFE0]  }
0x5bc: {  	v7 =	vld [tilespmem:s20+$0xFFFFFFF0]  }
0x5bd: {  	v8 =	vld [tilespmem:s20+$0xFFFFFF90]  }
0x5be: {  	v1 =	vmul.f32 v1, v0;
	v2 =	vmul.f32 v2, v0  }
0x5bf: {  	v3 =	vmul.f32 v3, v0;
	v4 =	vmul.f32 v4, v0  }
0x5c0: {  	v5 =	vmul.f32 v5, v0;
	v6 =	vmul.f32 v6, v0;
	v1 =	vadd.f32 $2.560000000e+02, v1  }
0x5c1: {  	v7 =	vmul.f32 v7, v0;
	v2 =	vadd.f32 $2.560000000e+02, v2;
	v3 =	vadd.f32 $2.560000000e+02, v3  }
0x5c2: {  	v9 =	vmul.f32 v8, v0;
	v4 =	vadd.f32 $2.560000000e+02, v4;
	v5 =	vadd.f32 $2.560000000e+02, v5  }
.Ltmp47:
0x5c3: {  	v10 =	vadd.f32 $2.560000000e+02, v6;
	v1 =	vclamp.gez.f32 v1, $5.120000000e+02;
	v2 =	vclamp.gez.f32 v2, $5.120000000e+02;
	(pc) =	sbr.rel @!p1 .LBB2_69-.Ltmp47, $4  }
0x5c4: {  	v12 =	vclamp.gez.f32 v3, $5.120000000e+02;
	v6 =	vclamp.gez.f32 v4, $5.120000000e+02  }
0x5c5: {  	v3 =	vadd.f32 $2.560000000e+02, v7;
	v8 =	vclamp.gez.f32 v5, $5.120000000e+02;
	v7 =	vclamp.gez.f32 v10, $5.120000000e+02  }
0x5c6: {  	v1 =	vtrunc.f32 v1;
	v11 =	vtrunc.f32 v2  }
0x5c7: {  	s6 =	simm.s32 $0x3F0;
	s5 =	simm.s32 $0x81F0;
	v13 =	vadd.f32 $2.560000000e+02, v9;
	v1 =	vcvt.f32.s32 v1;
	v10 =	vclamp.gez.f32 v3, $5.120000000e+02  }
0x5c8: {  	v2 =	vld [tilespmem:s6+$0x0]  }
0x5c9: {  	v4 =	vtrunc.f32 v12;
	v5 =	vtrunc.f32 v6;
	v6 =	vld [tilespmem:s6+$0xFFFFFFA0]  }
0x5ca: {  	v8 =	vtrunc.f32 v8;
	v7 =	vtrunc.f32 v7;
	v9 =	vld [tilespmem:s6+$0xFFFFFFB0]  }
0x5cb: {  	v10 =	vtrunc.f32 v10;
	v12 =	vld [tilespmem:s6+$0xFFFFFFC0];
	v3 =	vclamp.gez.f32 v13, $5.120000000e+02  }
0x5cc: {  	v11 =	vcvt.f32.s32 v11;
	v14 =	vld [tilespmem:s6+$0xFFFFFFE0];
	v3 =	vtrunc.f32 v3  }
0x5cd: {  	v15 =	vld [tilespmem:s6+$0xFFFFFFF0];
	v4 =	vcvt.f32.s32 v4;
	v3 =	vcvt.f32.s32 v3  }
0x5ce: {  	v13 =	vld [tilespmem:s6+$0xFFFFFFD0];
	v5 =	vcvt.f32.s32 v5;
	v10 =	vcvt.f32.s32 v10  }
0x5cf: {  	v8 =	vcvt.f32.s32 v8;
	v2 =	vmul.f32 v2, v0  }
0x5d0: {  	v16 =	vld [tilespmem:s6+$0xFFFFFF90];
	v7 =	vcvt.f32.s32 v7;
	v9 =	vmul.f32 v9, v0  }
0x5d1: {  	v17 =	vld.idx.msk [tilespmem:v1+s22+$0x0], $0xffff;
	v6 =	vmul.f32 v6, v0;
	v1 =	vmul.f32 v12, v0;
	v2 =	vadd.f32 $2.560000000e+02, v2  }
0x5d2: {  	v12 =	vmul.f32 v14, v0;
	v14 =	vmul.f32 v15, v0;
	v19 =	vld.idx.msk [tilespmem:v11+s22+$0x0], $0xffff;
	v9 =	vadd.f32 $2.560000000e+02, v9  }
0x5d3: {  	v11 =	vadd.f32 $2.560000000e+02, v1;
	v18 =	vld.idx.msk [tilespmem:v3+s22+$0x0], $0xffff;
	v3 =	vmul.f32 v13, v0;
	v2 =	vclamp.gez.f32 v2, $5.120000000e+02  }
0x5d4: {  	p1 =	por $0x1, $0x1;
	v20 =	vadd.f32 $2.560000000e+02, v12;
	v12 =	vclamp.gez.f32 v9, $5.120000000e+02;
	v9 =	vld.idx.msk [tilespmem:v10+s22+$0x0], $0xffff;
	v1 =	vtrunc.f32 v2  }
.Ltmp48:
0x5d5: {  	v6 =	vadd.f32 $2.560000000e+02, v6;
	v2 =	vld.idx.msk [tilespmem:v4+s22+$0x0], $0xffff;
	v1 =	vcvt.f32.s32 v1;
	(pc) =	sbr.rel @!p1 .LBB2_71-.Ltmp48, $4  }
0x5d6: {  	v15 =	vmul.f32 v16, v0;
	v14 =	vadd.f32 $2.560000000e+02, v14;
	v13 =	vadd.f32 $2.560000000e+02, v3;
	v3 =	vld.idx.msk [tilespmem:v5+s22+$0x0], $0xffff  }
0x5d7: {  	[tilespmem:s5+$0x0] =	vst v17;
	v63 =	vclamp.gez.f32 v6, $5.120000000e+02;
	v6 =	vclamp.gez.f32 v11, $5.120000000e+02;
	v4 =	vld.idx.msk [tilespmem:v8+s22+$0x0], $0xffff  }
0x5d8: {  	s8 =	simm.s32 $0x80;
	v10 =	vclamp.gez.f32 v14, $5.120000000e+02;
	v5 =	vld.idx.msk [tilespmem:v7+s22+$0x0], $0xffff;
	[tilespmem:s5+$0xFFFFFFA0] =	vst v19;
	v8 =	vclamp.gez.f32 v13, $5.120000000e+02;
	v13 =	vadd.f32 $2.560000000e+02, v15  }
0x5d9: {  	s10 =	simm.s32 $0x5F0;
	p0 =	por $0x1, $0x1;
	s6 =	simm.s32 $0x81F0;
	v11 =	vtrunc.f32 v63;
	v7 =	vclamp.gez.f32 v20, $5.120000000e+02;
	[tilespmem:s5+$0xFFFFFF90] =	vst v18  }
.LBB2_72:
0x5da: {  	v14 =	vld [tilespmem:s10+$0x0];
	v13 =	vclamp.gez.f32 v13, $5.120000000e+02;
	v12 =	vtrunc.f32 v12;
	[tilespmem:s6+$0xFFFFFFB0] =	vst v2  }
0x5db: {  	s8 =	sadd.s32 $0x80, s8;
	v6 =	vtrunc.f32 v6;
	v2 =	vtrunc.f32 v13;
	v1 =	vld.idx.msk [tilespmem:v1+s22+$0x0], $0xffff;
	[tilespmem:s6+$0xFFFFFFC0] =	vst v3  }
0x5dc: {  	v8 =	vtrunc.f32 v8;
	v7 =	vtrunc.f32 v7;
	p1 =	slt.u32 s8, $0xF80;
	v3 =	vld [tilespmem:s10+$0xFFFFFFA0];
	[tilespmem:s6+$0xFFFFFFD0] =	vst v4  }
0x5dd: {  	v10 =	vtrunc.f32 v10;
	v2 =	vcvt.f32.s32 v2;
	v4 =	vld [tilespmem:s10+$0xFFFFFFB0];
	[tilespmem:s6+$0xFFFFFFE0] =	vst v5  }
0x5de: {  	v11 =	vcvt.f32.s32 v11;
	v12 =	vcvt.f32.s32 v12;
	v5 =	vld [tilespmem:s10+$0xFFFFFFC0];
	[tilespmem:s6+$0xFFFFFFF0] =	vst v9  }
0x5df: {  	v6 =	vcvt.f32.s32 v6;
	v8 =	vcvt.f32.s32 v8;
	v9 =	vld [tilespmem:s10+$0xFFFFFFD0]  }
0x5e0: {  	v7 =	vcvt.f32.s32 v7;
	s6 =	sadd.s32 $0x200, s6;
	v14 =	vmul.f32 v14, v0;
	v13 =	vld [tilespmem:s10+$0xFFFFFFE0]  }
0x5e1: {  	v10 =	vcvt.f32.s32 v10;
	v3 =	vmul.f32 v3, v0;
	v15 =	vld [tilespmem:s10+$0xFFFFFFF0];
	[tilespmem:s6+$0x0] =	vst v1  }
0x5e2: {  	v16 =	vld [tilespmem:s10+$0xFFFFFF90];
	v1 =	vmul.f32 v4, v0;
	v4 =	vadd.f32 $2.560000000e+02, v14  }
0x5e3: {  	v14 =	vadd.f32 $2.560000000e+02, v3;
	v3 =	vmul.f32 v5, v0;
	v17 =	vld.idx.msk [tilespmem:v2+s22+$0x0], $0xffff  }
0x5e4: {  	v5 =	vadd.f32 $2.560000000e+02, v1;
	v1 =	vmul.f32 v9, v0;
	v2 =	vclamp.gez.f32 v4, $5.120000000e+02;
	v18 =	vld.idx.msk [tilespmem:v11+s22+$0x0], $0xffff  }
0x5e5: {  	v9 =	vadd.f32 $2.560000000e+02, v3;
	v4 =	vmul.f32 v13, v0;
	v3 =	vtrunc.f32 v2;
	v2 =	vld.idx.msk [tilespmem:v12+s22+$0x0], $0xffff  }
.Ltmp49:
0x5e6: {  	v11 =	vadd.f32 $2.560000000e+02, v1;
	v13 =	vmul.f32 v15, v0;
	v1 =	vcvt.f32.s32 v3;
	v3 =	vld.idx.msk [tilespmem:v6+s22+$0x0], $0xffff;
	(pc) =	sbr.rel @p1 .LBB2_72-.Ltmp49, $4  }
0x5e7: {  	v14 =	vclamp.gez.f32 v14, $5.120000000e+02;
	v15 =	vmul.f32 v16, v0;
	v16 =	vadd.f32 $2.560000000e+02, v4;
	v4 =	vld.idx.msk [tilespmem:v8+s22+$0x0], $0xffff  }
0x5e8: {  	v12 =	vclamp.gez.f32 v5, $5.120000000e+02;
	v6 =	vclamp.gez.f32 v9, $5.120000000e+02;
	v19 =	vadd.f32 $2.560000000e+02, v13;
	v5 =	vld.idx.msk [tilespmem:v7+s22+$0x0], $0xffff  }
0x5e9: {  	v8 =	vclamp.gez.f32 v11, $5.120000000e+02;
	v13 =	vadd.f32 $2.560000000e+02, v15;
	v7 =	vclamp.gez.f32 v16, $5.120000000e+02;
	[tilespmem:s6+$0xFFFFFF90] =	vst v17;
	v9 =	vld.idx.msk [tilespmem:v10+s22+$0x0], $0xffff  }
0x5ea: {  	s10 =	sadd.s32 $0x200, s10;
	v11 =	vtrunc.f32 v14;
	v10 =	vclamp.gez.f32 v19, $5.120000000e+02;
	[tilespmem:s6+$0xFFFFFFA0] =	vst v18  }
.LBB2_73:
0x5eb: {  	v13 =	vclamp.gez.f32 v13, $5.120000000e+02  }
0x5ec: {  	v12 =	vtrunc.f32 v12;
	v11 =	vcvt.f32.s32 v11  }
0x5ed: {  	v6 =	vtrunc.f32 v6;
	v12 =	vcvt.f32.s32 v12  }
0x5ee: {  	v8 =	vtrunc.f32 v8;
	v6 =	vcvt.f32.s32 v6  }
0x5ef: {  	v7 =	vtrunc.f32 v7;
	v8 =	vcvt.f32.s32 v8  }
0x5f0: {  	[tilespmem:s6+$0xFFFFFFB0] =	vst @p0 v2;
	v1 =	vld.idx.msk [tilespmem:v1+s22+$0x0], $0xffff;
	v2 =	vtrunc.f32 v10;
	v7 =	vcvt.f32.s32 v7  }
0x5f1: {  	v13 =	vtrunc.f32 v13;
	v2 =	vcvt.f32.s32 v2  }
0x5f2: {  	[tilespmem:s6+$0xFFFFFFD0] =	vst @p0 v4;
	v13 =	vcvt.f32.s32 v13;
	v4 =	vld.idx.msk [tilespmem:v11+s22+$0x0], $0xffff  }
0x5f3: {  	s8 =	sadd.s32 @p0 $0x200, s6;
	[tilespmem:s6+$0xFFFFFFE0] =	vst @p0 v5;
	v5 =	vld.idx.msk [tilespmem:v12+s22+$0x0], $0xffff  }
0x5f4: {  	[tilespmem:s6+$0xFFFFFFC0] =	vst @p0 v3;
	s5 =	smov.u32 @p0 s8;
	v6 =	vld.idx.msk [tilespmem:v6+s22+$0x0], $0xffff  }
0x5f5: {  	[tilespmem:s5+$0x0] =	vst v1;
	v1 =	vld.idx.msk [tilespmem:v8+s22+$0x0], $0xffff  }
0x5f6: {  	[tilespmem:s6+$0xFFFFFFF0] =	vst @p0 v9;
	v7 =	vld.idx.msk [tilespmem:v7+s22+$0x0], $0xffff  }
0x5f7: {  	v2 =	vld.idx.msk [tilespmem:v2+s22+$0x0], $0xffff;
	[tilespmem:s5+$0xFFFFFFA0] =	vst v4  }
0x5f8: {  	v3 =	vld.idx.msk [tilespmem:v13+s22+$0x0], $0xffff;
	[tilespmem:s5+$0xFFFFFFB0] =	vst v5  }
0x5f9: {  	[tilespmem:s5+$0xFFFFFFC0] =	vst v6  }
0x5fa: {  	[tilespmem:s5+$0xFFFFFFD0] =	vst v1  }
0x5fb: {  	[tilespmem:s5+$0xFFFFFFE0] =	vst v7  }
0x5fc: {  	[tilespmem:s5+$0xFFFFFFF0] =	vst v2  }
0x5fd: {  	[tilespmem:s5+$0xFFFFFF90] =	vst v3  }
0x5fe: {  	[hbm4b:s17+s23] =	stream.strided.scatter [tilespmem:s28], [sflag:$0x3], $0x4000, s24, s23, $0x38;
	[tilespmem:$0x10480] =	vst v63  }
0x5ff: {  	_ =	swait.ge [sflag:s29], $0x4000  }
0x600: {  	[sflag:s29] =	ssyncset.done $0x0  }
0x601: {  	[sflag:s29] =	ssyncadd.s32 $0xFFFFC000  }
0x602: {  	_ =	swait.ge [sflag:s1], $0x4000  }
0x603: {  	[sflag:s1] =	ssyncset.done $0x0  }
0x604: {  	s12 =	simm.s32 $0x4040;
	[sflag:s1] =	ssyncadd.s32 $0xFFFFC000  }
0x605: {  	v1 =	vld [tilespmem:s12+$0x30]  }
0x606: {  	v2 =	vld [tilespmem:s12+$0xFFFFFFD0]  }
0x607: {  	v3 =	vld [tilespmem:s12+$0xFFFFFFE0]  }
0x608: {  	v4 =	vld [tilespmem:s12+$0xFFFFFFF0]  }
0x609: {  	v5 =	vld [tilespmem:s12+$0x0]  }
0x60a: {  	v6 =	vld [tilespmem:s12+$0x10]  }
0x60b: {  	v7 =	vld [tilespmem:s12+$0x20]  }
0x60c: {  	s20 =	simm.s32 $0x4240;
	v8 =	vld [tilespmem:s12+$0xFFFFFFC0]  }
0x60d: {  	v9 =	vld [tilespmem:s20+$0x30]  }
0x60e: {  	v10 =	vld [tilespmem:s20+$0xFFFFFFD0];
	v1 =	vmul.f32 v1, v0;
	v2 =	vmul.f32 v2, v0  }
0x60f: {  	v11 =	vld [tilespmem:s20+$0xFFFFFFE0];
	v3 =	vmul.f32 v3, v0;
	v4 =	vmul.f32 v4, v0  }
0x610: {  	v5 =	vmul.f32 v5, v0;
	v6 =	vmul.f32 v6, v0  }
0x611: {  	v7 =	vmul.f32 v7, v0;
	v8 =	vmul.f32 v8, v0  }
0x612: {  	v9 =	vmul.f32 v9, v0;
	v1 =	vadd.f32 $2.560000000e+02, v1;
	v2 =	vadd.f32 $2.560000000e+02, v2  }
0x613: {  	v10 =	vmul.f32 v10, v0;
	v3 =	vadd.f32 $2.560000000e+02, v3;
	v4 =	vadd.f32 $2.560000000e+02, v4  }
0x614: {  	v11 =	vmul.f32 v11, v0;
	v5 =	vadd.f32 $2.560000000e+02, v5;
	v6 =	vadd.f32 $2.560000000e+02, v6  }
0x615: {  	v7 =	vadd.f32 $2.560000000e+02, v7;
	v1 =	vclamp.gez.f32 v1, $5.120000000e+02;
	v2 =	vclamp.gez.f32 v2, $5.120000000e+02  }
0x616: {  	v8 =	vadd.f32 $2.560000000e+02, v8;
	v3 =	vclamp.gez.f32 v3, $5.120000000e+02;
	v4 =	vclamp.gez.f32 v4, $5.120000000e+02  }
0x617: {  	v9 =	vadd.f32 $2.560000000e+02, v9;
	v5 =	vclamp.gez.f32 v5, $5.120000000e+02;
	v6 =	vclamp.gez.f32 v6, $5.120000000e+02  }
0x618: {  	v7 =	vclamp.gez.f32 v7, $5.120000000e+02;
	v8 =	vclamp.gez.f32 v8, $5.120000000e+02  }
0x619: {  	v9 =	vclamp.gez.f32 v9, $5.120000000e+02;
	v1 =	vtrunc.f32 v1  }
0x61a: {  	v2 =	vtrunc.f32 v2;
	v3 =	vtrunc.f32 v3  }
0x61b: {  	v8 =	vtrunc.f32 v8;
	v1 =	vcvt.f32.s32 v1  }
0x61c: {  	v12 =	vld [tilespmem:s20+$0xFFFFFFF0];
	v4 =	vtrunc.f32 v4;
	v8 =	vcvt.f32.s32 v8  }
0x61d: {  	v13 =	vld [tilespmem:s20+$0x0];
	v5 =	vtrunc.f32 v5;
	v2 =	vcvt.f32.s32 v2  }
0x61e: {  	v14 =	vld [tilespmem:s20+$0x10];
	v6 =	vtrunc.f32 v6;
	v3 =	vcvt.f32.s32 v3  }
0x61f: {  	v15 =	vld [tilespmem:s20+$0x20];
	v7 =	vtrunc.f32 v7;
	v4 =	vcvt.f32.s32 v4  }
0x620: {  	v16 =	vld [tilespmem:s20+$0xFFFFFFC0];
	v5 =	vcvt.f32.s32 v5;
	v6 =	vcvt.f32.s32 v6  }
0x621: {  	v18 =	vcvt.f32.s32 v7;
	v17 =	vld.idx.msk [tilespmem:v1+s22+$0x0], $0xffff;
	v1 =	vmul.f32 v12, v0  }
0x622: {  	v7 =	vadd.f32 $2.560000000e+02, v10;
	v10 =	vld.idx.msk [tilespmem:v8+s22+$0x0], $0xffff;
	v8 =	vadd.f32 $2.560000000e+02, v11;
	v11 =	vmul.f32 v13, v0  }
0x623: {  	v19 =	vld.idx.msk [tilespmem:v2+s22+$0x0], $0xffff;
	v12 =	vmul.f32 v14, v0;
	v2 =	vtrunc.f32 v9;
	v13 =	vadd.f32 $2.560000000e+02, v1  }
0x624: {  	v1 =	vld.idx.msk [tilespmem:v3+s22+$0x0], $0xffff;
	v9 =	vadd.f32 $2.560000000e+02, v11;
	v11 =	vmul.f32 v15, v0;
	v3 =	vcvt.f32.s32 v2  }
0x625: {  	s5 =	simm.s32 $0xC040;
	v14 =	vmul.f32 v16, v0;
	v2 =	vld.idx.msk [tilespmem:v4+s22+$0x0], $0xffff;
	v15 =	vclamp.gez.f32 v7, $5.120000000e+02;
	v7 =	vadd.f32 $2.560000000e+02, v12  }
0x626: {  	v4 =	vld.idx.msk [tilespmem:v5+s22+$0x0], $0xffff;
	v12 =	vclamp.gez.f32 v8, $5.120000000e+02;
	v8 =	vclamp.gez.f32 v13, $5.120000000e+02;
	v63 =	vadd.f32 $2.560000000e+02, v11;
	[tilespmem:s5+$0x30] =	vst v17  }
0x627: {  	v5 =	vld.idx.msk [tilespmem:v6+s22+$0x0], $0xffff;
	v9 =	vclamp.gez.f32 v9, $5.120000000e+02;
	v7 =	vclamp.gez.f32 v7, $5.120000000e+02;
	v13 =	vadd.f32 $2.560000000e+02, v14;
	[tilespmem:s5+$0xFFFFFFC0] =	vst v10  }
0x628: {  	s8 =	simm.s32 $0x4440;
	s6 =	simm.s32 $0x80;
	v6 =	vld.idx.msk [tilespmem:v18+s22+$0x0], $0xffff;
	v11 =	vtrunc.f32 v15;
	[tilespmem:s5+$0xFFFFFFD0] =	vst v19;
	v10 =	vclamp.gez.f32 v63, $5.120000000e+02  }
.LBB2_74:
0x629: {  	v14 =	vld [tilespmem:s8+$0x30];
	v13 =	vclamp.gez.f32 v13, $5.120000000e+02;
	v12 =	vtrunc.f32 v12;
	[tilespmem:s5+$0xFFFFFFE0] =	vst v1  }
0x62a: {  	s6 =	sadd.s32 $0x80, s6;
	v8 =	vtrunc.f32 v8;
	v1 =	vtrunc.f32 v13;
	v3 =	vld.idx.msk [tilespmem:v3+s22+$0x0], $0xffff;
	[tilespmem:s5+$0xFFFFFFF0] =	vst v2  }
0x62b: {  	v9 =	vtrunc.f32 v9;
	v7 =	vtrunc.f32 v7;
	p0 =	slt.u32 s6, $0xF80;
	v2 =	vld [tilespmem:s8+$0xFFFFFFD0];
	[tilespmem:s5+$0x0] =	vst v4  }
0x62c: {  	v10 =	vtrunc.f32 v10;
	v1 =	vcvt.f32.s32 v1;
	v4 =	vld [tilespmem:s8+$0xFFFFFFE0];
	[tilespmem:s5+$0x10] =	vst v5  }
0x62d: {  	v11 =	vcvt.f32.s32 v11;
	v12 =	vcvt.f32.s32 v12;
	v5 =	vld [tilespmem:s8+$0xFFFFFFF0];
	[tilespmem:s5+$0x20] =	vst v6  }
0x62e: {  	v8 =	vcvt.f32.s32 v8;
	v9 =	vcvt.f32.s32 v9;
	v6 =	vld [tilespmem:s8+$0x0]  }
0x62f: {  	v7 =	vcvt.f32.s32 v7;
	s5 =	sadd.s32 $0x200, s5;
	v14 =	vmul.f32 v14, v0;
	v13 =	vld [tilespmem:s8+$0x10]  }
0x630: {  	v10 =	vcvt.f32.s32 v10;
	v2 =	vmul.f32 v2, v0;
	v15 =	vld [tilespmem:s8+$0x20];
	[tilespmem:s5+$0x30] =	vst v3  }
0x631: {  	v16 =	vld [tilespmem:s8+$0xFFFFFFC0];
	v3 =	vmul.f32 v4, v0;
	v4 =	vadd.f32 $2.560000000e+02, v14  }
0x632: {  	v14 =	vadd.f32 $2.560000000e+02, v2;
	v2 =	vmul.f32 v5, v0;
	v17 =	vld.idx.msk [tilespmem:v1+s22+$0x0], $0xffff  }
0x633: {  	v5 =	vadd.f32 $2.560000000e+02, v3;
	v3 =	vmul.f32 v6, v0;
	v1 =	vclamp.gez.f32 v4, $5.120000000e+02;
	v18 =	vld.idx.msk [tilespmem:v11+s22+$0x0], $0xffff  }
0x634: {  	v6 =	vadd.f32 $2.560000000e+02, v2;
	v4 =	vmul.f32 v13, v0;
	v2 =	vtrunc.f32 v1;
	v1 =	vld.idx.msk [tilespmem:v12+s22+$0x0], $0xffff  }
.Ltmp50:
0x635: {  	v11 =	vadd.f32 $2.560000000e+02, v3;
	v13 =	vmul.f32 v15, v0;
	v3 =	vcvt.f32.s32 v2;
	v2 =	vld.idx.msk [tilespmem:v8+s22+$0x0], $0xffff;
	(pc) =	sbr.rel @p0 .LBB2_74-.Ltmp50, $4  }
0x636: {  	v14 =	vclamp.gez.f32 v14, $5.120000000e+02;
	v15 =	vmul.f32 v16, v0;
	v16 =	vadd.f32 $2.560000000e+02, v4;
	v4 =	vld.idx.msk [tilespmem:v9+s22+$0x0], $0xffff  }
0x637: {  	v12 =	vclamp.gez.f32 v5, $5.120000000e+02;
	v8 =	vclamp.gez.f32 v6, $5.120000000e+02;
	v19 =	vadd.f32 $2.560000000e+02, v13;
	v5 =	vld.idx.msk [tilespmem:v7+s22+$0x0], $0xffff  }
0x638: {  	v9 =	vclamp.gez.f32 v11, $5.120000000e+02;
	v13 =	vadd.f32 $2.560000000e+02, v15;
	v7 =	vclamp.gez.f32 v16, $5.120000000e+02;
	[tilespmem:s5+$0xFFFFFFC0] =	vst v17;
	v6 =	vld.idx.msk [tilespmem:v10+s22+$0x0], $0xffff  }
0x639: {  	s8 =	sadd.s32 $0x200, s8;
	v11 =	vtrunc.f32 v14;
	v10 =	vclamp.gez.f32 v19, $5.120000000e+02;
	[tilespmem:s5+$0xFFFFFFD0] =	vst v18  }
0x63a: {  	v13 =	vclamp.gez.f32 v13, $5.120000000e+02  }
0x63b: {  	v12 =	vtrunc.f32 v12;
	v11 =	vcvt.f32.s32 v11  }
0x63c: {  	v8 =	vtrunc.f32 v8;
	v12 =	vcvt.f32.s32 v12  }
0x63d: {  	v9 =	vtrunc.f32 v9;
	v8 =	vcvt.f32.s32 v8  }
0x63e: {  	v7 =	vtrunc.f32 v7;
	v9 =	vcvt.f32.s32 v9  }
0x63f: {  	[tilespmem:s5+$0xFFFFFFE0] =	vst v1;
	v1 =	vld.idx.msk [tilespmem:v3+s22+$0x0], $0xffff;
	v3 =	vtrunc.f32 v10;
	v7 =	vcvt.f32.s32 v7  }
0x640: {  	[tilespmem:s5+$0xFFFFFFF0] =	vst v2;
	v13 =	vtrunc.f32 v13;
	v2 =	vcvt.f32.s32 v3  }
0x641: {  	[tilespmem:s5+$0x0] =	vst v4;
	v13 =	vcvt.f32.s32 v13;
	v4 =	vld.idx.msk [tilespmem:v11+s22+$0x0], $0xffff  }
0x642: {  	[tilespmem:s5+$0x10] =	vst v5;
	v5 =	vld.idx.msk [tilespmem:v12+s22+$0x0], $0xffff  }
0x643: {  	s12 =	sadd.s32 $0x200, s5;
	[tilespmem:s5+$0x20] =	vst v6;
	v6 =	vld.idx.msk [tilespmem:v8+s22+$0x0], $0xffff  }
0x644: {  	[tilespmem:s12+$0x30] =	vst v1;
	v1 =	vld.idx.msk [tilespmem:v9+s22+$0x0], $0xffff  }
0x645: {  	v7 =	vld.idx.msk [tilespmem:v7+s22+$0x0], $0xffff  }
0x646: {  	v2 =	vld.idx.msk [tilespmem:v2+s22+$0x0], $0xffff;
	[tilespmem:s12+$0xFFFFFFD0] =	vst v4  }
0x647: {  	v3 =	vld.idx.msk [tilespmem:v13+s22+$0x0], $0xffff;
	[tilespmem:s12+$0xFFFFFFE0] =	vst v5  }
0x648: {  	[tilespmem:s12+$0xFFFFFFF0] =	vst v6  }
0x649: {  	[tilespmem:s12+$0x0] =	vst v1  }
0x64a: {  	[tilespmem:s12+$0x10] =	vst v7  }
0x64b: {  	[tilespmem:s12+$0x20] =	vst v2  }
0x64c: {  	s6 =	simm.s32 $0x40F0;
	[tilespmem:s12+$0xFFFFFFC0] =	vst v3  }
0x64d: {  	v1 =	vld [tilespmem:s6+$0x0]  }
0x64e: {  	v2 =	vld [tilespmem:s6+$0xFFFFFFA0]  }
0x64f: {  	v3 =	vld [tilespmem:s6+$0xFFFFFFB0]  }
0x650: {  	v4 =	vld [tilespmem:s6+$0xFFFFFFC0]  }
0x651: {  	v5 =	vld [tilespmem:s6+$0xFFFFFFD0]  }
0x652: {  	v6 =	vld [tilespmem:s6+$0xFFFFFFE0]  }
0x653: {  	v7 =	vld [tilespmem:s6+$0xFFFFFFF0]  }
0x654: {  	s20 =	simm.s32 $0x42F0;
	v8 =	vld [tilespmem:s6+$0xFFFFFF90]  }
0x655: {  	v9 =	vld [tilespmem:s20+$0x0]  }
0x656: {  	v10 =	vld [tilespmem:s20+$0xFFFFFFA0];
	v1 =	vmul.f32 v1, v0;
	v2 =	vmul.f32 v2, v0  }
0x657: {  	v11 =	vld [tilespmem:s20+$0xFFFFFFB0];
	v3 =	vmul.f32 v3, v0;
	v4 =	vmul.f32 v4, v0  }
0x658: {  	v5 =	vmul.f32 v5, v0;
	v6 =	vmul.f32 v6, v0  }
0x659: {  	v7 =	vmul.f32 v7, v0;
	v8 =	vmul.f32 v8, v0  }
0x65a: {  	v9 =	vmul.f32 v9, v0;
	v1 =	vadd.f32 $2.560000000e+02, v1;
	v2 =	vadd.f32 $2.560000000e+02, v2  }
0x65b: {  	v10 =	vmul.f32 v10, v0;
	v3 =	vadd.f32 $2.560000000e+02, v3;
	v4 =	vadd.f32 $2.560000000e+02, v4  }
0x65c: {  	v11 =	vmul.f32 v11, v0;
	v5 =	vadd.f32 $2.560000000e+02, v5;
	v6 =	vadd.f32 $2.560000000e+02, v6  }
0x65d: {  	v7 =	vadd.f32 $2.560000000e+02, v7;
	v1 =	vclamp.gez.f32 v1, $5.120000000e+02;
	v2 =	vclamp.gez.f32 v2, $5.120000000e+02  }
0x65e: {  	v8 =	vadd.f32 $2.560000000e+02, v8;
	v3 =	vclamp.gez.f32 v3, $5.120000000e+02;
	v4 =	vclamp.gez.f32 v4, $5.120000000e+02  }
0x65f: {  	v9 =	vadd.f32 $2.560000000e+02, v9;
	v5 =	vclamp.gez.f32 v5, $5.120000000e+02;
	v6 =	vclamp.gez.f32 v6, $5.120000000e+02  }
0x660: {  	v7 =	vclamp.gez.f32 v7, $5.120000000e+02;
	v8 =	vclamp.gez.f32 v8, $5.120000000e+02  }
0x661: {  	v9 =	vclamp.gez.f32 v9, $5.120000000e+02;
	v1 =	vtrunc.f32 v1  }
0x662: {  	v2 =	vtrunc.f32 v2;
	v3 =	vtrunc.f32 v3  }
0x663: {  	v8 =	vtrunc.f32 v8;
	v1 =	vcvt.f32.s32 v1  }
0x664: {  	v12 =	vld [tilespmem:s20+$0xFFFFFFC0];
	v4 =	vtrunc.f32 v4;
	v8 =	vcvt.f32.s32 v8  }
0x665: {  	v13 =	vld [tilespmem:s20+$0xFFFFFFD0];
	v5 =	vtrunc.f32 v5;
	v2 =	vcvt.f32.s32 v2  }
0x666: {  	v14 =	vld [tilespmem:s20+$0xFFFFFFE0];
	v6 =	vtrunc.f32 v6;
	v3 =	vcvt.f32.s32 v3  }
0x667: {  	v15 =	vld [tilespmem:s20+$0xFFFFFFF0];
	v7 =	vtrunc.f32 v7;
	v4 =	vcvt.f32.s32 v4  }
0x668: {  	v16 =	vld [tilespmem:s20+$0xFFFFFF90];
	v5 =	vcvt.f32.s32 v5;
	v6 =	vcvt.f32.s32 v6  }
0x669: {  	v18 =	vcvt.f32.s32 v7;
	v17 =	vld.idx.msk [tilespmem:v1+s22+$0x0], $0xffff;
	v1 =	vmul.f32 v12, v0  }
0x66a: {  	v7 =	vadd.f32 $2.560000000e+02, v10;
	v10 =	vld.idx.msk [tilespmem:v8+s22+$0x0], $0xffff;
	v8 =	vadd.f32 $2.560000000e+02, v11;
	v11 =	vmul.f32 v13, v0  }
0x66b: {  	v19 =	vld.idx.msk [tilespmem:v2+s22+$0x0], $0xffff;
	v12 =	vmul.f32 v14, v0;
	v2 =	vtrunc.f32 v9;
	v13 =	vadd.f32 $2.560000000e+02, v1  }
0x66c: {  	v1 =	vld.idx.msk [tilespmem:v3+s22+$0x0], $0xffff;
	v9 =	vadd.f32 $2.560000000e+02, v11;
	v11 =	vmul.f32 v15, v0;
	v3 =	vcvt.f32.s32 v2  }
0x66d: {  	s5 =	simm.s32 $0xC0F0;
	v14 =	vmul.f32 v16, v0;
	v2 =	vld.idx.msk [tilespmem:v4+s22+$0x0], $0xffff;
	v15 =	vclamp.gez.f32 v7, $5.120000000e+02;
	v7 =	vadd.f32 $2.560000000e+02, v12  }
0x66e: {  	v4 =	vld.idx.msk [tilespmem:v5+s22+$0x0], $0xffff;
	v12 =	vclamp.gez.f32 v8, $5.120000000e+02;
	v8 =	vclamp.gez.f32 v13, $5.120000000e+02;
	v63 =	vadd.f32 $2.560000000e+02, v11;
	[tilespmem:s5+$0x0] =	vst v17  }
0x66f: {  	v5 =	vld.idx.msk [tilespmem:v6+s22+$0x0], $0xffff;
	v9 =	vclamp.gez.f32 v9, $5.120000000e+02;
	v7 =	vclamp.gez.f32 v7, $5.120000000e+02;
	v13 =	vadd.f32 $2.560000000e+02, v14;
	[tilespmem:s5+$0xFFFFFF90] =	vst v10  }
0x670: {  	s8 =	simm.s32 $0x44F0;
	s6 =	simm.s32 $0x80;
	v6 =	vld.idx.msk [tilespmem:v18+s22+$0x0], $0xffff;
	v11 =	vtrunc.f32 v15;
	[tilespmem:s5+$0xFFFFFFA0] =	vst v19;
	v10 =	vclamp.gez.f32 v63, $5.120000000e+02  }
.LBB2_76:
0x671: {  	v14 =	vld [tilespmem:s8+$0x0];
	v13 =	vclamp.gez.f32 v13, $5.120000000e+02;
	v12 =	vtrunc.f32 v12;
	[tilespmem:s5+$0xFFFFFFB0] =	vst v1  }
0x672: {  	s6 =	sadd.s32 $0x80, s6;
	v8 =	vtrunc.f32 v8;
	v1 =	vtrunc.f32 v13;
	v3 =	vld.idx.msk [tilespmem:v3+s22+$0x0], $0xffff;
	[tilespmem:s5+$0xFFFFFFC0] =	vst v2  }
0x673: {  	v9 =	vtrunc.f32 v9;
	v7 =	vtrunc.f32 v7;
	p0 =	slt.u32 s6, $0xF80;
	v2 =	vld [tilespmem:s8+$0xFFFFFFA0];
	[tilespmem:s5+$0xFFFFFFD0] =	vst v4  }
0x674: {  	v10 =	vtrunc.f32 v10;
	v1 =	vcvt.f32.s32 v1;
	v4 =	vld [tilespmem:s8+$0xFFFFFFB0];
	[tilespmem:s5+$0xFFFFFFE0] =	vst v5  }
0x675: {  	v11 =	vcvt.f32.s32 v11;
	v12 =	vcvt.f32.s32 v12;
	v5 =	vld [tilespmem:s8+$0xFFFFFFC0];
	[tilespmem:s5+$0xFFFFFFF0] =	vst v6  }
0x676: {  	v8 =	vcvt.f32.s32 v8;
	v9 =	vcvt.f32.s32 v9;
	v6 =	vld [tilespmem:s8+$0xFFFFFFD0]  }
0x677: {  	v7 =	vcvt.f32.s32 v7;
	s5 =	sadd.s32 $0x200, s5;
	v14 =	vmul.f32 v14, v0;
	v13 =	vld [tilespmem:s8+$0xFFFFFFE0]  }
0x678: {  	v10 =	vcvt.f32.s32 v10;
	v2 =	vmul.f32 v2, v0;
	v15 =	vld [tilespmem:s8+$0xFFFFFFF0];
	[tilespmem:s5+$0x0] =	vst v3  }
0x679: {  	v16 =	vld [tilespmem:s8+$0xFFFFFF90];
	v3 =	vmul.f32 v4, v0;
	v4 =	vadd.f32 $2.560000000e+02, v14  }
0x67a: {  	v14 =	vadd.f32 $2.560000000e+02, v2;
	v2 =	vmul.f32 v5, v0;
	v17 =	vld.idx.msk [tilespmem:v1+s22+$0x0], $0xffff  }
0x67b: {  	v5 =	vadd.f32 $2.560000000e+02, v3;
	v3 =	vmul.f32 v6, v0;
	v1 =	vclamp.gez.f32 v4, $5.120000000e+02;
	v18 =	vld.idx.msk [tilespmem:v11+s22+$0x0], $0xffff  }
0x67c: {  	v6 =	vadd.f32 $2.560000000e+02, v2;
	v4 =	vmul.f32 v13, v0;
	v2 =	vtrunc.f32 v1;
	v1 =	vld.idx.msk [tilespmem:v12+s22+$0x0], $0xffff  }
.Ltmp51:
0x67d: {  	v11 =	vadd.f32 $2.560000000e+02, v3;
	v13 =	vmul.f32 v15, v0;
	v3 =	vcvt.f32.s32 v2;
	v2 =	vld.idx.msk [tilespmem:v8+s22+$0x0], $0xffff;
	(pc) =	sbr.rel @p0 .LBB2_76-.Ltmp51, $4  }
0x67e: {  	v14 =	vclamp.gez.f32 v14, $5.120000000e+02;
	v15 =	vmul.f32 v16, v0;
	v16 =	vadd.f32 $2.560000000e+02, v4;
	v4 =	vld.idx.msk [tilespmem:v9+s22+$0x0], $0xffff  }
0x67f: {  	v12 =	vclamp.gez.f32 v5, $5.120000000e+02;
	v8 =	vclamp.gez.f32 v6, $5.120000000e+02;
	v19 =	vadd.f32 $2.560000000e+02, v13;
	v5 =	vld.idx.msk [tilespmem:v7+s22+$0x0], $0xffff  }
0x680: {  	v9 =	vclamp.gez.f32 v11, $5.120000000e+02;
	v13 =	vadd.f32 $2.560000000e+02, v15;
	v7 =	vclamp.gez.f32 v16, $5.120000000e+02;
	[tilespmem:s5+$0xFFFFFF90] =	vst v17;
	v6 =	vld.idx.msk [tilespmem:v10+s22+$0x0], $0xffff  }
0x681: {  	s8 =	sadd.s32 $0x200, s8;
	v11 =	vtrunc.f32 v14;
	v10 =	vclamp.gez.f32 v19, $5.120000000e+02;
	[tilespmem:s5+$0xFFFFFFA0] =	vst v18  }
0x682: {  	v13 =	vclamp.gez.f32 v13, $5.120000000e+02  }
0x683: {  	v12 =	vtrunc.f32 v12;
	v11 =	vcvt.f32.s32 v11  }
0x684: {  	v8 =	vtrunc.f32 v8;
	v12 =	vcvt.f32.s32 v12  }
0x685: {  	v9 =	vtrunc.f32 v9;
	v8 =	vcvt.f32.s32 v8  }
0x686: {  	v7 =	vtrunc.f32 v7;
	v9 =	vcvt.f32.s32 v9  }
0x687: {  	[tilespmem:s5+$0xFFFFFFB0] =	vst v1;
	v1 =	vld.idx.msk [tilespmem:v3+s22+$0x0], $0xffff;
	v3 =	vtrunc.f32 v10;
	v7 =	vcvt.f32.s32 v7  }
0x688: {  	[tilespmem:s5+$0xFFFFFFC0] =	vst v2;
	v13 =	vtrunc.f32 v13;
	v2 =	vcvt.f32.s32 v3  }
0x689: {  	[tilespmem:s5+$0xFFFFFFD0] =	vst v4;
	v13 =	vcvt.f32.s32 v13;
	v4 =	vld.idx.msk [tilespmem:v11+s22+$0x0], $0xffff  }
0x68a: {  	[tilespmem:s5+$0xFFFFFFE0] =	vst v5;
	v5 =	vld.idx.msk [tilespmem:v12+s22+$0x0], $0xffff  }
0x68b: {  	s20 =	sadd.s32 $0x200, s5;
	[tilespmem:s5+$0xFFFFFFF0] =	vst v6;
	v6 =	vld.idx.msk [tilespmem:v8+s22+$0x0], $0xffff  }
0x68c: {  	[tilespmem:s20+$0x0] =	vst v1;
	v1 =	vld.idx.msk [tilespmem:v9+s22+$0x0], $0xffff  }
0x68d: {  	v7 =	vld.idx.msk [tilespmem:v7+s22+$0x0], $0xffff  }
0x68e: {  	v2 =	vld.idx.msk [tilespmem:v2+s22+$0x0], $0xffff;
	[tilespmem:s20+$0xFFFFFFA0] =	vst v4  }
0x68f: {  	v3 =	vld.idx.msk [tilespmem:v13+s22+$0x0], $0xffff;
	[tilespmem:s20+$0xFFFFFFB0] =	vst v5  }
0x690: {  	[tilespmem:s20+$0xFFFFFFC0] =	vst v6  }
0x691: {  	[tilespmem:s20+$0xFFFFFFD0] =	vst v1  }
0x692: {  	[tilespmem:s20+$0xFFFFFFE0] =	vst v7  }
0x693: {  	[tilespmem:s20+$0xFFFFFFF0] =	vst v2  }
0x694: {  	s6 =	simm.s32 $0x4170;
	[tilespmem:s20+$0xFFFFFF90] =	vst v3  }
0x695: {  	v1 =	vld [tilespmem:s6+$0x0]  }
0x696: {  	v2 =	vld [tilespmem:s6+$0xFFFFFFA0]  }
0x697: {  	v3 =	vld [tilespmem:s6+$0xFFFFFFB0]  }
0x698: {  	v4 =	vld [tilespmem:s6+$0xFFFFFFC0]  }
0x699: {  	v5 =	vld [tilespmem:s6+$0xFFFFFFD0]  }
0x69a: {  	v6 =	vld [tilespmem:s6+$0xFFFFFFE0]  }
0x69b: {  	v7 =	vld [tilespmem:s6+$0xFFFFFFF0]  }
0x69c: {  	v8 =	vld [tilespmem:s6+$0xFFFFFF90]  }
0x69d: {  	v1 =	vmul.f32 v1, v0;
	v2 =	vmul.f32 v2, v0  }
0x69e: {  	v3 =	vmul.f32 v3, v0;
	v4 =	vmul.f32 v4, v0  }
0x69f: {  	v5 =	vmul.f32 v5, v0;
	v6 =	vmul.f32 v6, v0;
	v1 =	vadd.f32 $2.560000000e+02, v1  }
0x6a0: {  	v7 =	vmul.f32 v7, v0;
	v2 =	vadd.f32 $2.560000000e+02, v2;
	v3 =	vadd.f32 $2.560000000e+02, v3  }
0x6a1: {  	p1 =	por $0x1, $0x1;
	v10 =	vmul.f32 v8, v0;
	v4 =	vadd.f32 $2.560000000e+02, v4;
	v9 =	vadd.f32 $2.560000000e+02, v5  }
.Ltmp52:
0x6a2: {  	v6 =	vadd.f32 $2.560000000e+02, v6;
	v1 =	vclamp.gez.f32 v1, $5.120000000e+02;
	v2 =	vclamp.gez.f32 v2, $5.120000000e+02;
	(pc) =	sbr.rel @!p1 .LBB2_78-.Ltmp52, $4  }
0x6a3: {  	v12 =	vclamp.gez.f32 v3, $5.120000000e+02;
	v5 =	vclamp.gez.f32 v4, $5.120000000e+02  }
0x6a4: {  	v3 =	vadd.f32 $2.560000000e+02, v7;
	v8 =	vclamp.gez.f32 v9, $5.120000000e+02;
	v7 =	vclamp.gez.f32 v6, $5.120000000e+02  }
0x6a5: {  	v13 =	vadd.f32 $2.560000000e+02, v10;
	v1 =	vtrunc.f32 v1;
	v10 =	vtrunc.f32 v2  }
0x6a6: {  	p0 =	por $0x0, $0x0;
	s5 =	simm.s32 $0xC170;
	s6 =	simm.s32 $0x4370;
	v1 =	vcvt.f32.s32 v1;
	v9 =	vclamp.gez.f32 v3, $5.120000000e+02  }
0x6a7: {  	v2 =	vld [tilespmem:s6+$0x0]  }
0x6a8: {  	v3 =	vclamp.gez.f32 v13, $5.120000000e+02;
	v4 =	vtrunc.f32 v12;
	v6 =	vld [tilespmem:s6+$0xFFFFFFA0]  }
0x6a9: {  	v5 =	vtrunc.f32 v5;
	v8 =	vtrunc.f32 v8;
	v11 =	vld [tilespmem:s6+$0xFFFFFFB0]  }
0x6aa: {  	v7 =	vtrunc.f32 v7;
	v9 =	vtrunc.f32 v9;
	v12 =	vld [tilespmem:s6+$0xFFFFFFC0]  }
0x6ab: {  	v10 =	vcvt.f32.s32 v10;
	v14 =	vld [tilespmem:s6+$0xFFFFFFE0];
	v3 =	vtrunc.f32 v3  }
0x6ac: {  	v15 =	vld [tilespmem:s6+$0xFFFFFFF0];
	v4 =	vcvt.f32.s32 v4;
	v3 =	vcvt.f32.s32 v3  }
0x6ad: {  	v13 =	vld [tilespmem:s6+$0xFFFFFFD0];
	v5 =	vcvt.f32.s32 v5;
	v7 =	vcvt.f32.s32 v7  }
0x6ae: {  	v8 =	vcvt.f32.s32 v8;
	v2 =	vmul.f32 v2, v0  }
0x6af: {  	v16 =	vld [tilespmem:s6+$0xFFFFFF90];
	v9 =	vcvt.f32.s32 v9;
	v6 =	vmul.f32 v6, v0  }
0x6b0: {  	v17 =	vld.idx.msk [tilespmem:v1+s22+$0x0], $0xffff;
	v11 =	vmul.f32 v11, v0;
	v1 =	vmul.f32 v12, v0;
	v2 =	vadd.f32 $2.560000000e+02, v2  }
0x6b1: {  	v12 =	vmul.f32 v14, v0;
	v14 =	vmul.f32 v15, v0;
	v19 =	vld.idx.msk [tilespmem:v10+s22+$0x0], $0xffff;
	v6 =	vadd.f32 $2.560000000e+02, v6  }
0x6b2: {  	v18 =	vld.idx.msk [tilespmem:v3+s22+$0x0], $0xffff;
	v3 =	vmul.f32 v13, v0;
	v2 =	vclamp.gez.f32 v2, $5.120000000e+02  }
0x6b3: {  	p3 =	por $0x1, $0x1;
	v10 =	vadd.f32 $2.560000000e+02, v1;
	v63 =	vclamp.gez.f32 v6, $5.120000000e+02;
	v6 =	vld.idx.msk [tilespmem:v7+s22+$0x0], $0xffff;
	v1 =	vtrunc.f32 v2  }
.Ltmp53:
0x6b4: {  	v11 =	vadd.f32 $2.560000000e+02, v11;
	v20 =	vadd.f32 $2.560000000e+02, v12;
	v2 =	vld.idx.msk [tilespmem:v4+s22+$0x0], $0xffff;
	v1 =	vcvt.f32.s32 v1;
	(pc) =	sbr.rel @!p3 .LBB2_80-.Ltmp53, $4  }
0x6b5: {  	v15 =	vmul.f32 v16, v0;
	v14 =	vadd.f32 $2.560000000e+02, v14;
	v13 =	vadd.f32 $2.560000000e+02, v3;
	v3 =	vld.idx.msk [tilespmem:v5+s22+$0x0], $0xffff  }
0x6b6: {  	[tilespmem:s5+$0x0] =	vst v17;
	v12 =	vclamp.gez.f32 v11, $5.120000000e+02;
	v7 =	vclamp.gez.f32 v20, $5.120000000e+02;
	v4 =	vld.idx.msk [tilespmem:v8+s22+$0x0], $0xffff  }
0x6b7: {  	s8 =	simm.s32 $0x80;
	v11 =	vld.idx.msk [tilespmem:v9+s22+$0x0], $0xffff;
	v9 =	vclamp.gez.f32 v14, $5.120000000e+02;
	[tilespmem:s5+$0xFFFFFFA0] =	vst v19;
	v8 =	vclamp.gez.f32 v13, $5.120000000e+02;
	v13 =	vadd.f32 $2.560000000e+02, v15  }
0x6b8: {  	s10 =	simm.s32 $0x4570;
	p2 =	por $0x1, $0x1;
	s6 =	simm.s32 $0xC170;
	v5 =	vclamp.gez.f32 v10, $5.120000000e+02;
	v10 =	vtrunc.f32 v63;
	[tilespmem:s5+$0xFFFFFF90] =	vst v18  }
.LBB2_81:
0x6b9: {  	v14 =	vld [tilespmem:s10+$0x0];
	v13 =	vclamp.gez.f32 v13, $5.120000000e+02;
	v12 =	vtrunc.f32 v12;
	[tilespmem:s6+$0xFFFFFFB0] =	vst v2  }
0x6ba: {  	s8 =	sadd.s32 $0x80, s8;
	v5 =	vtrunc.f32 v5;
	v2 =	vtrunc.f32 v13;
	v1 =	vld.idx.msk [tilespmem:v1+s22+$0x0], $0xffff;
	[tilespmem:s6+$0xFFFFFFC0] =	vst v3  }
0x6bb: {  	v8 =	vtrunc.f32 v8;
	v7 =	vtrunc.f32 v7;
	p3 =	slt.u32 s8, $0xF80;
	v3 =	vld [tilespmem:s10+$0xFFFFFFA0];
	[tilespmem:s6+$0xFFFFFFD0] =	vst v4  }
0x6bc: {  	v9 =	vtrunc.f32 v9;
	v2 =	vcvt.f32.s32 v2;
	v4 =	vld [tilespmem:s10+$0xFFFFFFB0];
	[tilespmem:s6+$0xFFFFFFE0] =	vst v6  }
0x6bd: {  	v10 =	vcvt.f32.s32 v10;
	v12 =	vcvt.f32.s32 v12;
	v6 =	vld [tilespmem:s10+$0xFFFFFFC0];
	[tilespmem:s6+$0xFFFFFFF0] =	vst v11  }
0x6be: {  	v5 =	vcvt.f32.s32 v5;
	v8 =	vcvt.f32.s32 v8;
	v11 =	vld [tilespmem:s10+$0xFFFFFFD0]  }
0x6bf: {  	v7 =	vcvt.f32.s32 v7;
	s6 =	sadd.s32 $0x200, s6;
	v14 =	vmul.f32 v14, v0;
	v13 =	vld [tilespmem:s10+$0xFFFFFFE0]  }
0x6c0: {  	v9 =	vcvt.f32.s32 v9;
	v3 =	vmul.f32 v3, v0;
	v15 =	vld [tilespmem:s10+$0xFFFFFFF0];
	[tilespmem:s6+$0x0] =	vst v1  }
0x6c1: {  	v16 =	vld [tilespmem:s10+$0xFFFFFF90];
	v1 =	vmul.f32 v4, v0;
	v4 =	vadd.f32 $2.560000000e+02, v14  }
0x6c2: {  	v14 =	vadd.f32 $2.560000000e+02, v3;
	v3 =	vmul.f32 v6, v0;
	v17 =	vld.idx.msk [tilespmem:v2+s22+$0x0], $0xffff  }
0x6c3: {  	v6 =	vadd.f32 $2.560000000e+02, v1;
	v1 =	vmul.f32 v11, v0;
	v2 =	vclamp.gez.f32 v4, $5.120000000e+02;
	v18 =	vld.idx.msk [tilespmem:v10+s22+$0x0], $0xffff  }
0x6c4: {  	v10 =	vadd.f32 $2.560000000e+02, v3;
	v4 =	vmul.f32 v13, v0;
	v3 =	vtrunc.f32 v2;
	v2 =	vld.idx.msk [tilespmem:v12+s22+$0x0], $0xffff  }
.Ltmp54:
0x6c5: {  	v11 =	vadd.f32 $2.560000000e+02, v1;
	v13 =	vmul.f32 v15, v0;
	v1 =	vcvt.f32.s32 v3;
	v3 =	vld.idx.msk [tilespmem:v5+s22+$0x0], $0xffff;
	(pc) =	sbr.rel @p3 .LBB2_81-.Ltmp54, $4  }
0x6c6: {  	v14 =	vclamp.gez.f32 v14, $5.120000000e+02;
	v15 =	vmul.f32 v16, v0;
	v16 =	vadd.f32 $2.560000000e+02, v4;
	v4 =	vld.idx.msk [tilespmem:v8+s22+$0x0], $0xffff  }
0x6c7: {  	v12 =	vclamp.gez.f32 v6, $5.120000000e+02;
	v5 =	vclamp.gez.f32 v10, $5.120000000e+02;
	v19 =	vadd.f32 $2.560000000e+02, v13;
	v6 =	vld.idx.msk [tilespmem:v7+s22+$0x0], $0xffff  }
0x6c8: {  	v8 =	vclamp.gez.f32 v11, $5.120000000e+02;
	v13 =	vadd.f32 $2.560000000e+02, v15;
	v7 =	vclamp.gez.f32 v16, $5.120000000e+02;
	[tilespmem:s6+$0xFFFFFF90] =	vst v17;
	v11 =	vld.idx.msk [tilespmem:v9+s22+$0x0], $0xffff  }
0x6c9: {  	s10 =	sadd.s32 $0x200, s10;
	v10 =	vtrunc.f32 v14;
	v9 =	vclamp.gez.f32 v19, $5.120000000e+02;
	[tilespmem:s6+$0xFFFFFFA0] =	vst v18  }
.LBB2_82:
0x6ca: {  	v13 =	vclamp.gez.f32 v13, $5.120000000e+02  }
0x6cb: {  	v12 =	vtrunc.f32 v12;
	v10 =	vcvt.f32.s32 v10  }
0x6cc: {  	v5 =	vtrunc.f32 v5;
	v12 =	vcvt.f32.s32 v12  }
0x6cd: {  	v8 =	vtrunc.f32 v8;
	v5 =	vcvt.f32.s32 v5  }
0x6ce: {  	v7 =	vtrunc.f32 v7;
	v8 =	vcvt.f32.s32 v8  }
0x6cf: {  	[tilespmem:s6+$0xFFFFFFB0] =	vst @p2 v2;
	v1 =	vld.idx.msk [tilespmem:v1+s22+$0x0], $0xffff;
	v2 =	vtrunc.f32 v9;
	v7 =	vcvt.f32.s32 v7  }
0x6d0: {  	v13 =	vtrunc.f32 v13;
	v2 =	vcvt.f32.s32 v2  }
0x6d1: {  	[tilespmem:s6+$0xFFFFFFD0] =	vst @p2 v4;
	v13 =	vcvt.f32.s32 v13;
	v4 =	vld.idx.msk [tilespmem:v10+s22+$0x0], $0xffff  }
0x6d2: {  	s8 =	sadd.s32 @p2 $0x200, s6;
	[tilespmem:s6+$0xFFFFFFE0] =	vst @p2 v6;
	v6 =	vld.idx.msk [tilespmem:v12+s22+$0x0], $0xffff  }
0x6d3: {  	[tilespmem:s6+$0xFFFFFFC0] =	vst @p2 v3;
	s5 =	smov.u32 @p2 s8;
	v5 =	vld.idx.msk [tilespmem:v5+s22+$0x0], $0xffff  }
0x6d4: {  	[tilespmem:s5+$0x0] =	vst v1;
	v1 =	vld.idx.msk [tilespmem:v8+s22+$0x0], $0xffff  }
0x6d5: {  	[tilespmem:s6+$0xFFFFFFF0] =	vst @p2 v11;
	v7 =	vld.idx.msk [tilespmem:v7+s22+$0x0], $0xffff  }
0x6d6: {  	v2 =	vld.idx.msk [tilespmem:v2+s22+$0x0], $0xffff;
	[tilespmem:s5+$0xFFFFFFA0] =	vst v4  }
0x6d7: {  	v3 =	vld.idx.msk [tilespmem:v13+s22+$0x0], $0xffff;
	[tilespmem:s5+$0xFFFFFFB0] =	vst v6  }
0x6d8: {  	[tilespmem:s5+$0xFFFFFFC0] =	vst v5  }
0x6d9: {  	[tilespmem:s5+$0xFFFFFFD0] =	vst v1  }
0x6da: {  	[tilespmem:s5+$0xFFFFFFE0] =	vst v7  }
0x6db: {  	[tilespmem:s5+$0xFFFFFFF0] =	vst v2  }
0x6dc: {  	s20 =	simm.s32 $0x41F0;
	[tilespmem:s5+$0xFFFFFF90] =	vst v3  }
0x6dd: {  	v1 =	vld [tilespmem:s20+$0x0]  }
0x6de: {  	v2 =	vld [tilespmem:s20+$0xFFFFFFA0]  }
0x6df: {  	v3 =	vld [tilespmem:s20+$0xFFFFFFB0]  }
0x6e0: {  	v4 =	vld [tilespmem:s20+$0xFFFFFFC0]  }
0x6e1: {  	v5 =	vld [tilespmem:s20+$0xFFFFFFD0]  }
0x6e2: {  	v6 =	vld [tilespmem:s20+$0xFFFFFFE0]  }
0x6e3: {  	v7 =	vld [tilespmem:s20+$0xFFFFFFF0]  }
0x6e4: {  	v8 =	vld [tilespmem:s20+$0xFFFFFF90]  }
0x6e5: {  	v1 =	vmul.f32 v1, v0;
	v2 =	vmul.f32 v2, v0  }
0x6e6: {  	v3 =	vmul.f32 v3, v0;
	v4 =	vmul.f32 v4, v0  }
0x6e7: {  	v5 =	vmul.f32 v5, v0;
	v6 =	vmul.f32 v6, v0;
	v1 =	vadd.f32 $2.560000000e+02, v1  }
0x6e8: {  	v7 =	vmul.f32 v7, v0;
	v2 =	vadd.f32 $2.560000000e+02, v2;
	v3 =	vadd.f32 $2.560000000e+02, v3  }
0x6e9: {  	v9 =	vmul.f32 v8, v0;
	v4 =	vadd.f32 $2.560000000e+02, v4;
	v5 =	vadd.f32 $2.560000000e+02, v5  }
.Ltmp55:
0x6ea: {  	v10 =	vadd.f32 $2.560000000e+02, v6;
	v1 =	vclamp.gez.f32 v1, $5.120000000e+02;
	v2 =	vclamp.gez.f32 v2, $5.120000000e+02;
	(pc) =	sbr.rel @!p1 .LBB2_83-.Ltmp55, $4  }
0x6eb: {  	v12 =	vclamp.gez.f32 v3, $5.120000000e+02;
	v6 =	vclamp.gez.f32 v4, $5.120000000e+02  }
0x6ec: {  	v3 =	vadd.f32 $2.560000000e+02, v7;
	v8 =	vclamp.gez.f32 v5, $5.120000000e+02;
	v7 =	vclamp.gez.f32 v10, $5.120000000e+02  }
0x6ed: {  	v1 =	vtrunc.f32 v1;
	v11 =	vtrunc.f32 v2  }
0x6ee: {  	s6 =	simm.s32 $0x43F0;
	s5 =	simm.s32 $0xC1F0;
	v13 =	vadd.f32 $2.560000000e+02, v9;
	v1 =	vcvt.f32.s32 v1;
	v10 =	vclamp.gez.f32 v3, $5.120000000e+02  }
0x6ef: {  	v2 =	vld [tilespmem:s6+$0x0]  }
0x6f0: {  	v4 =	vtrunc.f32 v12;
	v5 =	vtrunc.f32 v6;
	v6 =	vld [tilespmem:s6+$0xFFFFFFA0]  }
0x6f1: {  	v8 =	vtrunc.f32 v8;
	v7 =	vtrunc.f32 v7;
	v9 =	vld [tilespmem:s6+$0xFFFFFFB0]  }
0x6f2: {  	v10 =	vtrunc.f32 v10;
	v12 =	vld [tilespmem:s6+$0xFFFFFFC0];
	v3 =	vclamp.gez.f32 v13, $5.120000000e+02  }
0x6f3: {  	v11 =	vcvt.f32.s32 v11;
	v14 =	vld [tilespmem:s6+$0xFFFFFFE0];
	v3 =	vtrunc.f32 v3  }
0x6f4: {  	v15 =	vld [tilespmem:s6+$0xFFFFFFF0];
	v4 =	vcvt.f32.s32 v4;
	v3 =	vcvt.f32.s32 v3  }
0x6f5: {  	v13 =	vld [tilespmem:s6+$0xFFFFFFD0];
	v5 =	vcvt.f32.s32 v5;
	v10 =	vcvt.f32.s32 v10  }
0x6f6: {  	v8 =	vcvt.f32.s32 v8;
	v2 =	vmul.f32 v2, v0  }
0x6f7: {  	v16 =	vld [tilespmem:s6+$0xFFFFFF90];
	v7 =	vcvt.f32.s32 v7;
	v9 =	vmul.f32 v9, v0  }
0x6f8: {  	v17 =	vld.idx.msk [tilespmem:v1+s22+$0x0], $0xffff;
	v6 =	vmul.f32 v6, v0;
	v1 =	vmul.f32 v12, v0;
	v2 =	vadd.f32 $2.560000000e+02, v2  }
0x6f9: {  	v12 =	vmul.f32 v14, v0;
	v14 =	vmul.f32 v15, v0;
	v19 =	vld.idx.msk [tilespmem:v11+s22+$0x0], $0xffff;
	v9 =	vadd.f32 $2.560000000e+02, v9  }
0x6fa: {  	v11 =	vadd.f32 $2.560000000e+02, v1;
	v18 =	vld.idx.msk [tilespmem:v3+s22+$0x0], $0xffff;
	v3 =	vmul.f32 v13, v0;
	v2 =	vclamp.gez.f32 v2, $5.120000000e+02  }
0x6fb: {  	p1 =	por $0x1, $0x1;
	v20 =	vadd.f32 $2.560000000e+02, v12;
	v12 =	vclamp.gez.f32 v9, $5.120000000e+02;
	v9 =	vld.idx.msk [tilespmem:v10+s22+$0x0], $0xffff;
	v1 =	vtrunc.f32 v2  }
.Ltmp56:
0x6fc: {  	v6 =	vadd.f32 $2.560000000e+02, v6;
	v2 =	vld.idx.msk [tilespmem:v4+s22+$0x0], $0xffff;
	v1 =	vcvt.f32.s32 v1;
	(pc) =	sbr.rel @!p1 .LBB2_85-.Ltmp56, $4  }
0x6fd: {  	v15 =	vmul.f32 v16, v0;
	v14 =	vadd.f32 $2.560000000e+02, v14;
	v13 =	vadd.f32 $2.560000000e+02, v3;
	v3 =	vld.idx.msk [tilespmem:v5+s22+$0x0], $0xffff  }
0x6fe: {  	[tilespmem:s5+$0x0] =	vst v17;
	v63 =	vclamp.gez.f32 v6, $5.120000000e+02;
	v6 =	vclamp.gez.f32 v11, $5.120000000e+02;
	v4 =	vld.idx.msk [tilespmem:v8+s22+$0x0], $0xffff  }
0x6ff: {  	s8 =	simm.s32 $0x80;
	v10 =	vclamp.gez.f32 v14, $5.120000000e+02;
	v5 =	vld.idx.msk [tilespmem:v7+s22+$0x0], $0xffff;
	[tilespmem:s5+$0xFFFFFFA0] =	vst v19;
	v8 =	vclamp.gez.f32 v13, $5.120000000e+02;
	v13 =	vadd.f32 $2.560000000e+02, v15  }
0x700: {  	s10 =	simm.s32 $0x45F0;
	p0 =	por $0x1, $0x1;
	s6 =	simm.s32 $0xC1F0;
	v11 =	vtrunc.f32 v63;
	v7 =	vclamp.gez.f32 v20, $5.120000000e+02;
	[tilespmem:s5+$0xFFFFFF90] =	vst v18  }
.LBB2_86:
0x701: {  	v14 =	vld [tilespmem:s10+$0x0];
	v13 =	vclamp.gez.f32 v13, $5.120000000e+02;
	v12 =	vtrunc.f32 v12;
	[tilespmem:s6+$0xFFFFFFB0] =	vst v2  }
0x702: {  	s8 =	sadd.s32 $0x80, s8;
	v6 =	vtrunc.f32 v6;
	v2 =	vtrunc.f32 v13;
	v1 =	vld.idx.msk [tilespmem:v1+s22+$0x0], $0xffff;
	[tilespmem:s6+$0xFFFFFFC0] =	vst v3  }
0x703: {  	v8 =	vtrunc.f32 v8;
	v7 =	vtrunc.f32 v7;
	p1 =	slt.u32 s8, $0xF80;
	v3 =	vld [tilespmem:s10+$0xFFFFFFA0];
	[tilespmem:s6+$0xFFFFFFD0] =	vst v4  }
0x704: {  	v10 =	vtrunc.f32 v10;
	v2 =	vcvt.f32.s32 v2;
	v4 =	vld [tilespmem:s10+$0xFFFFFFB0];
	[tilespmem:s6+$0xFFFFFFE0] =	vst v5  }
0x705: {  	v11 =	vcvt.f32.s32 v11;
	v12 =	vcvt.f32.s32 v12;
	v5 =	vld [tilespmem:s10+$0xFFFFFFC0];
	[tilespmem:s6+$0xFFFFFFF0] =	vst v9  }
0x706: {  	v6 =	vcvt.f32.s32 v6;
	v8 =	vcvt.f32.s32 v8;
	v9 =	vld [tilespmem:s10+$0xFFFFFFD0]  }
0x707: {  	v7 =	vcvt.f32.s32 v7;
	s6 =	sadd.s32 $0x200, s6;
	v14 =	vmul.f32 v14, v0;
	v13 =	vld [tilespmem:s10+$0xFFFFFFE0]  }
0x708: {  	v10 =	vcvt.f32.s32 v10;
	v3 =	vmul.f32 v3, v0;
	v15 =	vld [tilespmem:s10+$0xFFFFFFF0];
	[tilespmem:s6+$0x0] =	vst v1  }
0x709: {  	v16 =	vld [tilespmem:s10+$0xFFFFFF90];
	v1 =	vmul.f32 v4, v0;
	v4 =	vadd.f32 $2.560000000e+02, v14  }
0x70a: {  	v14 =	vadd.f32 $2.560000000e+02, v3;
	v3 =	vmul.f32 v5, v0;
	v17 =	vld.idx.msk [tilespmem:v2+s22+$0x0], $0xffff  }
0x70b: {  	v5 =	vadd.f32 $2.560000000e+02, v1;
	v1 =	vmul.f32 v9, v0;
	v2 =	vclamp.gez.f32 v4, $5.120000000e+02;
	v18 =	vld.idx.msk [tilespmem:v11+s22+$0x0], $0xffff  }
0x70c: {  	v9 =	vadd.f32 $2.560000000e+02, v3;
	v4 =	vmul.f32 v13, v0;
	v3 =	vtrunc.f32 v2;
	v2 =	vld.idx.msk [tilespmem:v12+s22+$0x0], $0xffff  }
.Ltmp57:
0x70d: {  	v11 =	vadd.f32 $2.560000000e+02, v1;
	v13 =	vmul.f32 v15, v0;
	v1 =	vcvt.f32.s32 v3;
	v3 =	vld.idx.msk [tilespmem:v6+s22+$0x0], $0xffff;
	(pc) =	sbr.rel @p1 .LBB2_86-.Ltmp57, $4  }
0x70e: {  	v14 =	vclamp.gez.f32 v14, $5.120000000e+02;
	v15 =	vmul.f32 v16, v0;
	v16 =	vadd.f32 $2.560000000e+02, v4;
	v4 =	vld.idx.msk [tilespmem:v8+s22+$0x0], $0xffff  }
0x70f: {  	v12 =	vclamp.gez.f32 v5, $5.120000000e+02;
	v6 =	vclamp.gez.f32 v9, $5.120000000e+02;
	v19 =	vadd.f32 $2.560000000e+02, v13;
	v5 =	vld.idx.msk [tilespmem:v7+s22+$0x0], $0xffff  }
0x710: {  	v8 =	vclamp.gez.f32 v11, $5.120000000e+02;
	v13 =	vadd.f32 $2.560000000e+02, v15;
	v7 =	vclamp.gez.f32 v16, $5.120000000e+02;
	[tilespmem:s6+$0xFFFFFF90] =	vst v17;
	v9 =	vld.idx.msk [tilespmem:v10+s22+$0x0], $0xffff  }
0x711: {  	s10 =	sadd.s32 $0x200, s10;
	v11 =	vtrunc.f32 v14;
	v10 =	vclamp.gez.f32 v19, $5.120000000e+02;
	[tilespmem:s6+$0xFFFFFFA0] =	vst v18  }
.LBB2_87:
0x712: {  	v0 =	vclamp.gez.f32 v13, $5.120000000e+02  }
0x713: {  	v12 =	vtrunc.f32 v12;
	v11 =	vcvt.f32.s32 v11  }
0x714: {  	v6 =	vtrunc.f32 v6;
	v12 =	vcvt.f32.s32 v12  }
0x715: {  	v8 =	vtrunc.f32 v8;
	v6 =	vcvt.f32.s32 v6  }
0x716: {  	v7 =	vtrunc.f32 v7;
	v8 =	vcvt.f32.s32 v8  }
0x717: {  	v57 =	vtrunc.f32 v10;
	v7 =	vcvt.f32.s32 v7  }
0x718: {  	[tilespmem:s6+$0xFFFFFFB0] =	vst @p0 v2;
	v1 =	vld.idx.msk [tilespmem:v1+s22+$0x0], $0xffff;
	v0 =	vtrunc.f32 v0;
	v2 =	vcvt.f32.s32 v57  }
0x719: {  	[tilespmem:s6+$0xFFFFFFC0] =	vst @p0 v3;
	v0 =	vcvt.f32.s32 v0;
	v58 =	vld.idx.msk [tilespmem:v11+s22+$0x0], $0xffff  }
0x71a: {  	[tilespmem:s6+$0xFFFFFFD0] =	vst @p0 v4;
	v59 =	vld.idx.msk [tilespmem:v12+s22+$0x0], $0xffff  }
0x71b: {  	s8 =	sadd.s32 @p0 $0x200, s6;
	[tilespmem:s6+$0xFFFFFFE0] =	vst @p0 v5;
	v60 =	vld.idx.msk [tilespmem:v6+s22+$0x0], $0xffff  }
0x71c: {  	s5 =	smov.u32 @p0 s8;
	[tilespmem:s6+$0xFFFFFFF0] =	vst @p0 v9;
	v61 =	vld.idx.msk [tilespmem:v8+s22+$0x0], $0xffff  }
0x71d: {  	[tilespmem:s5+$0x0] =	vst v1;
	v62 =	vld.idx.msk [tilespmem:v7+s22+$0x0], $0xffff  }
0x71e: {  	v63 =	vld.idx.msk [tilespmem:v2+s22+$0x0], $0xffff;
	[tilespmem:s5+$0xFFFFFFA0] =	vst v58  }
0x71f: {  	v0 =	vld.idx.msk [tilespmem:v0+s22+$0x0], $0xffff;
	[tilespmem:s5+$0xFFFFFFB0] =	vst v59  }
0x720: {  	[tilespmem:s5+$0xFFFFFFC0] =	vst v60  }
0x721: {  	[tilespmem:s5+$0xFFFFFFD0] =	vst v61  }
0x722: {  	[tilespmem:s5+$0xFFFFFFE0] =	vst v62  }
0x723: {  	[tilespmem:s5+$0xFFFFFFF0] =	vst v63  }
0x724: {  	s2 =	sadd.s32 $0x1, s2;
	[tilespmem:s5+$0xFFFFFF90] =	vst v0  }
0x725: {  	[hbm4b:s18+s23] =	stream.strided.scatter [tilespmem:s30], [sflag:$0x4], $0x4000, s24, s23, $0x38;
	[tilespmem:$0x10480] =	vst v63  }
0x726: {  	p0 =	sne.s32 s2, s19;
	_ =	swait.ge [sflag:s31], $0x4000  }
.Ltmp58:
0x727: {  	[sflag:s31] =	ssyncset.done $0x0;
	(pc) =	sbr.rel @p0 .LBB2_1-.Ltmp58, $4  }
.Ltmp59:
0x728: {  	[sflag:s31] =	ssyncadd.s32 $0xFFFFC000;
	(pc) =	sbr.rel @!p0 .LBB2_88-.Ltmp59, $4  }
0x729: {  	_ =	swait.ge [sflag:s1], $0x4000  }
0x72a: {  	[sflag:s1] =	ssyncset.done $0x0  }
0x72b: {  	[sflag:s1] =	ssyncadd.s32 $0xFFFFC000  }
0x72c: {  	_ = 	snop  }
.LBB2_6:
.Ltmp60:
0x72d: {  	(pc) =	sbr.rel .LBB2_10-.Ltmp60, $2  }
0x72e: {  	_ =	sdelay $0x2  }
0x72f: {  	s6 =	simm.s32 $0x8170;
	p2 =	por $0x0, $0x0  }
.LBB2_11:
.Ltmp61:
0x730: {  	(pc) =	sbr.rel .LBB2_15-.Ltmp61, $2  }
0x731: {  	_ =	sdelay $0x2  }
0x732: {  	s6 =	simm.s32 $0x81F0  }
.LBB2_20:
.Ltmp62:
0x733: {  	(pc) =	sbr.rel .LBB2_24-.Ltmp62, $2  }
0x734: {  	_ =	sdelay $0x2  }
0x735: {  	s6 =	simm.s32 $0xC170;
	p2 =	por $0x0, $0x0  }
.LBB2_25:
.Ltmp63:
0x736: {  	(pc) =	sbr.rel .LBB2_29-.Ltmp63, $2  }
0x737: {  	_ =	sdelay $0x2  }
0x738: {  	s6 =	simm.s32 $0xC1F0  }
.LBB2_64:
.Ltmp64:
0x739: {  	(pc) =	sbr.rel .LBB2_68-.Ltmp64, $2  }
0x73a: {  	_ =	sdelay $0x2  }
0x73b: {  	s6 =	simm.s32 $0x8170;
	p2 =	por $0x0, $0x0  }
.LBB2_69:
.Ltmp65:
0x73c: {  	(pc) =	sbr.rel .LBB2_73-.Ltmp65, $2  }
0x73d: {  	_ =	sdelay $0x2  }
0x73e: {  	s6 =	simm.s32 $0x81F0  }
.LBB2_78:
.Ltmp66:
0x73f: {  	(pc) =	sbr.rel .LBB2_82-.Ltmp66, $2  }
0x740: {  	_ =	sdelay $0x2  }
0x741: {  	s6 =	simm.s32 $0xC170;
	p2 =	por $0x0, $0x0  }
.LBB2_83:
.Ltmp67:
0x742: {  	(pc) =	sbr.rel .LBB2_87-.Ltmp67, $2  }
0x743: {  	_ =	sdelay $0x2  }
0x744: {  	s6 =	simm.s32 $0xC1F0  }
.LBB2_8:
.Ltmp68:
0x745: {  	(pc) =	sbr.rel .LBB2_10-.Ltmp68, $2  }
0x746: {  	_ =	sdelay $0x2  }
0x747: {  	s6 =	simm.s32 $0x8170  }
.LBB2_13:
.Ltmp69:
0x748: {  	(pc) =	sbr.rel .LBB2_15-.Ltmp69, $2  }
0x749: {  	_ =	sdelay $0x2  }
0x74a: {  	s6 =	simm.s32 $0x81F0  }
.LBB2_22:
.Ltmp70:
0x74b: {  	(pc) =	sbr.rel .LBB2_24-.Ltmp70, $2  }
0x74c: {  	_ =	sdelay $0x2  }
0x74d: {  	s6 =	simm.s32 $0xC170  }
.LBB2_27:
.Ltmp71:
0x74e: {  	(pc) =	sbr.rel .LBB2_29-.Ltmp71, $2  }
0x74f: {  	_ =	sdelay $0x2  }
0x750: {  	s6 =	simm.s32 $0xC1F0  }
.LBB2_66:
.Ltmp72:
0x751: {  	(pc) =	sbr.rel .LBB2_68-.Ltmp72, $2  }
0x752: {  	_ =	sdelay $0x2  }
0x753: {  	s6 =	simm.s32 $0x8170  }
.LBB2_71:
.Ltmp73:
0x754: {  	(pc) =	sbr.rel .LBB2_73-.Ltmp73, $2  }
0x755: {  	_ =	sdelay $0x2  }
0x756: {  	s6 =	simm.s32 $0x81F0  }
.LBB2_80:
.Ltmp74:
0x757: {  	(pc) =	sbr.rel .LBB2_82-.Ltmp74, $2  }
0x758: {  	_ =	sdelay $0x2  }
0x759: {  	s6 =	simm.s32 $0xC170  }
.LBB2_85:
.Ltmp75:
0x75a: {  	(pc) =	sbr.rel .LBB2_87-.Ltmp75, $2  }
0x75b: {  	_ =	sdelay $0x2  }
0x75c: {  	s6 =	simm.s32 $0xC1F0  }
.LBB2_88:
0x75d: {  	_ =	sfence.sel $0x180000  }
0x75e: {  	[bflag:$0x0] =	sbarrier.arrive $0xFFFF  }
0x75f: {  	_ =	strace $0x90000047  }
0x760: {  	s0 =	stileid.u32;
	[bflag:$0x2] =	sbarrier.arrive $0xFFFF  }
0x761: {  	p0 =	sne.s32 s0, $0x0;
	s0 =	rddreg [dreg:$0x3]  }
0x762: {  	s0 =	sadd.s32 @!p0 $0x100000, s0  }
0x763: {  	[sflag:s0] =	ssyncadd.tile.s32 @!p0 $0x1;
	_ =	shalt  }
.Lfunc_end2:
_tile_overlayer_lowered:
.L_overlay_start_2:
0x764: {  	(tag) =	ssettag $0x2  }
0x765: {  	s0 =	rddreg [dreg:$0x0];
	s2 =	stileid.u32  }
0x766: {  	s1 =	rddreg [dreg:$0x1];
	p0 =	sne.s32 s2, $0x0  }
0x767: {  	s3 =	rddreg [dreg:$0x2];
	[bflag:$0x3] =	sbarrier.arrive $0xFFFF;
	s2 =	simm.s32 @!p0 $0x1C05  }
0x768: {  	[timem:s3], [sflag:s2] =	dma.local @!p0 [hbm:s0], s1  }
0x769: {  	s0 =	simm.s32 @!p0 $0x5  }
0x76a: {  	_ =	swait.ge @!p0 [sflag:s0], s1  }
0x76b: {  	s1 =	ssub.s32 @!p0 $0x0, s1;
	[sflag:s0] =	ssyncset.done @!p0 $0x0  }
0x76c: {  	[sflag:s0] =	ssyncadd.s32 @!p0 s1  }
0x76d: {  	[bflag:$0x3] =	sbarrier.arrive $0xFFFF  }
0x76e: {  	_ =	shalt  }

</sc_bundles>
